<compile_context>
chip_gen: v7x
topology: tpu7x:2x2x1
jax: 0.10.2.dev20260603
libtpu: 0.0.44.dev20260713+nightly
codegen_flags: <defaults>
</compile_context>

<pallas_src>
import functools

import jax
import jax.numpy as jnp
from jax import lax
from jax.experimental import pallas as pl
from jax.experimental.pallas import tpu as pltpu
import jax.experimental.pallas.tpu_sc as plsc

B = 64
NUM = 1024
D = 64
H = 64
E = 16384
MAIN = 16

NS = 16
EPT = E // NS
WPT = (NUM * NUM) // NS
NCHUNK = 8
CHUNK = EPT // NCHUNK


ZW = 8192


def _sc_build_counts(src, dst):
    mesh = plsc.VectorSubcoreMesh(core_axis_name="c", subcore_axis_name="s")

    idx_scratch = [pltpu.VMEM((CHUNK,), jnp.int32) for _ in range(NCHUNK)]

    @functools.partial(
        pl.kernel,
        mesh=mesh,
        out_type=jax.ShapeDtypeStruct((NUM * NUM,), jnp.float32),
        scratch_types=[
            pltpu.VMEM((EPT,), jnp.int32),
            pltpu.VMEM((EPT,), jnp.int32),
            pltpu.VMEM((CHUNK,), jnp.float32),
            pltpu.VMEM((ZW,), jnp.float32),
            pltpu.VMEM_SHARED((NUM * NUM,), jnp.float32),
        ] + idx_scratch,
    )
    def body(src_hbm, dst_hbm, out_hbm, ev_src, ev_dst,
             ones_v, zbuf, acc, *idx_refs):
        cid = lax.axis_index("c")
        sid = lax.axis_index("s")

        @pl.when(cid == 0)
        def _():
            base = sid * WPT
            zero16 = jnp.zeros((16,), jnp.float32)
            for k in range(ZW // 16):
                zbuf[pl.ds(k * 16, 16)] = zero16
            for k in range(WPT // ZW):
                pltpu.sync_copy(zbuf, acc.at[pl.ds(base + k * ZW, ZW)])
            ebase = sid * EPT
            pltpu.sync_copy(src_hbm.at[pl.ds(ebase, EPT)], ev_src)
            pltpu.sync_copy(dst_hbm.at[pl.ds(ebase, EPT)], ev_dst)
            ones16 = jnp.ones((16,), jnp.float32)
            for k in range(CHUNK // 16):
                ones_v[pl.ds(k * 16, 16)] = ones16
            for j in range(NCHUNK):
                for k in range(CHUNK // 16):
                    off = j * CHUNK + k * 16
                    s16 = ev_src[pl.ds(off, 16)]
                    d16 = ev_dst[pl.ds(off, 16)]
                    idx_refs[j][pl.ds(k * 16, 16)] = s16 * NUM + d16
            plsc.subcore_barrier()
            for j in range(NCHUNK):
                pltpu.sync_copy(ones_v, acc.at[idx_refs[j]], add=True)
            plsc.subcore_barrier()
            pltpu.sync_copy(acc.at[pl.ds(base, WPT)],
                            out_hbm.at[pl.ds(base, WPT)])

    return body(src, dst)


G = 16
GH = G * H


def _tc_pre(x, embedding, W1, W2, W3):

    def body(x_ref, emb_ref, w1_ref, w2_ref, w3_ref, x1_ref, w2big_ref,
             w3big_ref):
        b = pl.program_id(0)
        rgh = lax.broadcasted_iota(jnp.int32, (GH, GH), 0)
        cgh = lax.broadcasted_iota(jnp.int32, (GH, GH), 1)
        fsel = (rgh[:, :H] // G == cgh[:, :H]).astype(jnp.float32)
        xsel = (rgh[:, :G] % G == cgh[:, :G]).astype(jnp.bfloat16)
        ew1 = lax.dot_general(
            w1_ref[...], emb_ref[...], (((0,), (1,)), ((), ())),
            preferred_element_type=jnp.float32)
        ew1rep = lax.dot_general(fsel, ew1, (((1,), (0,)), ((), ())),
                                 preferred_element_type=jnp.float32)
        xrep = lax.dot_general(
            xsel, x_ref[...].astype(jnp.bfloat16),
            (((1,), (0,)), ((), ())), preferred_element_type=jnp.float32)
        x1_ref[...] = (ew1rep * xrep).astype(jnp.bfloat16)

        @pl.when(b == 0)
        def _():
            t1 = lax.dot_general(fsel, w2_ref[...], (((1,), (0,)), ((), ())),
                                 preferred_element_type=jnp.float32)
            t2 = lax.dot_general(t1, fsel, (((1,), (1,)), ((), ())),
                                 preferred_element_type=jnp.float32)
            w2big_ref[...] = jnp.where(rgh % G == cgh % G, t2,
                                       0.0).astype(jnp.bfloat16)
            w3col = lax.dot_general(fsel, w3_ref[...],
                                    (((1,), (0,)), ((), ())),
                                    preferred_element_type=jnp.float32)
            w3big_ref[...] = jnp.where(rgh[:, :G] % G == cgh[:, :G], w3col,
                                       0.0)

    full = lambda shape: pl.BlockSpec(shape, lambda b: (0,) * len(shape))
    return pl.pallas_call(
        body,
        grid=(B // G,),
        in_specs=[
            pl.BlockSpec((G, NUM), lambda b: (b, 0)),
            full((NUM, D)),
            full((D, H)),
            full((H, H)),
            full((H, 1)),
        ],
        out_specs=[
            pl.BlockSpec((GH, NUM), lambda b: (b, 0)),
            full((GH, GH)),
            full((GH, G)),
        ],
        out_shape=[
            jax.ShapeDtypeStruct(((B // G) * GH, NUM), jnp.bfloat16),
            jax.ShapeDtypeStruct((GH, GH), jnp.bfloat16),
            jax.ShapeDtypeStruct((GH, G), jnp.float32),
        ],
        compiler_params=pltpu.CompilerParams(
            dimension_semantics=("arbitrary",)),
    )(x, embedding, W1, W2, W3)


def _tc_main(x1all, w2big, w3big, b1t, b2t, b3, at0):

    def body(x1_ref, w2big_ref, w3big_ref, b1_ref, b2_ref, b3_ref,
             at_ref, out_ref, atn_ref):
        b = pl.program_id(0)

        @pl.when(b == 0)
        def _():
            at0f = at_ref[...]
            deg = jnp.sum(at0f, axis=0, keepdims=True)
            dinv_r = jnp.where(deg > 0,
                               lax.rsqrt(jnp.maximum(deg, 1e-12)), 0.0)
            eye = (lax.broadcasted_iota(jnp.int32, (NUM, NUM), 0)
                   == lax.broadcasted_iota(jnp.int32, (NUM, NUM), 1)
                   ).astype(jnp.float32)
            dinv_c = lax.dot_general(eye, dinv_r, (((1,), (1,)), ((), ())),
                                     preferred_element_type=jnp.float32)
            atn_ref[...] = (dinv_c * at0f * dinv_r).astype(jnp.bfloat16)

        atn = atn_ref[...]

        a1 = jnp.dot(x1_ref[...], atn, preferred_element_type=jnp.float32)
        h1 = jnp.maximum(a1 + b1_ref[...], 0.0).astype(jnp.bfloat16)

        x2 = lax.dot_general(w2big_ref[...], h1, (((0,), (0,)), ((), ())),
                             preferred_element_type=jnp.float32)
        a2 = jnp.dot(x2.astype(jnp.bfloat16), atn,
                     preferred_element_type=jnp.float32)
        h2 = jnp.maximum(a2 + b2_ref[...], 0.0).astype(jnp.bfloat16)

        x3 = lax.dot_general(w3big_ref[...], h2, (((0,), (0,)), ((), ())),
                             preferred_element_type=jnp.float32)
        a3 = jnp.dot(x3.astype(jnp.bfloat16), atn,
                     preferred_element_type=jnp.float32)
        logits = a3 + b3_ref[...]

        col = lax.broadcasted_iota(jnp.int32, (G, NUM), 1)
        ismain = col < MAIN
        mx = jnp.max(jnp.where(ismain, logits, -jnp.inf), axis=1, keepdims=True)
        e = jnp.exp(jnp.where(ismain, logits - mx, 0.0))
        ssum = jnp.sum(jnp.where(ismain, e, 0.0), axis=1, keepdims=True)
        sig = 1.0 / (1.0 + jnp.exp(-logits))
        out_ref[...] = jnp.where(ismain, e / ssum, sig)

    full = lambda shape: pl.BlockSpec(shape, lambda b: (0,) * len(shape))
    return pl.pallas_call(
        body,
        grid=(B // G,),
        in_specs=[
            pl.BlockSpec((GH, NUM), lambda b: (b, 0)),
            full((GH, GH)),
            full((GH, G)),
            full((GH, 1)),
            full((GH, 1)),
            full((1, 1)),
            full((NUM, NUM)),
        ],
        out_specs=pl.BlockSpec((G, NUM), lambda b: (b, 0)),
        out_shape=jax.ShapeDtypeStruct((B, NUM), jnp.float32),
        scratch_shapes=[
            pltpu.VMEM((NUM, NUM), jnp.bfloat16),
        ],
        compiler_params=pltpu.CompilerParams(
            dimension_semantics=("arbitrary",)),
    )(x1all, w2big, w3big, b1t, b2t, b3, at0)


def kernel(x, embedding, W1, b1, W2, b2, W3, b3, edge_index):
    src = edge_index[0]
    dst = edge_index[1]
    at0 = _sc_build_counts(src, dst).reshape(NUM, NUM)
    x1all, w2big, w3big = _tc_pre(x, embedding, W1, W2, W3)
    b1t = jnp.repeat(b1, G).reshape(GH, 1)
    b2t = jnp.repeat(b2, G).reshape(GH, 1)
    return _tc_main(x1all, w2big, w3big, b1t, b2t, b3.reshape(1, 1), at0)

# --- scband reference (transcript-rebuilt; emitter-appended) ---
"""Pipeline reference for scband-mln-gcn-31585189495115 (READ-ONLY COPY).

The authoritative reference and input builder live on the scoring server;
editing this copy changes nothing except your own understanding.
"""

import jax, jax.numpy as jnp
import numpy as np

B = 64       # batch of graphs
NUM = 1024   # predicates (nodes) per graph == gt_matrix.shape[1]
D = 64       # embedding_dim
H = 64       # hidden_dim
E = 16384    # edges per graph (avg degree 16)
MAIN = 16    # num main classes -> softmax over [0:16), sigmoid elsewhere


def setup_inputs(seed: int = 0) -> dict:
    key = jax.random.key(seed)
    ks = jax.random.split(key, 10)
    x = jax.random.uniform(ks[0], (B, NUM), dtype=jnp.float32)
    edge_index = jax.random.randint(ks[1], (2, E), 0, NUM, dtype=jnp.int32)
    # kaiming_uniform_(embedding, nonlinearity='relu'): bound = sqrt(2) * sqrt(3 / fan_in)
    bound = float(np.sqrt(6.0 / D))
    embedding = jax.random.uniform(ks[2], (NUM, D), minval=-bound, maxval=bound, dtype=jnp.float32)
    W1 = jax.random.normal(ks[3], (D, H), dtype=jnp.float32) * (1.0 / np.sqrt(D))
    b1 = jnp.zeros((H,), dtype=jnp.float32)
    W2 = jax.random.normal(ks[4], (H, H), dtype=jnp.float32) * (1.0 / np.sqrt(H))
    b2 = jnp.zeros((H,), dtype=jnp.float32)
    W3 = jax.random.normal(ks[5], (H, 1), dtype=jnp.float32) * (1.0 / np.sqrt(H))
    b3 = jnp.zeros((1,), dtype=jnp.float32)
    return {"x": x, "embedding": embedding, "W1": W1, "b1": b1,
            "W2": W2, "b2": b2, "W3": W3, "b3": b3, "edge_index": edge_index}


def gcn_conv(h, src, dst, W, b, N):
    # PyG GCNConv, add_self_loops=False, edge_weight=1:
    # deg computed on dst; norm = deg^-1/2[src] * deg^-1/2[dst]
    h = h @ W
    deg = jnp.zeros((N,), dtype=h.dtype).at[dst].add(1.0)
    dinv = jnp.where(deg > 0, jax.lax.rsqrt(jnp.maximum(deg, 1e-12)), 0.0)
    norm = dinv[src] * dinv[dst]
    msg = jnp.take(h, src, axis=0) * norm[:, None]
    out = jnp.zeros((N, h.shape[1]), dtype=h.dtype).at[dst].add(msg)
    return out + b


def reference(x, embedding, W1, b1, W2, b2, W3, b3, edge_index):
    Bn, num = x.shape
    N = Bn * num
    # batched block-diagonal edge index (get_edge_index with offsets)
    offs = jnp.arange(Bn, dtype=edge_index.dtype) * num
    src = (edge_index[0][None, :] + offs[:, None]).reshape(-1)
    dst = (edge_index[1][None, :] + offs[:, None]).reshape(-1)
    # x.reshape(-1, num, 1) * embedding -> (B*num, D)
    h = (x.reshape(Bn, num, 1) * embedding[None, :, :]).reshape(N, -1)
    h = jax.nn.relu(gcn_conv(h, src, dst, W1, b1, N))
    h = jax.nn.relu(gcn_conv(h, src, dst, W2, b2, N))
    logits = gcn_conv(h, src, dst, W3, b3, N).reshape(Bn, num)
    # convert_to_confidence: softmax on [0:MAIN), sigmoid on the rest
    phi = jnp.concatenate([jax.nn.softmax(logits[:, :MAIN], axis=1),
                           jax.nn.sigmoid(logits[:, MAIN:])], axis=1)
    return phi

if __name__ == "__main__":
    import jax
    _d = setup_inputs()
    print(jax.jit(kernel)(*tuple(_d.values())))

</pallas_src>

<mosaic_0001>
#map = affine_map<(d0, d1) -> (0)>
module attributes {stable_mosaic.version = 14 : i64} {
  func.func @body(%arg0: i32, %arg1: i32, %arg2: memref<16384xi32, #tpu.memory_space<hbm>>, %arg3: memref<16384xi32, #tpu.memory_space<hbm>>, %arg4: memref<1048576xf32, #tpu.memory_space<hbm>>, %arg5: memref<1024xi32, #tpu.memory_space<vmem>>, %arg6: memref<1024xi32, #tpu.memory_space<vmem>>, %arg7: memref<128xf32, #tpu.memory_space<vmem>>, %arg8: memref<8192xf32, #tpu.memory_space<vmem>>, %arg9: memref<1048576xf32, #tpu.memory_space<vmem_shared>>, %arg10: memref<128xi32, #tpu.memory_space<vmem>>, %arg11: memref<128xi32, #tpu.memory_space<vmem>>, %arg12: memref<128xi32, #tpu.memory_space<vmem>>, %arg13: memref<128xi32, #tpu.memory_space<vmem>>, %arg14: memref<128xi32, #tpu.memory_space<vmem>>, %arg15: memref<128xi32, #tpu.memory_space<vmem>>, %arg16: memref<128xi32, #tpu.memory_space<vmem>>, %arg17: memref<128xi32, #tpu.memory_space<vmem>>) attributes {dimension_semantics = [#tpu.dimension_semantics<core_parallel>, #tpu.dimension_semantics<subcore_parallel>], iteration_bounds = array<i64: 2, 16>, scalar_prefetch = 0 : i64, scratch_operands = 13 : i64, tpu.core_type = #tpu.core_type<sc_vector_subcore>, window_params = [{transform_indices = #map}, {transform_indices = #map}, {transform_indices = #map}]} {
    %eq3A = arith.constant 0 : i32
    %eq3A_0 = arith.cmpi eq, %arg0, %eq3A : i32
    %convert_element_type3A = arith.extui %eq3A_0 : i1 to i32
    %cond3A = arith.constant 0 : i32
    %cond3A_1 = arith.cmpi ne, %convert_element_type3A, %cond3A : i32
    scf.if %cond3A_1 {
      %mul3A = arith.constant 65536 : i32
      %mul3A_2 = arith.muli %arg1, %mul3A : i32
      %broadcast_in_dim3A = arith.constant 0.000000e+00 : f32
      %broadcast_in_dim3A_3 = vector.broadcast %broadcast_in_dim3A : f32 to vector<16xf32>
      %swap3A = arith.constant 0 : index
      %swap3A_4 = tpu.vector_load %arg8[%swap3A] {strides = array<i32>} : memref<8192xf32, #tpu.memory_space<vmem>>, vector<16xf32>,
      %swap3A_5 = vector.shape_cast %swap3A_4 : vector<16xf32> to vector<16xf32>
      %swap3A_6 = vector.shape_cast %broadcast_in_dim3A_3 : vector<16xf32> to vector<16xf32>
      tpu.vector_store %arg8[%swap3A], %swap3A_6 {strides = array<i32>} : memref<8192xf32, #tpu.memory_space<vmem>>, vector<16xf32>,
      %swap3A_7 = arith.constant 16 : index
      %swap3A_8 = tpu.vector_load %arg8[%swap3A_7] {strides = array<i32>} : memref<8192xf32, #tpu.memory_space<vmem>>, vector<16xf32>,
      %swap3A_9 = vector.shape_cast %swap3A_8 : vector<16xf32> to vector<16xf32>
      %swap3A_10 = vector.shape_cast %broadcast_in_dim3A_3 : vector<16xf32> to vector<16xf32>
      tpu.vector_store %arg8[%swap3A_7], %swap3A_10 {strides = array<i32>} : memref<8192xf32, #tpu.memory_space<vmem>>, vector<16xf32>,
      %swap3A_11 = arith.constant 32 : index
      %swap3A_12 = tpu.vector_load %arg8[%swap3A_11] {strides = array<i32>} : memref<8192xf32, #tpu.memory_space<vmem>>, vector<16xf32>,
      %swap3A_13 = vector.shape_cast %swap3A_12 : vector<16xf32> to vector<16xf32>
      %swap3A_14 = vector.shape_cast %broadcast_in_dim3A_3 : vector<16xf32> to vector<16xf32>
      tpu.vector_store %arg8[%swap3A_11], %swap3A_14 {strides = array<i32>} : memref<8192xf32, #tpu.memory_space<vmem>>, vector<16xf32>,
      %swap3A_15 = arith.constant 48 : index
      %swap3A_16 = tpu.vector_load %arg8[%swap3A_15] {strides = array<i32>} : memref<8192xf32, #tpu.memory_space<vmem>>, vector<16xf32>,
      %swap3A_17 = vector.shape_cast %swap3A_16 : vector<16xf32> to vector<16xf32>
      %swap3A_18 = vector.shape_cast %broadcast_in_dim3A_3 : vector<16xf32> to vector<16xf32>
      tpu.vector_store %arg8[%swap3A_15], %swap3A_18 {strides = array<i32>} : memref<8192xf32, #tpu.memory_space<vmem>>, vector<16xf32>,
      %swap3A_19 = arith.constant 64 : index
      %swap3A_20 = tpu.vector_load %arg8[%swap3A_19] {strides = array<i32>} : memref<8192xf32, #tpu.memory_space<vmem>>, vector<16xf32>,
      %swap3A_21 = vector.shape_cast %swap3A_20 : vector<16xf32> to vector<16xf32>
      %swap3A_22 = vector.shape_cast %broadcast_in_dim3A_3 : vector<16xf32> to vector<16xf32>
      tpu.vector_store %arg8[%swap3A_19], %swap3A_22 {strides = array<i32>} : memref<8192xf32, #tpu.memory_space<vmem>>, vector<16xf32>,
      %swap3A_23 = arith.constant 80 : index
      %swap3A_24 = tpu.vector_load %arg8[%swap3A_23] {strides = array<i32>} : memref<8192xf32, #tpu.memory_space<vmem>>, vector<16xf32>,
      %swap3A_25 = vector.shape_cast %swap3A_24 : vector<16xf32> to vector<16xf32>
      %swap3A_26 = vector.shape_cast %broadcast_in_dim3A_3 : vector<16xf32> to vector<16xf32>
      tpu.vector_store %arg8[%swap3A_23], %swap3A_26 {strides = array<i32>} : memref<8192xf32, #tpu.memory_space<vmem>>, vector<16xf32>,
      %swap3A_27 = arith.constant 96 : index
      %swap3A_28 = tpu.vector_load %arg8[%swap3A_27] {strides = array<i32>} : memref<8192xf32, #tpu.memory_space<vmem>>, vector<16xf32>,
      %swap3A_29 = vector.shape_cast %swap3A_28 : vector<16xf32> to vector<16xf32>
      %swap3A_30 = vector.shape_cast %broadcast_in_dim3A_3 : vector<16xf32> to vector<16xf32>
      tpu.vector_store %arg8[%swap3A_27], %swap3A_30 {strides = array<i32>} : memref<8192xf32, #tpu.memory_space<vmem>>, vector<16xf32>,
      %swap3A_31 = arith.constant 112 : index
      %swap3A_32 = tpu.vector_load %arg8[%swap3A_31] {strides = array<i32>} : memref<8192xf32, #tpu.memory_space<vmem>>, vector<16xf32>,
      %swap3A_33 = vector.shape_cast %swap3A_32 : vector<16xf32> to vector<16xf32>
      %swap3A_34 = vector.shape_cast %broadcast_in_dim3A_3 : vector<16xf32> to vector<16xf32>
      tpu.vector_store %arg8[%swap3A_31], %swap3A_34 {strides = array<i32>} : memref<8192xf32, #tpu.memory_space<vmem>>, vector<16xf32>,
      %swap3A_35 = arith.constant 128 : index
      %swap3A_36 = tpu.vector_load %arg8[%swap3A_35] {strides = array<i32>} : memref<8192xf32, #tpu.memory_space<vmem>>, vector<16xf32>,
      %swap3A_37 = vector.shape_cast %swap3A_36 : vector<16xf32> to vector<16xf32>
      %swap3A_38 = vector.shape_cast %broadcast_in_dim3A_3 : vector<16xf32> to vector<16xf32>
      tpu.vector_store %arg8[%swap3A_35], %swap3A_38 {strides = array<i32>} : memref<8192xf32, #tpu.memory_space<vmem>>, vector<16xf32>,
      %swap3A_39 = arith.constant 144 : index
      %swap3A_40 = tpu.vector_load %arg8[%swap3A_39] {strides = array<i32>} : memref<8192xf32, #tpu.memory_space<vmem>>, vector<16xf32>,
      %swap3A_41 = vector.shape_cast %swap3A_40 : vector<16xf32> to vector<16xf32>
      %swap3A_42 = vector.shape_cast %broadcast_in_dim3A_3 : vector<16xf32> to vector<16xf32>
      tpu.vector_store %arg8[%swap3A_39], %swap3A_42 {strides = array<i32>} : memref<8192xf32, #tpu.memory_space<vmem>>, vector<16xf32>,
      %swap3A_43 = arith.constant 160 : index
      %swap3A_44 = tpu.vector_load %arg8[%swap3A_43] {strides = array<i32>} : memref<8192xf32, #tpu.memory_space<vmem>>, vector<16xf32>,
      %swap3A_45 = vector.shape_cast %swap3A_44 : vector<16xf32> to vector<16xf32>
      %swap3A_46 = vector.shape_cast %broadcast_in_dim3A_3 : vector<16xf32> to vector<16xf32>
      tpu.vector_store %arg8[%swap3A_43], %swap3A_46 {strides = array<i32>} : memref<8192xf32, #tpu.memory_space<vmem>>, vector<16xf32>,
      %swap3A_47 = arith.constant 176 : index
      %swap3A_48 = tpu.vector_load %arg8[%swap3A_47] {strides = array<i32>} : memref<8192xf32, #tpu.memory_space<vmem>>, vector<16xf32>,
      %swap3A_49 = vector.shape_cast %swap3A_48 : vector<16xf32> to vector<16xf32>
      %swap3A_50 = vector.shape_cast %broadcast_in_dim3A_3 : vector<16xf32> to vector<16xf32>
      tpu.vector_store %arg8[%swap3A_47], %swap3A_50 {strides = array<i32>} : memref<8192xf32, #tpu.memory_space<vmem>>, vector<16xf32>,
      %swap3A_51 = arith.constant 192 : index
      %swap3A_52 = tpu.vector_load %arg8[%swap3A_51] {strides = array<i32>} : memref<8192xf32, #tpu.memory_space<vmem>>, vector<16xf32>,
      %swap3A_53 = vector.shape_cast %swap3A_52 : vector<16xf32> to vector<16xf32>
      %swap3A_54 = vector.shape_cast %broadcast_in_dim3A_3 : vector<16xf32> to vector<16xf32>
      tpu.vector_store %arg8[%swap3A_51], %swap3A_54 {strides = array<i32>} : memref<8192xf32, #tpu.memory_space<vmem>>, vector<16xf32>,
      %swap3A_55 = arith.constant 208 : index
      %swap3A_56 = tpu.vector_load %arg8[%swap3A_55] {strides = array<i32>} : memref<8192xf32, #tpu.memory_space<vmem>>, vector<16xf32>,
      %swap3A_57 = vector.shape_cast %swap3A_56 : vector<16xf32> to vector<16xf32>
      %swap3A_58 = vector.shape_cast %broadcast_in_dim3A_3 : vector<16xf32> to vector<16xf32>
      tpu.vector_store %arg8[%swap3A_55], %swap3A_58 {strides = array<i32>} : memref<8192xf32, #tpu.memory_space<vmem>>, vector<16xf32>,
      %swap3A_59 = arith.constant 224 : index
      %swap3A_60 = tpu.vector_load %arg8[%swap3A_59] {strides = array<i32>} : memref<8192xf32, #tpu.memory_space<vmem>>, vector<16xf32>,
      %swap3A_61 = vector.shape_cast %swap3A_60 : vector<16xf32> to vector<16xf32>
      %swap3A_62 = vector.shape_cast %broadcast_in_dim3A_3 : vector<16xf32> to vector<16xf32>
      tpu.vector_store %arg8[%swap3A_59], %swap3A_62 {strides = array<i32>} : memref<8192xf32, #tpu.memory_space<vmem>>, vector<16xf32>,
      %swap3A_63 = arith.constant 240 : index
      %swap3A_64 = tpu.vector_load %arg8[%swap3A_63] {strides = array<i32>} : memref<8192xf32, #tpu.memory_space<vmem>>, vector<16xf32>,
      %swap3A_65 = vector.shape_cast %swap3A_64 : vector<16xf32> to vector<16xf32>
      %swap3A_66 = vector.shape_cast %broadcast_in_dim3A_3 : vector<16xf32> to vector<16xf32>
      tpu.vector_store %arg8[%swap3A_63], %swap3A_66 {strides = array<i32>} : memref<8192xf32, #tpu.memory_space<vmem>>, vector<16xf32>,
      %swap3A_67 = arith.constant 256 : index
      %swap3A_68 = tpu.vector_load %arg8[%swap3A_67] {strides = array<i32>} : memref<8192xf32, #tpu.memory_space<vmem>>, vector<16xf32>,
      %swap3A_69 = vector.shape_cast %swap3A_68 : vector<16xf32> to vector<16xf32>
      %swap3A_70 = vector.shape_cast %broadcast_in_dim3A_3 : vector<16xf32> to vector<16xf32>
      tpu.vector_store %arg8[%swap3A_67], %swap3A_70 {strides = array<i32>} : memref<8192xf32, #tpu.memory_space<vmem>>, vector<16xf32>,
      %swap3A_71 = arith.constant 272 : index
      %swap3A_72 = tpu.vector_load %arg8[%swap3A_71] {strides = array<i32>} : memref<8192xf32, #tpu.memory_space<vmem>>, vector<16xf32>,
      %swap3A_73 = vector.shape_cast %swap3A_72 : vector<16xf32> to vector<16xf32>
      %swap3A_74 = vector.shape_cast %broadcast_in_dim3A_3 : vector<16xf32> to vector<16xf32>
      tpu.vector_store %arg8[%swap3A_71], %swap3A_74 {strides = array<i32>} : memref<8192xf32, #tpu.memory_space<vmem>>, vector<16xf32>,
      %swap3A_75 = arith.constant 288 : index
      %swap3A_76 = tpu.vector_load %arg8[%swap3A_75] {strides = array<i32>} : memref<8192xf32, #tpu.memory_space<vmem>>, vector<16xf32>,
      %swap3A_77 = vector.shape_cast %swap3A_76 : vector<16xf32> to vector<16xf32>
      %swap3A_78 = vector.shape_cast %broadcast_in_dim3A_3 : vector<16xf32> to vector<16xf32>
      tpu.vector_store %arg8[%swap3A_75], %swap3A_78 {strides = array<i32>} : memref<8192xf32, #tpu.memory_space<vmem>>, vector<16xf32>,
      %swap3A_79 = arith.constant 304 : index
      %swap3A_80 = tpu.vector_load %arg8[%swap3A_79] {strides = array<i32>} : memref<8192xf32, #tpu.memory_space<vmem>>, vector<16xf32>,
      %swap3A_81 = vector.shape_cast %swap3A_80 : vector<16xf32> to vector<16xf32>
      %swap3A_82 = vector.shape_cast %broadcast_in_dim3A_3 : vector<16xf32> to vector<16xf32>
      tpu.vector_store %arg8[%swap3A_79], %swap3A_82 {strides = array<i32>} : memref<8192xf32, #tpu.memory_space<vmem>>, vector<16xf32>,
      %swap3A_83 = arith.constant 320 : index
      %swap3A_84 = tpu.vector_load %arg8[%swap3A_83] {strides = array<i32>} : memref<8192xf32, #tpu.memory_space<vmem>>, vector<16xf32>,
      %swap3A_85 = vector.shape_cast %swap3A_84 : vector<16xf32> to vector<16xf32>
      %swap3A_86 = vector.shape_cast %broadcast_in_dim3A_3 : vector<16xf32> to vector<16xf32>
      tpu.vector_store %arg8[%swap3A_83], %swap3A_86 {strides = array<i32>} : memref<8192xf32, #tpu.memory_space<vmem>>, vector<16xf32>,
      %swap3A_87 = arith.constant 336 : index
      %swap3A_88 = tpu.vector_load %arg8[%swap3A_87] {strides = array<i32>} : memref<8192xf32, #tpu.memory_space<vmem>>, vector<16xf32>,
      %swap3A_89 = vector.shape_cast %swap3A_88 : vector<16xf32> to vector<16xf32>
      %swap3A_90 = vector.shape_cast %broadcast_in_dim3A_3 : vector<16xf32> to vector<16xf32>
      tpu.vector_store %arg8[%swap3A_87], %swap3A_90 {strides = array<i32>} : memref<8192xf32, #tpu.memory_space<vmem>>, vector<16xf32>,
      %swap3A_91 = arith.constant 352 : index
      %swap3A_92 = tpu.vector_load %arg8[%swap3A_91] {strides = array<i32>} : memref<8192xf32, #tpu.memory_space<vmem>>, vector<16xf32>,
      %swap3A_93 = vector.shape_cast %swap3A_92 : vector<16xf32> to vector<16xf32>
      %swap3A_94 = vector.shape_cast %broadcast_in_dim3A_3 : vector<16xf32> to vector<16xf32>
      tpu.vector_store %arg8[%swap3A_91], %swap3A_94 {strides = array<i32>} : memref<8192xf32, #tpu.memory_space<vmem>>, vector<16xf32>,
      %swap3A_95 = arith.constant 368 : index
      %swap3A_96 = tpu.vector_load %arg8[%swap3A_95] {strides = array<i32>} : memref<8192xf32, #tpu.memory_space<vmem>>, vector<16xf32>,
      %swap3A_97 = vector.shape_cast %swap3A_96 : vector<16xf32> to vector<16xf32>
      %swap3A_98 = vector.shape_cast %broadcast_in_dim3A_3 : vector<16xf32> to vector<16xf32>
      tpu.vector_store %arg8[%swap3A_95], %swap3A_98 {strides = array<i32>} : memref<8192xf32, #tpu.memory_space<vmem>>, vector<16xf32>,
      %swap3A_99 = arith.constant 384 : index
      %swap3A_100 = tpu.vector_load %arg8[%swap3A_99] {strides = array<i32>} : memref<8192xf32, #tpu.memory_space<vmem>>, vector<16xf32>,
      %swap3A_101 = vector.shape_cast %swap3A_100 : vector<16xf32> to vector<16xf32>
      %swap3A_102 = vector.shape_cast %broadcast_in_dim3A_3 : vector<16xf32> to vector<16xf32>
      tpu.vector_store %arg8[%swap3A_99], %swap3A_102 {strides = array<i32>} : memref<8192xf32, #tpu.memory_space<vmem>>, vector<16xf32>,
      %swap3A_103 = arith.constant 400 : index
      %swap3A_104 = tpu.vector_load %arg8[%swap3A_103] {strides = array<i32>} : memref<8192xf32, #tpu.memory_space<vmem>>, vector<16xf32>,
      %swap3A_105 = vector.shape_cast %swap3A_104 : vector<16xf32> to vector<16xf32>
      %swap3A_106 = vector.shape_cast %broadcast_in_dim3A_3 : vector<16xf32> to vector<16xf32>
      tpu.vector_store %arg8[%swap3A_103], %swap3A_106 {strides = array<i32>} : memref<8192xf32, #tpu.memory_space<vmem>>, vector<16xf32>,
      %swap3A_107 = arith.constant 416 : index
      %swap3A_108 = tpu.vector_load %arg8[%swap3A_107] {strides = array<i32>} : memref<8192xf32, #tpu.memory_space<vmem>>, vector<16xf32>,
      %swap3A_109 = vector.shape_cast %swap3A_108 : vector<16xf32> to vector<16xf32>
      %swap3A_110 = vector.shape_cast %broadcast_in_dim3A_3 : vector<16xf32> to vector<16xf32>
      tpu.vector_store %arg8[%swap3A_107], %swap3A_110 {strides = array<i32>} : memref<8192xf32, #tpu.memory_space<vmem>>, vector<16xf32>,
      %swap3A_111 = arith.constant 432 : index
      %swap3A_112 = tpu.vector_load %arg8[%swap3A_111] {strides = array<i32>} : memref<8192xf32, #tpu.memory_space<vmem>>, vector<16xf32>,
      %swap3A_113 = vector.shape_cast %swap3A_112 : vector<16xf32> to vector<16xf32>
      %swap3A_114 = vector.shape_cast %broadcast_in_dim3A_3 : vector<16xf32> to vector<16xf32>
      tpu.vector_store %arg8[%swap3A_111], %swap3A_114 {strides = array<i32>} : memref<8192xf32, #tpu.memory_space<vmem>>, vector<16xf32>,
      %swap3A_115 = arith.constant 448 : index
      %swap3A_116 = tpu.vector_load %arg8[%swap3A_115] {strides = array<i32>} : memref<8192xf32, #tpu.memory_space<vmem>>, vector<16xf32>,
      %swap3A_117 = vector.shape_cast %swap3A_116 : vector<16xf32> to vector<16xf32>
      %swap3A_118 = vector.shape_cast %broadcast_in_dim3A_3 : vector<16xf32> to vector<16xf32>
      tpu.vector_store %arg8[%swap3A_115], %swap3A_118 {strides = array<i32>} : memref<8192xf32, #tpu.memory_space<vmem>>, vector<16xf32>,
      %swap3A_119 = arith.constant 464 : index
      %swap3A_120 = tpu.vector_load %arg8[%swap3A_119] {strides = array<i32>} : memref<8192xf32, #tpu.memory_space<vmem>>, vector<16xf32>,
      %swap3A_121 = vector.shape_cast %swap3A_120 : vector<16xf32> to vector<16xf32>
      %swap3A_122 = vector.shape_cast %broadcast_in_dim3A_3 : vector<16xf32> to vector<16xf32>
      tpu.vector_store %arg8[%swap3A_119], %swap3A_122 {strides = array<i32>} : memref<8192xf32, #tpu.memory_space<vmem>>, vector<16xf32>,
      %swap3A_123 = arith.constant 480 : index
      %swap3A_124 = tpu.vector_load %arg8[%swap3A_123] {strides = array<i32>} : memref<8192xf32, #tpu.memory_space<vmem>>, vector<16xf32>,
      %swap3A_125 = vector.shape_cast %swap3A_124 : vector<16xf32> to vector<16xf32>
      %swap3A_126 = vector.shape_cast %broadcast_in_dim3A_3 : vector<16xf32> to vector<16xf32>
      tpu.vector_store %arg8[%swap3A_123], %swap3A_126 {strides = array<i32>} : memref<8192xf32, #tpu.memory_space<vmem>>, vector<16xf32>,
      %swap3A_127 = arith.constant 496 : index
      %swap3A_128 = tpu.vector_load %arg8[%swap3A_127] {strides = array<i32>} : memref<8192xf32, #tpu.memory_space<vmem>>, vector<16xf32>,
      %swap3A_129 = vector.shape_cast %swap3A_128 : vector<16xf32> to vector<16xf32>
      %swap3A_130 = vector.shape_cast %broadcast_in_dim3A_3 : vector<16xf32> to vector<16xf32>
      tpu.vector_store %arg8[%swap3A_127], %swap3A_130 {strides = array<i32>} : memref<8192xf32, #tpu.memory_space<vmem>>, vector<16xf32>,
      %swap3A_131 = arith.constant 512 : index
      %swap3A_132 = tpu.vector_load %arg8[%swap3A_131] {strides = array<i32>} : memref<8192xf32, #tpu.memory_space<vmem>>, vector<16xf32>,
      %swap3A_133 = vector.shape_cast %swap3A_132 : vector<16xf32> to vector<16xf32>
      %swap3A_134 = vector.shape_cast %broadcast_in_dim3A_3 : vector<16xf32> to vector<16xf32>
      tpu.vector_store %arg8[%swap3A_131], %swap3A_134 {strides = array<i32>} : memref<8192xf32, #tpu.memory_space<vmem>>, vector<16xf32>,
      %swap3A_135 = arith.constant 528 : index
      %swap3A_136 = tpu.vector_load %arg8[%swap3A_135] {strides = array<i32>} : memref<8192xf32, #tpu.memory_space<vmem>>, vector<16xf32>,
      %swap3A_137 = vector.shape_cast %swap3A_136 : vector<16xf32> to vector<16xf32>
      %swap3A_138 = vector.shape_cast %broadcast_in_dim3A_3 : vector<16xf32> to vector<16xf32>
      tpu.vector_store %arg8[%swap3A_135], %swap3A_138 {strides = array<i32>} : memref<8192xf32, #tpu.memory_space<vmem>>, vector<16xf32>,
      %swap3A_139 = arith.constant 544 : index
      %swap3A_140 = tpu.vector_load %arg8[%swap3A_139] {strides = array<i32>} : memref<8192xf32, #tpu.memory_space<vmem>>, vector<16xf32>,
      %swap3A_141 = vector.shape_cast %swap3A_140 : vector<16xf32> to vector<16xf32>
      %swap3A_142 = vector.shape_cast %broadcast_in_dim3A_3 : vector<16xf32> to vector<16xf32>
      tpu.vector_store %arg8[%swap3A_139], %swap3A_142 {strides = array<i32>} : memref<8192xf32, #tpu.memory_space<vmem>>, vector<16xf32>,
      %swap3A_143 = arith.constant 560 : index
      %swap3A_144 = tpu.vector_load %arg8[%swap3A_143] {strides = array<i32>} : memref<8192xf32, #tpu.memory_space<vmem>>, vector<16xf32>,
      %swap3A_145 = vector.shape_cast %swap3A_144 : vector<16xf32> to vector<16xf32>
      %swap3A_146 = vector.shape_cast %broadcast_in_dim3A_3 : vector<16xf32> to vector<16xf32>
      tpu.vector_store %arg8[%swap3A_143], %swap3A_146 {strides = array<i32>} : memref<8192xf32, #tpu.memory_space<vmem>>, vector<16xf32>,
      %swap3A_147 = arith.constant 576 : index
      %swap3A_148 = tpu.vector_load %arg8[%swap3A_147] {strides = array<i32>} : memref<8192xf32, #tpu.memory_space<vmem>>, vector<16xf32>,
      %swap3A_149 = vector.shape_cast %swap3A_148 : vector<16xf32> to vector<16xf32>
      %swap3A_150 = vector.shape_cast %broadcast_in_dim3A_3 : vector<16xf32> to vector<16xf32>
      tpu.vector_store %arg8[%swap3A_147], %swap3A_150 {strides = array<i32>} : memref<8192xf32, #tpu.memory_space<vmem>>, vector<16xf32>,
      %swap3A_151 = arith.constant 592 : index
      %swap3A_152 = tpu.vector_load %arg8[%swap3A_151] {strides = array<i32>} : memref<8192xf32, #tpu.memory_space<vmem>>, vector<16xf32>,
      %swap3A_153 = vector.shape_cast %swap3A_152 : vector<16xf32> to vector<16xf32>
      %swap3A_154 = vector.shape_cast %broadcast_in_dim3A_3 : vector<16xf32> to vector<16xf32>
      tpu.vector_store %arg8[%swap3A_151], %swap3A_154 {strides = array<i32>} : memref<8192xf32, #tpu.memory_space<vmem>>, vector<16xf32>,
      %swap3A_155 = arith.constant 608 : index
      %swap3A_156 = tpu.vector_load %arg8[%swap3A_155] {strides = array<i32>} : memref<8192xf32, #tpu.memory_space<vmem>>, vector<16xf32>,
      %swap3A_157 = vector.shape_cast %swap3A_156 : vector<16xf32> to vector<16xf32>
      %swap3A_158 = vector.shape_cast %broadcast_in_dim3A_3 : vector<16xf32> to vector<16xf32>
      tpu.vector_store %arg8[%swap3A_155], %swap3A_158 {strides = array<i32>} : memref<8192xf32, #tpu.memory_space<vmem>>, vector<16xf32>,
      %swap3A_159 = arith.constant 624 : index
      %swap3A_160 = tpu.vector_load %arg8[%swap3A_159] {strides = array<i32>} : memref<8192xf32, #tpu.memory_space<vmem>>, vector<16xf32>,
      %swap3A_161 = vector.shape_cast %swap3A_160 : vector<16xf32> to vector<16xf32>
      %swap3A_162 = vector.shape_cast %broadcast_in_dim3A_3 : vector<16xf32> to vector<16xf32>
      tpu.vector_store %arg8[%swap3A_159], %swap3A_162 {strides = array<i32>} : memref<8192xf32, #tpu.memory_space<vmem>>, vector<16xf32>,
      %swap3A_163 = arith.constant 640 : index
      %swap3A_164 = tpu.vector_load %arg8[%swap3A_163] {strides = array<i32>} : memref<8192xf32, #tpu.memory_space<vmem>>, vector<16xf32>,
      %swap3A_165 = vector.shape_cast %swap3A_164 : vector<16xf32> to vector<16xf32>
      %swap3A_166 = vector.shape_cast %broadcast_in_dim3A_3 : vector<16xf32> to vector<16xf32>
      tpu.vector_store %arg8[%swap3A_163], %swap3A_166 {strides = array<i32>} : memref<8192xf32, #tpu.memory_space<vmem>>, vector<16xf32>,
      %swap3A_167 = arith.constant 656 : index
      %swap3A_168 = tpu.vector_load %arg8[%swap3A_167] {strides = array<i32>} : memref<8192xf32, #tpu.memory_space<vmem>>, vector<16xf32>,
      %swap3A_169 = vector.shape_cast %swap3A_168 : vector<16xf32> to vector<16xf32>
      %swap3A_170 = vector.shape_cast %broadcast_in_dim3A_3 : vector<16xf32> to vector<16xf32>
      tpu.vector_store %arg8[%swap3A_167], %swap3A_170 {strides = array<i32>} : memref<8192xf32, #tpu.memory_space<vmem>>, vector<16xf32>,
      %swap3A_171 = arith.constant 672 : index
      %swap3A_172 = tpu.vector_load %arg8[%swap3A_171] {strides = array<i32>} : memref<8192xf32, #tpu.memory_space<vmem>>, vector<16xf32>,
      %swap3A_173 = vector.shape_cast %swap3A_172 : vector<16xf32> to vector<16xf32>
      %swap3A_174 = vector.shape_cast %broadcast_in_dim3A_3 : vector<16xf32> to vector<16xf32>
      tpu.vector_store %arg8[%swap3A_171], %swap3A_174 {strides = array<i32>} : memref<8192xf32, #tpu.memory_space<vmem>>, vector<16xf32>,
      %swap3A_175 = arith.constant 688 : index
      %swap3A_176 = tpu.vector_load %arg8[%swap3A_175] {strides = array<i32>} : memref<8192xf32, #tpu.memory_space<vmem>>, vector<16xf32>,
      %swap3A_177 = vector.shape_cast %swap3A_176 : vector<16xf32> to vector<16xf32>
      %swap3A_178 = vector.shape_cast %broadcast_in_dim3A_3 : vector<16xf32> to vector<16xf32>
      tpu.vector_store %arg8[%swap3A_175], %swap3A_178 {strides = array<i32>} : memref<8192xf32, #tpu.memory_space<vmem>>, vector<16xf32>,
      %swap3A_179 = arith.constant 704 : index
      %swap3A_180 = tpu.vector_load %arg8[%swap3A_179] {strides = array<i32>} : memref<8192xf32, #tpu.memory_space<vmem>>, vector<16xf32>,
      %swap3A_181 = vector.shape_cast %swap3A_180 : vector<16xf32> to vector<16xf32>
      %swap3A_182 = vector.shape_cast %broadcast_in_dim3A_3 : vector<16xf32> to vector<16xf32>
      tpu.vector_store %arg8[%swap3A_179], %swap3A_182 {strides = array<i32>} : memref<8192xf32, #tpu.memory_space<vmem>>, vector<16xf32>,
      %swap3A_183 = arith.constant 720 : index
      %swap3A_184 = tpu.vector_load %arg8[%swap3A_183] {strides = array<i32>} : memref<8192xf32, #tpu.memory_space<vmem>>, vector<16xf32>,
      %swap3A_185 = vector.shape_cast %swap3A_184 : vector<16xf32> to vector<16xf32>
      %swap3A_186 = vector.shape_cast %broadcast_in_dim3A_3 : vector<16xf32> to vector<16xf32>
      tpu.vector_store %arg8[%swap3A_183], %swap3A_186 {strides = array<i32>} : memref<8192xf32, #tpu.memory_space<vmem>>, vector<16xf32>,
      %swap3A_187 = arith.constant 736 : index
      %swap3A_188 = tpu.vector_load %arg8[%swap3A_187] {strides = array<i32>} : memref<8192xf32, #tpu.memory_space<vmem>>, vector<16xf32>,
      %swap3A_189 = vector.shape_cast %swap3A_188 : vector<16xf32> to vector<16xf32>
      %swap3A_190 = vector.shape_cast %broadcast_in_dim3A_3 : vector<16xf32> to vector<16xf32>
      tpu.vector_store %arg8[%swap3A_187], %swap3A_190 {strides = array<i32>} : memref<8192xf32, #tpu.memory_space<vmem>>, vector<16xf32>,
      %swap3A_191 = arith.constant 752 : index
      %swap3A_192 = tpu.vector_load %arg8[%swap3A_191] {strides = array<i32>} : memref<8192xf32, #tpu.memory_space<vmem>>, vector<16xf32>,
      %swap3A_193 = vector.shape_cast %swap3A_192 : vector<16xf32> to vector<16xf32>
      %swap3A_194 = vector.shape_cast %broadcast_in_dim3A_3 : vector<16xf32> to vector<16xf32>
      tpu.vector_store %arg8[%swap3A_191], %swap3A_194 {strides = array<i32>} : memref<8192xf32, #tpu.memory_space<vmem>>, vector<16xf32>,
      %swap3A_195 = arith.constant 768 : index
      %swap3A_196 = tpu.vector_load %arg8[%swap3A_195] {strides = array<i32>} : memref<8192xf32, #tpu.memory_space<vmem>>, vector<16xf32>,
      %swap3A_197 = vector.shape_cast %swap3A_196 : vector<16xf32> to vector<16xf32>
      %swap3A_198 = vector.shape_cast %broadcast_in_dim3A_3 : vector<16xf32> to vector<16xf32>
      tpu.vector_store %arg8[%swap3A_195], %swap3A_198 {strides = array<i32>} : memref<8192xf32, #tpu.memory_space<vmem>>, vector<16xf32>,
      %swap3A_199 = arith.constant 784 : index
      %swap3A_200 = tpu.vector_load %arg8[%swap3A_199] {strides = array<i32>} : memref<8192xf32, #tpu.memory_space<vmem>>, vector<16xf32>,
      %swap3A_201 = vector.shape_cast %swap3A_200 : vector<16xf32> to vector<16xf32>
      %swap3A_202 = vector.shape_cast %broadcast_in_dim3A_3 : vector<16xf32> to vector<16xf32>
      tpu.vector_store %arg8[%swap3A_199], %swap3A_202 {strides = array<i32>} : memref<8192xf32, #tpu.memory_space<vmem>>, vector<16xf32>,
      %swap3A_203 = arith.constant 800 : index
      %swap3A_204 = tpu.vector_load %arg8[%swap3A_203] {strides = array<i32>} : memref<8192xf32, #tpu.memory_space<vmem>>, vector<16xf32>,
      %swap3A_205 = vector.shape_cast %swap3A_204 : vector<16xf32> to vector<16xf32>
      %swap3A_206 = vector.shape_cast %broadcast_in_dim3A_3 : vector<16xf32> to vector<16xf32>
      tpu.vector_store %arg8[%swap3A_203], %swap3A_206 {strides = array<i32>} : memref<8192xf32, #tpu.memory_space<vmem>>, vector<16xf32>,
      %swap3A_207 = arith.constant 816 : index
      %swap3A_208 = tpu.vector_load %arg8[%swap3A_207] {strides = array<i32>} : memref<8192xf32, #tpu.memory_space<vmem>>, vector<16xf32>,
      %swap3A_209 = vector.shape_cast %swap3A_208 : vector<16xf32> to vector<16xf32>
      %swap3A_210 = vector.shape_cast %broadcast_in_dim3A_3 : vector<16xf32> to vector<16xf32>
      tpu.vector_store %arg8[%swap3A_207], %swap3A_210 {strides = array<i32>} : memref<8192xf32, #tpu.memory_space<vmem>>, vector<16xf32>,
      %swap3A_211 = arith.constant 832 : index
      %swap3A_212 = tpu.vector_load %arg8[%swap3A_211] {strides = array<i32>} : memref<8192xf32, #tpu.memory_space<vmem>>, vector<16xf32>,
      %swap3A_213 = vector.shape_cast %swap3A_212 : vector<16xf32> to vector<16xf32>
      %swap3A_214 = vector.shape_cast %broadcast_in_dim3A_3 : vector<16xf32> to vector<16xf32>
      tpu.vector_store %arg8[%swap3A_211], %swap3A_214 {strides = array<i32>} : memref<8192xf32, #tpu.memory_space<vmem>>, vector<16xf32>,
      %swap3A_215 = arith.constant 848 : index
      %swap3A_216 = tpu.vector_load %arg8[%swap3A_215] {strides = array<i32>} : memref<8192xf32, #tpu.memory_space<vmem>>, vector<16xf32>,
      %swap3A_217 = vector.shape_cast %swap3A_216 : vector<16xf32> to vector<16xf32>
      %swap3A_218 = vector.shape_cast %broadcast_in_dim3A_3 : vector<16xf32> to vector<16xf32>
      tpu.vector_store %arg8[%swap3A_215], %swap3A_218 {strides = array<i32>} : memref<8192xf32, #tpu.memory_space<vmem>>, vector<16xf32>,
      %swap3A_219 = arith.constant 864 : index
      %swap3A_220 = tpu.vector_load %arg8[%swap3A_219] {strides = array<i32>} : memref<8192xf32, #tpu.memory_space<vmem>>, vector<16xf32>,
      %swap3A_221 = vector.shape_cast %swap3A_220 : vector<16xf32> to vector<16xf32>
      %swap3A_222 = vector.shape_cast %broadcast_in_dim3A_3 : vector<16xf32> to vector<16xf32>
      tpu.vector_store %arg8[%swap3A_219], %swap3A_222 {strides = array<i32>} : memref<8192xf32, #tpu.memory_space<vmem>>, vector<16xf32>,
      %swap3A_223 = arith.constant 880 : index
      %swap3A_224 = tpu.vector_load %arg8[%swap3A_223] {strides = array<i32>} : memref<8192xf32, #tpu.memory_space<vmem>>, vector<16xf32>,
      %swap3A_225 = vector.shape_cast %swap3A_224 : vector<16xf32> to vector<16xf32>
      %swap3A_226 = vector.shape_cast %broadcast_in_dim3A_3 : vector<16xf32> to vector<16xf32>
      tpu.vector_store %arg8[%swap3A_223], %swap3A_226 {strides = array<i32>} : memref<8192xf32, #tpu.memory_space<vmem>>, vector<16xf32>,
      %swap3A_227 = arith.constant 896 : index
      %swap3A_228 = tpu.vector_load %arg8[%swap3A_227] {strides = array<i32>} : memref<8192xf32, #tpu.memory_space<vmem>>, vector<16xf32>,
      %swap3A_229 = vector.shape_cast %swap3A_228 : vector<16xf32> to vector<16xf32>
      %swap3A_230 = vector.shape_cast %broadcast_in_dim3A_3 : vector<16xf32> to vector<16xf32>
      tpu.vector_store %arg8[%swap3A_227], %swap3A_230 {strides = array<i32>} : memref<8192xf32, #tpu.memory_space<vmem>>, vector<16xf32>,
      %swap3A_231 = arith.constant 912 : index
      %swap3A_232 = tpu.vector_load %arg8[%swap3A_231] {strides = array<i32>} : memref<8192xf32, #tpu.memory_space<vmem>>, vector<16xf32>,
      %swap3A_233 = vector.shape_cast %swap3A_232 : vector<16xf32> to vector<16xf32>
      %swap3A_234 = vector.shape_cast %broadcast_in_dim3A_3 : vector<16xf32> to vector<16xf32>
      tpu.vector_store %arg8[%swap3A_231], %swap3A_234 {strides = array<i32>} : memref<8192xf32, #tpu.memory_space<vmem>>, vector<16xf32>,
      %swap3A_235 = arith.constant 928 : index
      %swap3A_236 = tpu.vector_load %arg8[%swap3A_235] {strides = array<i32>} : memref<8192xf32, #tpu.memory_space<vmem>>, vector<16xf32>,
      %swap3A_237 = vector.shape_cast %swap3A_236 : vector<16xf32> to vector<16xf32>
      %swap3A_238 = vector.shape_cast %broadcast_in_dim3A_3 : vector<16xf32> to vector<16xf32>
      tpu.vector_store %arg8[%swap3A_235], %swap3A_238 {strides = array<i32>} : memref<8192xf32, #tpu.memory_space<vmem>>, vector<16xf32>,
      %swap3A_239 = arith.constant 944 : index
      %swap3A_240 = tpu.vector_load %arg8[%swap3A_239] {strides = array<i32>} : memref<8192xf32, #tpu.memory_space<vmem>>, vector<16xf32>,
      %swap3A_241 = vector.shape_cast %swap3A_240 : vector<16xf32> to vector<16xf32>
      %swap3A_242 = vector.shape_cast %broadcast_in_dim3A_3 : vector<16xf32> to vector<16xf32>
      tpu.vector_store %arg8[%swap3A_239], %swap3A_242 {strides = array<i32>} : memref<8192xf32, #tpu.memory_space<vmem>>, vector<16xf32>,
      %swap3A_243 = arith.constant 960 : index
      %swap3A_244 = tpu.vector_load %arg8[%swap3A_243] {strides = array<i32>} : memref<8192xf32, #tpu.memory_space<vmem>>, vector<16xf32>,
      %swap3A_245 = vector.shape_cast %swap3A_244 : vector<16xf32> to vector<16xf32>
      %swap3A_246 = vector.shape_cast %broadcast_in_dim3A_3 : vector<16xf32> to vector<16xf32>
      tpu.vector_store %arg8[%swap3A_243], %swap3A_246 {strides = array<i32>} : memref<8192xf32, #tpu.memory_space<vmem>>, vector<16xf32>,
      %swap3A_247 = arith.constant 976 : index
      %swap3A_248 = tpu.vector_load %arg8[%swap3A_247] {strides = array<i32>} : memref<8192xf32, #tpu.memory_space<vmem>>, vector<16xf32>,
      %swap3A_249 = vector.shape_cast %swap3A_248 : vector<16xf32> to vector<16xf32>
      %swap3A_250 = vector.shape_cast %broadcast_in_dim3A_3 : vector<16xf32> to vector<16xf32>
      tpu.vector_store %arg8[%swap3A_247], %swap3A_250 {strides = array<i32>} : memref<8192xf32, #tpu.memory_space<vmem>>, vector<16xf32>,
      %swap3A_251 = arith.constant 992 : index
      %swap3A_252 = tpu.vector_load %arg8[%swap3A_251] {strides = array<i32>} : memref<8192xf32, #tpu.memory_space<vmem>>, vector<16xf32>,
      %swap3A_253 = vector.shape_cast %swap3A_252 : vector<16xf32> to vector<16xf32>
      %swap3A_254 = vector.shape_cast %broadcast_in_dim3A_3 : vector<16xf32> to vector<16xf32>
      tpu.vector_store %arg8[%swap3A_251], %swap3A_254 {strides = array<i32>} : memref<8192xf32, #tpu.memory_space<vmem>>, vector<16xf32>,
      %swap3A_255 = arith.constant 1008 : index
      %swap3A_256 = tpu.vector_load %arg8[%swap3A_255] {strides = array<i32>} : memref<8192xf32, #tpu.memory_space<vmem>>, vector<16xf32>,
      %swap3A_257 = vector.shape_cast %swap3A_256 : vector<16xf32> to vector<16xf32>
      %swap3A_258 = vector.shape_cast %broadcast_in_dim3A_3 : vector<16xf32> to vector<16xf32>
      tpu.vector_store %arg8[%swap3A_255], %swap3A_258 {strides = array<i32>} : memref<8192xf32, #tpu.memory_space<vmem>>, vector<16xf32>,
      %swap3A_259 = arith.constant 1024 : index
      %swap3A_260 = tpu.vector_load %arg8[%swap3A_259] {strides = array<i32>} : memref<8192xf32, #tpu.memory_space<vmem>>, vector<16xf32>,
      %swap3A_261 = vector.shape_cast %swap3A_260 : vector<16xf32> to vector<16xf32>
      %swap3A_262 = vector.shape_cast %broadcast_in_dim3A_3 : vector<16xf32> to vector<16xf32>
      tpu.vector_store %arg8[%swap3A_259], %swap3A_262 {strides = array<i32>} : memref<8192xf32, #tpu.memory_space<vmem>>, vector<16xf32>,
      %swap3A_263 = arith.constant 1040 : index
      %swap3A_264 = tpu.vector_load %arg8[%swap3A_263] {strides = array<i32>} : memref<8192xf32, #tpu.memory_space<vmem>>, vector<16xf32>,
      %swap3A_265 = vector.shape_cast %swap3A_264 : vector<16xf32> to vector<16xf32>
      %swap3A_266 = vector.shape_cast %broadcast_in_dim3A_3 : vector<16xf32> to vector<16xf32>
      tpu.vector_store %arg8[%swap3A_263], %swap3A_266 {strides = array<i32>} : memref<8192xf32, #tpu.memory_space<vmem>>, vector<16xf32>,
      %swap3A_267 = arith.constant 1056 : index
      %swap3A_268 = tpu.vector_load %arg8[%swap3A_267] {strides = array<i32>} : memref<8192xf32, #tpu.memory_space<vmem>>, vector<16xf32>,
      %swap3A_269 = vector.shape_cast %swap3A_268 : vector<16xf32> to vector<16xf32>
      %swap3A_270 = vector.shape_cast %broadcast_in_dim3A_3 : vector<16xf32> to vector<16xf32>
      tpu.vector_store %arg8[%swap3A_267], %swap3A_270 {strides = array<i32>} : memref<8192xf32, #tpu.memory_space<vmem>>, vector<16xf32>,
      %swap3A_271 = arith.constant 1072 : index
      %swap3A_272 = tpu.vector_load %arg8[%swap3A_271] {strides = array<i32>} : memref<8192xf32, #tpu.memory_space<vmem>>, vector<16xf32>,
      %swap3A_273 = vector.shape_cast %swap3A_272 : vector<16xf32> to vector<16xf32>
      %swap3A_274 = vector.shape_cast %broadcast_in_dim3A_3 : vector<16xf32> to vector<16xf32>
      tpu.vector_store %arg8[%swap3A_271], %swap3A_274 {strides = array<i32>} : memref<8192xf32, #tpu.memory_space<vmem>>, vector<16xf32>,
      %swap3A_275 = arith.constant 1088 : index
      %swap3A_276 = tpu.vector_load %arg8[%swap3A_275] {strides = array<i32>} : memref<8192xf32, #tpu.memory_space<vmem>>, vector<16xf32>,
      %swap3A_277 = vector.shape_cast %swap3A_276 : vector<16xf32> to vector<16xf32>
      %swap3A_278 = vector.shape_cast %broadcast_in_dim3A_3 : vector<16xf32> to vector<16xf32>
      tpu.vector_store %arg8[%swap3A_275], %swap3A_278 {strides = array<i32>} : memref<8192xf32, #tpu.memory_space<vmem>>, vector<16xf32>,
      %swap3A_279 = arith.constant 1104 : index
      %swap3A_280 = tpu.vector_load %arg8[%swap3A_279] {strides = array<i32>} : memref<8192xf32, #tpu.memory_space<vmem>>, vector<16xf32>,
      %swap3A_281 = vector.shape_cast %swap3A_280 : vector<16xf32> to vector<16xf32>
      %swap3A_282 = vector.shape_cast %broadcast_in_dim3A_3 : vector<16xf32> to vector<16xf32>
      tpu.vector_store %arg8[%swap3A_279], %swap3A_282 {strides = array<i32>} : memref<8192xf32, #tpu.memory_space<vmem>>, vector<16xf32>,
      %swap3A_283 = arith.constant 1120 : index
      %swap3A_284 = tpu.vector_load %arg8[%swap3A_283] {strides = array<i32>} : memref<8192xf32, #tpu.memory_space<vmem>>, vector<16xf32>,
      %swap3A_285 = vector.shape_cast %swap3A_284 : vector<16xf32> to vector<16xf32>
      %swap3A_286 = vector.shape_cast %broadcast_in_dim3A_3 : vector<16xf32> to vector<16xf32>
      tpu.vector_store %arg8[%swap3A_283], %swap3A_286 {strides = array<i32>} : memref<8192xf32, #tpu.memory_space<vmem>>, vector<16xf32>,
      %swap3A_287 = arith.constant 1136 : index
      %swap3A_288 = tpu.vector_load %arg8[%swap3A_287] {strides = array<i32>} : memref<8192xf32, #tpu.memory_space<vmem>>, vector<16xf32>,
      %swap3A_289 = vector.shape_cast %swap3A_288 : vector<16xf32> to vector<16xf32>
      %swap3A_290 = vector.shape_cast %broadcast_in_dim3A_3 : vector<16xf32> to vector<16xf32>
      tpu.vector_store %arg8[%swap3A_287], %swap3A_290 {strides = array<i32>} : memref<8192xf32, #tpu.memory_space<vmem>>, vector<16xf32>,
      %swap3A_291 = arith.constant 1152 : index
      %swap3A_292 = tpu.vector_load %arg8[%swap3A_291] {strides = array<i32>} : memref<8192xf32, #tpu.memory_space<vmem>>, vector<16xf32>,
      %swap3A_293 = vector.shape_cast %swap3A_292 : vector<16xf32> to vector<16xf32>
      %swap3A_294 = vector.shape_cast %broadcast_in_dim3A_3 : vector<16xf32> to vector<16xf32>
      tpu.vector_store %arg8[%swap3A_291], %swap3A_294 {strides = array<i32>} : memref<8192xf32, #tpu.memory_space<vmem>>, vector<16xf32>,
      %swap3A_295 = arith.constant 1168 : index
      %swap3A_296 = tpu.vector_load %arg8[%swap3A_295] {strides = array<i32>} : memref<8192xf32, #tpu.memory_space<vmem>>, vector<16xf32>,
      %swap3A_297 = vector.shape_cast %swap3A_296 : vector<16xf32> to vector<16xf32>
      %swap3A_298 = vector.shape_cast %broadcast_in_dim3A_3 : vector<16xf32> to vector<16xf32>
      tpu.vector_store %arg8[%swap3A_295], %swap3A_298 {strides = array<i32>} : memref<8192xf32, #tpu.memory_space<vmem>>, vector<16xf32>,
      %swap3A_299 = arith.constant 1184 : index
      %swap3A_300 = tpu.vector_load %arg8[%swap3A_299] {strides = array<i32>} : memref<8192xf32, #tpu.memory_space<vmem>>, vector<16xf32>,
      %swap3A_301 = vector.shape_cast %swap3A_300 : vector<16xf32> to vector<16xf32>
      %swap3A_302 = vector.shape_cast %broadcast_in_dim3A_3 : vector<16xf32> to vector<16xf32>
      tpu.vector_store %arg8[%swap3A_299], %swap3A_302 {strides = array<i32>} : memref<8192xf32, #tpu.memory_space<vmem>>, vector<16xf32>,
      %swap3A_303 = arith.constant 1200 : index
      %swap3A_304 = tpu.vector_load %arg8[%swap3A_303] {strides = array<i32>} : memref<8192xf32, #tpu.memory_space<vmem>>, vector<16xf32>,
      %swap3A_305 = vector.shape_cast %swap3A_304 : vector<16xf32> to vector<16xf32>
      %swap3A_306 = vector.shape_cast %broadcast_in_dim3A_3 : vector<16xf32> to vector<16xf32>
      tpu.vector_store %arg8[%swap3A_303], %swap3A_306 {strides = array<i32>} : memref<8192xf32, #tpu.memory_space<vmem>>, vector<16xf32>,
      %swap3A_307 = arith.constant 1216 : index
      %swap3A_308 = tpu.vector_load %arg8[%swap3A_307] {strides = array<i32>} : memref<8192xf32, #tpu.memory_space<vmem>>, vector<16xf32>,
      %swap3A_309 = vector.shape_cast %swap3A_308 : vector<16xf32> to vector<16xf32>
      %swap3A_310 = vector.shape_cast %broadcast_in_dim3A_3 : vector<16xf32> to vector<16xf32>
      tpu.vector_store %arg8[%swap3A_307], %swap3A_310 {strides = array<i32>} : memref<8192xf32, #tpu.memory_space<vmem>>, vector<16xf32>,
      %swap3A_311 = arith.constant 1232 : index
      %swap3A_312 = tpu.vector_load %arg8[%swap3A_311] {strides = array<i32>} : memref<8192xf32, #tpu.memory_space<vmem>>, vector<16xf32>,
      %swap3A_313 = vector.shape_cast %swap3A_312 : vector<16xf32> to vector<16xf32>
      %swap3A_314 = vector.shape_cast %broadcast_in_dim3A_3 : vector<16xf32> to vector<16xf32>
      tpu.vector_store %arg8[%swap3A_311], %swap3A_314 {strides = array<i32>} : memref<8192xf32, #tpu.memory_space<vmem>>, vector<16xf32>,
      %swap3A_315 = arith.constant 1248 : index
      %swap3A_316 = tpu.vector_load %arg8[%swap3A_315] {strides = array<i32>} : memref<8192xf32, #tpu.memory_space<vmem>>, vector<16xf32>,
      %swap3A_317 = vector.shape_cast %swap3A_316 : vector<16xf32> to vector<16xf32>
      %swap3A_318 = vector.shape_cast %broadcast_in_dim3A_3 : vector<16xf32> to vector<16xf32>
      tpu.vector_store %arg8[%swap3A_315], %swap3A_318 {strides = array<i32>} : memref<8192xf32, #tpu.memory_space<vmem>>, vector<16xf32>,
      %swap3A_319 = arith.constant 1264 : index
      %swap3A_320 = tpu.vector_load %arg8[%swap3A_319] {strides = array<i32>} : memref<8192xf32, #tpu.memory_space<vmem>>, vector<16xf32>,
      %swap3A_321 = vector.shape_cast %swap3A_320 : vector<16xf32> to vector<16xf32>
      %swap3A_322 = vector.shape_cast %broadcast_in_dim3A_3 : vector<16xf32> to vector<16xf32>
      tpu.vector_store %arg8[%swap3A_319], %swap3A_322 {strides = array<i32>} : memref<8192xf32, #tpu.memory_space<vmem>>, vector<16xf32>,
      %swap3A_323 = arith.constant 1280 : index
      %swap3A_324 = tpu.vector_load %arg8[%swap3A_323] {strides = array<i32>} : memref<8192xf32, #tpu.memory_space<vmem>>, vector<16xf32>,
      %swap3A_325 = vector.shape_cast %swap3A_324 : vector<16xf32> to vector<16xf32>
      %swap3A_326 = vector.shape_cast %broadcast_in_dim3A_3 : vector<16xf32> to vector<16xf32>
      tpu.vector_store %arg8[%swap3A_323], %swap3A_326 {strides = array<i32>} : memref<8192xf32, #tpu.memory_space<vmem>>, vector<16xf32>,
      %swap3A_327 = arith.constant 1296 : index
      %swap3A_328 = tpu.vector_load %arg8[%swap3A_327] {strides = array<i32>} : memref<8192xf32, #tpu.memory_space<vmem>>, vector<16xf32>,
      %swap3A_329 = vector.shape_cast %swap3A_328 : vector<16xf32> to vector<16xf32>
      %swap3A_330 = vector.shape_cast %broadcast_in_dim3A_3 : vector<16xf32> to vector<16xf32>
      tpu.vector_store %arg8[%swap3A_327], %swap3A_330 {strides = array<i32>} : memref<8192xf32, #tpu.memory_space<vmem>>, vector<16xf32>,
      %swap3A_331 = arith.constant 1312 : index
      %swap3A_332 = tpu.vector_load %arg8[%swap3A_331] {strides = array<i32>} : memref<8192xf32, #tpu.memory_space<vmem>>, vector<16xf32>,
      %swap3A_333 = vector.shape_cast %swap3A_332 : vector<16xf32> to vector<16xf32>
      %swap3A_334 = vector.shape_cast %broadcast_in_dim3A_3 : vector<16xf32> to vector<16xf32>
      tpu.vector_store %arg8[%swap3A_331], %swap3A_334 {strides = array<i32>} : memref<8192xf32, #tpu.memory_space<vmem>>, vector<16xf32>,
      %swap3A_335 = arith.constant 1328 : index
      %swap3A_336 = tpu.vector_load %arg8[%swap3A_335] {strides = array<i32>} : memref<8192xf32, #tpu.memory_space<vmem>>, vector<16xf32>,
      %swap3A_337 = vector.shape_cast %swap3A_336 : vector<16xf32> to vector<16xf32>
      %swap3A_338 = vector.shape_cast %broadcast_in_dim3A_3 : vector<16xf32> to vector<16xf32>
      tpu.vector_store %arg8[%swap3A_335], %swap3A_338 {strides = array<i32>} : memref<8192xf32, #tpu.memory_space<vmem>>, vector<16xf32>,
      %swap3A_339 = arith.constant 1344 : index
      %swap3A_340 = tpu.vector_load %arg8[%swap3A_339] {strides = array<i32>} : memref<8192xf32, #tpu.memory_space<vmem>>, vector<16xf32>,
      %swap3A_341 = vector.shape_cast %swap3A_340 : vector<16xf32> to vector<16xf32>
      %swap3A_342 = vector.shape_cast %broadcast_in_dim3A_3 : vector<16xf32> to vector<16xf32>
      tpu.vector_store %arg8[%swap3A_339], %swap3A_342 {strides = array<i32>} : memref<8192xf32, #tpu.memory_space<vmem>>, vector<16xf32>,
      %swap3A_343 = arith.constant 1360 : index
      %swap3A_344 = tpu.vector_load %arg8[%swap3A_343] {strides = array<i32>} : memref<8192xf32, #tpu.memory_space<vmem>>, vector<16xf32>,
      %swap3A_345 = vector.shape_cast %swap3A_344 : vector<16xf32> to vector<16xf32>
      %swap3A_346 = vector.shape_cast %broadcast_in_dim3A_3 : vector<16xf32> to vector<16xf32>
      tpu.vector_store %arg8[%swap3A_343], %swap3A_346 {strides = array<i32>} : memref<8192xf32, #tpu.memory_space<vmem>>, vector<16xf32>,
      %swap3A_347 = arith.constant 1376 : index
      %swap3A_348 = tpu.vector_load %arg8[%swap3A_347] {strides = array<i32>} : memref<8192xf32, #tpu.memory_space<vmem>>, vector<16xf32>,
      %swap3A_349 = vector.shape_cast %swap3A_348 : vector<16xf32> to vector<16xf32>
      %swap3A_350 = vector.shape_cast %broadcast_in_dim3A_3 : vector<16xf32> to vector<16xf32>
      tpu.vector_store %arg8[%swap3A_347], %swap3A_350 {strides = array<i32>} : memref<8192xf32, #tpu.memory_space<vmem>>, vector<16xf32>,
      %swap3A_351 = arith.constant 1392 : index
      %swap3A_352 = tpu.vector_load %arg8[%swap3A_351] {strides = array<i32>} : memref<8192xf32, #tpu.memory_space<vmem>>, vector<16xf32>,
      %swap3A_353 = vector.shape_cast %swap3A_352 : vector<16xf32> to vector<16xf32>
      %swap3A_354 = vector.shape_cast %broadcast_in_dim3A_3 : vector<16xf32> to vector<16xf32>
      tpu.vector_store %arg8[%swap3A_351], %swap3A_354 {strides = array<i32>} : memref<8192xf32, #tpu.memory_space<vmem>>, vector<16xf32>,
      %swap3A_355 = arith.constant 1408 : index
      %swap3A_356 = tpu.vector_load %arg8[%swap3A_355] {strides = array<i32>} : memref<8192xf32, #tpu.memory_space<vmem>>, vector<16xf32>,
      %swap3A_357 = vector.shape_cast %swap3A_356 : vector<16xf32> to vector<16xf32>
      %swap3A_358 = vector.shape_cast %broadcast_in_dim3A_3 : vector<16xf32> to vector<16xf32>
      tpu.vector_store %arg8[%swap3A_355], %swap3A_358 {strides = array<i32>} : memref<8192xf32, #tpu.memory_space<vmem>>, vector<16xf32>,
      %swap3A_359 = arith.constant 1424 : index
      %swap3A_360 = tpu.vector_load %arg8[%swap3A_359] {strides = array<i32>} : memref<8192xf32, #tpu.memory_space<vmem>>, vector<16xf32>,
      %swap3A_361 = vector.shape_cast %swap3A_360 : vector<16xf32> to vector<16xf32>
      %swap3A_362 = vector.shape_cast %broadcast_in_dim3A_3 : vector<16xf32> to vector<16xf32>
      tpu.vector_store %arg8[%swap3A_359], %swap3A_362 {strides = array<i32>} : memref<8192xf32, #tpu.memory_space<vmem>>, vector<16xf32>,
      %swap3A_363 = arith.constant 1440 : index
      %swap3A_364 = tpu.vector_load %arg8[%swap3A_363] {strides = array<i32>} : memref<8192xf32, #tpu.memory_space<vmem>>, vector<16xf32>,
      %swap3A_365 = vector.shape_cast %swap3A_364 : vector<16xf32> to vector<16xf32>
      %swap3A_366 = vector.shape_cast %broadcast_in_dim3A_3 : vector<16xf32> to vector<16xf32>
      tpu.vector_store %arg8[%swap3A_363], %swap3A_366 {strides = array<i32>} : memref<8192xf32, #tpu.memory_space<vmem>>, vector<16xf32>,
      %swap3A_367 = arith.constant 1456 : index
      %swap3A_368 = tpu.vector_load %arg8[%swap3A_367] {strides = array<i32>} : memref<8192xf32, #tpu.memory_space<vmem>>, vector<16xf32>,
      %swap3A_369 = vector.shape_cast %swap3A_368 : vector<16xf32> to vector<16xf32>
      %swap3A_370 = vector.shape_cast %broadcast_in_dim3A_3 : vector<16xf32> to vector<16xf32>
      tpu.vector_store %arg8[%swap3A_367], %swap3A_370 {strides = array<i32>} : memref<8192xf32, #tpu.memory_space<vmem>>, vector<16xf32>,
      %swap3A_371 = arith.constant 1472 : index
      %swap3A_372 = tpu.vector_load %arg8[%swap3A_371] {strides = array<i32>} : memref<8192xf32, #tpu.memory_space<vmem>>, vector<16xf32>,
      %swap3A_373 = vector.shape_cast %swap3A_372 : vector<16xf32> to vector<16xf32>
      %swap3A_374 = vector.shape_cast %broadcast_in_dim3A_3 : vector<16xf32> to vector<16xf32>
      tpu.vector_store %arg8[%swap3A_371], %swap3A_374 {strides = array<i32>} : memref<8192xf32, #tpu.memory_space<vmem>>, vector<16xf32>,
      %swap3A_375 = arith.constant 1488 : index
      %swap3A_376 = tpu.vector_load %arg8[%swap3A_375] {strides = array<i32>} : memref<8192xf32, #tpu.memory_space<vmem>>, vector<16xf32>,
      %swap3A_377 = vector.shape_cast %swap3A_376 : vector<16xf32> to vector<16xf32>
      %swap3A_378 = vector.shape_cast %broadcast_in_dim3A_3 : vector<16xf32> to vector<16xf32>
      tpu.vector_store %arg8[%swap3A_375], %swap3A_378 {strides = array<i32>} : memref<8192xf32, #tpu.memory_space<vmem>>, vector<16xf32>,
      %swap3A_379 = arith.constant 1504 : index
      %swap3A_380 = tpu.vector_load %arg8[%swap3A_379] {strides = array<i32>} : memref<8192xf32, #tpu.memory_space<vmem>>, vector<16xf32>,
      %swap3A_381 = vector.shape_cast %swap3A_380 : vector<16xf32> to vector<16xf32>
      %swap3A_382 = vector.shape_cast %broadcast_in_dim3A_3 : vector<16xf32> to vector<16xf32>
      tpu.vector_store %arg8[%swap3A_379], %swap3A_382 {strides = array<i32>} : memref<8192xf32, #tpu.memory_space<vmem>>, vector<16xf32>,
      %swap3A_383 = arith.constant 1520 : index
      %swap3A_384 = tpu.vector_load %arg8[%swap3A_383] {strides = array<i32>} : memref<8192xf32, #tpu.memory_space<vmem>>, vector<16xf32>,
      %swap3A_385 = vector.shape_cast %swap3A_384 : vector<16xf32> to vector<16xf32>
      %swap3A_386 = vector.shape_cast %broadcast_in_dim3A_3 : vector<16xf32> to vector<16xf32>
      tpu.vector_store %arg8[%swap3A_383], %swap3A_386 {strides = array<i32>} : memref<8192xf32, #tpu.memory_space<vmem>>, vector<16xf32>,
      %swap3A_387 = arith.constant 1536 : index
      %swap3A_388 = tpu.vector_load %arg8[%swap3A_387] {strides = array<i32>} : memref<8192xf32, #tpu.memory_space<vmem>>, vector<16xf32>,
      %swap3A_389 = vector.shape_cast %swap3A_388 : vector<16xf32> to vector<16xf32>
      %swap3A_390 = vector.shape_cast %broadcast_in_dim3A_3 : vector<16xf32> to vector<16xf32>
      tpu.vector_store %arg8[%swap3A_387], %swap3A_390 {strides = array<i32>} : memref<8192xf32, #tpu.memory_space<vmem>>, vector<16xf32>,
      %swap3A_391 = arith.constant 1552 : index
      %swap3A_392 = tpu.vector_load %arg8[%swap3A_391] {strides = array<i32>} : memref<8192xf32, #tpu.memory_space<vmem>>, vector<16xf32>,
      %swap3A_393 = vector.shape_cast %swap3A_392 : vector<16xf32> to vector<16xf32>
      %swap3A_394 = vector.shape_cast %broadcast_in_dim3A_3 : vector<16xf32> to vector<16xf32>
      tpu.vector_store %arg8[%swap3A_391], %swap3A_394 {strides = array<i32>} : memref<8192xf32, #tpu.memory_space<vmem>>, vector<16xf32>,
      %swap3A_395 = arith.constant 1568 : index
      %swap3A_396 = tpu.vector_load %arg8[%swap3A_395] {strides = array<i32>} : memref<8192xf32, #tpu.memory_space<vmem>>, vector<16xf32>,
      %swap3A_397 = vector.shape_cast %swap3A_396 : vector<16xf32> to vector<16xf32>
      %swap3A_398 = vector.shape_cast %broadcast_in_dim3A_3 : vector<16xf32> to vector<16xf32>
      tpu.vector_store %arg8[%swap3A_395], %swap3A_398 {strides = array<i32>} : memref<8192xf32, #tpu.memory_space<vmem>>, vector<16xf32>,
      %swap3A_399 = arith.constant 1584 : index
      %swap3A_400 = tpu.vector_load %arg8[%swap3A_399] {strides = array<i32>} : memref<8192xf32, #tpu.memory_space<vmem>>, vector<16xf32>,
      %swap3A_401 = vector.shape_cast %swap3A_400 : vector<16xf32> to vector<16xf32>
      %swap3A_402 = vector.shape_cast %broadcast_in_dim3A_3 : vector<16xf32> to vector<16xf32>
      tpu.vector_store %arg8[%swap3A_399], %swap3A_402 {strides = array<i32>} : memref<8192xf32, #tpu.memory_space<vmem>>, vector<16xf32>,
      %swap3A_403 = arith.constant 1600 : index
      %swap3A_404 = tpu.vector_load %arg8[%swap3A_403] {strides = array<i32>} : memref<8192xf32, #tpu.memory_space<vmem>>, vector<16xf32>,
      %swap3A_405 = vector.shape_cast %swap3A_404 : vector<16xf32> to vector<16xf32>
      %swap3A_406 = vector.shape_cast %broadcast_in_dim3A_3 : vector<16xf32> to vector<16xf32>
      tpu.vector_store %arg8[%swap3A_403], %swap3A_406 {strides = array<i32>} : memref<8192xf32, #tpu.memory_space<vmem>>, vector<16xf32>,
      %swap3A_407 = arith.constant 1616 : index
      %swap3A_408 = tpu.vector_load %arg8[%swap3A_407] {strides = array<i32>} : memref<8192xf32, #tpu.memory_space<vmem>>, vector<16xf32>,
      %swap3A_409 = vector.shape_cast %swap3A_408 : vector<16xf32> to vector<16xf32>
      %swap3A_410 = vector.shape_cast %broadcast_in_dim3A_3 : vector<16xf32> to vector<16xf32>
      tpu.vector_store %arg8[%swap3A_407], %swap3A_410 {strides = array<i32>} : memref<8192xf32, #tpu.memory_space<vmem>>, vector<16xf32>,
      %swap3A_411 = arith.constant 1632 : index
      %swap3A_412 = tpu.vector_load %arg8[%swap3A_411] {strides = array<i32>} : memref<8192xf32, #tpu.memory_space<vmem>>, vector<16xf32>,
      %swap3A_413 = vector.shape_cast %swap3A_412 : vector<16xf32> to vector<16xf32>
      %swap3A_414 = vector.shape_cast %broadcast_in_dim3A_3 : vector<16xf32> to vector<16xf32>
      tpu.vector_store %arg8[%swap3A_411], %swap3A_414 {strides = array<i32>} : memref<8192xf32, #tpu.memory_space<vmem>>, vector<16xf32>,
      %swap3A_415 = arith.constant 1648 : index
      %swap3A_416 = tpu.vector_load %arg8[%swap3A_415] {strides = array<i32>} : memref<8192xf32, #tpu.memory_space<vmem>>, vector<16xf32>,
      %swap3A_417 = vector.shape_cast %swap3A_416 : vector<16xf32> to vector<16xf32>
      %swap3A_418 = vector.shape_cast %broadcast_in_dim3A_3 : vector<16xf32> to vector<16xf32>
      tpu.vector_store %arg8[%swap3A_415], %swap3A_418 {strides = array<i32>} : memref<8192xf32, #tpu.memory_space<vmem>>, vector<16xf32>,
      %swap3A_419 = arith.constant 1664 : index
      %swap3A_420 = tpu.vector_load %arg8[%swap3A_419] {strides = array<i32>} : memref<8192xf32, #tpu.memory_space<vmem>>, vector<16xf32>,
      %swap3A_421 = vector.shape_cast %swap3A_420 : vector<16xf32> to vector<16xf32>
      %swap3A_422 = vector.shape_cast %broadcast_in_dim3A_3 : vector<16xf32> to vector<16xf32>
      tpu.vector_store %arg8[%swap3A_419], %swap3A_422 {strides = array<i32>} : memref<8192xf32, #tpu.memory_space<vmem>>, vector<16xf32>,
      %swap3A_423 = arith.constant 1680 : index
      %swap3A_424 = tpu.vector_load %arg8[%swap3A_423] {strides = array<i32>} : memref<8192xf32, #tpu.memory_space<vmem>>, vector<16xf32>,
      %swap3A_425 = vector.shape_cast %swap3A_424 : vector<16xf32> to vector<16xf32>
      %swap3A_426 = vector.shape_cast %broadcast_in_dim3A_3 : vector<16xf32> to vector<16xf32>
      tpu.vector_store %arg8[%swap3A_423], %swap3A_426 {strides = array<i32>} : memref<8192xf32, #tpu.memory_space<vmem>>, vector<16xf32>,
      %swap3A_427 = arith.constant 1696 : index
      %swap3A_428 = tpu.vector_load %arg8[%swap3A_427] {strides = array<i32>} : memref<8192xf32, #tpu.memory_space<vmem>>, vector<16xf32>,
      %swap3A_429 = vector.shape_cast %swap3A_428 : vector<16xf32> to vector<16xf32>
      %swap3A_430 = vector.shape_cast %broadcast_in_dim3A_3 : vector<16xf32> to vector<16xf32>
      tpu.vector_store %arg8[%swap3A_427], %swap3A_430 {strides = array<i32>} : memref<8192xf32, #tpu.memory_space<vmem>>, vector<16xf32>,
      %swap3A_431 = arith.constant 1712 : index
      %swap3A_432 = tpu.vector_load %arg8[%swap3A_431] {strides = array<i32>} : memref<8192xf32, #tpu.memory_space<vmem>>, vector<16xf32>,
      %swap3A_433 = vector.shape_cast %swap3A_432 : vector<16xf32> to vector<16xf32>
      %swap3A_434 = vector.shape_cast %broadcast_in_dim3A_3 : vector<16xf32> to vector<16xf32>
      tpu.vector_store %arg8[%swap3A_431], %swap3A_434 {strides = array<i32>} : memref<8192xf32, #tpu.memory_space<vmem>>, vector<16xf32>,
      %swap3A_435 = arith.constant 1728 : index
      %swap3A_436 = tpu.vector_load %arg8[%swap3A_435] {strides = array<i32>} : memref<8192xf32, #tpu.memory_space<vmem>>, vector<16xf32>,
      %swap3A_437 = vector.shape_cast %swap3A_436 : vector<16xf32> to vector<16xf32>
      %swap3A_438 = vector.shape_cast %broadcast_in_dim3A_3 : vector<16xf32> to vector<16xf32>
      tpu.vector_store %arg8[%swap3A_435], %swap3A_438 {strides = array<i32>} : memref<8192xf32, #tpu.memory_space<vmem>>, vector<16xf32>,
      %swap3A_439 = arith.constant 1744 : index
      %swap3A_440 = tpu.vector_load %arg8[%swap3A_439] {strides = array<i32>} : memref<8192xf32, #tpu.memory_space<vmem>>, vector<16xf32>,
      %swap3A_441 = vector.shape_cast %swap3A_440 : vector<16xf32> to vector<16xf32>
      %swap3A_442 = vector.shape_cast %broadcast_in_dim3A_3 : vector<16xf32> to vector<16xf32>
      tpu.vector_store %arg8[%swap3A_439], %swap3A_442 {strides = array<i32>} : memref<8192xf32, #tpu.memory_space<vmem>>, vector<16xf32>,
      %swap3A_443 = arith.constant 1760 : index
      %swap3A_444 = tpu.vector_load %arg8[%swap3A_443] {strides = array<i32>} : memref<8192xf32, #tpu.memory_space<vmem>>, vector<16xf32>,
      %swap3A_445 = vector.shape_cast %swap3A_444 : vector<16xf32> to vector<16xf32>
      %swap3A_446 = vector.shape_cast %broadcast_in_dim3A_3 : vector<16xf32> to vector<16xf32>
      tpu.vector_store %arg8[%swap3A_443], %swap3A_446 {strides = array<i32>} : memref<8192xf32, #tpu.memory_space<vmem>>, vector<16xf32>,
      %swap3A_447 = arith.constant 1776 : index
      %swap3A_448 = tpu.vector_load %arg8[%swap3A_447] {strides = array<i32>} : memref<8192xf32, #tpu.memory_space<vmem>>, vector<16xf32>,
      %swap3A_449 = vector.shape_cast %swap3A_448 : vector<16xf32> to vector<16xf32>
      %swap3A_450 = vector.shape_cast %broadcast_in_dim3A_3 : vector<16xf32> to vector<16xf32>
      tpu.vector_store %arg8[%swap3A_447], %swap3A_450 {strides = array<i32>} : memref<8192xf32, #tpu.memory_space<vmem>>, vector<16xf32>,
      %swap3A_451 = arith.constant 1792 : index
      %swap3A_452 = tpu.vector_load %arg8[%swap3A_451] {strides = array<i32>} : memref<8192xf32, #tpu.memory_space<vmem>>, vector<16xf32>,
      %swap3A_453 = vector.shape_cast %swap3A_452 : vector<16xf32> to vector<16xf32>
      %swap3A_454 = vector.shape_cast %broadcast_in_dim3A_3 : vector<16xf32> to vector<16xf32>
      tpu.vector_store %arg8[%swap3A_451], %swap3A_454 {strides = array<i32>} : memref<8192xf32, #tpu.memory_space<vmem>>, vector<16xf32>,
      %swap3A_455 = arith.constant 1808 : index
      %swap3A_456 = tpu.vector_load %arg8[%swap3A_455] {strides = array<i32>} : memref<8192xf32, #tpu.memory_space<vmem>>, vector<16xf32>,
      %swap3A_457 = vector.shape_cast %swap3A_456 : vector<16xf32> to vector<16xf32>
      %swap3A_458 = vector.shape_cast %broadcast_in_dim3A_3 : vector<16xf32> to vector<16xf32>
      tpu.vector_store %arg8[%swap3A_455], %swap3A_458 {strides = array<i32>} : memref<8192xf32, #tpu.memory_space<vmem>>, vector<16xf32>,
      %swap3A_459 = arith.constant 1824 : index
      %swap3A_460 = tpu.vector_load %arg8[%swap3A_459] {strides = array<i32>} : memref<8192xf32, #tpu.memory_space<vmem>>, vector<16xf32>,
      %swap3A_461 = vector.shape_cast %swap3A_460 : vector<16xf32> to vector<16xf32>
      %swap3A_462 = vector.shape_cast %broadcast_in_dim3A_3 : vector<16xf32> to vector<16xf32>
      tpu.vector_store %arg8[%swap3A_459], %swap3A_462 {strides = array<i32>} : memref<8192xf32, #tpu.memory_space<vmem>>, vector<16xf32>,
      %swap3A_463 = arith.constant 1840 : index
      %swap3A_464 = tpu.vector_load %arg8[%swap3A_463] {strides = array<i32>} : memref<8192xf32, #tpu.memory_space<vmem>>, vector<16xf32>,
      %swap3A_465 = vector.shape_cast %swap3A_464 : vector<16xf32> to vector<16xf32>
      %swap3A_466 = vector.shape_cast %broadcast_in_dim3A_3 : vector<16xf32> to vector<16xf32>
      tpu.vector_store %arg8[%swap3A_463], %swap3A_466 {strides = array<i32>} : memref<8192xf32, #tpu.memory_space<vmem>>, vector<16xf32>,
      %swap3A_467 = arith.constant 1856 : index
      %swap3A_468 = tpu.vector_load %arg8[%swap3A_467] {strides = array<i32>} : memref<8192xf32, #tpu.memory_space<vmem>>, vector<16xf32>,
      %swap3A_469 = vector.shape_cast %swap3A_468 : vector<16xf32> to vector<16xf32>
      %swap3A_470 = vector.shape_cast %broadcast_in_dim3A_3 : vector<16xf32> to vector<16xf32>
      tpu.vector_store %arg8[%swap3A_467], %swap3A_470 {strides = array<i32>} : memref<8192xf32, #tpu.memory_space<vmem>>, vector<16xf32>,
      %swap3A_471 = arith.constant 1872 : index
      %swap3A_472 = tpu.vector_load %arg8[%swap3A_471] {strides = array<i32>} : memref<8192xf32, #tpu.memory_space<vmem>>, vector<16xf32>,
      %swap3A_473 = vector.shape_cast %swap3A_472 : vector<16xf32> to vector<16xf32>
      %swap3A_474 = vector.shape_cast %broadcast_in_dim3A_3 : vector<16xf32> to vector<16xf32>
      tpu.vector_store %arg8[%swap3A_471], %swap3A_474 {strides = array<i32>} : memref<8192xf32, #tpu.memory_space<vmem>>, vector<16xf32>,
      %swap3A_475 = arith.constant 1888 : index
      %swap3A_476 = tpu.vector_load %arg8[%swap3A_475] {strides = array<i32>} : memref<8192xf32, #tpu.memory_space<vmem>>, vector<16xf32>,
      %swap3A_477 = vector.shape_cast %swap3A_476 : vector<16xf32> to vector<16xf32>
      %swap3A_478 = vector.shape_cast %broadcast_in_dim3A_3 : vector<16xf32> to vector<16xf32>
      tpu.vector_store %arg8[%swap3A_475], %swap3A_478 {strides = array<i32>} : memref<8192xf32, #tpu.memory_space<vmem>>, vector<16xf32>,
      %swap3A_479 = arith.constant 1904 : index
      %swap3A_480 = tpu.vector_load %arg8[%swap3A_479] {strides = array<i32>} : memref<8192xf32, #tpu.memory_space<vmem>>, vector<16xf32>,
      %swap3A_481 = vector.shape_cast %swap3A_480 : vector<16xf32> to vector<16xf32>
      %swap3A_482 = vector.shape_cast %broadcast_in_dim3A_3 : vector<16xf32> to vector<16xf32>
      tpu.vector_store %arg8[%swap3A_479], %swap3A_482 {strides = array<i32>} : memref<8192xf32, #tpu.memory_space<vmem>>, vector<16xf32>,
      %swap3A_483 = arith.constant 1920 : index
      %swap3A_484 = tpu.vector_load %arg8[%swap3A_483] {strides = array<i32>} : memref<8192xf32, #tpu.memory_space<vmem>>, vector<16xf32>,
      %swap3A_485 = vector.shape_cast %swap3A_484 : vector<16xf32> to vector<16xf32>
      %swap3A_486 = vector.shape_cast %broadcast_in_dim3A_3 : vector<16xf32> to vector<16xf32>
      tpu.vector_store %arg8[%swap3A_483], %swap3A_486 {strides = array<i32>} : memref<8192xf32, #tpu.memory_space<vmem>>, vector<16xf32>,
      %swap3A_487 = arith.constant 1936 : index
      %swap3A_488 = tpu.vector_load %arg8[%swap3A_487] {strides = array<i32>} : memref<8192xf32, #tpu.memory_space<vmem>>, vector<16xf32>,
      %swap3A_489 = vector.shape_cast %swap3A_488 : vector<16xf32> to vector<16xf32>
      %swap3A_490 = vector.shape_cast %broadcast_in_dim3A_3 : vector<16xf32> to vector<16xf32>
      tpu.vector_store %arg8[%swap3A_487], %swap3A_490 {strides = array<i32>} : memref<8192xf32, #tpu.memory_space<vmem>>, vector<16xf32>,
      %swap3A_491 = arith.constant 1952 : index
      %swap3A_492 = tpu.vector_load %arg8[%swap3A_491] {strides = array<i32>} : memref<8192xf32, #tpu.memory_space<vmem>>, vector<16xf32>,
      %swap3A_493 = vector.shape_cast %swap3A_492 : vector<16xf32> to vector<16xf32>
      %swap3A_494 = vector.shape_cast %broadcast_in_dim3A_3 : vector<16xf32> to vector<16xf32>
      tpu.vector_store %arg8[%swap3A_491], %swap3A_494 {strides = array<i32>} : memref<8192xf32, #tpu.memory_space<vmem>>, vector<16xf32>,
      %swap3A_495 = arith.constant 1968 : index
      %swap3A_496 = tpu.vector_load %arg8[%swap3A_495] {strides = array<i32>} : memref<8192xf32, #tpu.memory_space<vmem>>, vector<16xf32>,
      %swap3A_497 = vector.shape_cast %swap3A_496 : vector<16xf32> to vector<16xf32>
      %swap3A_498 = vector.shape_cast %broadcast_in_dim3A_3 : vector<16xf32> to vector<16xf32>
      tpu.vector_store %arg8[%swap3A_495], %swap3A_498 {strides = array<i32>} : memref<8192xf32, #tpu.memory_space<vmem>>, vector<16xf32>,
      %swap3A_499 = arith.constant 1984 : index
      %swap3A_500 = tpu.vector_load %arg8[%swap3A_499] {strides = array<i32>} : memref<8192xf32, #tpu.memory_space<vmem>>, vector<16xf32>,
      %swap3A_501 = vector.shape_cast %swap3A_500 : vector<16xf32> to vector<16xf32>
      %swap3A_502 = vector.shape_cast %broadcast_in_dim3A_3 : vector<16xf32> to vector<16xf32>
      tpu.vector_store %arg8[%swap3A_499], %swap3A_502 {strides = array<i32>} : memref<8192xf32, #tpu.memory_space<vmem>>, vector<16xf32>,
      %swap3A_503 = arith.constant 2000 : index
      %swap3A_504 = tpu.vector_load %arg8[%swap3A_503] {strides = array<i32>} : memref<8192xf32, #tpu.memory_space<vmem>>, vector<16xf32>,
      %swap3A_505 = vector.shape_cast %swap3A_504 : vector<16xf32> to vector<16xf32>
      %swap3A_506 = vector.shape_cast %broadcast_in_dim3A_3 : vector<16xf32> to vector<16xf32>
      tpu.vector_store %arg8[%swap3A_503], %swap3A_506 {strides = array<i32>} : memref<8192xf32, #tpu.memory_space<vmem>>, vector<16xf32>,
      %swap3A_507 = arith.constant 2016 : index
      %swap3A_508 = tpu.vector_load %arg8[%swap3A_507] {strides = array<i32>} : memref<8192xf32, #tpu.memory_space<vmem>>, vector<16xf32>,
      %swap3A_509 = vector.shape_cast %swap3A_508 : vector<16xf32> to vector<16xf32>
      %swap3A_510 = vector.shape_cast %broadcast_in_dim3A_3 : vector<16xf32> to vector<16xf32>
      tpu.vector_store %arg8[%swap3A_507], %swap3A_510 {strides = array<i32>} : memref<8192xf32, #tpu.memory_space<vmem>>, vector<16xf32>,
      %swap3A_511 = arith.constant 2032 : index
      %swap3A_512 = tpu.vector_load %arg8[%swap3A_511] {strides = array<i32>} : memref<8192xf32, #tpu.memory_space<vmem>>, vector<16xf32>,
      %swap3A_513 = vector.shape_cast %swap3A_512 : vector<16xf32> to vector<16xf32>
      %swap3A_514 = vector.shape_cast %broadcast_in_dim3A_3 : vector<16xf32> to vector<16xf32>
      tpu.vector_store %arg8[%swap3A_511], %swap3A_514 {strides = array<i32>} : memref<8192xf32, #tpu.memory_space<vmem>>, vector<16xf32>,
      %swap3A_515 = arith.constant 2048 : index
      %swap3A_516 = tpu.vector_load %arg8[%swap3A_515] {strides = array<i32>} : memref<8192xf32, #tpu.memory_space<vmem>>, vector<16xf32>,
      %swap3A_517 = vector.shape_cast %swap3A_516 : vector<16xf32> to vector<16xf32>
      %swap3A_518 = vector.shape_cast %broadcast_in_dim3A_3 : vector<16xf32> to vector<16xf32>
      tpu.vector_store %arg8[%swap3A_515], %swap3A_518 {strides = array<i32>} : memref<8192xf32, #tpu.memory_space<vmem>>, vector<16xf32>,
      %swap3A_519 = arith.constant 2064 : index
      %swap3A_520 = tpu.vector_load %arg8[%swap3A_519] {strides = array<i32>} : memref<8192xf32, #tpu.memory_space<vmem>>, vector<16xf32>,
      %swap3A_521 = vector.shape_cast %swap3A_520 : vector<16xf32> to vector<16xf32>
      %swap3A_522 = vector.shape_cast %broadcast_in_dim3A_3 : vector<16xf32> to vector<16xf32>
      tpu.vector_store %arg8[%swap3A_519], %swap3A_522 {strides = array<i32>} : memref<8192xf32, #tpu.memory_space<vmem>>, vector<16xf32>,
      %swap3A_523 = arith.constant 2080 : index
      %swap3A_524 = tpu.vector_load %arg8[%swap3A_523] {strides = array<i32>} : memref<8192xf32, #tpu.memory_space<vmem>>, vector<16xf32>,
      %swap3A_525 = vector.shape_cast %swap3A_524 : vector<16xf32> to vector<16xf32>
      %swap3A_526 = vector.shape_cast %broadcast_in_dim3A_3 : vector<16xf32> to vector<16xf32>
      tpu.vector_store %arg8[%swap3A_523], %swap3A_526 {strides = array<i32>} : memref<8192xf32, #tpu.memory_space<vmem>>, vector<16xf32>,
      %swap3A_527 = arith.constant 2096 : index
      %swap3A_528 = tpu.vector_load %arg8[%swap3A_527] {strides = array<i32>} : memref<8192xf32, #tpu.memory_space<vmem>>, vector<16xf32>,
      %swap3A_529 = vector.shape_cast %swap3A_528 : vector<16xf32> to vector<16xf32>
      %swap3A_530 = vector.shape_cast %broadcast_in_dim3A_3 : vector<16xf32> to vector<16xf32>
      tpu.vector_store %arg8[%swap3A_527], %swap3A_530 {strides = array<i32>} : memref<8192xf32, #tpu.memory_space<vmem>>, vector<16xf32>,
      %swap3A_531 = arith.constant 2112 : index
      %swap3A_532 = tpu.vector_load %arg8[%swap3A_531] {strides = array<i32>} : memref<8192xf32, #tpu.memory_space<vmem>>, vector<16xf32>,
      %swap3A_533 = vector.shape_cast %swap3A_532 : vector<16xf32> to vector<16xf32>
      %swap3A_534 = vector.shape_cast %broadcast_in_dim3A_3 : vector<16xf32> to vector<16xf32>
      tpu.vector_store %arg8[%swap3A_531], %swap3A_534 {strides = array<i32>} : memref<8192xf32, #tpu.memory_space<vmem>>, vector<16xf32>,
      %swap3A_535 = arith.constant 2128 : index
      %swap3A_536 = tpu.vector_load %arg8[%swap3A_535] {strides = array<i32>} : memref<8192xf32, #tpu.memory_space<vmem>>, vector<16xf32>,
      %swap3A_537 = vector.shape_cast %swap3A_536 : vector<16xf32> to vector<16xf32>
      %swap3A_538 = vector.shape_cast %broadcast_in_dim3A_3 : vector<16xf32> to vector<16xf32>
      tpu.vector_store %arg8[%swap3A_535], %swap3A_538 {strides = array<i32>} : memref<8192xf32, #tpu.memory_space<vmem>>, vector<16xf32>,
      %swap3A_539 = arith.constant 2144 : index
      %swap3A_540 = tpu.vector_load %arg8[%swap3A_539] {strides = array<i32>} : memref<8192xf32, #tpu.memory_space<vmem>>, vector<16xf32>,
      %swap3A_541 = vector.shape_cast %swap3A_540 : vector<16xf32> to vector<16xf32>
      %swap3A_542 = vector.shape_cast %broadcast_in_dim3A_3 : vector<16xf32> to vector<16xf32>
      tpu.vector_store %arg8[%swap3A_539], %swap3A_542 {strides = array<i32>} : memref<8192xf32, #tpu.memory_space<vmem>>, vector<16xf32>,
      %swap3A_543 = arith.constant 2160 : index
      %swap3A_544 = tpu.vector_load %arg8[%swap3A_543] {strides = array<i32>} : memref<8192xf32, #tpu.memory_space<vmem>>, vector<16xf32>,
      %swap3A_545 = vector.shape_cast %swap3A_544 : vector<16xf32> to vector<16xf32>
      %swap3A_546 = vector.shape_cast %broadcast_in_dim3A_3 : vector<16xf32> to vector<16xf32>
      tpu.vector_store %arg8[%swap3A_543], %swap3A_546 {strides = array<i32>} : memref<8192xf32, #tpu.memory_space<vmem>>, vector<16xf32>,
      %swap3A_547 = arith.constant 2176 : index
      %swap3A_548 = tpu.vector_load %arg8[%swap3A_547] {strides = array<i32>} : memref<8192xf32, #tpu.memory_space<vmem>>, vector<16xf32>,
      %swap3A_549 = vector.shape_cast %swap3A_548 : vector<16xf32> to vector<16xf32>
      %swap3A_550 = vector.shape_cast %broadcast_in_dim3A_3 : vector<16xf32> to vector<16xf32>
      tpu.vector_store %arg8[%swap3A_547], %swap3A_550 {strides = array<i32>} : memref<8192xf32, #tpu.memory_space<vmem>>, vector<16xf32>,
      %swap3A_551 = arith.constant 2192 : index
      %swap3A_552 = tpu.vector_load %arg8[%swap3A_551] {strides = array<i32>} : memref<8192xf32, #tpu.memory_space<vmem>>, vector<16xf32>,
      %swap3A_553 = vector.shape_cast %swap3A_552 : vector<16xf32> to vector<16xf32>
      %swap3A_554 = vector.shape_cast %broadcast_in_dim3A_3 : vector<16xf32> to vector<16xf32>
      tpu.vector_store %arg8[%swap3A_551], %swap3A_554 {strides = array<i32>} : memref<8192xf32, #tpu.memory_space<vmem>>, vector<16xf32>,
      %swap3A_555 = arith.constant 2208 : index
      %swap3A_556 = tpu.vector_load %arg8[%swap3A_555] {strides = array<i32>} : memref<8192xf32, #tpu.memory_space<vmem>>, vector<16xf32>,
      %swap3A_557 = vector.shape_cast %swap3A_556 : vector<16xf32> to vector<16xf32>
      %swap3A_558 = vector.shape_cast %broadcast_in_dim3A_3 : vector<16xf32> to vector<16xf32>
      tpu.vector_store %arg8[%swap3A_555], %swap3A_558 {strides = array<i32>} : memref<8192xf32, #tpu.memory_space<vmem>>, vector<16xf32>,
      %swap3A_559 = arith.constant 2224 : index
      %swap3A_560 = tpu.vector_load %arg8[%swap3A_559] {strides = array<i32>} : memref<8192xf32, #tpu.memory_space<vmem>>, vector<16xf32>,
      %swap3A_561 = vector.shape_cast %swap3A_560 : vector<16xf32> to vector<16xf32>
      %swap3A_562 = vector.shape_cast %broadcast_in_dim3A_3 : vector<16xf32> to vector<16xf32>
      tpu.vector_store %arg8[%swap3A_559], %swap3A_562 {strides = array<i32>} : memref<8192xf32, #tpu.memory_space<vmem>>, vector<16xf32>,
      %swap3A_563 = arith.constant 2240 : index
      %swap3A_564 = tpu.vector_load %arg8[%swap3A_563] {strides = array<i32>} : memref<8192xf32, #tpu.memory_space<vmem>>, vector<16xf32>,
      %swap3A_565 = vector.shape_cast %swap3A_564 : vector<16xf32> to vector<16xf32>
      %swap3A_566 = vector.shape_cast %broadcast_in_dim3A_3 : vector<16xf32> to vector<16xf32>
      tpu.vector_store %arg8[%swap3A_563], %swap3A_566 {strides = array<i32>} : memref<8192xf32, #tpu.memory_space<vmem>>, vector<16xf32>,
      %swap3A_567 = arith.constant 2256 : index
      %swap3A_568 = tpu.vector_load %arg8[%swap3A_567] {strides = array<i32>} : memref<8192xf32, #tpu.memory_space<vmem>>, vector<16xf32>,
      %swap3A_569 = vector.shape_cast %swap3A_568 : vector<16xf32> to vector<16xf32>
      %swap3A_570 = vector.shape_cast %broadcast_in_dim3A_3 : vector<16xf32> to vector<16xf32>
      tpu.vector_store %arg8[%swap3A_567], %swap3A_570 {strides = array<i32>} : memref<8192xf32, #tpu.memory_space<vmem>>, vector<16xf32>,
      %swap3A_571 = arith.constant 2272 : index
      %swap3A_572 = tpu.vector_load %arg8[%swap3A_571] {strides = array<i32>} : memref<8192xf32, #tpu.memory_space<vmem>>, vector<16xf32>,
      %swap3A_573 = vector.shape_cast %swap3A_572 : vector<16xf32> to vector<16xf32>
      %swap3A_574 = vector.shape_cast %broadcast_in_dim3A_3 : vector<16xf32> to vector<16xf32>
      tpu.vector_store %arg8[%swap3A_571], %swap3A_574 {strides = array<i32>} : memref<8192xf32, #tpu.memory_space<vmem>>, vector<16xf32>,
      %swap3A_575 = arith.constant 2288 : index
      %swap3A_576 = tpu.vector_load %arg8[%swap3A_575] {strides = array<i32>} : memref<8192xf32, #tpu.memory_space<vmem>>, vector<16xf32>,
      %swap3A_577 = vector.shape_cast %swap3A_576 : vector<16xf32> to vector<16xf32>
      %swap3A_578 = vector.shape_cast %broadcast_in_dim3A_3 : vector<16xf32> to vector<16xf32>
      tpu.vector_store %arg8[%swap3A_575], %swap3A_578 {strides = array<i32>} : memref<8192xf32, #tpu.memory_space<vmem>>, vector<16xf32>,
      %swap3A_579 = arith.constant 2304 : index
      %swap3A_580 = tpu.vector_load %arg8[%swap3A_579] {strides = array<i32>} : memref<8192xf32, #tpu.memory_space<vmem>>, vector<16xf32>,
      %swap3A_581 = vector.shape_cast %swap3A_580 : vector<16xf32> to vector<16xf32>
      %swap3A_582 = vector.shape_cast %broadcast_in_dim3A_3 : vector<16xf32> to vector<16xf32>
      tpu.vector_store %arg8[%swap3A_579], %swap3A_582 {strides = array<i32>} : memref<8192xf32, #tpu.memory_space<vmem>>, vector<16xf32>,
      %swap3A_583 = arith.constant 2320 : index
      %swap3A_584 = tpu.vector_load %arg8[%swap3A_583] {strides = array<i32>} : memref<8192xf32, #tpu.memory_space<vmem>>, vector<16xf32>,
      %swap3A_585 = vector.shape_cast %swap3A_584 : vector<16xf32> to vector<16xf32>
      %swap3A_586 = vector.shape_cast %broadcast_in_dim3A_3 : vector<16xf32> to vector<16xf32>
      tpu.vector_store %arg8[%swap3A_583], %swap3A_586 {strides = array<i32>} : memref<8192xf32, #tpu.memory_space<vmem>>, vector<16xf32>,
      %swap3A_587 = arith.constant 2336 : index
      %swap3A_588 = tpu.vector_load %arg8[%swap3A_587] {strides = array<i32>} : memref<8192xf32, #tpu.memory_space<vmem>>, vector<16xf32>,
      %swap3A_589 = vector.shape_cast %swap3A_588 : vector<16xf32> to vector<16xf32>
      %swap3A_590 = vector.shape_cast %broadcast_in_dim3A_3 : vector<16xf32> to vector<16xf32>
      tpu.vector_store %arg8[%swap3A_587], %swap3A_590 {strides = array<i32>} : memref<8192xf32, #tpu.memory_space<vmem>>, vector<16xf32>,
      %swap3A_591 = arith.constant 2352 : index
      %swap3A_592 = tpu.vector_load %arg8[%swap3A_591] {strides = array<i32>} : memref<8192xf32, #tpu.memory_space<vmem>>, vector<16xf32>,
      %swap3A_593 = vector.shape_cast %swap3A_592 : vector<16xf32> to vector<16xf32>
      %swap3A_594 = vector.shape_cast %broadcast_in_dim3A_3 : vector<16xf32> to vector<16xf32>
      tpu.vector_store %arg8[%swap3A_591], %swap3A_594 {strides = array<i32>} : memref<8192xf32, #tpu.memory_space<vmem>>, vector<16xf32>,
      %swap3A_595 = arith.constant 2368 : index
      %swap3A_596 = tpu.vector_load %arg8[%swap3A_595] {strides = array<i32>} : memref<8192xf32, #tpu.memory_space<vmem>>, vector<16xf32>,
      %swap3A_597 = vector.shape_cast %swap3A_596 : vector<16xf32> to vector<16xf32>
      %swap3A_598 = vector.shape_cast %broadcast_in_dim3A_3 : vector<16xf32> to vector<16xf32>
      tpu.vector_store %arg8[%swap3A_595], %swap3A_598 {strides = array<i32>} : memref<8192xf32, #tpu.memory_space<vmem>>, vector<16xf32>,
      %swap3A_599 = arith.constant 2384 : index
      %swap3A_600 = tpu.vector_load %arg8[%swap3A_599] {strides = array<i32>} : memref<8192xf32, #tpu.memory_space<vmem>>, vector<16xf32>,
      %swap3A_601 = vector.shape_cast %swap3A_600 : vector<16xf32> to vector<16xf32>
      %swap3A_602 = vector.shape_cast %broadcast_in_dim3A_3 : vector<16xf32> to vector<16xf32>
      tpu.vector_store %arg8[%swap3A_599], %swap3A_602 {strides = array<i32>} : memref<8192xf32, #tpu.memory_space<vmem>>, vector<16xf32>,
      %swap3A_603 = arith.constant 2400 : index
      %swap3A_604 = tpu.vector_load %arg8[%swap3A_603] {strides = array<i32>} : memref<8192xf32, #tpu.memory_space<vmem>>, vector<16xf32>,
      %swap3A_605 = vector.shape_cast %swap3A_604 : vector<16xf32> to vector<16xf32>
      %swap3A_606 = vector.shape_cast %broadcast_in_dim3A_3 : vector<16xf32> to vector<16xf32>
      tpu.vector_store %arg8[%swap3A_603], %swap3A_606 {strides = array<i32>} : memref<8192xf32, #tpu.memory_space<vmem>>, vector<16xf32>,
      %swap3A_607 = arith.constant 2416 : index
      %swap3A_608 = tpu.vector_load %arg8[%swap3A_607] {strides = array<i32>} : memref<8192xf32, #tpu.memory_space<vmem>>, vector<16xf32>,
      %swap3A_609 = vector.shape_cast %swap3A_608 : vector<16xf32> to vector<16xf32>
      %swap3A_610 = vector.shape_cast %broadcast_in_dim3A_3 : vector<16xf32> to vector<16xf32>
      tpu.vector_store %arg8[%swap3A_607], %swap3A_610 {strides = array<i32>} : memref<8192xf32, #tpu.memory_space<vmem>>, vector<16xf32>,
      %swap3A_611 = arith.constant 2432 : index
      %swap3A_612 = tpu.vector_load %arg8[%swap3A_611] {strides = array<i32>} : memref<8192xf32, #tpu.memory_space<vmem>>, vector<16xf32>,
      %swap3A_613 = vector.shape_cast %swap3A_612 : vector<16xf32> to vector<16xf32>
      %swap3A_614 = vector.shape_cast %broadcast_in_dim3A_3 : vector<16xf32> to vector<16xf32>
      tpu.vector_store %arg8[%swap3A_611], %swap3A_614 {strides = array<i32>} : memref<8192xf32, #tpu.memory_space<vmem>>, vector<16xf32>,
      %swap3A_615 = arith.constant 2448 : index
      %swap3A_616 = tpu.vector_load %arg8[%swap3A_615] {strides = array<i32>} : memref<8192xf32, #tpu.memory_space<vmem>>, vector<16xf32>,
      %swap3A_617 = vector.shape_cast %swap3A_616 : vector<16xf32> to vector<16xf32>
      %swap3A_618 = vector.shape_cast %broadcast_in_dim3A_3 : vector<16xf32> to vector<16xf32>
      tpu.vector_store %arg8[%swap3A_615], %swap3A_618 {strides = array<i32>} : memref<8192xf32, #tpu.memory_space<vmem>>, vector<16xf32>,
      %swap3A_619 = arith.constant 2464 : index
      %swap3A_620 = tpu.vector_load %arg8[%swap3A_619] {strides = array<i32>} : memref<8192xf32, #tpu.memory_space<vmem>>, vector<16xf32>,
      %swap3A_621 = vector.shape_cast %swap3A_620 : vector<16xf32> to vector<16xf32>
      %swap3A_622 = vector.shape_cast %broadcast_in_dim3A_3 : vector<16xf32> to vector<16xf32>
      tpu.vector_store %arg8[%swap3A_619], %swap3A_622 {strides = array<i32>} : memref<8192xf32, #tpu.memory_space<vmem>>, vector<16xf32>,
      %swap3A_623 = arith.constant 2480 : index
      %swap3A_624 = tpu.vector_load %arg8[%swap3A_623] {strides = array<i32>} : memref<8192xf32, #tpu.memory_space<vmem>>, vector<16xf32>,
      %swap3A_625 = vector.shape_cast %swap3A_624 : vector<16xf32> to vector<16xf32>
      %swap3A_626 = vector.shape_cast %broadcast_in_dim3A_3 : vector<16xf32> to vector<16xf32>
      tpu.vector_store %arg8[%swap3A_623], %swap3A_626 {strides = array<i32>} : memref<8192xf32, #tpu.memory_space<vmem>>, vector<16xf32>,
      %swap3A_627 = arith.constant 2496 : index
      %swap3A_628 = tpu.vector_load %arg8[%swap3A_627] {strides = array<i32>} : memref<8192xf32, #tpu.memory_space<vmem>>, vector<16xf32>,
      %swap3A_629 = vector.shape_cast %swap3A_628 : vector<16xf32> to vector<16xf32>
      %swap3A_630 = vector.shape_cast %broadcast_in_dim3A_3 : vector<16xf32> to vector<16xf32>
      tpu.vector_store %arg8[%swap3A_627], %swap3A_630 {strides = array<i32>} : memref<8192xf32, #tpu.memory_space<vmem>>, vector<16xf32>,
      %swap3A_631 = arith.constant 2512 : index
      %swap3A_632 = tpu.vector_load %arg8[%swap3A_631] {strides = array<i32>} : memref<8192xf32, #tpu.memory_space<vmem>>, vector<16xf32>,
      %swap3A_633 = vector.shape_cast %swap3A_632 : vector<16xf32> to vector<16xf32>
      %swap3A_634 = vector.shape_cast %broadcast_in_dim3A_3 : vector<16xf32> to vector<16xf32>
      tpu.vector_store %arg8[%swap3A_631], %swap3A_634 {strides = array<i32>} : memref<8192xf32, #tpu.memory_space<vmem>>, vector<16xf32>,
      %swap3A_635 = arith.constant 2528 : index
      %swap3A_636 = tpu.vector_load %arg8[%swap3A_635] {strides = array<i32>} : memref<8192xf32, #tpu.memory_space<vmem>>, vector<16xf32>,
      %swap3A_637 = vector.shape_cast %swap3A_636 : vector<16xf32> to vector<16xf32>
      %swap3A_638 = vector.shape_cast %broadcast_in_dim3A_3 : vector<16xf32> to vector<16xf32>
      tpu.vector_store %arg8[%swap3A_635], %swap3A_638 {strides = array<i32>} : memref<8192xf32, #tpu.memory_space<vmem>>, vector<16xf32>,
      %swap3A_639 = arith.constant 2544 : index
      %swap3A_640 = tpu.vector_load %arg8[%swap3A_639] {strides = array<i32>} : memref<8192xf32, #tpu.memory_space<vmem>>, vector<16xf32>,
      %swap3A_641 = vector.shape_cast %swap3A_640 : vector<16xf32> to vector<16xf32>
      %swap3A_642 = vector.shape_cast %broadcast_in_dim3A_3 : vector<16xf32> to vector<16xf32>
      tpu.vector_store %arg8[%swap3A_639], %swap3A_642 {strides = array<i32>} : memref<8192xf32, #tpu.memory_space<vmem>>, vector<16xf32>,
      %swap3A_643 = arith.constant 2560 : index
      %swap3A_644 = tpu.vector_load %arg8[%swap3A_643] {strides = array<i32>} : memref<8192xf32, #tpu.memory_space<vmem>>, vector<16xf32>,
      %swap3A_645 = vector.shape_cast %swap3A_644 : vector<16xf32> to vector<16xf32>
      %swap3A_646 = vector.shape_cast %broadcast_in_dim3A_3 : vector<16xf32> to vector<16xf32>
      tpu.vector_store %arg8[%swap3A_643], %swap3A_646 {strides = array<i32>} : memref<8192xf32, #tpu.memory_space<vmem>>, vector<16xf32>,
      %swap3A_647 = arith.constant 2576 : index
      %swap3A_648 = tpu.vector_load %arg8[%swap3A_647] {strides = array<i32>} : memref<8192xf32, #tpu.memory_space<vmem>>, vector<16xf32>,
      %swap3A_649 = vector.shape_cast %swap3A_648 : vector<16xf32> to vector<16xf32>
      %swap3A_650 = vector.shape_cast %broadcast_in_dim3A_3 : vector<16xf32> to vector<16xf32>
      tpu.vector_store %arg8[%swap3A_647], %swap3A_650 {strides = array<i32>} : memref<8192xf32, #tpu.memory_space<vmem>>, vector<16xf32>,
      %swap3A_651 = arith.constant 2592 : index
      %swap3A_652 = tpu.vector_load %arg8[%swap3A_651] {strides = array<i32>} : memref<8192xf32, #tpu.memory_space<vmem>>, vector<16xf32>,
      %swap3A_653 = vector.shape_cast %swap3A_652 : vector<16xf32> to vector<16xf32>
      %swap3A_654 = vector.shape_cast %broadcast_in_dim3A_3 : vector<16xf32> to vector<16xf32>
      tpu.vector_store %arg8[%swap3A_651], %swap3A_654 {strides = array<i32>} : memref<8192xf32, #tpu.memory_space<vmem>>, vector<16xf32>,
      %swap3A_655 = arith.constant 2608 : index
      %swap3A_656 = tpu.vector_load %arg8[%swap3A_655] {strides = array<i32>} : memref<8192xf32, #tpu.memory_space<vmem>>, vector<16xf32>,
      %swap3A_657 = vector.shape_cast %swap3A_656 : vector<16xf32> to vector<16xf32>
      %swap3A_658 = vector.shape_cast %broadcast_in_dim3A_3 : vector<16xf32> to vector<16xf32>
      tpu.vector_store %arg8[%swap3A_655], %swap3A_658 {strides = array<i32>} : memref<8192xf32, #tpu.memory_space<vmem>>, vector<16xf32>,
      %swap3A_659 = arith.constant 2624 : index
      %swap3A_660 = tpu.vector_load %arg8[%swap3A_659] {strides = array<i32>} : memref<8192xf32, #tpu.memory_space<vmem>>, vector<16xf32>,
      %swap3A_661 = vector.shape_cast %swap3A_660 : vector<16xf32> to vector<16xf32>
      %swap3A_662 = vector.shape_cast %broadcast_in_dim3A_3 : vector<16xf32> to vector<16xf32>
      tpu.vector_store %arg8[%swap3A_659], %swap3A_662 {strides = array<i32>} : memref<8192xf32, #tpu.memory_space<vmem>>, vector<16xf32>,
      %swap3A_663 = arith.constant 2640 : index
      %swap3A_664 = tpu.vector_load %arg8[%swap3A_663] {strides = array<i32>} : memref<8192xf32, #tpu.memory_space<vmem>>, vector<16xf32>,
      %swap3A_665 = vector.shape_cast %swap3A_664 : vector<16xf32> to vector<16xf32>
      %swap3A_666 = vector.shape_cast %broadcast_in_dim3A_3 : vector<16xf32> to vector<16xf32>
      tpu.vector_store %arg8[%swap3A_663], %swap3A_666 {strides = array<i32>} : memref<8192xf32, #tpu.memory_space<vmem>>, vector<16xf32>,
      %swap3A_667 = arith.constant 2656 : index
      %swap3A_668 = tpu.vector_load %arg8[%swap3A_667] {strides = array<i32>} : memref<8192xf32, #tpu.memory_space<vmem>>, vector<16xf32>,
      %swap3A_669 = vector.shape_cast %swap3A_668 : vector<16xf32> to vector<16xf32>
      %swap3A_670 = vector.shape_cast %broadcast_in_dim3A_3 : vector<16xf32> to vector<16xf32>
      tpu.vector_store %arg8[%swap3A_667], %swap3A_670 {strides = array<i32>} : memref<8192xf32, #tpu.memory_space<vmem>>, vector<16xf32>,
      %swap3A_671 = arith.constant 2672 : index
      %swap3A_672 = tpu.vector_load %arg8[%swap3A_671] {strides = array<i32>} : memref<8192xf32, #tpu.memory_space<vmem>>, vector<16xf32>,
      %swap3A_673 = vector.shape_cast %swap3A_672 : vector<16xf32> to vector<16xf32>
      %swap3A_674 = vector.shape_cast %broadcast_in_dim3A_3 : vector<16xf32> to vector<16xf32>
      tpu.vector_store %arg8[%swap3A_671], %swap3A_674 {strides = array<i32>} : memref<8192xf32, #tpu.memory_space<vmem>>, vector<16xf32>,
      %swap3A_675 = arith.constant 2688 : index
      %swap3A_676 = tpu.vector_load %arg8[%swap3A_675] {strides = array<i32>} : memref<8192xf32, #tpu.memory_space<vmem>>, vector<16xf32>,
      %swap3A_677 = vector.shape_cast %swap3A_676 : vector<16xf32> to vector<16xf32>
      %swap3A_678 = vector.shape_cast %broadcast_in_dim3A_3 : vector<16xf32> to vector<16xf32>
      tpu.vector_store %arg8[%swap3A_675], %swap3A_678 {strides = array<i32>} : memref<8192xf32, #tpu.memory_space<vmem>>, vector<16xf32>,
      %swap3A_679 = arith.constant 2704 : index
      %swap3A_680 = tpu.vector_load %arg8[%swap3A_679] {strides = array<i32>} : memref<8192xf32, #tpu.memory_space<vmem>>, vector<16xf32>,
      %swap3A_681 = vector.shape_cast %swap3A_680 : vector<16xf32> to vector<16xf32>
      %swap3A_682 = vector.shape_cast %broadcast_in_dim3A_3 : vector<16xf32> to vector<16xf32>
      tpu.vector_store %arg8[%swap3A_679], %swap3A_682 {strides = array<i32>} : memref<8192xf32, #tpu.memory_space<vmem>>, vector<16xf32>,
      %swap3A_683 = arith.constant 2720 : index
      %swap3A_684 = tpu.vector_load %arg8[%swap3A_683] {strides = array<i32>} : memref<8192xf32, #tpu.memory_space<vmem>>, vector<16xf32>,
      %swap3A_685 = vector.shape_cast %swap3A_684 : vector<16xf32> to vector<16xf32>
      %swap3A_686 = vector.shape_cast %broadcast_in_dim3A_3 : vector<16xf32> to vector<16xf32>
      tpu.vector_store %arg8[%swap3A_683], %swap3A_686 {strides = array<i32>} : memref<8192xf32, #tpu.memory_space<vmem>>, vector<16xf32>,
      %swap3A_687 = arith.constant 2736 : index
      %swap3A_688 = tpu.vector_load %arg8[%swap3A_687] {strides = array<i32>} : memref<8192xf32, #tpu.memory_space<vmem>>, vector<16xf32>,
      %swap3A_689 = vector.shape_cast %swap3A_688 : vector<16xf32> to vector<16xf32>
      %swap3A_690 = vector.shape_cast %broadcast_in_dim3A_3 : vector<16xf32> to vector<16xf32>
      tpu.vector_store %arg8[%swap3A_687], %swap3A_690 {strides = array<i32>} : memref<8192xf32, #tpu.memory_space<vmem>>, vector<16xf32>,
      %swap3A_691 = arith.constant 2752 : index
      %swap3A_692 = tpu.vector_load %arg8[%swap3A_691] {strides = array<i32>} : memref<8192xf32, #tpu.memory_space<vmem>>, vector<16xf32>,
      %swap3A_693 = vector.shape_cast %swap3A_692 : vector<16xf32> to vector<16xf32>
      %swap3A_694 = vector.shape_cast %broadcast_in_dim3A_3 : vector<16xf32> to vector<16xf32>
      tpu.vector_store %arg8[%swap3A_691], %swap3A_694 {strides = array<i32>} : memref<8192xf32, #tpu.memory_space<vmem>>, vector<16xf32>,
      %swap3A_695 = arith.constant 2768 : index
      %swap3A_696 = tpu.vector_load %arg8[%swap3A_695] {strides = array<i32>} : memref<8192xf32, #tpu.memory_space<vmem>>, vector<16xf32>,
      %swap3A_697 = vector.shape_cast %swap3A_696 : vector<16xf32> to vector<16xf32>
      %swap3A_698 = vector.shape_cast %broadcast_in_dim3A_3 : vector<16xf32> to vector<16xf32>
      tpu.vector_store %arg8[%swap3A_695], %swap3A_698 {strides = array<i32>} : memref<8192xf32, #tpu.memory_space<vmem>>, vector<16xf32>,
      %swap3A_699 = arith.constant 2784 : index
      %swap3A_700 = tpu.vector_load %arg8[%swap3A_699] {strides = array<i32>} : memref<8192xf32, #tpu.memory_space<vmem>>, vector<16xf32>,
      %swap3A_701 = vector.shape_cast %swap3A_700 : vector<16xf32> to vector<16xf32>
      %swap3A_702 = vector.shape_cast %broadcast_in_dim3A_3 : vector<16xf32> to vector<16xf32>
      tpu.vector_store %arg8[%swap3A_699], %swap3A_702 {strides = array<i32>} : memref<8192xf32, #tpu.memory_space<vmem>>, vector<16xf32>,
      %swap3A_703 = arith.constant 2800 : index
      %swap3A_704 = tpu.vector_load %arg8[%swap3A_703] {strides = array<i32>} : memref<8192xf32, #tpu.memory_space<vmem>>, vector<16xf32>,
      %swap3A_705 = vector.shape_cast %swap3A_704 : vector<16xf32> to vector<16xf32>
      %swap3A_706 = vector.shape_cast %broadcast_in_dim3A_3 : vector<16xf32> to vector<16xf32>
      tpu.vector_store %arg8[%swap3A_703], %swap3A_706 {strides = array<i32>} : memref<8192xf32, #tpu.memory_space<vmem>>, vector<16xf32>,
      %swap3A_707 = arith.constant 2816 : index
      %swap3A_708 = tpu.vector_load %arg8[%swap3A_707] {strides = array<i32>} : memref<8192xf32, #tpu.memory_space<vmem>>, vector<16xf32>,
      %swap3A_709 = vector.shape_cast %swap3A_708 : vector<16xf32> to vector<16xf32>
      %swap3A_710 = vector.shape_cast %broadcast_in_dim3A_3 : vector<16xf32> to vector<16xf32>
      tpu.vector_store %arg8[%swap3A_707], %swap3A_710 {strides = array<i32>} : memref<8192xf32, #tpu.memory_space<vmem>>, vector<16xf32>,
      %swap3A_711 = arith.constant 2832 : index
      %swap3A_712 = tpu.vector_load %arg8[%swap3A_711] {strides = array<i32>} : memref<8192xf32, #tpu.memory_space<vmem>>, vector<16xf32>,
      %swap3A_713 = vector.shape_cast %swap3A_712 : vector<16xf32> to vector<16xf32>
      %swap3A_714 = vector.shape_cast %broadcast_in_dim3A_3 : vector<16xf32> to vector<16xf32>
      tpu.vector_store %arg8[%swap3A_711], %swap3A_714 {strides = array<i32>} : memref<8192xf32, #tpu.memory_space<vmem>>, vector<16xf32>,
      %swap3A_715 = arith.constant 2848 : index
      %swap3A_716 = tpu.vector_load %arg8[%swap3A_715] {strides = array<i32>} : memref<8192xf32, #tpu.memory_space<vmem>>, vector<16xf32>,
      %swap3A_717 = vector.shape_cast %swap3A_716 : vector<16xf32> to vector<16xf32>
      %swap3A_718 = vector.shape_cast %broadcast_in_dim3A_3 : vector<16xf32> to vector<16xf32>
      tpu.vector_store %arg8[%swap3A_715], %swap3A_718 {strides = array<i32>} : memref<8192xf32, #tpu.memory_space<vmem>>, vector<16xf32>,
      %swap3A_719 = arith.constant 2864 : index
      %swap3A_720 = tpu.vector_load %arg8[%swap3A_719] {strides = array<i32>} : memref<8192xf32, #tpu.memory_space<vmem>>, vector<16xf32>,
      %swap3A_721 = vector.shape_cast %swap3A_720 : vector<16xf32> to vector<16xf32>
      %swap3A_722 = vector.shape_cast %broadcast_in_dim3A_3 : vector<16xf32> to vector<16xf32>
      tpu.vector_store %arg8[%swap3A_719], %swap3A_722 {strides = array<i32>} : memref<8192xf32, #tpu.memory_space<vmem>>, vector<16xf32>,
      %swap3A_723 = arith.constant 2880 : index
      %swap3A_724 = tpu.vector_load %arg8[%swap3A_723] {strides = array<i32>} : memref<8192xf32, #tpu.memory_space<vmem>>, vector<16xf32>,
      %swap3A_725 = vector.shape_cast %swap3A_724 : vector<16xf32> to vector<16xf32>
      %swap3A_726 = vector.shape_cast %broadcast_in_dim3A_3 : vector<16xf32> to vector<16xf32>
      tpu.vector_store %arg8[%swap3A_723], %swap3A_726 {strides = array<i32>} : memref<8192xf32, #tpu.memory_space<vmem>>, vector<16xf32>,
      %swap3A_727 = arith.constant 2896 : index
      %swap3A_728 = tpu.vector_load %arg8[%swap3A_727] {strides = array<i32>} : memref<8192xf32, #tpu.memory_space<vmem>>, vector<16xf32>,
      %swap3A_729 = vector.shape_cast %swap3A_728 : vector<16xf32> to vector<16xf32>
      %swap3A_730 = vector.shape_cast %broadcast_in_dim3A_3 : vector<16xf32> to vector<16xf32>
      tpu.vector_store %arg8[%swap3A_727], %swap3A_730 {strides = array<i32>} : memref<8192xf32, #tpu.memory_space<vmem>>, vector<16xf32>,
      %swap3A_731 = arith.constant 2912 : index
      %swap3A_732 = tpu.vector_load %arg8[%swap3A_731] {strides = array<i32>} : memref<8192xf32, #tpu.memory_space<vmem>>, vector<16xf32>,
      %swap3A_733 = vector.shape_cast %swap3A_732 : vector<16xf32> to vector<16xf32>
      %swap3A_734 = vector.shape_cast %broadcast_in_dim3A_3 : vector<16xf32> to vector<16xf32>
      tpu.vector_store %arg8[%swap3A_731], %swap3A_734 {strides = array<i32>} : memref<8192xf32, #tpu.memory_space<vmem>>, vector<16xf32>,
      %swap3A_735 = arith.constant 2928 : index
      %swap3A_736 = tpu.vector_load %arg8[%swap3A_735] {strides = array<i32>} : memref<8192xf32, #tpu.memory_space<vmem>>, vector<16xf32>,
      %swap3A_737 = vector.shape_cast %swap3A_736 : vector<16xf32> to vector<16xf32>
      %swap3A_738 = vector.shape_cast %broadcast_in_dim3A_3 : vector<16xf32> to vector<16xf32>
      tpu.vector_store %arg8[%swap3A_735], %swap3A_738 {strides = array<i32>} : memref<8192xf32, #tpu.memory_space<vmem>>, vector<16xf32>,
      %swap3A_739 = arith.constant 2944 : index
      %swap3A_740 = tpu.vector_load %arg8[%swap3A_739] {strides = array<i32>} : memref<8192xf32, #tpu.memory_space<vmem>>, vector<16xf32>,
      %swap3A_741 = vector.shape_cast %swap3A_740 : vector<16xf32> to vector<16xf32>
      %swap3A_742 = vector.shape_cast %broadcast_in_dim3A_3 : vector<16xf32> to vector<16xf32>
      tpu.vector_store %arg8[%swap3A_739], %swap3A_742 {strides = array<i32>} : memref<8192xf32, #tpu.memory_space<vmem>>, vector<16xf32>,
      %swap3A_743 = arith.constant 2960 : index
      %swap3A_744 = tpu.vector_load %arg8[%swap3A_743] {strides = array<i32>} : memref<8192xf32, #tpu.memory_space<vmem>>, vector<16xf32>,
      %swap3A_745 = vector.shape_cast %swap3A_744 : vector<16xf32> to vector<16xf32>
      %swap3A_746 = vector.shape_cast %broadcast_in_dim3A_3 : vector<16xf32> to vector<16xf32>
      tpu.vector_store %arg8[%swap3A_743], %swap3A_746 {strides = array<i32>} : memref<8192xf32, #tpu.memory_space<vmem>>, vector<16xf32>,
      %swap3A_747 = arith.constant 2976 : index
      %swap3A_748 = tpu.vector_load %arg8[%swap3A_747] {strides = array<i32>} : memref<8192xf32, #tpu.memory_space<vmem>>, vector<16xf32>,
      %swap3A_749 = vector.shape_cast %swap3A_748 : vector<16xf32> to vector<16xf32>
      %swap3A_750 = vector.shape_cast %broadcast_in_dim3A_3 : vector<16xf32> to vector<16xf32>
      tpu.vector_store %arg8[%swap3A_747], %swap3A_750 {strides = array<i32>} : memref<8192xf32, #tpu.memory_space<vmem>>, vector<16xf32>,
      %swap3A_751 = arith.constant 2992 : index
      %swap3A_752 = tpu.vector_load %arg8[%swap3A_751] {strides = array<i32>} : memref<8192xf32, #tpu.memory_space<vmem>>, vector<16xf32>,
      %swap3A_753 = vector.shape_cast %swap3A_752 : vector<16xf32> to vector<16xf32>
      %swap3A_754 = vector.shape_cast %broadcast_in_dim3A_3 : vector<16xf32> to vector<16xf32>
      tpu.vector_store %arg8[%swap3A_751], %swap3A_754 {strides = array<i32>} : memref<8192xf32, #tpu.memory_space<vmem>>, vector<16xf32>,
      %swap3A_755 = arith.constant 3008 : index
      %swap3A_756 = tpu.vector_load %arg8[%swap3A_755] {strides = array<i32>} : memref<8192xf32, #tpu.memory_space<vmem>>, vector<16xf32>,
      %swap3A_757 = vector.shape_cast %swap3A_756 : vector<16xf32> to vector<16xf32>
      %swap3A_758 = vector.shape_cast %broadcast_in_dim3A_3 : vector<16xf32> to vector<16xf32>
      tpu.vector_store %arg8[%swap3A_755], %swap3A_758 {strides = array<i32>} : memref<8192xf32, #tpu.memory_space<vmem>>, vector<16xf32>,
      %swap3A_759 = arith.constant 3024 : index
      %swap3A_760 = tpu.vector_load %arg8[%swap3A_759] {strides = array<i32>} : memref<8192xf32, #tpu.memory_space<vmem>>, vector<16xf32>,
      %swap3A_761 = vector.shape_cast %swap3A_760 : vector<16xf32> to vector<16xf32>
      %swap3A_762 = vector.shape_cast %broadcast_in_dim3A_3 : vector<16xf32> to vector<16xf32>
      tpu.vector_store %arg8[%swap3A_759], %swap3A_762 {strides = array<i32>} : memref<8192xf32, #tpu.memory_space<vmem>>, vector<16xf32>,
      %swap3A_763 = arith.constant 3040 : index
      %swap3A_764 = tpu.vector_load %arg8[%swap3A_763] {strides = array<i32>} : memref<8192xf32, #tpu.memory_space<vmem>>, vector<16xf32>,
      %swap3A_765 = vector.shape_cast %swap3A_764 : vector<16xf32> to vector<16xf32>
      %swap3A_766 = vector.shape_cast %broadcast_in_dim3A_3 : vector<16xf32> to vector<16xf32>
      tpu.vector_store %arg8[%swap3A_763], %swap3A_766 {strides = array<i32>} : memref<8192xf32, #tpu.memory_space<vmem>>, vector<16xf32>,
      %swap3A_767 = arith.constant 3056 : index
      %swap3A_768 = tpu.vector_load %arg8[%swap3A_767] {strides = array<i32>} : memref<8192xf32, #tpu.memory_space<vmem>>, vector<16xf32>,
      %swap3A_769 = vector.shape_cast %swap3A_768 : vector<16xf32> to vector<16xf32>
      %swap3A_770 = vector.shape_cast %broadcast_in_dim3A_3 : vector<16xf32> to vector<16xf32>
      tpu.vector_store %arg8[%swap3A_767], %swap3A_770 {strides = array<i32>} : memref<8192xf32, #tpu.memory_space<vmem>>, vector<16xf32>,
      %swap3A_771 = arith.constant 3072 : index
      %swap3A_772 = tpu.vector_load %arg8[%swap3A_771] {strides = array<i32>} : memref<8192xf32, #tpu.memory_space<vmem>>, vector<16xf32>,
      %swap3A_773 = vector.shape_cast %swap3A_772 : vector<16xf32> to vector<16xf32>
      %swap3A_774 = vector.shape_cast %broadcast_in_dim3A_3 : vector<16xf32> to vector<16xf32>
      tpu.vector_store %arg8[%swap3A_771], %swap3A_774 {strides = array<i32>} : memref<8192xf32, #tpu.memory_space<vmem>>, vector<16xf32>,
      %swap3A_775 = arith.constant 3088 : index
      %swap3A_776 = tpu.vector_load %arg8[%swap3A_775] {strides = array<i32>} : memref<8192xf32, #tpu.memory_space<vmem>>, vector<16xf32>,
      %swap3A_777 = vector.shape_cast %swap3A_776 : vector<16xf32> to vector<16xf32>
      %swap3A_778 = vector.shape_cast %broadcast_in_dim3A_3 : vector<16xf32> to vector<16xf32>
      tpu.vector_store %arg8[%swap3A_775], %swap3A_778 {strides = array<i32>} : memref<8192xf32, #tpu.memory_space<vmem>>, vector<16xf32>,
      %swap3A_779 = arith.constant 3104 : index
      %swap3A_780 = tpu.vector_load %arg8[%swap3A_779] {strides = array<i32>} : memref<8192xf32, #tpu.memory_space<vmem>>, vector<16xf32>,
      %swap3A_781 = vector.shape_cast %swap3A_780 : vector<16xf32> to vector<16xf32>
      %swap3A_782 = vector.shape_cast %broadcast_in_dim3A_3 : vector<16xf32> to vector<16xf32>
      tpu.vector_store %arg8[%swap3A_779], %swap3A_782 {strides = array<i32>} : memref<8192xf32, #tpu.memory_space<vmem>>, vector<16xf32>,
      %swap3A_783 = arith.constant 3120 : index
      %swap3A_784 = tpu.vector_load %arg8[%swap3A_783] {strides = array<i32>} : memref<8192xf32, #tpu.memory_space<vmem>>, vector<16xf32>,
      %swap3A_785 = vector.shape_cast %swap3A_784 : vector<16xf32> to vector<16xf32>
      %swap3A_786 = vector.shape_cast %broadcast_in_dim3A_3 : vector<16xf32> to vector<16xf32>
      tpu.vector_store %arg8[%swap3A_783], %swap3A_786 {strides = array<i32>} : memref<8192xf32, #tpu.memory_space<vmem>>, vector<16xf32>,
      %swap3A_787 = arith.constant 3136 : index
      %swap3A_788 = tpu.vector_load %arg8[%swap3A_787] {strides = array<i32>} : memref<8192xf32, #tpu.memory_space<vmem>>, vector<16xf32>,
      %swap3A_789 = vector.shape_cast %swap3A_788 : vector<16xf32> to vector<16xf32>
      %swap3A_790 = vector.shape_cast %broadcast_in_dim3A_3 : vector<16xf32> to vector<16xf32>
      tpu.vector_store %arg8[%swap3A_787], %swap3A_790 {strides = array<i32>} : memref<8192xf32, #tpu.memory_space<vmem>>, vector<16xf32>,
      %swap3A_791 = arith.constant 3152 : index
      %swap3A_792 = tpu.vector_load %arg8[%swap3A_791] {strides = array<i32>} : memref<8192xf32, #tpu.memory_space<vmem>>, vector<16xf32>,
      %swap3A_793 = vector.shape_cast %swap3A_792 : vector<16xf32> to vector<16xf32>
      %swap3A_794 = vector.shape_cast %broadcast_in_dim3A_3 : vector<16xf32> to vector<16xf32>
      tpu.vector_store %arg8[%swap3A_791], %swap3A_794 {strides = array<i32>} : memref<8192xf32, #tpu.memory_space<vmem>>, vector<16xf32>,
      %swap3A_795 = arith.constant 3168 : index
      %swap3A_796 = tpu.vector_load %arg8[%swap3A_795] {strides = array<i32>} : memref<8192xf32, #tpu.memory_space<vmem>>, vector<16xf32>,
      %swap3A_797 = vector.shape_cast %swap3A_796 : vector<16xf32> to vector<16xf32>
      %swap3A_798 = vector.shape_cast %broadcast_in_dim3A_3 : vector<16xf32> to vector<16xf32>
      tpu.vector_store %arg8[%swap3A_795], %swap3A_798 {strides = array<i32>} : memref<8192xf32, #tpu.memory_space<vmem>>, vector<16xf32>,
      %swap3A_799 = arith.constant 3184 : index
      %swap3A_800 = tpu.vector_load %arg8[%swap3A_799] {strides = array<i32>} : memref<8192xf32, #tpu.memory_space<vmem>>, vector<16xf32>,
      %swap3A_801 = vector.shape_cast %swap3A_800 : vector<16xf32> to vector<16xf32>
      %swap3A_802 = vector.shape_cast %broadcast_in_dim3A_3 : vector<16xf32> to vector<16xf32>
      tpu.vector_store %arg8[%swap3A_799], %swap3A_802 {strides = array<i32>} : memref<8192xf32, #tpu.memory_space<vmem>>, vector<16xf32>,
      %swap3A_803 = arith.constant 3200 : index
      %swap3A_804 = tpu.vector_load %arg8[%swap3A_803] {strides = array<i32>} : memref<8192xf32, #tpu.memory_space<vmem>>, vector<16xf32>,
      %swap3A_805 = vector.shape_cast %swap3A_804 : vector<16xf32> to vector<16xf32>
      %swap3A_806 = vector.shape_cast %broadcast_in_dim3A_3 : vector<16xf32> to vector<16xf32>
      tpu.vector_store %arg8[%swap3A_803], %swap3A_806 {strides = array<i32>} : memref<8192xf32, #tpu.memory_space<vmem>>, vector<16xf32>,
      %swap3A_807 = arith.constant 3216 : index
      %swap3A_808 = tpu.vector_load %arg8[%swap3A_807] {strides = array<i32>} : memref<8192xf32, #tpu.memory_space<vmem>>, vector<16xf32>,
      %swap3A_809 = vector.shape_cast %swap3A_808 : vector<16xf32> to vector<16xf32>
      %swap3A_810 = vector.shape_cast %broadcast_in_dim3A_3 : vector<16xf32> to vector<16xf32>
      tpu.vector_store %arg8[%swap3A_807], %swap3A_810 {strides = array<i32>} : memref<8192xf32, #tpu.memory_space<vmem>>, vector<16xf32>,
      %swap3A_811 = arith.constant 3232 : index
      %swap3A_812 = tpu.vector_load %arg8[%swap3A_811] {strides = array<i32>} : memref<8192xf32, #tpu.memory_space<vmem>>, vector<16xf32>,
      %swap3A_813 = vector.shape_cast %swap3A_812 : vector<16xf32> to vector<16xf32>
      %swap3A_814 = vector.shape_cast %broadcast_in_dim3A_3 : vector<16xf32> to vector<16xf32>
      tpu.vector_store %arg8[%swap3A_811], %swap3A_814 {strides = array<i32>} : memref<8192xf32, #tpu.memory_space<vmem>>, vector<16xf32>,
      %swap3A_815 = arith.constant 3248 : index
      %swap3A_816 = tpu.vector_load %arg8[%swap3A_815] {strides = array<i32>} : memref<8192xf32, #tpu.memory_space<vmem>>, vector<16xf32>,
      %swap3A_817 = vector.shape_cast %swap3A_816 : vector<16xf32> to vector<16xf32>
      %swap3A_818 = vector.shape_cast %broadcast_in_dim3A_3 : vector<16xf32> to vector<16xf32>
      tpu.vector_store %arg8[%swap3A_815], %swap3A_818 {strides = array<i32>} : memref<8192xf32, #tpu.memory_space<vmem>>, vector<16xf32>,
      %swap3A_819 = arith.constant 3264 : index
      %swap3A_820 = tpu.vector_load %arg8[%swap3A_819] {strides = array<i32>} : memref<8192xf32, #tpu.memory_space<vmem>>, vector<16xf32>,
      %swap3A_821 = vector.shape_cast %swap3A_820 : vector<16xf32> to vector<16xf32>
      %swap3A_822 = vector.shape_cast %broadcast_in_dim3A_3 : vector<16xf32> to vector<16xf32>
      tpu.vector_store %arg8[%swap3A_819], %swap3A_822 {strides = array<i32>} : memref<8192xf32, #tpu.memory_space<vmem>>, vector<16xf32>,
      %swap3A_823 = arith.constant 3280 : index
      %swap3A_824 = tpu.vector_load %arg8[%swap3A_823] {strides = array<i32>} : memref<8192xf32, #tpu.memory_space<vmem>>, vector<16xf32>,
      %swap3A_825 = vector.shape_cast %swap3A_824 : vector<16xf32> to vector<16xf32>
      %swap3A_826 = vector.shape_cast %broadcast_in_dim3A_3 : vector<16xf32> to vector<16xf32>
      tpu.vector_store %arg8[%swap3A_823], %swap3A_826 {strides = array<i32>} : memref<8192xf32, #tpu.memory_space<vmem>>, vector<16xf32>,
      %swap3A_827 = arith.constant 3296 : index
      %swap3A_828 = tpu.vector_load %arg8[%swap3A_827] {strides = array<i32>} : memref<8192xf32, #tpu.memory_space<vmem>>, vector<16xf32>,
      %swap3A_829 = vector.shape_cast %swap3A_828 : vector<16xf32> to vector<16xf32>
      %swap3A_830 = vector.shape_cast %broadcast_in_dim3A_3 : vector<16xf32> to vector<16xf32>
      tpu.vector_store %arg8[%swap3A_827], %swap3A_830 {strides = array<i32>} : memref<8192xf32, #tpu.memory_space<vmem>>, vector<16xf32>,
      %swap3A_831 = arith.constant 3312 : index
      %swap3A_832 = tpu.vector_load %arg8[%swap3A_831] {strides = array<i32>} : memref<8192xf32, #tpu.memory_space<vmem>>, vector<16xf32>,
      %swap3A_833 = vector.shape_cast %swap3A_832 : vector<16xf32> to vector<16xf32>
      %swap3A_834 = vector.shape_cast %broadcast_in_dim3A_3 : vector<16xf32> to vector<16xf32>
      tpu.vector_store %arg8[%swap3A_831], %swap3A_834 {strides = array<i32>} : memref<8192xf32, #tpu.memory_space<vmem>>, vector<16xf32>,
      %swap3A_835 = arith.constant 3328 : index
      %swap3A_836 = tpu.vector_load %arg8[%swap3A_835] {strides = array<i32>} : memref<8192xf32, #tpu.memory_space<vmem>>, vector<16xf32>,
      %swap3A_837 = vector.shape_cast %swap3A_836 : vector<16xf32> to vector<16xf32>
      %swap3A_838 = vector.shape_cast %broadcast_in_dim3A_3 : vector<16xf32> to vector<16xf32>
      tpu.vector_store %arg8[%swap3A_835], %swap3A_838 {strides = array<i32>} : memref<8192xf32, #tpu.memory_space<vmem>>, vector<16xf32>,
      %swap3A_839 = arith.constant 3344 : index
      %swap3A_840 = tpu.vector_load %arg8[%swap3A_839] {strides = array<i32>} : memref<8192xf32, #tpu.memory_space<vmem>>, vector<16xf32>,
      %swap3A_841 = vector.shape_cast %swap3A_840 : vector<16xf32> to vector<16xf32>
      %swap3A_842 = vector.shape_cast %broadcast_in_dim3A_3 : vector<16xf32> to vector<16xf32>
      tpu.vector_store %arg8[%swap3A_839], %swap3A_842 {strides = array<i32>} : memref<8192xf32, #tpu.memory_space<vmem>>, vector<16xf32>,
      %swap3A_843 = arith.constant 3360 : index
      %swap3A_844 = tpu.vector_load %arg8[%swap3A_843] {strides = array<i32>} : memref<8192xf32, #tpu.memory_space<vmem>>, vector<16xf32>,
      %swap3A_845 = vector.shape_cast %swap3A_844 : vector<16xf32> to vector<16xf32>
      %swap3A_846 = vector.shape_cast %broadcast_in_dim3A_3 : vector<16xf32> to vector<16xf32>
      tpu.vector_store %arg8[%swap3A_843], %swap3A_846 {strides = array<i32>} : memref<8192xf32, #tpu.memory_space<vmem>>, vector<16xf32>,
      %swap3A_847 = arith.constant 3376 : index
      %swap3A_848 = tpu.vector_load %arg8[%swap3A_847] {strides = array<i32>} : memref<8192xf32, #tpu.memory_space<vmem>>, vector<16xf32>,
      %swap3A_849 = vector.shape_cast %swap3A_848 : vector<16xf32> to vector<16xf32>
      %swap3A_850 = vector.shape_cast %broadcast_in_dim3A_3 : vector<16xf32> to vector<16xf32>
      tpu.vector_store %arg8[%swap3A_847], %swap3A_850 {strides = array<i32>} : memref<8192xf32, #tpu.memory_space<vmem>>, vector<16xf32>,
      %swap3A_851 = arith.constant 3392 : index
      %swap3A_852 = tpu.vector_load %arg8[%swap3A_851] {strides = array<i32>} : memref<8192xf32, #tpu.memory_space<vmem>>, vector<16xf32>,
      %swap3A_853 = vector.shape_cast %swap3A_852 : vector<16xf32> to vector<16xf32>
      %swap3A_854 = vector.shape_cast %broadcast_in_dim3A_3 : vector<16xf32> to vector<16xf32>
      tpu.vector_store %arg8[%swap3A_851], %swap3A_854 {strides = array<i32>} : memref<8192xf32, #tpu.memory_space<vmem>>, vector<16xf32>,
      %swap3A_855 = arith.constant 3408 : index
      %swap3A_856 = tpu.vector_load %arg8[%swap3A_855] {strides = array<i32>} : memref<8192xf32, #tpu.memory_space<vmem>>, vector<16xf32>,
      %swap3A_857 = vector.shape_cast %swap3A_856 : vector<16xf32> to vector<16xf32>
      %swap3A_858 = vector.shape_cast %broadcast_in_dim3A_3 : vector<16xf32> to vector<16xf32>
      tpu.vector_store %arg8[%swap3A_855], %swap3A_858 {strides = array<i32>} : memref<8192xf32, #tpu.memory_space<vmem>>, vector<16xf32>,
      %swap3A_859 = arith.constant 3424 : index
      %swap3A_860 = tpu.vector_load %arg8[%swap3A_859] {strides = array<i32>} : memref<8192xf32, #tpu.memory_space<vmem>>, vector<16xf32>,
      %swap3A_861 = vector.shape_cast %swap3A_860 : vector<16xf32> to vector<16xf32>
      %swap3A_862 = vector.shape_cast %broadcast_in_dim3A_3 : vector<16xf32> to vector<16xf32>
      tpu.vector_store %arg8[%swap3A_859], %swap3A_862 {strides = array<i32>} : memref<8192xf32, #tpu.memory_space<vmem>>, vector<16xf32>,
      %swap3A_863 = arith.constant 3440 : index
      %swap3A_864 = tpu.vector_load %arg8[%swap3A_863] {strides = array<i32>} : memref<8192xf32, #tpu.memory_space<vmem>>, vector<16xf32>,
      %swap3A_865 = vector.shape_cast %swap3A_864 : vector<16xf32> to vector<16xf32>
      %swap3A_866 = vector.shape_cast %broadcast_in_dim3A_3 : vector<16xf32> to vector<16xf32>
      tpu.vector_store %arg8[%swap3A_863], %swap3A_866 {strides = array<i32>} : memref<8192xf32, #tpu.memory_space<vmem>>, vector<16xf32>,
      %swap3A_867 = arith.constant 3456 : index
      %swap3A_868 = tpu.vector_load %arg8[%swap3A_867] {strides = array<i32>} : memref<8192xf32, #tpu.memory_space<vmem>>, vector<16xf32>,
      %swap3A_869 = vector.shape_cast %swap3A_868 : vector<16xf32> to vector<16xf32>
      %swap3A_870 = vector.shape_cast %broadcast_in_dim3A_3 : vector<16xf32> to vector<16xf32>
      tpu.vector_store %arg8[%swap3A_867], %swap3A_870 {strides = array<i32>} : memref<8192xf32, #tpu.memory_space<vmem>>, vector<16xf32>,
      %swap3A_871 = arith.constant 3472 : index
      %swap3A_872 = tpu.vector_load %arg8[%swap3A_871] {strides = array<i32>} : memref<8192xf32, #tpu.memory_space<vmem>>, vector<16xf32>,
      %swap3A_873 = vector.shape_cast %swap3A_872 : vector<16xf32> to vector<16xf32>
      %swap3A_874 = vector.shape_cast %broadcast_in_dim3A_3 : vector<16xf32> to vector<16xf32>
      tpu.vector_store %arg8[%swap3A_871], %swap3A_874 {strides = array<i32>} : memref<8192xf32, #tpu.memory_space<vmem>>, vector<16xf32>,
      %swap3A_875 = arith.constant 3488 : index
      %swap3A_876 = tpu.vector_load %arg8[%swap3A_875] {strides = array<i32>} : memref<8192xf32, #tpu.memory_space<vmem>>, vector<16xf32>,
      %swap3A_877 = vector.shape_cast %swap3A_876 : vector<16xf32> to vector<16xf32>
      %swap3A_878 = vector.shape_cast %broadcast_in_dim3A_3 : vector<16xf32> to vector<16xf32>
      tpu.vector_store %arg8[%swap3A_875], %swap3A_878 {strides = array<i32>} : memref<8192xf32, #tpu.memory_space<vmem>>, vector<16xf32>,
      %swap3A_879 = arith.constant 3504 : index
      %swap3A_880 = tpu.vector_load %arg8[%swap3A_879] {strides = array<i32>} : memref<8192xf32, #tpu.memory_space<vmem>>, vector<16xf32>,
      %swap3A_881 = vector.shape_cast %swap3A_880 : vector<16xf32> to vector<16xf32>
      %swap3A_882 = vector.shape_cast %broadcast_in_dim3A_3 : vector<16xf32> to vector<16xf32>
      tpu.vector_store %arg8[%swap3A_879], %swap3A_882 {strides = array<i32>} : memref<8192xf32, #tpu.memory_space<vmem>>, vector<16xf32>,
      %swap3A_883 = arith.constant 3520 : index
      %swap3A_884 = tpu.vector_load %arg8[%swap3A_883] {strides = array<i32>} : memref<8192xf32, #tpu.memory_space<vmem>>, vector<16xf32>,
      %swap3A_885 = vector.shape_cast %swap3A_884 : vector<16xf32> to vector<16xf32>
      %swap3A_886 = vector.shape_cast %broadcast_in_dim3A_3 : vector<16xf32> to vector<16xf32>
      tpu.vector_store %arg8[%swap3A_883], %swap3A_886 {strides = array<i32>} : memref<8192xf32, #tpu.memory_space<vmem>>, vector<16xf32>,
      %swap3A_887 = arith.constant 3536 : index
      %swap3A_888 = tpu.vector_load %arg8[%swap3A_887] {strides = array<i32>} : memref<8192xf32, #tpu.memory_space<vmem>>, vector<16xf32>,
      %swap3A_889 = vector.shape_cast %swap3A_888 : vector<16xf32> to vector<16xf32>
      %swap3A_890 = vector.shape_cast %broadcast_in_dim3A_3 : vector<16xf32> to vector<16xf32>
      tpu.vector_store %arg8[%swap3A_887], %swap3A_890 {strides = array<i32>} : memref<8192xf32, #tpu.memory_space<vmem>>, vector<16xf32>,
      %swap3A_891 = arith.constant 3552 : index
      %swap3A_892 = tpu.vector_load %arg8[%swap3A_891] {strides = array<i32>} : memref<8192xf32, #tpu.memory_space<vmem>>, vector<16xf32>,
      %swap3A_893 = vector.shape_cast %swap3A_892 : vector<16xf32> to vector<16xf32>
      %swap3A_894 = vector.shape_cast %broadcast_in_dim3A_3 : vector<16xf32> to vector<16xf32>
      tpu.vector_store %arg8[%swap3A_891], %swap3A_894 {strides = array<i32>} : memref<8192xf32, #tpu.memory_space<vmem>>, vector<16xf32>,
      %swap3A_895 = arith.constant 3568 : index
      %swap3A_896 = tpu.vector_load %arg8[%swap3A_895] {strides = array<i32>} : memref<8192xf32, #tpu.memory_space<vmem>>, vector<16xf32>,
      %swap3A_897 = vector.shape_cast %swap3A_896 : vector<16xf32> to vector<16xf32>
      %swap3A_898 = vector.shape_cast %broadcast_in_dim3A_3 : vector<16xf32> to vector<16xf32>
      tpu.vector_store %arg8[%swap3A_895], %swap3A_898 {strides = array<i32>} : memref<8192xf32, #tpu.memory_space<vmem>>, vector<16xf32>,
      %swap3A_899 = arith.constant 3584 : index
      %swap3A_900 = tpu.vector_load %arg8[%swap3A_899] {strides = array<i32>} : memref<8192xf32, #tpu.memory_space<vmem>>, vector<16xf32>,
      %swap3A_901 = vector.shape_cast %swap3A_900 : vector<16xf32> to vector<16xf32>
      %swap3A_902 = vector.shape_cast %broadcast_in_dim3A_3 : vector<16xf32> to vector<16xf32>
      tpu.vector_store %arg8[%swap3A_899], %swap3A_902 {strides = array<i32>} : memref<8192xf32, #tpu.memory_space<vmem>>, vector<16xf32>,
      %swap3A_903 = arith.constant 3600 : index
      %swap3A_904 = tpu.vector_load %arg8[%swap3A_903] {strides = array<i32>} : memref<8192xf32, #tpu.memory_space<vmem>>, vector<16xf32>,
      %swap3A_905 = vector.shape_cast %swap3A_904 : vector<16xf32> to vector<16xf32>
      %swap3A_906 = vector.shape_cast %broadcast_in_dim3A_3 : vector<16xf32> to vector<16xf32>
      tpu.vector_store %arg8[%swap3A_903], %swap3A_906 {strides = array<i32>} : memref<8192xf32, #tpu.memory_space<vmem>>, vector<16xf32>,
      %swap3A_907 = arith.constant 3616 : index
      %swap3A_908 = tpu.vector_load %arg8[%swap3A_907] {strides = array<i32>} : memref<8192xf32, #tpu.memory_space<vmem>>, vector<16xf32>,
      %swap3A_909 = vector.shape_cast %swap3A_908 : vector<16xf32> to vector<16xf32>
      %swap3A_910 = vector.shape_cast %broadcast_in_dim3A_3 : vector<16xf32> to vector<16xf32>
      tpu.vector_store %arg8[%swap3A_907], %swap3A_910 {strides = array<i32>} : memref<8192xf32, #tpu.memory_space<vmem>>, vector<16xf32>,
      %swap3A_911 = arith.constant 3632 : index
      %swap3A_912 = tpu.vector_load %arg8[%swap3A_911] {strides = array<i32>} : memref<8192xf32, #tpu.memory_space<vmem>>, vector<16xf32>,
      %swap3A_913 = vector.shape_cast %swap3A_912 : vector<16xf32> to vector<16xf32>
      %swap3A_914 = vector.shape_cast %broadcast_in_dim3A_3 : vector<16xf32> to vector<16xf32>
      tpu.vector_store %arg8[%swap3A_911], %swap3A_914 {strides = array<i32>} : memref<8192xf32, #tpu.memory_space<vmem>>, vector<16xf32>,
      %swap3A_915 = arith.constant 3648 : index
      %swap3A_916 = tpu.vector_load %arg8[%swap3A_915] {strides = array<i32>} : memref<8192xf32, #tpu.memory_space<vmem>>, vector<16xf32>,
      %swap3A_917 = vector.shape_cast %swap3A_916 : vector<16xf32> to vector<16xf32>
      %swap3A_918 = vector.shape_cast %broadcast_in_dim3A_3 : vector<16xf32> to vector<16xf32>
      tpu.vector_store %arg8[%swap3A_915], %swap3A_918 {strides = array<i32>} : memref<8192xf32, #tpu.memory_space<vmem>>, vector<16xf32>,
      %swap3A_919 = arith.constant 3664 : index
      %swap3A_920 = tpu.vector_load %arg8[%swap3A_919] {strides = array<i32>} : memref<8192xf32, #tpu.memory_space<vmem>>, vector<16xf32>,
      %swap3A_921 = vector.shape_cast %swap3A_920 : vector<16xf32> to vector<16xf32>
      %swap3A_922 = vector.shape_cast %broadcast_in_dim3A_3 : vector<16xf32> to vector<16xf32>
      tpu.vector_store %arg8[%swap3A_919], %swap3A_922 {strides = array<i32>} : memref<8192xf32, #tpu.memory_space<vmem>>, vector<16xf32>,
      %swap3A_923 = arith.constant 3680 : index
      %swap3A_924 = tpu.vector_load %arg8[%swap3A_923] {strides = array<i32>} : memref<8192xf32, #tpu.memory_space<vmem>>, vector<16xf32>,
      %swap3A_925 = vector.shape_cast %swap3A_924 : vector<16xf32> to vector<16xf32>
      %swap3A_926 = vector.shape_cast %broadcast_in_dim3A_3 : vector<16xf32> to vector<16xf32>
      tpu.vector_store %arg8[%swap3A_923], %swap3A_926 {strides = array<i32>} : memref<8192xf32, #tpu.memory_space<vmem>>, vector<16xf32>,
      %swap3A_927 = arith.constant 3696 : index
      %swap3A_928 = tpu.vector_load %arg8[%swap3A_927] {strides = array<i32>} : memref<8192xf32, #tpu.memory_space<vmem>>, vector<16xf32>,
      %swap3A_929 = vector.shape_cast %swap3A_928 : vector<16xf32> to vector<16xf32>
      %swap3A_930 = vector.shape_cast %broadcast_in_dim3A_3 : vector<16xf32> to vector<16xf32>
      tpu.vector_store %arg8[%swap3A_927], %swap3A_930 {strides = array<i32>} : memref<8192xf32, #tpu.memory_space<vmem>>, vector<16xf32>,
      %swap3A_931 = arith.constant 3712 : index
      %swap3A_932 = tpu.vector_load %arg8[%swap3A_931] {strides = array<i32>} : memref<8192xf32, #tpu.memory_space<vmem>>, vector<16xf32>,
      %swap3A_933 = vector.shape_cast %swap3A_932 : vector<16xf32> to vector<16xf32>
      %swap3A_934 = vector.shape_cast %broadcast_in_dim3A_3 : vector<16xf32> to vector<16xf32>
      tpu.vector_store %arg8[%swap3A_931], %swap3A_934 {strides = array<i32>} : memref<8192xf32, #tpu.memory_space<vmem>>, vector<16xf32>,
      %swap3A_935 = arith.constant 3728 : index
      %swap3A_936 = tpu.vector_load %arg8[%swap3A_935] {strides = array<i32>} : memref<8192xf32, #tpu.memory_space<vmem>>, vector<16xf32>,
      %swap3A_937 = vector.shape_cast %swap3A_936 : vector<16xf32> to vector<16xf32>
      %swap3A_938 = vector.shape_cast %broadcast_in_dim3A_3 : vector<16xf32> to vector<16xf32>
      tpu.vector_store %arg8[%swap3A_935], %swap3A_938 {strides = array<i32>} : memref<8192xf32, #tpu.memory_space<vmem>>, vector<16xf32>,
      %swap3A_939 = arith.constant 3744 : index
      %swap3A_940 = tpu.vector_load %arg8[%swap3A_939] {strides = array<i32>} : memref<8192xf32, #tpu.memory_space<vmem>>, vector<16xf32>,
      %swap3A_941 = vector.shape_cast %swap3A_940 : vector<16xf32> to vector<16xf32>
      %swap3A_942 = vector.shape_cast %broadcast_in_dim3A_3 : vector<16xf32> to vector<16xf32>
      tpu.vector_store %arg8[%swap3A_939], %swap3A_942 {strides = array<i32>} : memref<8192xf32, #tpu.memory_space<vmem>>, vector<16xf32>,
      %swap3A_943 = arith.constant 3760 : index
      %swap3A_944 = tpu.vector_load %arg8[%swap3A_943] {strides = array<i32>} : memref<8192xf32, #tpu.memory_space<vmem>>, vector<16xf32>,
      %swap3A_945 = vector.shape_cast %swap3A_944 : vector<16xf32> to vector<16xf32>
      %swap3A_946 = vector.shape_cast %broadcast_in_dim3A_3 : vector<16xf32> to vector<16xf32>
      tpu.vector_store %arg8[%swap3A_943], %swap3A_946 {strides = array<i32>} : memref<8192xf32, #tpu.memory_space<vmem>>, vector<16xf32>,
      %swap3A_947 = arith.constant 3776 : index
      %swap3A_948 = tpu.vector_load %arg8[%swap3A_947] {strides = array<i32>} : memref<8192xf32, #tpu.memory_space<vmem>>, vector<16xf32>,
      %swap3A_949 = vector.shape_cast %swap3A_948 : vector<16xf32> to vector<16xf32>
      %swap3A_950 = vector.shape_cast %broadcast_in_dim3A_3 : vector<16xf32> to vector<16xf32>
      tpu.vector_store %arg8[%swap3A_947], %swap3A_950 {strides = array<i32>} : memref<8192xf32, #tpu.memory_space<vmem>>, vector<16xf32>,
      %swap3A_951 = arith.constant 3792 : index
      %swap3A_952 = tpu.vector_load %arg8[%swap3A_951] {strides = array<i32>} : memref<8192xf32, #tpu.memory_space<vmem>>, vector<16xf32>,
      %swap3A_953 = vector.shape_cast %swap3A_952 : vector<16xf32> to vector<16xf32>
      %swap3A_954 = vector.shape_cast %broadcast_in_dim3A_3 : vector<16xf32> to vector<16xf32>
      tpu.vector_store %arg8[%swap3A_951], %swap3A_954 {strides = array<i32>} : memref<8192xf32, #tpu.memory_space<vmem>>, vector<16xf32>,
      %swap3A_955 = arith.constant 3808 : index
      %swap3A_956 = tpu.vector_load %arg8[%swap3A_955] {strides = array<i32>} : memref<8192xf32, #tpu.memory_space<vmem>>, vector<16xf32>,
      %swap3A_957 = vector.shape_cast %swap3A_956 : vector<16xf32> to vector<16xf32>
      %swap3A_958 = vector.shape_cast %broadcast_in_dim3A_3 : vector<16xf32> to vector<16xf32>
      tpu.vector_store %arg8[%swap3A_955], %swap3A_958 {strides = array<i32>} : memref<8192xf32, #tpu.memory_space<vmem>>, vector<16xf32>,
      %swap3A_959 = arith.constant 3824 : index
      %swap3A_960 = tpu.vector_load %arg8[%swap3A_959] {strides = array<i32>} : memref<8192xf32, #tpu.memory_space<vmem>>, vector<16xf32>,
      %swap3A_961 = vector.shape_cast %swap3A_960 : vector<16xf32> to vector<16xf32>
      %swap3A_962 = vector.shape_cast %broadcast_in_dim3A_3 : vector<16xf32> to vector<16xf32>
      tpu.vector_store %arg8[%swap3A_959], %swap3A_962 {strides = array<i32>} : memref<8192xf32, #tpu.memory_space<vmem>>, vector<16xf32>,
      %swap3A_963 = arith.constant 3840 : index
      %swap3A_964 = tpu.vector_load %arg8[%swap3A_963] {strides = array<i32>} : memref<8192xf32, #tpu.memory_space<vmem>>, vector<16xf32>,
      %swap3A_965 = vector.shape_cast %swap3A_964 : vector<16xf32> to vector<16xf32>
      %swap3A_966 = vector.shape_cast %broadcast_in_dim3A_3 : vector<16xf32> to vector<16xf32>
      tpu.vector_store %arg8[%swap3A_963], %swap3A_966 {strides = array<i32>} : memref<8192xf32, #tpu.memory_space<vmem>>, vector<16xf32>,
      %swap3A_967 = arith.constant 3856 : index
      %swap3A_968 = tpu.vector_load %arg8[%swap3A_967] {strides = array<i32>} : memref<8192xf32, #tpu.memory_space<vmem>>, vector<16xf32>,
      %swap3A_969 = vector.shape_cast %swap3A_968 : vector<16xf32> to vector<16xf32>
      %swap3A_970 = vector.shape_cast %broadcast_in_dim3A_3 : vector<16xf32> to vector<16xf32>
      tpu.vector_store %arg8[%swap3A_967], %swap3A_970 {strides = array<i32>} : memref<8192xf32, #tpu.memory_space<vmem>>, vector<16xf32>,
      %swap3A_971 = arith.constant 3872 : index
      %swap3A_972 = tpu.vector_load %arg8[%swap3A_971] {strides = array<i32>} : memref<8192xf32, #tpu.memory_space<vmem>>, vector<16xf32>,
      %swap3A_973 = vector.shape_cast %swap3A_972 : vector<16xf32> to vector<16xf32>
      %swap3A_974 = vector.shape_cast %broadcast_in_dim3A_3 : vector<16xf32> to vector<16xf32>
      tpu.vector_store %arg8[%swap3A_971], %swap3A_974 {strides = array<i32>} : memref<8192xf32, #tpu.memory_space<vmem>>, vector<16xf32>,
      %swap3A_975 = arith.constant 3888 : index
      %swap3A_976 = tpu.vector_load %arg8[%swap3A_975] {strides = array<i32>} : memref<8192xf32, #tpu.memory_space<vmem>>, vector<16xf32>,
      %swap3A_977 = vector.shape_cast %swap3A_976 : vector<16xf32> to vector<16xf32>
      %swap3A_978 = vector.shape_cast %broadcast_in_dim3A_3 : vector<16xf32> to vector<16xf32>
      tpu.vector_store %arg8[%swap3A_975], %swap3A_978 {strides = array<i32>} : memref<8192xf32, #tpu.memory_space<vmem>>, vector<16xf32>,
      %swap3A_979 = arith.constant 3904 : index
      %swap3A_980 = tpu.vector_load %arg8[%swap3A_979] {strides = array<i32>} : memref<8192xf32, #tpu.memory_space<vmem>>, vector<16xf32>,
      %swap3A_981 = vector.shape_cast %swap3A_980 : vector<16xf32> to vector<16xf32>
      %swap3A_982 = vector.shape_cast %broadcast_in_dim3A_3 : vector<16xf32> to vector<16xf32>
      tpu.vector_store %arg8[%swap3A_979], %swap3A_982 {strides = array<i32>} : memref<8192xf32, #tpu.memory_space<vmem>>, vector<16xf32>,
      %swap3A_983 = arith.constant 3920 : index
      %swap3A_984 = tpu.vector_load %arg8[%swap3A_983] {strides = array<i32>} : memref<8192xf32, #tpu.memory_space<vmem>>, vector<16xf32>,
      %swap3A_985 = vector.shape_cast %swap3A_984 : vector<16xf32> to vector<16xf32>
      %swap3A_986 = vector.shape_cast %broadcast_in_dim3A_3 : vector<16xf32> to vector<16xf32>
      tpu.vector_store %arg8[%swap3A_983], %swap3A_986 {strides = array<i32>} : memref<8192xf32, #tpu.memory_space<vmem>>, vector<16xf32>,
      %swap3A_987 = arith.constant 3936 : index
      %swap3A_988 = tpu.vector_load %arg8[%swap3A_987] {strides = array<i32>} : memref<8192xf32, #tpu.memory_space<vmem>>, vector<16xf32>,
      %swap3A_989 = vector.shape_cast %swap3A_988 : vector<16xf32> to vector<16xf32>
      %swap3A_990 = vector.shape_cast %broadcast_in_dim3A_3 : vector<16xf32> to vector<16xf32>
      tpu.vector_store %arg8[%swap3A_987], %swap3A_990 {strides = array<i32>} : memref<8192xf32, #tpu.memory_space<vmem>>, vector<16xf32>,
      %swap3A_991 = arith.constant 3952 : index
      %swap3A_992 = tpu.vector_load %arg8[%swap3A_991] {strides = array<i32>} : memref<8192xf32, #tpu.memory_space<vmem>>, vector<16xf32>,
      %swap3A_993 = vector.shape_cast %swap3A_992 : vector<16xf32> to vector<16xf32>
      %swap3A_994 = vector.shape_cast %broadcast_in_dim3A_3 : vector<16xf32> to vector<16xf32>
      tpu.vector_store %arg8[%swap3A_991], %swap3A_994 {strides = array<i32>} : memref<8192xf32, #tpu.memory_space<vmem>>, vector<16xf32>,
      %swap3A_995 = arith.constant 3968 : index
      %swap3A_996 = tpu.vector_load %arg8[%swap3A_995] {strides = array<i32>} : memref<8192xf32, #tpu.memory_space<vmem>>, vector<16xf32>,
      %swap3A_997 = vector.shape_cast %swap3A_996 : vector<16xf32> to vector<16xf32>
      %swap3A_998 = vector.shape_cast %broadcast_in_dim3A_3 : vector<16xf32> to vector<16xf32>
      tpu.vector_store %arg8[%swap3A_995], %swap3A_998 {strides = array<i32>} : memref<8192xf32, #tpu.memory_space<vmem>>, vector<16xf32>,
      %swap3A_999 = arith.constant 3984 : index
      %swap3A_1000 = tpu.vector_load %arg8[%swap3A_999] {strides = array<i32>} : memref<8192xf32, #tpu.memory_space<vmem>>, vector<16xf32>,
      %swap3A_1001 = vector.shape_cast %swap3A_1000 : vector<16xf32> to vector<16xf32>
      %swap3A_1002 = vector.shape_cast %broadcast_in_dim3A_3 : vector<16xf32> to vector<16xf32>
      tpu.vector_store %arg8[%swap3A_999], %swap3A_1002 {strides = array<i32>} : memref<8192xf32, #tpu.memory_space<vmem>>, vector<16xf32>,
      %swap3A_1003 = arith.constant 4000 : index
      %swap3A_1004 = tpu.vector_load %arg8[%swap3A_1003] {strides = array<i32>} : memref<8192xf32, #tpu.memory_space<vmem>>, vector<16xf32>,
      %swap3A_1005 = vector.shape_cast %swap3A_1004 : vector<16xf32> to vector<16xf32>
      %swap3A_1006 = vector.shape_cast %broadcast_in_dim3A_3 : vector<16xf32> to vector<16xf32>
      tpu.vector_store %arg8[%swap3A_1003], %swap3A_1006 {strides = array<i32>} : memref<8192xf32, #tpu.memory_space<vmem>>, vector<16xf32>,
      %swap3A_1007 = arith.constant 4016 : index
      %swap3A_1008 = tpu.vector_load %arg8[%swap3A_1007] {strides = array<i32>} : memref<8192xf32, #tpu.memory_space<vmem>>, vector<16xf32>,
      %swap3A_1009 = vector.shape_cast %swap3A_1008 : vector<16xf32> to vector<16xf32>
      %swap3A_1010 = vector.shape_cast %broadcast_in_dim3A_3 : vector<16xf32> to vector<16xf32>
      tpu.vector_store %arg8[%swap3A_1007], %swap3A_1010 {strides = array<i32>} : memref<8192xf32, #tpu.memory_space<vmem>>, vector<16xf32>,
      %swap3A_1011 = arith.constant 4032 : index
      %swap3A_1012 = tpu.vector_load %arg8[%swap3A_1011] {strides = array<i32>} : memref<8192xf32, #tpu.memory_space<vmem>>, vector<16xf32>,
      %swap3A_1013 = vector.shape_cast %swap3A_1012 : vector<16xf32> to vector<16xf32>
      %swap3A_1014 = vector.shape_cast %broadcast_in_dim3A_3 : vector<16xf32> to vector<16xf32>
      tpu.vector_store %arg8[%swap3A_1011], %swap3A_1014 {strides = array<i32>} : memref<8192xf32, #tpu.memory_space<vmem>>, vector<16xf32>,
      %swap3A_1015 = arith.constant 4048 : index
      %swap3A_1016 = tpu.vector_load %arg8[%swap3A_1015] {strides = array<i32>} : memref<8192xf32, #tpu.memory_space<vmem>>, vector<16xf32>,
      %swap3A_1017 = vector.shape_cast %swap3A_1016 : vector<16xf32> to vector<16xf32>
      %swap3A_1018 = vector.shape_cast %broadcast_in_dim3A_3 : vector<16xf32> to vector<16xf32>
      tpu.vector_store %arg8[%swap3A_1015], %swap3A_1018 {strides = array<i32>} : memref<8192xf32, #tpu.memory_space<vmem>>, vector<16xf32>,
      %swap3A_1019 = arith.constant 4064 : index
      %swap3A_1020 = tpu.vector_load %arg8[%swap3A_1019] {strides = array<i32>} : memref<8192xf32, #tpu.memory_space<vmem>>, vector<16xf32>,
      %swap3A_1021 = vector.shape_cast %swap3A_1020 : vector<16xf32> to vector<16xf32>
      %swap3A_1022 = vector.shape_cast %broadcast_in_dim3A_3 : vector<16xf32> to vector<16xf32>
      tpu.vector_store %arg8[%swap3A_1019], %swap3A_1022 {strides = array<i32>} : memref<8192xf32, #tpu.memory_space<vmem>>, vector<16xf32>,
      %swap3A_1023 = arith.constant 4080 : index
      %swap3A_1024 = tpu.vector_load %arg8[%swap3A_1023] {strides = array<i32>} : memref<8192xf32, #tpu.memory_space<vmem>>, vector<16xf32>,
      %swap3A_1025 = vector.shape_cast %swap3A_1024 : vector<16xf32> to vector<16xf32>
      %swap3A_1026 = vector.shape_cast %broadcast_in_dim3A_3 : vector<16xf32> to vector<16xf32>
      tpu.vector_store %arg8[%swap3A_1023], %swap3A_1026 {strides = array<i32>} : memref<8192xf32, #tpu.memory_space<vmem>>, vector<16xf32>,
      %swap3A_1027 = arith.constant 4096 : index
      %swap3A_1028 = tpu.vector_load %arg8[%swap3A_1027] {strides = array<i32>} : memref<8192xf32, #tpu.memory_space<vmem>>, vector<16xf32>,
      %swap3A_1029 = vector.shape_cast %swap3A_1028 : vector<16xf32> to vector<16xf32>
      %swap3A_1030 = vector.shape_cast %broadcast_in_dim3A_3 : vector<16xf32> to vector<16xf32>
      tpu.vector_store %arg8[%swap3A_1027], %swap3A_1030 {strides = array<i32>} : memref<8192xf32, #tpu.memory_space<vmem>>, vector<16xf32>,
      %swap3A_1031 = arith.constant 4112 : index
      %swap3A_1032 = tpu.vector_load %arg8[%swap3A_1031] {strides = array<i32>} : memref<8192xf32, #tpu.memory_space<vmem>>, vector<16xf32>,
      %swap3A_1033 = vector.shape_cast %swap3A_1032 : vector<16xf32> to vector<16xf32>
      %swap3A_1034 = vector.shape_cast %broadcast_in_dim3A_3 : vector<16xf32> to vector<16xf32>
      tpu.vector_store %arg8[%swap3A_1031], %swap3A_1034 {strides = array<i32>} : memref<8192xf32, #tpu.memory_space<vmem>>, vector<16xf32>,
      %swap3A_1035 = arith.constant 4128 : index
      %swap3A_1036 = tpu.vector_load %arg8[%swap3A_1035] {strides = array<i32>} : memref<8192xf32, #tpu.memory_space<vmem>>, vector<16xf32>,
      %swap3A_1037 = vector.shape_cast %swap3A_1036 : vector<16xf32> to vector<16xf32>
      %swap3A_1038 = vector.shape_cast %broadcast_in_dim3A_3 : vector<16xf32> to vector<16xf32>
      tpu.vector_store %arg8[%swap3A_1035], %swap3A_1038 {strides = array<i32>} : memref<8192xf32, #tpu.memory_space<vmem>>, vector<16xf32>,
      %swap3A_1039 = arith.constant 4144 : index
      %swap3A_1040 = tpu.vector_load %arg8[%swap3A_1039] {strides = array<i32>} : memref<8192xf32, #tpu.memory_space<vmem>>, vector<16xf32>,
      %swap3A_1041 = vector.shape_cast %swap3A_1040 : vector<16xf32> to vector<16xf32>
      %swap3A_1042 = vector.shape_cast %broadcast_in_dim3A_3 : vector<16xf32> to vector<16xf32>
      tpu.vector_store %arg8[%swap3A_1039], %swap3A_1042 {strides = array<i32>} : memref<8192xf32, #tpu.memory_space<vmem>>, vector<16xf32>,
      %swap3A_1043 = arith.constant 4160 : index
      %swap3A_1044 = tpu.vector_load %arg8[%swap3A_1043] {strides = array<i32>} : memref<8192xf32, #tpu.memory_space<vmem>>, vector<16xf32>,
      %swap3A_1045 = vector.shape_cast %swap3A_1044 : vector<16xf32> to vector<16xf32>
      %swap3A_1046 = vector.shape_cast %broadcast_in_dim3A_3 : vector<16xf32> to vector<16xf32>
      tpu.vector_store %arg8[%swap3A_1043], %swap3A_1046 {strides = array<i32>} : memref<8192xf32, #tpu.memory_space<vmem>>, vector<16xf32>,
      %swap3A_1047 = arith.constant 4176 : index
      %swap3A_1048 = tpu.vector_load %arg8[%swap3A_1047] {strides = array<i32>} : memref<8192xf32, #tpu.memory_space<vmem>>, vector<16xf32>,
      %swap3A_1049 = vector.shape_cast %swap3A_1048 : vector<16xf32> to vector<16xf32>
      %swap3A_1050 = vector.shape_cast %broadcast_in_dim3A_3 : vector<16xf32> to vector<16xf32>
      tpu.vector_store %arg8[%swap3A_1047], %swap3A_1050 {strides = array<i32>} : memref<8192xf32, #tpu.memory_space<vmem>>, vector<16xf32>,
      %swap3A_1051 = arith.constant 4192 : index
      %swap3A_1052 = tpu.vector_load %arg8[%swap3A_1051] {strides = array<i32>} : memref<8192xf32, #tpu.memory_space<vmem>>, vector<16xf32>,
      %swap3A_1053 = vector.shape_cast %swap3A_1052 : vector<16xf32> to vector<16xf32>
      %swap3A_1054 = vector.shape_cast %broadcast_in_dim3A_3 : vector<16xf32> to vector<16xf32>
      tpu.vector_store %arg8[%swap3A_1051], %swap3A_1054 {strides = array<i32>} : memref<8192xf32, #tpu.memory_space<vmem>>, vector<16xf32>,
      %swap3A_1055 = arith.constant 4208 : index
      %swap3A_1056 = tpu.vector_load %arg8[%swap3A_1055] {strides = array<i32>} : memref<8192xf32, #tpu.memory_space<vmem>>, vector<16xf32>,
      %swap3A_1057 = vector.shape_cast %swap3A_1056 : vector<16xf32> to vector<16xf32>
      %swap3A_1058 = vector.shape_cast %broadcast_in_dim3A_3 : vector<16xf32> to vector<16xf32>
      tpu.vector_store %arg8[%swap3A_1055], %swap3A_1058 {strides = array<i32>} : memref<8192xf32, #tpu.memory_space<vmem>>, vector<16xf32>,
      %swap3A_1059 = arith.constant 4224 : index
      %swap3A_1060 = tpu.vector_load %arg8[%swap3A_1059] {strides = array<i32>} : memref<8192xf32, #tpu.memory_space<vmem>>, vector<16xf32>,
      %swap3A_1061 = vector.shape_cast %swap3A_1060 : vector<16xf32> to vector<16xf32>
      %swap3A_1062 = vector.shape_cast %broadcast_in_dim3A_3 : vector<16xf32> to vector<16xf32>
      tpu.vector_store %arg8[%swap3A_1059], %swap3A_1062 {strides = array<i32>} : memref<8192xf32, #tpu.memory_space<vmem>>, vector<16xf32>,
      %swap3A_1063 = arith.constant 4240 : index
      %swap3A_1064 = tpu.vector_load %arg8[%swap3A_1063] {strides = array<i32>} : memref<8192xf32, #tpu.memory_space<vmem>>, vector<16xf32>,
      %swap3A_1065 = vector.shape_cast %swap3A_1064 : vector<16xf32> to vector<16xf32>
      %swap3A_1066 = vector.shape_cast %broadcast_in_dim3A_3 : vector<16xf32> to vector<16xf32>
      tpu.vector_store %arg8[%swap3A_1063], %swap3A_1066 {strides = array<i32>} : memref<8192xf32, #tpu.memory_space<vmem>>, vector<16xf32>,
      %swap3A_1067 = arith.constant 4256 : index
      %swap3A_1068 = tpu.vector_load %arg8[%swap3A_1067] {strides = array<i32>} : memref<8192xf32, #tpu.memory_space<vmem>>, vector<16xf32>,
      %swap3A_1069 = vector.shape_cast %swap3A_1068 : vector<16xf32> to vector<16xf32>
      %swap3A_1070 = vector.shape_cast %broadcast_in_dim3A_3 : vector<16xf32> to vector<16xf32>
      tpu.vector_store %arg8[%swap3A_1067], %swap3A_1070 {strides = array<i32>} : memref<8192xf32, #tpu.memory_space<vmem>>, vector<16xf32>,
      %swap3A_1071 = arith.constant 4272 : index
      %swap3A_1072 = tpu.vector_load %arg8[%swap3A_1071] {strides = array<i32>} : memref<8192xf32, #tpu.memory_space<vmem>>, vector<16xf32>,
      %swap3A_1073 = vector.shape_cast %swap3A_1072 : vector<16xf32> to vector<16xf32>
      %swap3A_1074 = vector.shape_cast %broadcast_in_dim3A_3 : vector<16xf32> to vector<16xf32>
      tpu.vector_store %arg8[%swap3A_1071], %swap3A_1074 {strides = array<i32>} : memref<8192xf32, #tpu.memory_space<vmem>>, vector<16xf32>,
      %swap3A_1075 = arith.constant 4288 : index
      %swap3A_1076 = tpu.vector_load %arg8[%swap3A_1075] {strides = array<i32>} : memref<8192xf32, #tpu.memory_space<vmem>>, vector<16xf32>,
      %swap3A_1077 = vector.shape_cast %swap3A_1076 : vector<16xf32> to vector<16xf32>
      %swap3A_1078 = vector.shape_cast %broadcast_in_dim3A_3 : vector<16xf32> to vector<16xf32>
      tpu.vector_store %arg8[%swap3A_1075], %swap3A_1078 {strides = array<i32>} : memref<8192xf32, #tpu.memory_space<vmem>>, vector<16xf32>,
      %swap3A_1079 = arith.constant 4304 : index
      %swap3A_1080 = tpu.vector_load %arg8[%swap3A_1079] {strides = array<i32>} : memref<8192xf32, #tpu.memory_space<vmem>>, vector<16xf32>,
      %swap3A_1081 = vector.shape_cast %swap3A_1080 : vector<16xf32> to vector<16xf32>
      %swap3A_1082 = vector.shape_cast %broadcast_in_dim3A_3 : vector<16xf32> to vector<16xf32>
      tpu.vector_store %arg8[%swap3A_1079], %swap3A_1082 {strides = array<i32>} : memref<8192xf32, #tpu.memory_space<vmem>>, vector<16xf32>,
      %swap3A_1083 = arith.constant 4320 : index
      %swap3A_1084 = tpu.vector_load %arg8[%swap3A_1083] {strides = array<i32>} : memref<8192xf32, #tpu.memory_space<vmem>>, vector<16xf32>,
      %swap3A_1085 = vector.shape_cast %swap3A_1084 : vector<16xf32> to vector<16xf32>
      %swap3A_1086 = vector.shape_cast %broadcast_in_dim3A_3 : vector<16xf32> to vector<16xf32>
      tpu.vector_store %arg8[%swap3A_1083], %swap3A_1086 {strides = array<i32>} : memref<8192xf32, #tpu.memory_space<vmem>>, vector<16xf32>,
      %swap3A_1087 = arith.constant 4336 : index
      %swap3A_1088 = tpu.vector_load %arg8[%swap3A_1087] {strides = array<i32>} : memref<8192xf32, #tpu.memory_space<vmem>>, vector<16xf32>,
      %swap3A_1089 = vector.shape_cast %swap3A_1088 : vector<16xf32> to vector<16xf32>
      %swap3A_1090 = vector.shape_cast %broadcast_in_dim3A_3 : vector<16xf32> to vector<16xf32>
      tpu.vector_store %arg8[%swap3A_1087], %swap3A_1090 {strides = array<i32>} : memref<8192xf32, #tpu.memory_space<vmem>>, vector<16xf32>,
      %swap3A_1091 = arith.constant 4352 : index
      %swap3A_1092 = tpu.vector_load %arg8[%swap3A_1091] {strides = array<i32>} : memref<8192xf32, #tpu.memory_space<vmem>>, vector<16xf32>,
      %swap3A_1093 = vector.shape_cast %swap3A_1092 : vector<16xf32> to vector<16xf32>
      %swap3A_1094 = vector.shape_cast %broadcast_in_dim3A_3 : vector<16xf32> to vector<16xf32>
      tpu.vector_store %arg8[%swap3A_1091], %swap3A_1094 {strides = array<i32>} : memref<8192xf32, #tpu.memory_space<vmem>>, vector<16xf32>,
      %swap3A_1095 = arith.constant 4368 : index
      %swap3A_1096 = tpu.vector_load %arg8[%swap3A_1095] {strides = array<i32>} : memref<8192xf32, #tpu.memory_space<vmem>>, vector<16xf32>,
      %swap3A_1097 = vector.shape_cast %swap3A_1096 : vector<16xf32> to vector<16xf32>
      %swap3A_1098 = vector.shape_cast %broadcast_in_dim3A_3 : vector<16xf32> to vector<16xf32>
      tpu.vector_store %arg8[%swap3A_1095], %swap3A_1098 {strides = array<i32>} : memref<8192xf32, #tpu.memory_space<vmem>>, vector<16xf32>,
      %swap3A_1099 = arith.constant 4384 : index
      %swap3A_1100 = tpu.vector_load %arg8[%swap3A_1099] {strides = array<i32>} : memref<8192xf32, #tpu.memory_space<vmem>>, vector<16xf32>,
      %swap3A_1101 = vector.shape_cast %swap3A_1100 : vector<16xf32> to vector<16xf32>
      %swap3A_1102 = vector.shape_cast %broadcast_in_dim3A_3 : vector<16xf32> to vector<16xf32>
      tpu.vector_store %arg8[%swap3A_1099], %swap3A_1102 {strides = array<i32>} : memref<8192xf32, #tpu.memory_space<vmem>>, vector<16xf32>,
      %swap3A_1103 = arith.constant 4400 : index
      %swap3A_1104 = tpu.vector_load %arg8[%swap3A_1103] {strides = array<i32>} : memref<8192xf32, #tpu.memory_space<vmem>>, vector<16xf32>,
      %swap3A_1105 = vector.shape_cast %swap3A_1104 : vector<16xf32> to vector<16xf32>
      %swap3A_1106 = vector.shape_cast %broadcast_in_dim3A_3 : vector<16xf32> to vector<16xf32>
      tpu.vector_store %arg8[%swap3A_1103], %swap3A_1106 {strides = array<i32>} : memref<8192xf32, #tpu.memory_space<vmem>>, vector<16xf32>,
      %swap3A_1107 = arith.constant 4416 : index
      %swap3A_1108 = tpu.vector_load %arg8[%swap3A_1107] {strides = array<i32>} : memref<8192xf32, #tpu.memory_space<vmem>>, vector<16xf32>,
      %swap3A_1109 = vector.shape_cast %swap3A_1108 : vector<16xf32> to vector<16xf32>
      %swap3A_1110 = vector.shape_cast %broadcast_in_dim3A_3 : vector<16xf32> to vector<16xf32>
      tpu.vector_store %arg8[%swap3A_1107], %swap3A_1110 {strides = array<i32>} : memref<8192xf32, #tpu.memory_space<vmem>>, vector<16xf32>,
      %swap3A_1111 = arith.constant 4432 : index
      %swap3A_1112 = tpu.vector_load %arg8[%swap3A_1111] {strides = array<i32>} : memref<8192xf32, #tpu.memory_space<vmem>>, vector<16xf32>,
      %swap3A_1113 = vector.shape_cast %swap3A_1112 : vector<16xf32> to vector<16xf32>
      %swap3A_1114 = vector.shape_cast %broadcast_in_dim3A_3 : vector<16xf32> to vector<16xf32>
      tpu.vector_store %arg8[%swap3A_1111], %swap3A_1114 {strides = array<i32>} : memref<8192xf32, #tpu.memory_space<vmem>>, vector<16xf32>,
      %swap3A_1115 = arith.constant 4448 : index
      %swap3A_1116 = tpu.vector_load %arg8[%swap3A_1115] {strides = array<i32>} : memref<8192xf32, #tpu.memory_space<vmem>>, vector<16xf32>,
      %swap3A_1117 = vector.shape_cast %swap3A_1116 : vector<16xf32> to vector<16xf32>
      %swap3A_1118 = vector.shape_cast %broadcast_in_dim3A_3 : vector<16xf32> to vector<16xf32>
      tpu.vector_store %arg8[%swap3A_1115], %swap3A_1118 {strides = array<i32>} : memref<8192xf32, #tpu.memory_space<vmem>>, vector<16xf32>,
      %swap3A_1119 = arith.constant 4464 : index
      %swap3A_1120 = tpu.vector_load %arg8[%swap3A_1119] {strides = array<i32>} : memref<8192xf32, #tpu.memory_space<vmem>>, vector<16xf32>,
      %swap3A_1121 = vector.shape_cast %swap3A_1120 : vector<16xf32> to vector<16xf32>
      %swap3A_1122 = vector.shape_cast %broadcast_in_dim3A_3 : vector<16xf32> to vector<16xf32>
      tpu.vector_store %arg8[%swap3A_1119], %swap3A_1122 {strides = array<i32>} : memref<8192xf32, #tpu.memory_space<vmem>>, vector<16xf32>,
      %swap3A_1123 = arith.constant 4480 : index
      %swap3A_1124 = tpu.vector_load %arg8[%swap3A_1123] {strides = array<i32>} : memref<8192xf32, #tpu.memory_space<vmem>>, vector<16xf32>,
      %swap3A_1125 = vector.shape_cast %swap3A_1124 : vector<16xf32> to vector<16xf32>
      %swap3A_1126 = vector.shape_cast %broadcast_in_dim3A_3 : vector<16xf32> to vector<16xf32>
      tpu.vector_store %arg8[%swap3A_1123], %swap3A_1126 {strides = array<i32>} : memref<8192xf32, #tpu.memory_space<vmem>>, vector<16xf32>,
      %swap3A_1127 = arith.constant 4496 : index
      %swap3A_1128 = tpu.vector_load %arg8[%swap3A_1127] {strides = array<i32>} : memref<8192xf32, #tpu.memory_space<vmem>>, vector<16xf32>,
      %swap3A_1129 = vector.shape_cast %swap3A_1128 : vector<16xf32> to vector<16xf32>
      %swap3A_1130 = vector.shape_cast %broadcast_in_dim3A_3 : vector<16xf32> to vector<16xf32>
      tpu.vector_store %arg8[%swap3A_1127], %swap3A_1130 {strides = array<i32>} : memref<8192xf32, #tpu.memory_space<vmem>>, vector<16xf32>,
      %swap3A_1131 = arith.constant 4512 : index
      %swap3A_1132 = tpu.vector_load %arg8[%swap3A_1131] {strides = array<i32>} : memref<8192xf32, #tpu.memory_space<vmem>>, vector<16xf32>,
      %swap3A_1133 = vector.shape_cast %swap3A_1132 : vector<16xf32> to vector<16xf32>
      %swap3A_1134 = vector.shape_cast %broadcast_in_dim3A_3 : vector<16xf32> to vector<16xf32>
      tpu.vector_store %arg8[%swap3A_1131], %swap3A_1134 {strides = array<i32>} : memref<8192xf32, #tpu.memory_space<vmem>>, vector<16xf32>,
      %swap3A_1135 = arith.constant 4528 : index
      %swap3A_1136 = tpu.vector_load %arg8[%swap3A_1135] {strides = array<i32>} : memref<8192xf32, #tpu.memory_space<vmem>>, vector<16xf32>,
      %swap3A_1137 = vector.shape_cast %swap3A_1136 : vector<16xf32> to vector<16xf32>
      %swap3A_1138 = vector.shape_cast %broadcast_in_dim3A_3 : vector<16xf32> to vector<16xf32>
      tpu.vector_store %arg8[%swap3A_1135], %swap3A_1138 {strides = array<i32>} : memref<8192xf32, #tpu.memory_space<vmem>>, vector<16xf32>,
      %swap3A_1139 = arith.constant 4544 : index
      %swap3A_1140 = tpu.vector_load %arg8[%swap3A_1139] {strides = array<i32>} : memref<8192xf32, #tpu.memory_space<vmem>>, vector<16xf32>,
      %swap3A_1141 = vector.shape_cast %swap3A_1140 : vector<16xf32> to vector<16xf32>
      %swap3A_1142 = vector.shape_cast %broadcast_in_dim3A_3 : vector<16xf32> to vector<16xf32>
      tpu.vector_store %arg8[%swap3A_1139], %swap3A_1142 {strides = array<i32>} : memref<8192xf32, #tpu.memory_space<vmem>>, vector<16xf32>,
      %swap3A_1143 = arith.constant 4560 : index
      %swap3A_1144 = tpu.vector_load %arg8[%swap3A_1143] {strides = array<i32>} : memref<8192xf32, #tpu.memory_space<vmem>>, vector<16xf32>,
      %swap3A_1145 = vector.shape_cast %swap3A_1144 : vector<16xf32> to vector<16xf32>
      %swap3A_1146 = vector.shape_cast %broadcast_in_dim3A_3 : vector<16xf32> to vector<16xf32>
      tpu.vector_store %arg8[%swap3A_1143], %swap3A_1146 {strides = array<i32>} : memref<8192xf32, #tpu.memory_space<vmem>>, vector<16xf32>,
      %swap3A_1147 = arith.constant 4576 : index
      %swap3A_1148 = tpu.vector_load %arg8[%swap3A_1147] {strides = array<i32>} : memref<8192xf32, #tpu.memory_space<vmem>>, vector<16xf32>,
      %swap3A_1149 = vector.shape_cast %swap3A_1148 : vector<16xf32> to vector<16xf32>
      %swap3A_1150 = vector.shape_cast %broadcast_in_dim3A_3 : vector<16xf32> to vector<16xf32>
      tpu.vector_store %arg8[%swap3A_1147], %swap3A_1150 {strides = array<i32>} : memref<8192xf32, #tpu.memory_space<vmem>>, vector<16xf32>,
      %swap3A_1151 = arith.constant 4592 : index
      %swap3A_1152 = tpu.vector_load %arg8[%swap3A_1151] {strides = array<i32>} : memref<8192xf32, #tpu.memory_space<vmem>>, vector<16xf32>,
      %swap3A_1153 = vector.shape_cast %swap3A_1152 : vector<16xf32> to vector<16xf32>
      %swap3A_1154 = vector.shape_cast %broadcast_in_dim3A_3 : vector<16xf32> to vector<16xf32>
      tpu.vector_store %arg8[%swap3A_1151], %swap3A_1154 {strides = array<i32>} : memref<8192xf32, #tpu.memory_space<vmem>>, vector<16xf32>,
      %swap3A_1155 = arith.constant 4608 : index
      %swap3A_1156 = tpu.vector_load %arg8[%swap3A_1155] {strides = array<i32>} : memref<8192xf32, #tpu.memory_space<vmem>>, vector<16xf32>,
      %swap3A_1157 = vector.shape_cast %swap3A_1156 : vector<16xf32> to vector<16xf32>
      %swap3A_1158 = vector.shape_cast %broadcast_in_dim3A_3 : vector<16xf32> to vector<16xf32>
      tpu.vector_store %arg8[%swap3A_1155], %swap3A_1158 {strides = array<i32>} : memref<8192xf32, #tpu.memory_space<vmem>>, vector<16xf32>,
      %swap3A_1159 = arith.constant 4624 : index
      %swap3A_1160 = tpu.vector_load %arg8[%swap3A_1159] {strides = array<i32>} : memref<8192xf32, #tpu.memory_space<vmem>>, vector<16xf32>,
      %swap3A_1161 = vector.shape_cast %swap3A_1160 : vector<16xf32> to vector<16xf32>
      %swap3A_1162 = vector.shape_cast %broadcast_in_dim3A_3 : vector<16xf32> to vector<16xf32>
      tpu.vector_store %arg8[%swap3A_1159], %swap3A_1162 {strides = array<i32>} : memref<8192xf32, #tpu.memory_space<vmem>>, vector<16xf32>,
      %swap3A_1163 = arith.constant 4640 : index
      %swap3A_1164 = tpu.vector_load %arg8[%swap3A_1163] {strides = array<i32>} : memref<8192xf32, #tpu.memory_space<vmem>>, vector<16xf32>,
      %swap3A_1165 = vector.shape_cast %swap3A_1164 : vector<16xf32> to vector<16xf32>
      %swap3A_1166 = vector.shape_cast %broadcast_in_dim3A_3 : vector<16xf32> to vector<16xf32>
      tpu.vector_store %arg8[%swap3A_1163], %swap3A_1166 {strides = array<i32>} : memref<8192xf32, #tpu.memory_space<vmem>>, vector<16xf32>,
      %swap3A_1167 = arith.constant 4656 : index
      %swap3A_1168 = tpu.vector_load %arg8[%swap3A_1167] {strides = array<i32>} : memref<8192xf32, #tpu.memory_space<vmem>>, vector<16xf32>,
      %swap3A_1169 = vector.shape_cast %swap3A_1168 : vector<16xf32> to vector<16xf32>
      %swap3A_1170 = vector.shape_cast %broadcast_in_dim3A_3 : vector<16xf32> to vector<16xf32>
      tpu.vector_store %arg8[%swap3A_1167], %swap3A_1170 {strides = array<i32>} : memref<8192xf32, #tpu.memory_space<vmem>>, vector<16xf32>,
      %swap3A_1171 = arith.constant 4672 : index
      %swap3A_1172 = tpu.vector_load %arg8[%swap3A_1171] {strides = array<i32>} : memref<8192xf32, #tpu.memory_space<vmem>>, vector<16xf32>,
      %swap3A_1173 = vector.shape_cast %swap3A_1172 : vector<16xf32> to vector<16xf32>
      %swap3A_1174 = vector.shape_cast %broadcast_in_dim3A_3 : vector<16xf32> to vector<16xf32>
      tpu.vector_store %arg8[%swap3A_1171], %swap3A_1174 {strides = array<i32>} : memref<8192xf32, #tpu.memory_space<vmem>>, vector<16xf32>,
      %swap3A_1175 = arith.constant 4688 : index
      %swap3A_1176 = tpu.vector_load %arg8[%swap3A_1175] {strides = array<i32>} : memref<8192xf32, #tpu.memory_space<vmem>>, vector<16xf32>,
      %swap3A_1177 = vector.shape_cast %swap3A_1176 : vector<16xf32> to vector<16xf32>
      %swap3A_1178 = vector.shape_cast %broadcast_in_dim3A_3 : vector<16xf32> to vector<16xf32>
      tpu.vector_store %arg8[%swap3A_1175], %swap3A_1178 {strides = array<i32>} : memref<8192xf32, #tpu.memory_space<vmem>>, vector<16xf32>,
      %swap3A_1179 = arith.constant 4704 : index
      %swap3A_1180 = tpu.vector_load %arg8[%swap3A_1179] {strides = array<i32>} : memref<8192xf32, #tpu.memory_space<vmem>>, vector<16xf32>,
      %swap3A_1181 = vector.shape_cast %swap3A_1180 : vector<16xf32> to vector<16xf32>
      %swap3A_1182 = vector.shape_cast %broadcast_in_dim3A_3 : vector<16xf32> to vector<16xf32>
      tpu.vector_store %arg8[%swap3A_1179], %swap3A_1182 {strides = array<i32>} : memref<8192xf32, #tpu.memory_space<vmem>>, vector<16xf32>,
      %swap3A_1183 = arith.constant 4720 : index
      %swap3A_1184 = tpu.vector_load %arg8[%swap3A_1183] {strides = array<i32>} : memref<8192xf32, #tpu.memory_space<vmem>>, vector<16xf32>,
      %swap3A_1185 = vector.shape_cast %swap3A_1184 : vector<16xf32> to vector<16xf32>
      %swap3A_1186 = vector.shape_cast %broadcast_in_dim3A_3 : vector<16xf32> to vector<16xf32>
      tpu.vector_store %arg8[%swap3A_1183], %swap3A_1186 {strides = array<i32>} : memref<8192xf32, #tpu.memory_space<vmem>>, vector<16xf32>,
      %swap3A_1187 = arith.constant 4736 : index
      %swap3A_1188 = tpu.vector_load %arg8[%swap3A_1187] {strides = array<i32>} : memref<8192xf32, #tpu.memory_space<vmem>>, vector<16xf32>,
      %swap3A_1189 = vector.shape_cast %swap3A_1188 : vector<16xf32> to vector<16xf32>
      %swap3A_1190 = vector.shape_cast %broadcast_in_dim3A_3 : vector<16xf32> to vector<16xf32>
      tpu.vector_store %arg8[%swap3A_1187], %swap3A_1190 {strides = array<i32>} : memref<8192xf32, #tpu.memory_space<vmem>>, vector<16xf32>,
      %swap3A_1191 = arith.constant 4752 : index
      %swap3A_1192 = tpu.vector_load %arg8[%swap3A_1191] {strides = array<i32>} : memref<8192xf32, #tpu.memory_space<vmem>>, vector<16xf32>,
      %swap3A_1193 = vector.shape_cast %swap3A_1192 : vector<16xf32> to vector<16xf32>
      %swap3A_1194 = vector.shape_cast %broadcast_in_dim3A_3 : vector<16xf32> to vector<16xf32>
      tpu.vector_store %arg8[%swap3A_1191], %swap3A_1194 {strides = array<i32>} : memref<8192xf32, #tpu.memory_space<vmem>>, vector<16xf32>,
      %swap3A_1195 = arith.constant 4768 : index
      %swap3A_1196 = tpu.vector_load %arg8[%swap3A_1195] {strides = array<i32>} : memref<8192xf32, #tpu.memory_space<vmem>>, vector<16xf32>,
      %swap3A_1197 = vector.shape_cast %swap3A_1196 : vector<16xf32> to vector<16xf32>
      %swap3A_1198 = vector.shape_cast %broadcast_in_dim3A_3 : vector<16xf32> to vector<16xf32>
      tpu.vector_store %arg8[%swap3A_1195], %swap3A_1198 {strides = array<i32>} : memref<8192xf32, #tpu.memory_space<vmem>>, vector<16xf32>,
      %swap3A_1199 = arith.constant 4784 : index
      %swap3A_1200 = tpu.vector_load %arg8[%swap3A_1199] {strides = array<i32>} : memref<8192xf32, #tpu.memory_space<vmem>>, vector<16xf32>,
      %swap3A_1201 = vector.shape_cast %swap3A_1200 : vector<16xf32> to vector<16xf32>
      %swap3A_1202 = vector.shape_cast %broadcast_in_dim3A_3 : vector<16xf32> to vector<16xf32>
      tpu.vector_store %arg8[%swap3A_1199], %swap3A_1202 {strides = array<i32>} : memref<8192xf32, #tpu.memory_space<vmem>>, vector<16xf32>,
      %swap3A_1203 = arith.constant 4800 : index
      %swap3A_1204 = tpu.vector_load %arg8[%swap3A_1203] {strides = array<i32>} : memref<8192xf32, #tpu.memory_space<vmem>>, vector<16xf32>,
      %swap3A_1205 = vector.shape_cast %swap3A_1204 : vector<16xf32> to vector<16xf32>
      %swap3A_1206 = vector.shape_cast %broadcast_in_dim3A_3 : vector<16xf32> to vector<16xf32>
      tpu.vector_store %arg8[%swap3A_1203], %swap3A_1206 {strides = array<i32>} : memref<8192xf32, #tpu.memory_space<vmem>>, vector<16xf32>,
      %swap3A_1207 = arith.constant 4816 : index
      %swap3A_1208 = tpu.vector_load %arg8[%swap3A_1207] {strides = array<i32>} : memref<8192xf32, #tpu.memory_space<vmem>>, vector<16xf32>,
      %swap3A_1209 = vector.shape_cast %swap3A_1208 : vector<16xf32> to vector<16xf32>
      %swap3A_1210 = vector.shape_cast %broadcast_in_dim3A_3 : vector<16xf32> to vector<16xf32>
      tpu.vector_store %arg8[%swap3A_1207], %swap3A_1210 {strides = array<i32>} : memref<8192xf32, #tpu.memory_space<vmem>>, vector<16xf32>,
      %swap3A_1211 = arith.constant 4832 : index
      %swap3A_1212 = tpu.vector_load %arg8[%swap3A_1211] {strides = array<i32>} : memref<8192xf32, #tpu.memory_space<vmem>>, vector<16xf32>,
      %swap3A_1213 = vector.shape_cast %swap3A_1212 : vector<16xf32> to vector<16xf32>
      %swap3A_1214 = vector.shape_cast %broadcast_in_dim3A_3 : vector<16xf32> to vector<16xf32>
      tpu.vector_store %arg8[%swap3A_1211], %swap3A_1214 {strides = array<i32>} : memref<8192xf32, #tpu.memory_space<vmem>>, vector<16xf32>,
      %swap3A_1215 = arith.constant 4848 : index
      %swap3A_1216 = tpu.vector_load %arg8[%swap3A_1215] {strides = array<i32>} : memref<8192xf32, #tpu.memory_space<vmem>>, vector<16xf32>,
      %swap3A_1217 = vector.shape_cast %swap3A_1216 : vector<16xf32> to vector<16xf32>
      %swap3A_1218 = vector.shape_cast %broadcast_in_dim3A_3 : vector<16xf32> to vector<16xf32>
      tpu.vector_store %arg8[%swap3A_1215], %swap3A_1218 {strides = array<i32>} : memref<8192xf32, #tpu.memory_space<vmem>>, vector<16xf32>,
      %swap3A_1219 = arith.constant 4864 : index
      %swap3A_1220 = tpu.vector_load %arg8[%swap3A_1219] {strides = array<i32>} : memref<8192xf32, #tpu.memory_space<vmem>>, vector<16xf32>,
      %swap3A_1221 = vector.shape_cast %swap3A_1220 : vector<16xf32> to vector<16xf32>
      %swap3A_1222 = vector.shape_cast %broadcast_in_dim3A_3 : vector<16xf32> to vector<16xf32>
      tpu.vector_store %arg8[%swap3A_1219], %swap3A_1222 {strides = array<i32>} : memref<8192xf32, #tpu.memory_space<vmem>>, vector<16xf32>,
      %swap3A_1223 = arith.constant 4880 : index
      %swap3A_1224 = tpu.vector_load %arg8[%swap3A_1223] {strides = array<i32>} : memref<8192xf32, #tpu.memory_space<vmem>>, vector<16xf32>,
      %swap3A_1225 = vector.shape_cast %swap3A_1224 : vector<16xf32> to vector<16xf32>
      %swap3A_1226 = vector.shape_cast %broadcast_in_dim3A_3 : vector<16xf32> to vector<16xf32>
      tpu.vector_store %arg8[%swap3A_1223], %swap3A_1226 {strides = array<i32>} : memref<8192xf32, #tpu.memory_space<vmem>>, vector<16xf32>,
      %swap3A_1227 = arith.constant 4896 : index
      %swap3A_1228 = tpu.vector_load %arg8[%swap3A_1227] {strides = array<i32>} : memref<8192xf32, #tpu.memory_space<vmem>>, vector<16xf32>,
      %swap3A_1229 = vector.shape_cast %swap3A_1228 : vector<16xf32> to vector<16xf32>
      %swap3A_1230 = vector.shape_cast %broadcast_in_dim3A_3 : vector<16xf32> to vector<16xf32>
      tpu.vector_store %arg8[%swap3A_1227], %swap3A_1230 {strides = array<i32>} : memref<8192xf32, #tpu.memory_space<vmem>>, vector<16xf32>,
      %swap3A_1231 = arith.constant 4912 : index
      %swap3A_1232 = tpu.vector_load %arg8[%swap3A_1231] {strides = array<i32>} : memref<8192xf32, #tpu.memory_space<vmem>>, vector<16xf32>,
      %swap3A_1233 = vector.shape_cast %swap3A_1232 : vector<16xf32> to vector<16xf32>
      %swap3A_1234 = vector.shape_cast %broadcast_in_dim3A_3 : vector<16xf32> to vector<16xf32>
      tpu.vector_store %arg8[%swap3A_1231], %swap3A_1234 {strides = array<i32>} : memref<8192xf32, #tpu.memory_space<vmem>>, vector<16xf32>,
      %swap3A_1235 = arith.constant 4928 : index
      %swap3A_1236 = tpu.vector_load %arg8[%swap3A_1235] {strides = array<i32>} : memref<8192xf32, #tpu.memory_space<vmem>>, vector<16xf32>,
      %swap3A_1237 = vector.shape_cast %swap3A_1236 : vector<16xf32> to vector<16xf32>
      %swap3A_1238 = vector.shape_cast %broadcast_in_dim3A_3 : vector<16xf32> to vector<16xf32>
      tpu.vector_store %arg8[%swap3A_1235], %swap3A_1238 {strides = array<i32>} : memref<8192xf32, #tpu.memory_space<vmem>>, vector<16xf32>,
      %swap3A_1239 = arith.constant 4944 : index
      %swap3A_1240 = tpu.vector_load %arg8[%swap3A_1239] {strides = array<i32>} : memref<8192xf32, #tpu.memory_space<vmem>>, vector<16xf32>,
      %swap3A_1241 = vector.shape_cast %swap3A_1240 : vector<16xf32> to vector<16xf32>
      %swap3A_1242 = vector.shape_cast %broadcast_in_dim3A_3 : vector<16xf32> to vector<16xf32>
      tpu.vector_store %arg8[%swap3A_1239], %swap3A_1242 {strides = array<i32>} : memref<8192xf32, #tpu.memory_space<vmem>>, vector<16xf32>,
      %swap3A_1243 = arith.constant 4960 : index
      %swap3A_1244 = tpu.vector_load %arg8[%swap3A_1243] {strides = array<i32>} : memref<8192xf32, #tpu.memory_space<vmem>>, vector<16xf32>,
      %swap3A_1245 = vector.shape_cast %swap3A_1244 : vector<16xf32> to vector<16xf32>
      %swap3A_1246 = vector.shape_cast %broadcast_in_dim3A_3 : vector<16xf32> to vector<16xf32>
      tpu.vector_store %arg8[%swap3A_1243], %swap3A_1246 {strides = array<i32>} : memref<8192xf32, #tpu.memory_space<vmem>>, vector<16xf32>,
      %swap3A_1247 = arith.constant 4976 : index
      %swap3A_1248 = tpu.vector_load %arg8[%swap3A_1247] {strides = array<i32>} : memref<8192xf32, #tpu.memory_space<vmem>>, vector<16xf32>,
      %swap3A_1249 = vector.shape_cast %swap3A_1248 : vector<16xf32> to vector<16xf32>
      %swap3A_1250 = vector.shape_cast %broadcast_in_dim3A_3 : vector<16xf32> to vector<16xf32>
      tpu.vector_store %arg8[%swap3A_1247], %swap3A_1250 {strides = array<i32>} : memref<8192xf32, #tpu.memory_space<vmem>>, vector<16xf32>,
      %swap3A_1251 = arith.constant 4992 : index
      %swap3A_1252 = tpu.vector_load %arg8[%swap3A_1251] {strides = array<i32>} : memref<8192xf32, #tpu.memory_space<vmem>>, vector<16xf32>,
      %swap3A_1253 = vector.shape_cast %swap3A_1252 : vector<16xf32> to vector<16xf32>
      %swap3A_1254 = vector.shape_cast %broadcast_in_dim3A_3 : vector<16xf32> to vector<16xf32>
      tpu.vector_store %arg8[%swap3A_1251], %swap3A_1254 {strides = array<i32>} : memref<8192xf32, #tpu.memory_space<vmem>>, vector<16xf32>,
      %swap3A_1255 = arith.constant 5008 : index
      %swap3A_1256 = tpu.vector_load %arg8[%swap3A_1255] {strides = array<i32>} : memref<8192xf32, #tpu.memory_space<vmem>>, vector<16xf32>,
      %swap3A_1257 = vector.shape_cast %swap3A_1256 : vector<16xf32> to vector<16xf32>
      %swap3A_1258 = vector.shape_cast %broadcast_in_dim3A_3 : vector<16xf32> to vector<16xf32>
      tpu.vector_store %arg8[%swap3A_1255], %swap3A_1258 {strides = array<i32>} : memref<8192xf32, #tpu.memory_space<vmem>>, vector<16xf32>,
      %swap3A_1259 = arith.constant 5024 : index
      %swap3A_1260 = tpu.vector_load %arg8[%swap3A_1259] {strides = array<i32>} : memref<8192xf32, #tpu.memory_space<vmem>>, vector<16xf32>,
      %swap3A_1261 = vector.shape_cast %swap3A_1260 : vector<16xf32> to vector<16xf32>
      %swap3A_1262 = vector.shape_cast %broadcast_in_dim3A_3 : vector<16xf32> to vector<16xf32>
      tpu.vector_store %arg8[%swap3A_1259], %swap3A_1262 {strides = array<i32>} : memref<8192xf32, #tpu.memory_space<vmem>>, vector<16xf32>,
      %swap3A_1263 = arith.constant 5040 : index
      %swap3A_1264 = tpu.vector_load %arg8[%swap3A_1263] {strides = array<i32>} : memref<8192xf32, #tpu.memory_space<vmem>>, vector<16xf32>,
      %swap3A_1265 = vector.shape_cast %swap3A_1264 : vector<16xf32> to vector<16xf32>
      %swap3A_1266 = vector.shape_cast %broadcast_in_dim3A_3 : vector<16xf32> to vector<16xf32>
      tpu.vector_store %arg8[%swap3A_1263], %swap3A_1266 {strides = array<i32>} : memref<8192xf32, #tpu.memory_space<vmem>>, vector<16xf32>,
      %swap3A_1267 = arith.constant 5056 : index
      %swap3A_1268 = tpu.vector_load %arg8[%swap3A_1267] {strides = array<i32>} : memref<8192xf32, #tpu.memory_space<vmem>>, vector<16xf32>,
      %swap3A_1269 = vector.shape_cast %swap3A_1268 : vector<16xf32> to vector<16xf32>
      %swap3A_1270 = vector.shape_cast %broadcast_in_dim3A_3 : vector<16xf32> to vector<16xf32>
      tpu.vector_store %arg8[%swap3A_1267], %swap3A_1270 {strides = array<i32>} : memref<8192xf32, #tpu.memory_space<vmem>>, vector<16xf32>,
      %swap3A_1271 = arith.constant 5072 : index
      %swap3A_1272 = tpu.vector_load %arg8[%swap3A_1271] {strides = array<i32>} : memref<8192xf32, #tpu.memory_space<vmem>>, vector<16xf32>,
      %swap3A_1273 = vector.shape_cast %swap3A_1272 : vector<16xf32> to vector<16xf32>
      %swap3A_1274 = vector.shape_cast %broadcast_in_dim3A_3 : vector<16xf32> to vector<16xf32>
      tpu.vector_store %arg8[%swap3A_1271], %swap3A_1274 {strides = array<i32>} : memref<8192xf32, #tpu.memory_space<vmem>>, vector<16xf32>,
      %swap3A_1275 = arith.constant 5088 : index
      %swap3A_1276 = tpu.vector_load %arg8[%swap3A_1275] {strides = array<i32>} : memref<8192xf32, #tpu.memory_space<vmem>>, vector<16xf32>,
      %swap3A_1277 = vector.shape_cast %swap3A_1276 : vector<16xf32> to vector<16xf32>
      %swap3A_1278 = vector.shape_cast %broadcast_in_dim3A_3 : vector<16xf32> to vector<16xf32>
      tpu.vector_store %arg8[%swap3A_1275], %swap3A_1278 {strides = array<i32>} : memref<8192xf32, #tpu.memory_space<vmem>>, vector<16xf32>,
      %swap3A_1279 = arith.constant 5104 : index
      %swap3A_1280 = tpu.vector_load %arg8[%swap3A_1279] {strides = array<i32>} : memref<8192xf32, #tpu.memory_space<vmem>>, vector<16xf32>,
      %swap3A_1281 = vector.shape_cast %swap3A_1280 : vector<16xf32> to vector<16xf32>
      %swap3A_1282 = vector.shape_cast %broadcast_in_dim3A_3 : vector<16xf32> to vector<16xf32>
      tpu.vector_store %arg8[%swap3A_1279], %swap3A_1282 {strides = array<i32>} : memref<8192xf32, #tpu.memory_space<vmem>>, vector<16xf32>,
      %swap3A_1283 = arith.constant 5120 : index
      %swap3A_1284 = tpu.vector_load %arg8[%swap3A_1283] {strides = array<i32>} : memref<8192xf32, #tpu.memory_space<vmem>>, vector<16xf32>,
      %swap3A_1285 = vector.shape_cast %swap3A_1284 : vector<16xf32> to vector<16xf32>
      %swap3A_1286 = vector.shape_cast %broadcast_in_dim3A_3 : vector<16xf32> to vector<16xf32>
      tpu.vector_store %arg8[%swap3A_1283], %swap3A_1286 {strides = array<i32>} : memref<8192xf32, #tpu.memory_space<vmem>>, vector<16xf32>,
      %swap3A_1287 = arith.constant 5136 : index
      %swap3A_1288 = tpu.vector_load %arg8[%swap3A_1287] {strides = array<i32>} : memref<8192xf32, #tpu.memory_space<vmem>>, vector<16xf32>,
      %swap3A_1289 = vector.shape_cast %swap3A_1288 : vector<16xf32> to vector<16xf32>
      %swap3A_1290 = vector.shape_cast %broadcast_in_dim3A_3 : vector<16xf32> to vector<16xf32>
      tpu.vector_store %arg8[%swap3A_1287], %swap3A_1290 {strides = array<i32>} : memref<8192xf32, #tpu.memory_space<vmem>>, vector<16xf32>,
      %swap3A_1291 = arith.constant 5152 : index
      %swap3A_1292 = tpu.vector_load %arg8[%swap3A_1291] {strides = array<i32>} : memref<8192xf32, #tpu.memory_space<vmem>>, vector<16xf32>,
      %swap3A_1293 = vector.shape_cast %swap3A_1292 : vector<16xf32> to vector<16xf32>
      %swap3A_1294 = vector.shape_cast %broadcast_in_dim3A_3 : vector<16xf32> to vector<16xf32>
      tpu.vector_store %arg8[%swap3A_1291], %swap3A_1294 {strides = array<i32>} : memref<8192xf32, #tpu.memory_space<vmem>>, vector<16xf32>,
      %swap3A_1295 = arith.constant 5168 : index
      %swap3A_1296 = tpu.vector_load %arg8[%swap3A_1295] {strides = array<i32>} : memref<8192xf32, #tpu.memory_space<vmem>>, vector<16xf32>,
      %swap3A_1297 = vector.shape_cast %swap3A_1296 : vector<16xf32> to vector<16xf32>
      %swap3A_1298 = vector.shape_cast %broadcast_in_dim3A_3 : vector<16xf32> to vector<16xf32>
      tpu.vector_store %arg8[%swap3A_1295], %swap3A_1298 {strides = array<i32>} : memref<8192xf32, #tpu.memory_space<vmem>>, vector<16xf32>,
      %swap3A_1299 = arith.constant 5184 : index
      %swap3A_1300 = tpu.vector_load %arg8[%swap3A_1299] {strides = array<i32>} : memref<8192xf32, #tpu.memory_space<vmem>>, vector<16xf32>,
      %swap3A_1301 = vector.shape_cast %swap3A_1300 : vector<16xf32> to vector<16xf32>
      %swap3A_1302 = vector.shape_cast %broadcast_in_dim3A_3 : vector<16xf32> to vector<16xf32>
      tpu.vector_store %arg8[%swap3A_1299], %swap3A_1302 {strides = array<i32>} : memref<8192xf32, #tpu.memory_space<vmem>>, vector<16xf32>,
      %swap3A_1303 = arith.constant 5200 : index
      %swap3A_1304 = tpu.vector_load %arg8[%swap3A_1303] {strides = array<i32>} : memref<8192xf32, #tpu.memory_space<vmem>>, vector<16xf32>,
      %swap3A_1305 = vector.shape_cast %swap3A_1304 : vector<16xf32> to vector<16xf32>
      %swap3A_1306 = vector.shape_cast %broadcast_in_dim3A_3 : vector<16xf32> to vector<16xf32>
      tpu.vector_store %arg8[%swap3A_1303], %swap3A_1306 {strides = array<i32>} : memref<8192xf32, #tpu.memory_space<vmem>>, vector<16xf32>,
      %swap3A_1307 = arith.constant 5216 : index
      %swap3A_1308 = tpu.vector_load %arg8[%swap3A_1307] {strides = array<i32>} : memref<8192xf32, #tpu.memory_space<vmem>>, vector<16xf32>,
      %swap3A_1309 = vector.shape_cast %swap3A_1308 : vector<16xf32> to vector<16xf32>
      %swap3A_1310 = vector.shape_cast %broadcast_in_dim3A_3 : vector<16xf32> to vector<16xf32>
      tpu.vector_store %arg8[%swap3A_1307], %swap3A_1310 {strides = array<i32>} : memref<8192xf32, #tpu.memory_space<vmem>>, vector<16xf32>,
      %swap3A_1311 = arith.constant 5232 : index
      %swap3A_1312 = tpu.vector_load %arg8[%swap3A_1311] {strides = array<i32>} : memref<8192xf32, #tpu.memory_space<vmem>>, vector<16xf32>,
      %swap3A_1313 = vector.shape_cast %swap3A_1312 : vector<16xf32> to vector<16xf32>
      %swap3A_1314 = vector.shape_cast %broadcast_in_dim3A_3 : vector<16xf32> to vector<16xf32>
      tpu.vector_store %arg8[%swap3A_1311], %swap3A_1314 {strides = array<i32>} : memref<8192xf32, #tpu.memory_space<vmem>>, vector<16xf32>,
      %swap3A_1315 = arith.constant 5248 : index
      %swap3A_1316 = tpu.vector_load %arg8[%swap3A_1315] {strides = array<i32>} : memref<8192xf32, #tpu.memory_space<vmem>>, vector<16xf32>,
      %swap3A_1317 = vector.shape_cast %swap3A_1316 : vector<16xf32> to vector<16xf32>
      %swap3A_1318 = vector.shape_cast %broadcast_in_dim3A_3 : vector<16xf32> to vector<16xf32>
      tpu.vector_store %arg8[%swap3A_1315], %swap3A_1318 {strides = array<i32>} : memref<8192xf32, #tpu.memory_space<vmem>>, vector<16xf32>,
      %swap3A_1319 = arith.constant 5264 : index
      %swap3A_1320 = tpu.vector_load %arg8[%swap3A_1319] {strides = array<i32>} : memref<8192xf32, #tpu.memory_space<vmem>>, vector<16xf32>,
      %swap3A_1321 = vector.shape_cast %swap3A_1320 : vector<16xf32> to vector<16xf32>
      %swap3A_1322 = vector.shape_cast %broadcast_in_dim3A_3 : vector<16xf32> to vector<16xf32>
      tpu.vector_store %arg8[%swap3A_1319], %swap3A_1322 {strides = array<i32>} : memref<8192xf32, #tpu.memory_space<vmem>>, vector<16xf32>,
      %swap3A_1323 = arith.constant 5280 : index
      %swap3A_1324 = tpu.vector_load %arg8[%swap3A_1323] {strides = array<i32>} : memref<8192xf32, #tpu.memory_space<vmem>>, vector<16xf32>,
      %swap3A_1325 = vector.shape_cast %swap3A_1324 : vector<16xf32> to vector<16xf32>
      %swap3A_1326 = vector.shape_cast %broadcast_in_dim3A_3 : vector<16xf32> to vector<16xf32>
      tpu.vector_store %arg8[%swap3A_1323], %swap3A_1326 {strides = array<i32>} : memref<8192xf32, #tpu.memory_space<vmem>>, vector<16xf32>,
      %swap3A_1327 = arith.constant 5296 : index
      %swap3A_1328 = tpu.vector_load %arg8[%swap3A_1327] {strides = array<i32>} : memref<8192xf32, #tpu.memory_space<vmem>>, vector<16xf32>,
      %swap3A_1329 = vector.shape_cast %swap3A_1328 : vector<16xf32> to vector<16xf32>
      %swap3A_1330 = vector.shape_cast %broadcast_in_dim3A_3 : vector<16xf32> to vector<16xf32>
      tpu.vector_store %arg8[%swap3A_1327], %swap3A_1330 {strides = array<i32>} : memref<8192xf32, #tpu.memory_space<vmem>>, vector<16xf32>,
      %swap3A_1331 = arith.constant 5312 : index
      %swap3A_1332 = tpu.vector_load %arg8[%swap3A_1331] {strides = array<i32>} : memref<8192xf32, #tpu.memory_space<vmem>>, vector<16xf32>,
      %swap3A_1333 = vector.shape_cast %swap3A_1332 : vector<16xf32> to vector<16xf32>
      %swap3A_1334 = vector.shape_cast %broadcast_in_dim3A_3 : vector<16xf32> to vector<16xf32>
      tpu.vector_store %arg8[%swap3A_1331], %swap3A_1334 {strides = array<i32>} : memref<8192xf32, #tpu.memory_space<vmem>>, vector<16xf32>,
      %swap3A_1335 = arith.constant 5328 : index
      %swap3A_1336 = tpu.vector_load %arg8[%swap3A_1335] {strides = array<i32>} : memref<8192xf32, #tpu.memory_space<vmem>>, vector<16xf32>,
      %swap3A_1337 = vector.shape_cast %swap3A_1336 : vector<16xf32> to vector<16xf32>
      %swap3A_1338 = vector.shape_cast %broadcast_in_dim3A_3 : vector<16xf32> to vector<16xf32>
      tpu.vector_store %arg8[%swap3A_1335], %swap3A_1338 {strides = array<i32>} : memref<8192xf32, #tpu.memory_space<vmem>>, vector<16xf32>,
      %swap3A_1339 = arith.constant 5344 : index
      %swap3A_1340 = tpu.vector_load %arg8[%swap3A_1339] {strides = array<i32>} : memref<8192xf32, #tpu.memory_space<vmem>>, vector<16xf32>,
      %swap3A_1341 = vector.shape_cast %swap3A_1340 : vector<16xf32> to vector<16xf32>
      %swap3A_1342 = vector.shape_cast %broadcast_in_dim3A_3 : vector<16xf32> to vector<16xf32>
      tpu.vector_store %arg8[%swap3A_1339], %swap3A_1342 {strides = array<i32>} : memref<8192xf32, #tpu.memory_space<vmem>>, vector<16xf32>,
      %swap3A_1343 = arith.constant 5360 : index
      %swap3A_1344 = tpu.vector_load %arg8[%swap3A_1343] {strides = array<i32>} : memref<8192xf32, #tpu.memory_space<vmem>>, vector<16xf32>,
      %swap3A_1345 = vector.shape_cast %swap3A_1344 : vector<16xf32> to vector<16xf32>
      %swap3A_1346 = vector.shape_cast %broadcast_in_dim3A_3 : vector<16xf32> to vector<16xf32>
      tpu.vector_store %arg8[%swap3A_1343], %swap3A_1346 {strides = array<i32>} : memref<8192xf32, #tpu.memory_space<vmem>>, vector<16xf32>,
      %swap3A_1347 = arith.constant 5376 : index
      %swap3A_1348 = tpu.vector_load %arg8[%swap3A_1347] {strides = array<i32>} : memref<8192xf32, #tpu.memory_space<vmem>>, vector<16xf32>,
      %swap3A_1349 = vector.shape_cast %swap3A_1348 : vector<16xf32> to vector<16xf32>
      %swap3A_1350 = vector.shape_cast %broadcast_in_dim3A_3 : vector<16xf32> to vector<16xf32>
      tpu.vector_store %arg8[%swap3A_1347], %swap3A_1350 {strides = array<i32>} : memref<8192xf32, #tpu.memory_space<vmem>>, vector<16xf32>,
      %swap3A_1351 = arith.constant 5392 : index
      %swap3A_1352 = tpu.vector_load %arg8[%swap3A_1351] {strides = array<i32>} : memref<8192xf32, #tpu.memory_space<vmem>>, vector<16xf32>,
      %swap3A_1353 = vector.shape_cast %swap3A_1352 : vector<16xf32> to vector<16xf32>
      %swap3A_1354 = vector.shape_cast %broadcast_in_dim3A_3 : vector<16xf32> to vector<16xf32>
      tpu.vector_store %arg8[%swap3A_1351], %swap3A_1354 {strides = array<i32>} : memref<8192xf32, #tpu.memory_space<vmem>>, vector<16xf32>,
      %swap3A_1355 = arith.constant 5408 : index
      %swap3A_1356 = tpu.vector_load %arg8[%swap3A_1355] {strides = array<i32>} : memref<8192xf32, #tpu.memory_space<vmem>>, vector<16xf32>,
      %swap3A_1357 = vector.shape_cast %swap3A_1356 : vector<16xf32> to vector<16xf32>
      %swap3A_1358 = vector.shape_cast %broadcast_in_dim3A_3 : vector<16xf32> to vector<16xf32>
      tpu.vector_store %arg8[%swap3A_1355], %swap3A_1358 {strides = array<i32>} : memref<8192xf32, #tpu.memory_space<vmem>>, vector<16xf32>,
      %swap3A_1359 = arith.constant 5424 : index
      %swap3A_1360 = tpu.vector_load %arg8[%swap3A_1359] {strides = array<i32>} : memref<8192xf32, #tpu.memory_space<vmem>>, vector<16xf32>,
      %swap3A_1361 = vector.shape_cast %swap3A_1360 : vector<16xf32> to vector<16xf32>
      %swap3A_1362 = vector.shape_cast %broadcast_in_dim3A_3 : vector<16xf32> to vector<16xf32>
      tpu.vector_store %arg8[%swap3A_1359], %swap3A_1362 {strides = array<i32>} : memref<8192xf32, #tpu.memory_space<vmem>>, vector<16xf32>,
      %swap3A_1363 = arith.constant 5440 : index
      %swap3A_1364 = tpu.vector_load %arg8[%swap3A_1363] {strides = array<i32>} : memref<8192xf32, #tpu.memory_space<vmem>>, vector<16xf32>,
      %swap3A_1365 = vector.shape_cast %swap3A_1364 : vector<16xf32> to vector<16xf32>
      %swap3A_1366 = vector.shape_cast %broadcast_in_dim3A_3 : vector<16xf32> to vector<16xf32>
      tpu.vector_store %arg8[%swap3A_1363], %swap3A_1366 {strides = array<i32>} : memref<8192xf32, #tpu.memory_space<vmem>>, vector<16xf32>,
      %swap3A_1367 = arith.constant 5456 : index
      %swap3A_1368 = tpu.vector_load %arg8[%swap3A_1367] {strides = array<i32>} : memref<8192xf32, #tpu.memory_space<vmem>>, vector<16xf32>,
      %swap3A_1369 = vector.shape_cast %swap3A_1368 : vector<16xf32> to vector<16xf32>
      %swap3A_1370 = vector.shape_cast %broadcast_in_dim3A_3 : vector<16xf32> to vector<16xf32>
      tpu.vector_store %arg8[%swap3A_1367], %swap3A_1370 {strides = array<i32>} : memref<8192xf32, #tpu.memory_space<vmem>>, vector<16xf32>,
      %swap3A_1371 = arith.constant 5472 : index
      %swap3A_1372 = tpu.vector_load %arg8[%swap3A_1371] {strides = array<i32>} : memref<8192xf32, #tpu.memory_space<vmem>>, vector<16xf32>,
      %swap3A_1373 = vector.shape_cast %swap3A_1372 : vector<16xf32> to vector<16xf32>
      %swap3A_1374 = vector.shape_cast %broadcast_in_dim3A_3 : vector<16xf32> to vector<16xf32>
      tpu.vector_store %arg8[%swap3A_1371], %swap3A_1374 {strides = array<i32>} : memref<8192xf32, #tpu.memory_space<vmem>>, vector<16xf32>,
      %swap3A_1375 = arith.constant 5488 : index
      %swap3A_1376 = tpu.vector_load %arg8[%swap3A_1375] {strides = array<i32>} : memref<8192xf32, #tpu.memory_space<vmem>>, vector<16xf32>,
      %swap3A_1377 = vector.shape_cast %swap3A_1376 : vector<16xf32> to vector<16xf32>
      %swap3A_1378 = vector.shape_cast %broadcast_in_dim3A_3 : vector<16xf32> to vector<16xf32>
      tpu.vector_store %arg8[%swap3A_1375], %swap3A_1378 {strides = array<i32>} : memref<8192xf32, #tpu.memory_space<vmem>>, vector<16xf32>,
      %swap3A_1379 = arith.constant 5504 : index
      %swap3A_1380 = tpu.vector_load %arg8[%swap3A_1379] {strides = array<i32>} : memref<8192xf32, #tpu.memory_space<vmem>>, vector<16xf32>,
      %swap3A_1381 = vector.shape_cast %swap3A_1380 : vector<16xf32> to vector<16xf32>
      %swap3A_1382 = vector.shape_cast %broadcast_in_dim3A_3 : vector<16xf32> to vector<16xf32>
      tpu.vector_store %arg8[%swap3A_1379], %swap3A_1382 {strides = array<i32>} : memref<8192xf32, #tpu.memory_space<vmem>>, vector<16xf32>,
      %swap3A_1383 = arith.constant 5520 : index
      %swap3A_1384 = tpu.vector_load %arg8[%swap3A_1383] {strides = array<i32>} : memref<8192xf32, #tpu.memory_space<vmem>>, vector<16xf32>,
      %swap3A_1385 = vector.shape_cast %swap3A_1384 : vector<16xf32> to vector<16xf32>
      %swap3A_1386 = vector.shape_cast %broadcast_in_dim3A_3 : vector<16xf32> to vector<16xf32>
      tpu.vector_store %arg8[%swap3A_1383], %swap3A_1386 {strides = array<i32>} : memref<8192xf32, #tpu.memory_space<vmem>>, vector<16xf32>,
      %swap3A_1387 = arith.constant 5536 : index
      %swap3A_1388 = tpu.vector_load %arg8[%swap3A_1387] {strides = array<i32>} : memref<8192xf32, #tpu.memory_space<vmem>>, vector<16xf32>,
      %swap3A_1389 = vector.shape_cast %swap3A_1388 : vector<16xf32> to vector<16xf32>
      %swap3A_1390 = vector.shape_cast %broadcast_in_dim3A_3 : vector<16xf32> to vector<16xf32>
      tpu.vector_store %arg8[%swap3A_1387], %swap3A_1390 {strides = array<i32>} : memref<8192xf32, #tpu.memory_space<vmem>>, vector<16xf32>,
      %swap3A_1391 = arith.constant 5552 : index
      %swap3A_1392 = tpu.vector_load %arg8[%swap3A_1391] {strides = array<i32>} : memref<8192xf32, #tpu.memory_space<vmem>>, vector<16xf32>,
      %swap3A_1393 = vector.shape_cast %swap3A_1392 : vector<16xf32> to vector<16xf32>
      %swap3A_1394 = vector.shape_cast %broadcast_in_dim3A_3 : vector<16xf32> to vector<16xf32>
      tpu.vector_store %arg8[%swap3A_1391], %swap3A_1394 {strides = array<i32>} : memref<8192xf32, #tpu.memory_space<vmem>>, vector<16xf32>,
      %swap3A_1395 = arith.constant 5568 : index
      %swap3A_1396 = tpu.vector_load %arg8[%swap3A_1395] {strides = array<i32>} : memref<8192xf32, #tpu.memory_space<vmem>>, vector<16xf32>,
      %swap3A_1397 = vector.shape_cast %swap3A_1396 : vector<16xf32> to vector<16xf32>
      %swap3A_1398 = vector.shape_cast %broadcast_in_dim3A_3 : vector<16xf32> to vector<16xf32>
      tpu.vector_store %arg8[%swap3A_1395], %swap3A_1398 {strides = array<i32>} : memref<8192xf32, #tpu.memory_space<vmem>>, vector<16xf32>,
      %swap3A_1399 = arith.constant 5584 : index
      %swap3A_1400 = tpu.vector_load %arg8[%swap3A_1399] {strides = array<i32>} : memref<8192xf32, #tpu.memory_space<vmem>>, vector<16xf32>,
      %swap3A_1401 = vector.shape_cast %swap3A_1400 : vector<16xf32> to vector<16xf32>
      %swap3A_1402 = vector.shape_cast %broadcast_in_dim3A_3 : vector<16xf32> to vector<16xf32>
      tpu.vector_store %arg8[%swap3A_1399], %swap3A_1402 {strides = array<i32>} : memref<8192xf32, #tpu.memory_space<vmem>>, vector<16xf32>,
      %swap3A_1403 = arith.constant 5600 : index
      %swap3A_1404 = tpu.vector_load %arg8[%swap3A_1403] {strides = array<i32>} : memref<8192xf32, #tpu.memory_space<vmem>>, vector<16xf32>,
      %swap3A_1405 = vector.shape_cast %swap3A_1404 : vector<16xf32> to vector<16xf32>
      %swap3A_1406 = vector.shape_cast %broadcast_in_dim3A_3 : vector<16xf32> to vector<16xf32>
      tpu.vector_store %arg8[%swap3A_1403], %swap3A_1406 {strides = array<i32>} : memref<8192xf32, #tpu.memory_space<vmem>>, vector<16xf32>,
      %swap3A_1407 = arith.constant 5616 : index
      %swap3A_1408 = tpu.vector_load %arg8[%swap3A_1407] {strides = array<i32>} : memref<8192xf32, #tpu.memory_space<vmem>>, vector<16xf32>,
      %swap3A_1409 = vector.shape_cast %swap3A_1408 : vector<16xf32> to vector<16xf32>
      %swap3A_1410 = vector.shape_cast %broadcast_in_dim3A_3 : vector<16xf32> to vector<16xf32>
      tpu.vector_store %arg8[%swap3A_1407], %swap3A_1410 {strides = array<i32>} : memref<8192xf32, #tpu.memory_space<vmem>>, vector<16xf32>,
      %swap3A_1411 = arith.constant 5632 : index
      %swap3A_1412 = tpu.vector_load %arg8[%swap3A_1411] {strides = array<i32>} : memref<8192xf32, #tpu.memory_space<vmem>>, vector<16xf32>,
      %swap3A_1413 = vector.shape_cast %swap3A_1412 : vector<16xf32> to vector<16xf32>
      %swap3A_1414 = vector.shape_cast %broadcast_in_dim3A_3 : vector<16xf32> to vector<16xf32>
      tpu.vector_store %arg8[%swap3A_1411], %swap3A_1414 {strides = array<i32>} : memref<8192xf32, #tpu.memory_space<vmem>>, vector<16xf32>,
      %swap3A_1415 = arith.constant 5648 : index
      %swap3A_1416 = tpu.vector_load %arg8[%swap3A_1415] {strides = array<i32>} : memref<8192xf32, #tpu.memory_space<vmem>>, vector<16xf32>,
      %swap3A_1417 = vector.shape_cast %swap3A_1416 : vector<16xf32> to vector<16xf32>
      %swap3A_1418 = vector.shape_cast %broadcast_in_dim3A_3 : vector<16xf32> to vector<16xf32>
      tpu.vector_store %arg8[%swap3A_1415], %swap3A_1418 {strides = array<i32>} : memref<8192xf32, #tpu.memory_space<vmem>>, vector<16xf32>,
      %swap3A_1419 = arith.constant 5664 : index
      %swap3A_1420 = tpu.vector_load %arg8[%swap3A_1419] {strides = array<i32>} : memref<8192xf32, #tpu.memory_space<vmem>>, vector<16xf32>,
      %swap3A_1421 = vector.shape_cast %swap3A_1420 : vector<16xf32> to vector<16xf32>
      %swap3A_1422 = vector.shape_cast %broadcast_in_dim3A_3 : vector<16xf32> to vector<16xf32>
      tpu.vector_store %arg8[%swap3A_1419], %swap3A_1422 {strides = array<i32>} : memref<8192xf32, #tpu.memory_space<vmem>>, vector<16xf32>,
      %swap3A_1423 = arith.constant 5680 : index
      %swap3A_1424 = tpu.vector_load %arg8[%swap3A_1423] {strides = array<i32>} : memref<8192xf32, #tpu.memory_space<vmem>>, vector<16xf32>,
      %swap3A_1425 = vector.shape_cast %swap3A_1424 : vector<16xf32> to vector<16xf32>
      %swap3A_1426 = vector.shape_cast %broadcast_in_dim3A_3 : vector<16xf32> to vector<16xf32>
      tpu.vector_store %arg8[%swap3A_1423], %swap3A_1426 {strides = array<i32>} : memref<8192xf32, #tpu.memory_space<vmem>>, vector<16xf32>,
      %swap3A_1427 = arith.constant 5696 : index
      %swap3A_1428 = tpu.vector_load %arg8[%swap3A_1427] {strides = array<i32>} : memref<8192xf32, #tpu.memory_space<vmem>>, vector<16xf32>,
      %swap3A_1429 = vector.shape_cast %swap3A_1428 : vector<16xf32> to vector<16xf32>
      %swap3A_1430 = vector.shape_cast %broadcast_in_dim3A_3 : vector<16xf32> to vector<16xf32>
      tpu.vector_store %arg8[%swap3A_1427], %swap3A_1430 {strides = array<i32>} : memref<8192xf32, #tpu.memory_space<vmem>>, vector<16xf32>,
      %swap3A_1431 = arith.constant 5712 : index
      %swap3A_1432 = tpu.vector_load %arg8[%swap3A_1431] {strides = array<i32>} : memref<8192xf32, #tpu.memory_space<vmem>>, vector<16xf32>,
      %swap3A_1433 = vector.shape_cast %swap3A_1432 : vector<16xf32> to vector<16xf32>
      %swap3A_1434 = vector.shape_cast %broadcast_in_dim3A_3 : vector<16xf32> to vector<16xf32>
      tpu.vector_store %arg8[%swap3A_1431], %swap3A_1434 {strides = array<i32>} : memref<8192xf32, #tpu.memory_space<vmem>>, vector<16xf32>,
      %swap3A_1435 = arith.constant 5728 : index
      %swap3A_1436 = tpu.vector_load %arg8[%swap3A_1435] {strides = array<i32>} : memref<8192xf32, #tpu.memory_space<vmem>>, vector<16xf32>,
      %swap3A_1437 = vector.shape_cast %swap3A_1436 : vector<16xf32> to vector<16xf32>
      %swap3A_1438 = vector.shape_cast %broadcast_in_dim3A_3 : vector<16xf32> to vector<16xf32>
      tpu.vector_store %arg8[%swap3A_1435], %swap3A_1438 {strides = array<i32>} : memref<8192xf32, #tpu.memory_space<vmem>>, vector<16xf32>,
      %swap3A_1439 = arith.constant 5744 : index
      %swap3A_1440 = tpu.vector_load %arg8[%swap3A_1439] {strides = array<i32>} : memref<8192xf32, #tpu.memory_space<vmem>>, vector<16xf32>,
      %swap3A_1441 = vector.shape_cast %swap3A_1440 : vector<16xf32> to vector<16xf32>
      %swap3A_1442 = vector.shape_cast %broadcast_in_dim3A_3 : vector<16xf32> to vector<16xf32>
      tpu.vector_store %arg8[%swap3A_1439], %swap3A_1442 {strides = array<i32>} : memref<8192xf32, #tpu.memory_space<vmem>>, vector<16xf32>,
      %swap3A_1443 = arith.constant 5760 : index
      %swap3A_1444 = tpu.vector_load %arg8[%swap3A_1443] {strides = array<i32>} : memref<8192xf32, #tpu.memory_space<vmem>>, vector<16xf32>,
      %swap3A_1445 = vector.shape_cast %swap3A_1444 : vector<16xf32> to vector<16xf32>
      %swap3A_1446 = vector.shape_cast %broadcast_in_dim3A_3 : vector<16xf32> to vector<16xf32>
      tpu.vector_store %arg8[%swap3A_1443], %swap3A_1446 {strides = array<i32>} : memref<8192xf32, #tpu.memory_space<vmem>>, vector<16xf32>,
      %swap3A_1447 = arith.constant 5776 : index
      %swap3A_1448 = tpu.vector_load %arg8[%swap3A_1447] {strides = array<i32>} : memref<8192xf32, #tpu.memory_space<vmem>>, vector<16xf32>,
      %swap3A_1449 = vector.shape_cast %swap3A_1448 : vector<16xf32> to vector<16xf32>
      %swap3A_1450 = vector.shape_cast %broadcast_in_dim3A_3 : vector<16xf32> to vector<16xf32>
      tpu.vector_store %arg8[%swap3A_1447], %swap3A_1450 {strides = array<i32>} : memref<8192xf32, #tpu.memory_space<vmem>>, vector<16xf32>,
      %swap3A_1451 = arith.constant 5792 : index
      %swap3A_1452 = tpu.vector_load %arg8[%swap3A_1451] {strides = array<i32>} : memref<8192xf32, #tpu.memory_space<vmem>>, vector<16xf32>,
      %swap3A_1453 = vector.shape_cast %swap3A_1452 : vector<16xf32> to vector<16xf32>
      %swap3A_1454 = vector.shape_cast %broadcast_in_dim3A_3 : vector<16xf32> to vector<16xf32>
      tpu.vector_store %arg8[%swap3A_1451], %swap3A_1454 {strides = array<i32>} : memref<8192xf32, #tpu.memory_space<vmem>>, vector<16xf32>,
      %swap3A_1455 = arith.constant 5808 : index
      %swap3A_1456 = tpu.vector_load %arg8[%swap3A_1455] {strides = array<i32>} : memref<8192xf32, #tpu.memory_space<vmem>>, vector<16xf32>,
      %swap3A_1457 = vector.shape_cast %swap3A_1456 : vector<16xf32> to vector<16xf32>
      %swap3A_1458 = vector.shape_cast %broadcast_in_dim3A_3 : vector<16xf32> to vector<16xf32>
      tpu.vector_store %arg8[%swap3A_1455], %swap3A_1458 {strides = array<i32>} : memref<8192xf32, #tpu.memory_space<vmem>>, vector<16xf32>,
      %swap3A_1459 = arith.constant 5824 : index
      %swap3A_1460 = tpu.vector_load %arg8[%swap3A_1459] {strides = array<i32>} : memref<8192xf32, #tpu.memory_space<vmem>>, vector<16xf32>,
      %swap3A_1461 = vector.shape_cast %swap3A_1460 : vector<16xf32> to vector<16xf32>
      %swap3A_1462 = vector.shape_cast %broadcast_in_dim3A_3 : vector<16xf32> to vector<16xf32>
      tpu.vector_store %arg8[%swap3A_1459], %swap3A_1462 {strides = array<i32>} : memref<8192xf32, #tpu.memory_space<vmem>>, vector<16xf32>,
      %swap3A_1463 = arith.constant 5840 : index
      %swap3A_1464 = tpu.vector_load %arg8[%swap3A_1463] {strides = array<i32>} : memref<8192xf32, #tpu.memory_space<vmem>>, vector<16xf32>,
      %swap3A_1465 = vector.shape_cast %swap3A_1464 : vector<16xf32> to vector<16xf32>
      %swap3A_1466 = vector.shape_cast %broadcast_in_dim3A_3 : vector<16xf32> to vector<16xf32>
      tpu.vector_store %arg8[%swap3A_1463], %swap3A_1466 {strides = array<i32>} : memref<8192xf32, #tpu.memory_space<vmem>>, vector<16xf32>,
      %swap3A_1467 = arith.constant 5856 : index
      %swap3A_1468 = tpu.vector_load %arg8[%swap3A_1467] {strides = array<i32>} : memref<8192xf32, #tpu.memory_space<vmem>>, vector<16xf32>,
      %swap3A_1469 = vector.shape_cast %swap3A_1468 : vector<16xf32> to vector<16xf32>
      %swap3A_1470 = vector.shape_cast %broadcast_in_dim3A_3 : vector<16xf32> to vector<16xf32>
      tpu.vector_store %arg8[%swap3A_1467], %swap3A_1470 {strides = array<i32>} : memref<8192xf32, #tpu.memory_space<vmem>>, vector<16xf32>,
      %swap3A_1471 = arith.constant 5872 : index
      %swap3A_1472 = tpu.vector_load %arg8[%swap3A_1471] {strides = array<i32>} : memref<8192xf32, #tpu.memory_space<vmem>>, vector<16xf32>,
      %swap3A_1473 = vector.shape_cast %swap3A_1472 : vector<16xf32> to vector<16xf32>
      %swap3A_1474 = vector.shape_cast %broadcast_in_dim3A_3 : vector<16xf32> to vector<16xf32>
      tpu.vector_store %arg8[%swap3A_1471], %swap3A_1474 {strides = array<i32>} : memref<8192xf32, #tpu.memory_space<vmem>>, vector<16xf32>,
      %swap3A_1475 = arith.constant 5888 : index
      %swap3A_1476 = tpu.vector_load %arg8[%swap3A_1475] {strides = array<i32>} : memref<8192xf32, #tpu.memory_space<vmem>>, vector<16xf32>,
      %swap3A_1477 = vector.shape_cast %swap3A_1476 : vector<16xf32> to vector<16xf32>
      %swap3A_1478 = vector.shape_cast %broadcast_in_dim3A_3 : vector<16xf32> to vector<16xf32>
      tpu.vector_store %arg8[%swap3A_1475], %swap3A_1478 {strides = array<i32>} : memref<8192xf32, #tpu.memory_space<vmem>>, vector<16xf32>,
      %swap3A_1479 = arith.constant 5904 : index
      %swap3A_1480 = tpu.vector_load %arg8[%swap3A_1479] {strides = array<i32>} : memref<8192xf32, #tpu.memory_space<vmem>>, vector<16xf32>,
      %swap3A_1481 = vector.shape_cast %swap3A_1480 : vector<16xf32> to vector<16xf32>
      %swap3A_1482 = vector.shape_cast %broadcast_in_dim3A_3 : vector<16xf32> to vector<16xf32>
      tpu.vector_store %arg8[%swap3A_1479], %swap3A_1482 {strides = array<i32>} : memref<8192xf32, #tpu.memory_space<vmem>>, vector<16xf32>,
      %swap3A_1483 = arith.constant 5920 : index
      %swap3A_1484 = tpu.vector_load %arg8[%swap3A_1483] {strides = array<i32>} : memref<8192xf32, #tpu.memory_space<vmem>>, vector<16xf32>,
      %swap3A_1485 = vector.shape_cast %swap3A_1484 : vector<16xf32> to vector<16xf32>
      %swap3A_1486 = vector.shape_cast %broadcast_in_dim3A_3 : vector<16xf32> to vector<16xf32>
      tpu.vector_store %arg8[%swap3A_1483], %swap3A_1486 {strides = array<i32>} : memref<8192xf32, #tpu.memory_space<vmem>>, vector<16xf32>,
      %swap3A_1487 = arith.constant 5936 : index
      %swap3A_1488 = tpu.vector_load %arg8[%swap3A_1487] {strides = array<i32>} : memref<8192xf32, #tpu.memory_space<vmem>>, vector<16xf32>,
      %swap3A_1489 = vector.shape_cast %swap3A_1488 : vector<16xf32> to vector<16xf32>
      %swap3A_1490 = vector.shape_cast %broadcast_in_dim3A_3 : vector<16xf32> to vector<16xf32>
      tpu.vector_store %arg8[%swap3A_1487], %swap3A_1490 {strides = array<i32>} : memref<8192xf32, #tpu.memory_space<vmem>>, vector<16xf32>,
      %swap3A_1491 = arith.constant 5952 : index
      %swap3A_1492 = tpu.vector_load %arg8[%swap3A_1491] {strides = array<i32>} : memref<8192xf32, #tpu.memory_space<vmem>>, vector<16xf32>,
      %swap3A_1493 = vector.shape_cast %swap3A_1492 : vector<16xf32> to vector<16xf32>
      %swap3A_1494 = vector.shape_cast %broadcast_in_dim3A_3 : vector<16xf32> to vector<16xf32>
      tpu.vector_store %arg8[%swap3A_1491], %swap3A_1494 {strides = array<i32>} : memref<8192xf32, #tpu.memory_space<vmem>>, vector<16xf32>,
      %swap3A_1495 = arith.constant 5968 : index
      %swap3A_1496 = tpu.vector_load %arg8[%swap3A_1495] {strides = array<i32>} : memref<8192xf32, #tpu.memory_space<vmem>>, vector<16xf32>,
      %swap3A_1497 = vector.shape_cast %swap3A_1496 : vector<16xf32> to vector<16xf32>
      %swap3A_1498 = vector.shape_cast %broadcast_in_dim3A_3 : vector<16xf32> to vector<16xf32>
      tpu.vector_store %arg8[%swap3A_1495], %swap3A_1498 {strides = array<i32>} : memref<8192xf32, #tpu.memory_space<vmem>>, vector<16xf32>,
      %swap3A_1499 = arith.constant 5984 : index
      %swap3A_1500 = tpu.vector_load %arg8[%swap3A_1499] {strides = array<i32>} : memref<8192xf32, #tpu.memory_space<vmem>>, vector<16xf32>,
      %swap3A_1501 = vector.shape_cast %swap3A_1500 : vector<16xf32> to vector<16xf32>
      %swap3A_1502 = vector.shape_cast %broadcast_in_dim3A_3 : vector<16xf32> to vector<16xf32>
      tpu.vector_store %arg8[%swap3A_1499], %swap3A_1502 {strides = array<i32>} : memref<8192xf32, #tpu.memory_space<vmem>>, vector<16xf32>,
      %swap3A_1503 = arith.constant 6000 : index
      %swap3A_1504 = tpu.vector_load %arg8[%swap3A_1503] {strides = array<i32>} : memref<8192xf32, #tpu.memory_space<vmem>>, vector<16xf32>,
      %swap3A_1505 = vector.shape_cast %swap3A_1504 : vector<16xf32> to vector<16xf32>
      %swap3A_1506 = vector.shape_cast %broadcast_in_dim3A_3 : vector<16xf32> to vector<16xf32>
      tpu.vector_store %arg8[%swap3A_1503], %swap3A_1506 {strides = array<i32>} : memref<8192xf32, #tpu.memory_space<vmem>>, vector<16xf32>,
      %swap3A_1507 = arith.constant 6016 : index
      %swap3A_1508 = tpu.vector_load %arg8[%swap3A_1507] {strides = array<i32>} : memref<8192xf32, #tpu.memory_space<vmem>>, vector<16xf32>,
      %swap3A_1509 = vector.shape_cast %swap3A_1508 : vector<16xf32> to vector<16xf32>
      %swap3A_1510 = vector.shape_cast %broadcast_in_dim3A_3 : vector<16xf32> to vector<16xf32>
      tpu.vector_store %arg8[%swap3A_1507], %swap3A_1510 {strides = array<i32>} : memref<8192xf32, #tpu.memory_space<vmem>>, vector<16xf32>,
      %swap3A_1511 = arith.constant 6032 : index
      %swap3A_1512 = tpu.vector_load %arg8[%swap3A_1511] {strides = array<i32>} : memref<8192xf32, #tpu.memory_space<vmem>>, vector<16xf32>,
      %swap3A_1513 = vector.shape_cast %swap3A_1512 : vector<16xf32> to vector<16xf32>
      %swap3A_1514 = vector.shape_cast %broadcast_in_dim3A_3 : vector<16xf32> to vector<16xf32>
      tpu.vector_store %arg8[%swap3A_1511], %swap3A_1514 {strides = array<i32>} : memref<8192xf32, #tpu.memory_space<vmem>>, vector<16xf32>,
      %swap3A_1515 = arith.constant 6048 : index
      %swap3A_1516 = tpu.vector_load %arg8[%swap3A_1515] {strides = array<i32>} : memref<8192xf32, #tpu.memory_space<vmem>>, vector<16xf32>,
      %swap3A_1517 = vector.shape_cast %swap3A_1516 : vector<16xf32> to vector<16xf32>
      %swap3A_1518 = vector.shape_cast %broadcast_in_dim3A_3 : vector<16xf32> to vector<16xf32>
      tpu.vector_store %arg8[%swap3A_1515], %swap3A_1518 {strides = array<i32>} : memref<8192xf32, #tpu.memory_space<vmem>>, vector<16xf32>,
      %swap3A_1519 = arith.constant 6064 : index
      %swap3A_1520 = tpu.vector_load %arg8[%swap3A_1519] {strides = array<i32>} : memref<8192xf32, #tpu.memory_space<vmem>>, vector<16xf32>,
      %swap3A_1521 = vector.shape_cast %swap3A_1520 : vector<16xf32> to vector<16xf32>
      %swap3A_1522 = vector.shape_cast %broadcast_in_dim3A_3 : vector<16xf32> to vector<16xf32>
      tpu.vector_store %arg8[%swap3A_1519], %swap3A_1522 {strides = array<i32>} : memref<8192xf32, #tpu.memory_space<vmem>>, vector<16xf32>,
      %swap3A_1523 = arith.constant 6080 : index
      %swap3A_1524 = tpu.vector_load %arg8[%swap3A_1523] {strides = array<i32>} : memref<8192xf32, #tpu.memory_space<vmem>>, vector<16xf32>,
      %swap3A_1525 = vector.shape_cast %swap3A_1524 : vector<16xf32> to vector<16xf32>
      %swap3A_1526 = vector.shape_cast %broadcast_in_dim3A_3 : vector<16xf32> to vector<16xf32>
      tpu.vector_store %arg8[%swap3A_1523], %swap3A_1526 {strides = array<i32>} : memref<8192xf32, #tpu.memory_space<vmem>>, vector<16xf32>,
      %swap3A_1527 = arith.constant 6096 : index
      %swap3A_1528 = tpu.vector_load %arg8[%swap3A_1527] {strides = array<i32>} : memref<8192xf32, #tpu.memory_space<vmem>>, vector<16xf32>,
      %swap3A_1529 = vector.shape_cast %swap3A_1528 : vector<16xf32> to vector<16xf32>
      %swap3A_1530 = vector.shape_cast %broadcast_in_dim3A_3 : vector<16xf32> to vector<16xf32>
      tpu.vector_store %arg8[%swap3A_1527], %swap3A_1530 {strides = array<i32>} : memref<8192xf32, #tpu.memory_space<vmem>>, vector<16xf32>,
      %swap3A_1531 = arith.constant 6112 : index
      %swap3A_1532 = tpu.vector_load %arg8[%swap3A_1531] {strides = array<i32>} : memref<8192xf32, #tpu.memory_space<vmem>>, vector<16xf32>,
      %swap3A_1533 = vector.shape_cast %swap3A_1532 : vector<16xf32> to vector<16xf32>
      %swap3A_1534 = vector.shape_cast %broadcast_in_dim3A_3 : vector<16xf32> to vector<16xf32>
      tpu.vector_store %arg8[%swap3A_1531], %swap3A_1534 {strides = array<i32>} : memref<8192xf32, #tpu.memory_space<vmem>>, vector<16xf32>,
      %swap3A_1535 = arith.constant 6128 : index
      %swap3A_1536 = tpu.vector_load %arg8[%swap3A_1535] {strides = array<i32>} : memref<8192xf32, #tpu.memory_space<vmem>>, vector<16xf32>,
      %swap3A_1537 = vector.shape_cast %swap3A_1536 : vector<16xf32> to vector<16xf32>
      %swap3A_1538 = vector.shape_cast %broadcast_in_dim3A_3 : vector<16xf32> to vector<16xf32>
      tpu.vector_store %arg8[%swap3A_1535], %swap3A_1538 {strides = array<i32>} : memref<8192xf32, #tpu.memory_space<vmem>>, vector<16xf32>,
      %swap3A_1539 = arith.constant 6144 : index
      %swap3A_1540 = tpu.vector_load %arg8[%swap3A_1539] {strides = array<i32>} : memref<8192xf32, #tpu.memory_space<vmem>>, vector<16xf32>,
      %swap3A_1541 = vector.shape_cast %swap3A_1540 : vector<16xf32> to vector<16xf32>
      %swap3A_1542 = vector.shape_cast %broadcast_in_dim3A_3 : vector<16xf32> to vector<16xf32>
      tpu.vector_store %arg8[%swap3A_1539], %swap3A_1542 {strides = array<i32>} : memref<8192xf32, #tpu.memory_space<vmem>>, vector<16xf32>,
      %swap3A_1543 = arith.constant 6160 : index
      %swap3A_1544 = tpu.vector_load %arg8[%swap3A_1543] {strides = array<i32>} : memref<8192xf32, #tpu.memory_space<vmem>>, vector<16xf32>,
      %swap3A_1545 = vector.shape_cast %swap3A_1544 : vector<16xf32> to vector<16xf32>
      %swap3A_1546 = vector.shape_cast %broadcast_in_dim3A_3 : vector<16xf32> to vector<16xf32>
      tpu.vector_store %arg8[%swap3A_1543], %swap3A_1546 {strides = array<i32>} : memref<8192xf32, #tpu.memory_space<vmem>>, vector<16xf32>,
      %swap3A_1547 = arith.constant 6176 : index
      %swap3A_1548 = tpu.vector_load %arg8[%swap3A_1547] {strides = array<i32>} : memref<8192xf32, #tpu.memory_space<vmem>>, vector<16xf32>,
      %swap3A_1549 = vector.shape_cast %swap3A_1548 : vector<16xf32> to vector<16xf32>
      %swap3A_1550 = vector.shape_cast %broadcast_in_dim3A_3 : vector<16xf32> to vector<16xf32>
      tpu.vector_store %arg8[%swap3A_1547], %swap3A_1550 {strides = array<i32>} : memref<8192xf32, #tpu.memory_space<vmem>>, vector<16xf32>,
      %swap3A_1551 = arith.constant 6192 : index
      %swap3A_1552 = tpu.vector_load %arg8[%swap3A_1551] {strides = array<i32>} : memref<8192xf32, #tpu.memory_space<vmem>>, vector<16xf32>,
      %swap3A_1553 = vector.shape_cast %swap3A_1552 : vector<16xf32> to vector<16xf32>
      %swap3A_1554 = vector.shape_cast %broadcast_in_dim3A_3 : vector<16xf32> to vector<16xf32>
      tpu.vector_store %arg8[%swap3A_1551], %swap3A_1554 {strides = array<i32>} : memref<8192xf32, #tpu.memory_space<vmem>>, vector<16xf32>,
      %swap3A_1555 = arith.constant 6208 : index
      %swap3A_1556 = tpu.vector_load %arg8[%swap3A_1555] {strides = array<i32>} : memref<8192xf32, #tpu.memory_space<vmem>>, vector<16xf32>,
      %swap3A_1557 = vector.shape_cast %swap3A_1556 : vector<16xf32> to vector<16xf32>
      %swap3A_1558 = vector.shape_cast %broadcast_in_dim3A_3 : vector<16xf32> to vector<16xf32>
      tpu.vector_store %arg8[%swap3A_1555], %swap3A_1558 {strides = array<i32>} : memref<8192xf32, #tpu.memory_space<vmem>>, vector<16xf32>,
      %swap3A_1559 = arith.constant 6224 : index
      %swap3A_1560 = tpu.vector_load %arg8[%swap3A_1559] {strides = array<i32>} : memref<8192xf32, #tpu.memory_space<vmem>>, vector<16xf32>,
      %swap3A_1561 = vector.shape_cast %swap3A_1560 : vector<16xf32> to vector<16xf32>
      %swap3A_1562 = vector.shape_cast %broadcast_in_dim3A_3 : vector<16xf32> to vector<16xf32>
      tpu.vector_store %arg8[%swap3A_1559], %swap3A_1562 {strides = array<i32>} : memref<8192xf32, #tpu.memory_space<vmem>>, vector<16xf32>,
      %swap3A_1563 = arith.constant 6240 : index
      %swap3A_1564 = tpu.vector_load %arg8[%swap3A_1563] {strides = array<i32>} : memref<8192xf32, #tpu.memory_space<vmem>>, vector<16xf32>,
      %swap3A_1565 = vector.shape_cast %swap3A_1564 : vector<16xf32> to vector<16xf32>
      %swap3A_1566 = vector.shape_cast %broadcast_in_dim3A_3 : vector<16xf32> to vector<16xf32>
      tpu.vector_store %arg8[%swap3A_1563], %swap3A_1566 {strides = array<i32>} : memref<8192xf32, #tpu.memory_space<vmem>>, vector<16xf32>,
      %swap3A_1567 = arith.constant 6256 : index
      %swap3A_1568 = tpu.vector_load %arg8[%swap3A_1567] {strides = array<i32>} : memref<8192xf32, #tpu.memory_space<vmem>>, vector<16xf32>,
      %swap3A_1569 = vector.shape_cast %swap3A_1568 : vector<16xf32> to vector<16xf32>
      %swap3A_1570 = vector.shape_cast %broadcast_in_dim3A_3 : vector<16xf32> to vector<16xf32>
      tpu.vector_store %arg8[%swap3A_1567], %swap3A_1570 {strides = array<i32>} : memref<8192xf32, #tpu.memory_space<vmem>>, vector<16xf32>,
      %swap3A_1571 = arith.constant 6272 : index
      %swap3A_1572 = tpu.vector_load %arg8[%swap3A_1571] {strides = array<i32>} : memref<8192xf32, #tpu.memory_space<vmem>>, vector<16xf32>,
      %swap3A_1573 = vector.shape_cast %swap3A_1572 : vector<16xf32> to vector<16xf32>
      %swap3A_1574 = vector.shape_cast %broadcast_in_dim3A_3 : vector<16xf32> to vector<16xf32>
      tpu.vector_store %arg8[%swap3A_1571], %swap3A_1574 {strides = array<i32>} : memref<8192xf32, #tpu.memory_space<vmem>>, vector<16xf32>,
      %swap3A_1575 = arith.constant 6288 : index
      %swap3A_1576 = tpu.vector_load %arg8[%swap3A_1575] {strides = array<i32>} : memref<8192xf32, #tpu.memory_space<vmem>>, vector<16xf32>,
      %swap3A_1577 = vector.shape_cast %swap3A_1576 : vector<16xf32> to vector<16xf32>
      %swap3A_1578 = vector.shape_cast %broadcast_in_dim3A_3 : vector<16xf32> to vector<16xf32>
      tpu.vector_store %arg8[%swap3A_1575], %swap3A_1578 {strides = array<i32>} : memref<8192xf32, #tpu.memory_space<vmem>>, vector<16xf32>,
      %swap3A_1579 = arith.constant 6304 : index
      %swap3A_1580 = tpu.vector_load %arg8[%swap3A_1579] {strides = array<i32>} : memref<8192xf32, #tpu.memory_space<vmem>>, vector<16xf32>,
      %swap3A_1581 = vector.shape_cast %swap3A_1580 : vector<16xf32> to vector<16xf32>
      %swap3A_1582 = vector.shape_cast %broadcast_in_dim3A_3 : vector<16xf32> to vector<16xf32>
      tpu.vector_store %arg8[%swap3A_1579], %swap3A_1582 {strides = array<i32>} : memref<8192xf32, #tpu.memory_space<vmem>>, vector<16xf32>,
      %swap3A_1583 = arith.constant 6320 : index
      %swap3A_1584 = tpu.vector_load %arg8[%swap3A_1583] {strides = array<i32>} : memref<8192xf32, #tpu.memory_space<vmem>>, vector<16xf32>,
      %swap3A_1585 = vector.shape_cast %swap3A_1584 : vector<16xf32> to vector<16xf32>
      %swap3A_1586 = vector.shape_cast %broadcast_in_dim3A_3 : vector<16xf32> to vector<16xf32>
      tpu.vector_store %arg8[%swap3A_1583], %swap3A_1586 {strides = array<i32>} : memref<8192xf32, #tpu.memory_space<vmem>>, vector<16xf32>,
      %swap3A_1587 = arith.constant 6336 : index
      %swap3A_1588 = tpu.vector_load %arg8[%swap3A_1587] {strides = array<i32>} : memref<8192xf32, #tpu.memory_space<vmem>>, vector<16xf32>,
      %swap3A_1589 = vector.shape_cast %swap3A_1588 : vector<16xf32> to vector<16xf32>
      %swap3A_1590 = vector.shape_cast %broadcast_in_dim3A_3 : vector<16xf32> to vector<16xf32>
      tpu.vector_store %arg8[%swap3A_1587], %swap3A_1590 {strides = array<i32>} : memref<8192xf32, #tpu.memory_space<vmem>>, vector<16xf32>,
      %swap3A_1591 = arith.constant 6352 : index
      %swap3A_1592 = tpu.vector_load %arg8[%swap3A_1591] {strides = array<i32>} : memref<8192xf32, #tpu.memory_space<vmem>>, vector<16xf32>,
      %swap3A_1593 = vector.shape_cast %swap3A_1592 : vector<16xf32> to vector<16xf32>
      %swap3A_1594 = vector.shape_cast %broadcast_in_dim3A_3 : vector<16xf32> to vector<16xf32>
      tpu.vector_store %arg8[%swap3A_1591], %swap3A_1594 {strides = array<i32>} : memref<8192xf32, #tpu.memory_space<vmem>>, vector<16xf32>,
      %swap3A_1595 = arith.constant 6368 : index
      %swap3A_1596 = tpu.vector_load %arg8[%swap3A_1595] {strides = array<i32>} : memref<8192xf32, #tpu.memory_space<vmem>>, vector<16xf32>,
      %swap3A_1597 = vector.shape_cast %swap3A_1596 : vector<16xf32> to vector<16xf32>
      %swap3A_1598 = vector.shape_cast %broadcast_in_dim3A_3 : vector<16xf32> to vector<16xf32>
      tpu.vector_store %arg8[%swap3A_1595], %swap3A_1598 {strides = array<i32>} : memref<8192xf32, #tpu.memory_space<vmem>>, vector<16xf32>,
      %swap3A_1599 = arith.constant 6384 : index
      %swap3A_1600 = tpu.vector_load %arg8[%swap3A_1599] {strides = array<i32>} : memref<8192xf32, #tpu.memory_space<vmem>>, vector<16xf32>,
      %swap3A_1601 = vector.shape_cast %swap3A_1600 : vector<16xf32> to vector<16xf32>
      %swap3A_1602 = vector.shape_cast %broadcast_in_dim3A_3 : vector<16xf32> to vector<16xf32>
      tpu.vector_store %arg8[%swap3A_1599], %swap3A_1602 {strides = array<i32>} : memref<8192xf32, #tpu.memory_space<vmem>>, vector<16xf32>,
      %swap3A_1603 = arith.constant 6400 : index
      %swap3A_1604 = tpu.vector_load %arg8[%swap3A_1603] {strides = array<i32>} : memref<8192xf32, #tpu.memory_space<vmem>>, vector<16xf32>,
      %swap3A_1605 = vector.shape_cast %swap3A_1604 : vector<16xf32> to vector<16xf32>
      %swap3A_1606 = vector.shape_cast %broadcast_in_dim3A_3 : vector<16xf32> to vector<16xf32>
      tpu.vector_store %arg8[%swap3A_1603], %swap3A_1606 {strides = array<i32>} : memref<8192xf32, #tpu.memory_space<vmem>>, vector<16xf32>,
      %swap3A_1607 = arith.constant 6416 : index
      %swap3A_1608 = tpu.vector_load %arg8[%swap3A_1607] {strides = array<i32>} : memref<8192xf32, #tpu.memory_space<vmem>>, vector<16xf32>,
      %swap3A_1609 = vector.shape_cast %swap3A_1608 : vector<16xf32> to vector<16xf32>
      %swap3A_1610 = vector.shape_cast %broadcast_in_dim3A_3 : vector<16xf32> to vector<16xf32>
      tpu.vector_store %arg8[%swap3A_1607], %swap3A_1610 {strides = array<i32>} : memref<8192xf32, #tpu.memory_space<vmem>>, vector<16xf32>,
      %swap3A_1611 = arith.constant 6432 : index
      %swap3A_1612 = tpu.vector_load %arg8[%swap3A_1611] {strides = array<i32>} : memref<8192xf32, #tpu.memory_space<vmem>>, vector<16xf32>,
      %swap3A_1613 = vector.shape_cast %swap3A_1612 : vector<16xf32> to vector<16xf32>
      %swap3A_1614 = vector.shape_cast %broadcast_in_dim3A_3 : vector<16xf32> to vector<16xf32>
      tpu.vector_store %arg8[%swap3A_1611], %swap3A_1614 {strides = array<i32>} : memref<8192xf32, #tpu.memory_space<vmem>>, vector<16xf32>,
      %swap3A_1615 = arith.constant 6448 : index
      %swap3A_1616 = tpu.vector_load %arg8[%swap3A_1615] {strides = array<i32>} : memref<8192xf32, #tpu.memory_space<vmem>>, vector<16xf32>,
      %swap3A_1617 = vector.shape_cast %swap3A_1616 : vector<16xf32> to vector<16xf32>
      %swap3A_1618 = vector.shape_cast %broadcast_in_dim3A_3 : vector<16xf32> to vector<16xf32>
      tpu.vector_store %arg8[%swap3A_1615], %swap3A_1618 {strides = array<i32>} : memref<8192xf32, #tpu.memory_space<vmem>>, vector<16xf32>,
      %swap3A_1619 = arith.constant 6464 : index
      %swap3A_1620 = tpu.vector_load %arg8[%swap3A_1619] {strides = array<i32>} : memref<8192xf32, #tpu.memory_space<vmem>>, vector<16xf32>,
      %swap3A_1621 = vector.shape_cast %swap3A_1620 : vector<16xf32> to vector<16xf32>
      %swap3A_1622 = vector.shape_cast %broadcast_in_dim3A_3 : vector<16xf32> to vector<16xf32>
      tpu.vector_store %arg8[%swap3A_1619], %swap3A_1622 {strides = array<i32>} : memref<8192xf32, #tpu.memory_space<vmem>>, vector<16xf32>,
      %swap3A_1623 = arith.constant 6480 : index
      %swap3A_1624 = tpu.vector_load %arg8[%swap3A_1623] {strides = array<i32>} : memref<8192xf32, #tpu.memory_space<vmem>>, vector<16xf32>,
      %swap3A_1625 = vector.shape_cast %swap3A_1624 : vector<16xf32> to vector<16xf32>
      %swap3A_1626 = vector.shape_cast %broadcast_in_dim3A_3 : vector<16xf32> to vector<16xf32>
      tpu.vector_store %arg8[%swap3A_1623], %swap3A_1626 {strides = array<i32>} : memref<8192xf32, #tpu.memory_space<vmem>>, vector<16xf32>,
      %swap3A_1627 = arith.constant 6496 : index
      %swap3A_1628 = tpu.vector_load %arg8[%swap3A_1627] {strides = array<i32>} : memref<8192xf32, #tpu.memory_space<vmem>>, vector<16xf32>,
      %swap3A_1629 = vector.shape_cast %swap3A_1628 : vector<16xf32> to vector<16xf32>
      %swap3A_1630 = vector.shape_cast %broadcast_in_dim3A_3 : vector<16xf32> to vector<16xf32>
      tpu.vector_store %arg8[%swap3A_1627], %swap3A_1630 {strides = array<i32>} : memref<8192xf32, #tpu.memory_space<vmem>>, vector<16xf32>,
      %swap3A_1631 = arith.constant 6512 : index
      %swap3A_1632 = tpu.vector_load %arg8[%swap3A_1631] {strides = array<i32>} : memref<8192xf32, #tpu.memory_space<vmem>>, vector<16xf32>,
      %swap3A_1633 = vector.shape_cast %swap3A_1632 : vector<16xf32> to vector<16xf32>
      %swap3A_1634 = vector.shape_cast %broadcast_in_dim3A_3 : vector<16xf32> to vector<16xf32>
      tpu.vector_store %arg8[%swap3A_1631], %swap3A_1634 {strides = array<i32>} : memref<8192xf32, #tpu.memory_space<vmem>>, vector<16xf32>,
      %swap3A_1635 = arith.constant 6528 : index
      %swap3A_1636 = tpu.vector_load %arg8[%swap3A_1635] {strides = array<i32>} : memref<8192xf32, #tpu.memory_space<vmem>>, vector<16xf32>,
      %swap3A_1637 = vector.shape_cast %swap3A_1636 : vector<16xf32> to vector<16xf32>
      %swap3A_1638 = vector.shape_cast %broadcast_in_dim3A_3 : vector<16xf32> to vector<16xf32>
      tpu.vector_store %arg8[%swap3A_1635], %swap3A_1638 {strides = array<i32>} : memref<8192xf32, #tpu.memory_space<vmem>>, vector<16xf32>,
      %swap3A_1639 = arith.constant 6544 : index
      %swap3A_1640 = tpu.vector_load %arg8[%swap3A_1639] {strides = array<i32>} : memref<8192xf32, #tpu.memory_space<vmem>>, vector<16xf32>,
      %swap3A_1641 = vector.shape_cast %swap3A_1640 : vector<16xf32> to vector<16xf32>
      %swap3A_1642 = vector.shape_cast %broadcast_in_dim3A_3 : vector<16xf32> to vector<16xf32>
      tpu.vector_store %arg8[%swap3A_1639], %swap3A_1642 {strides = array<i32>} : memref<8192xf32, #tpu.memory_space<vmem>>, vector<16xf32>,
      %swap3A_1643 = arith.constant 6560 : index
      %swap3A_1644 = tpu.vector_load %arg8[%swap3A_1643] {strides = array<i32>} : memref<8192xf32, #tpu.memory_space<vmem>>, vector<16xf32>,
      %swap3A_1645 = vector.shape_cast %swap3A_1644 : vector<16xf32> to vector<16xf32>
      %swap3A_1646 = vector.shape_cast %broadcast_in_dim3A_3 : vector<16xf32> to vector<16xf32>
      tpu.vector_store %arg8[%swap3A_1643], %swap3A_1646 {strides = array<i32>} : memref<8192xf32, #tpu.memory_space<vmem>>, vector<16xf32>,
      %swap3A_1647 = arith.constant 6576 : index
      %swap3A_1648 = tpu.vector_load %arg8[%swap3A_1647] {strides = array<i32>} : memref<8192xf32, #tpu.memory_space<vmem>>, vector<16xf32>,
      %swap3A_1649 = vector.shape_cast %swap3A_1648 : vector<16xf32> to vector<16xf32>
      %swap3A_1650 = vector.shape_cast %broadcast_in_dim3A_3 : vector<16xf32> to vector<16xf32>
      tpu.vector_store %arg8[%swap3A_1647], %swap3A_1650 {strides = array<i32>} : memref<8192xf32, #tpu.memory_space<vmem>>, vector<16xf32>,
      %swap3A_1651 = arith.constant 6592 : index
      %swap3A_1652 = tpu.vector_load %arg8[%swap3A_1651] {strides = array<i32>} : memref<8192xf32, #tpu.memory_space<vmem>>, vector<16xf32>,
      %swap3A_1653 = vector.shape_cast %swap3A_1652 : vector<16xf32> to vector<16xf32>
      %swap3A_1654 = vector.shape_cast %broadcast_in_dim3A_3 : vector<16xf32> to vector<16xf32>
      tpu.vector_store %arg8[%swap3A_1651], %swap3A_1654 {strides = array<i32>} : memref<8192xf32, #tpu.memory_space<vmem>>, vector<16xf32>,
      %swap3A_1655 = arith.constant 6608 : index
      %swap3A_1656 = tpu.vector_load %arg8[%swap3A_1655] {strides = array<i32>} : memref<8192xf32, #tpu.memory_space<vmem>>, vector<16xf32>,
      %swap3A_1657 = vector.shape_cast %swap3A_1656 : vector<16xf32> to vector<16xf32>
      %swap3A_1658 = vector.shape_cast %broadcast_in_dim3A_3 : vector<16xf32> to vector<16xf32>
      tpu.vector_store %arg8[%swap3A_1655], %swap3A_1658 {strides = array<i32>} : memref<8192xf32, #tpu.memory_space<vmem>>, vector<16xf32>,
      %swap3A_1659 = arith.constant 6624 : index
      %swap3A_1660 = tpu.vector_load %arg8[%swap3A_1659] {strides = array<i32>} : memref<8192xf32, #tpu.memory_space<vmem>>, vector<16xf32>,
      %swap3A_1661 = vector.shape_cast %swap3A_1660 : vector<16xf32> to vector<16xf32>
      %swap3A_1662 = vector.shape_cast %broadcast_in_dim3A_3 : vector<16xf32> to vector<16xf32>
      tpu.vector_store %arg8[%swap3A_1659], %swap3A_1662 {strides = array<i32>} : memref<8192xf32, #tpu.memory_space<vmem>>, vector<16xf32>,
      %swap3A_1663 = arith.constant 6640 : index
      %swap3A_1664 = tpu.vector_load %arg8[%swap3A_1663] {strides = array<i32>} : memref<8192xf32, #tpu.memory_space<vmem>>, vector<16xf32>,
      %swap3A_1665 = vector.shape_cast %swap3A_1664 : vector<16xf32> to vector<16xf32>
      %swap3A_1666 = vector.shape_cast %broadcast_in_dim3A_3 : vector<16xf32> to vector<16xf32>
      tpu.vector_store %arg8[%swap3A_1663], %swap3A_1666 {strides = array<i32>} : memref<8192xf32, #tpu.memory_space<vmem>>, vector<16xf32>,
      %swap3A_1667 = arith.constant 6656 : index
      %swap3A_1668 = tpu.vector_load %arg8[%swap3A_1667] {strides = array<i32>} : memref<8192xf32, #tpu.memory_space<vmem>>, vector<16xf32>,
      %swap3A_1669 = vector.shape_cast %swap3A_1668 : vector<16xf32> to vector<16xf32>
      %swap3A_1670 = vector.shape_cast %broadcast_in_dim3A_3 : vector<16xf32> to vector<16xf32>
      tpu.vector_store %arg8[%swap3A_1667], %swap3A_1670 {strides = array<i32>} : memref<8192xf32, #tpu.memory_space<vmem>>, vector<16xf32>,
      %swap3A_1671 = arith.constant 6672 : index
      %swap3A_1672 = tpu.vector_load %arg8[%swap3A_1671] {strides = array<i32>} : memref<8192xf32, #tpu.memory_space<vmem>>, vector<16xf32>,
      %swap3A_1673 = vector.shape_cast %swap3A_1672 : vector<16xf32> to vector<16xf32>
      %swap3A_1674 = vector.shape_cast %broadcast_in_dim3A_3 : vector<16xf32> to vector<16xf32>
      tpu.vector_store %arg8[%swap3A_1671], %swap3A_1674 {strides = array<i32>} : memref<8192xf32, #tpu.memory_space<vmem>>, vector<16xf32>,
      %swap3A_1675 = arith.constant 6688 : index
      %swap3A_1676 = tpu.vector_load %arg8[%swap3A_1675] {strides = array<i32>} : memref<8192xf32, #tpu.memory_space<vmem>>, vector<16xf32>,
      %swap3A_1677 = vector.shape_cast %swap3A_1676 : vector<16xf32> to vector<16xf32>
      %swap3A_1678 = vector.shape_cast %broadcast_in_dim3A_3 : vector<16xf32> to vector<16xf32>
      tpu.vector_store %arg8[%swap3A_1675], %swap3A_1678 {strides = array<i32>} : memref<8192xf32, #tpu.memory_space<vmem>>, vector<16xf32>,
      %swap3A_1679 = arith.constant 6704 : index
      %swap3A_1680 = tpu.vector_load %arg8[%swap3A_1679] {strides = array<i32>} : memref<8192xf32, #tpu.memory_space<vmem>>, vector<16xf32>,
      %swap3A_1681 = vector.shape_cast %swap3A_1680 : vector<16xf32> to vector<16xf32>
      %swap3A_1682 = vector.shape_cast %broadcast_in_dim3A_3 : vector<16xf32> to vector<16xf32>
      tpu.vector_store %arg8[%swap3A_1679], %swap3A_1682 {strides = array<i32>} : memref<8192xf32, #tpu.memory_space<vmem>>, vector<16xf32>,
      %swap3A_1683 = arith.constant 6720 : index
      %swap3A_1684 = tpu.vector_load %arg8[%swap3A_1683] {strides = array<i32>} : memref<8192xf32, #tpu.memory_space<vmem>>, vector<16xf32>,
      %swap3A_1685 = vector.shape_cast %swap3A_1684 : vector<16xf32> to vector<16xf32>
      %swap3A_1686 = vector.shape_cast %broadcast_in_dim3A_3 : vector<16xf32> to vector<16xf32>
      tpu.vector_store %arg8[%swap3A_1683], %swap3A_1686 {strides = array<i32>} : memref<8192xf32, #tpu.memory_space<vmem>>, vector<16xf32>,
      %swap3A_1687 = arith.constant 6736 : index
      %swap3A_1688 = tpu.vector_load %arg8[%swap3A_1687] {strides = array<i32>} : memref<8192xf32, #tpu.memory_space<vmem>>, vector<16xf32>,
      %swap3A_1689 = vector.shape_cast %swap3A_1688 : vector<16xf32> to vector<16xf32>
      %swap3A_1690 = vector.shape_cast %broadcast_in_dim3A_3 : vector<16xf32> to vector<16xf32>
      tpu.vector_store %arg8[%swap3A_1687], %swap3A_1690 {strides = array<i32>} : memref<8192xf32, #tpu.memory_space<vmem>>, vector<16xf32>,
      %swap3A_1691 = arith.constant 6752 : index
      %swap3A_1692 = tpu.vector_load %arg8[%swap3A_1691] {strides = array<i32>} : memref<8192xf32, #tpu.memory_space<vmem>>, vector<16xf32>,
      %swap3A_1693 = vector.shape_cast %swap3A_1692 : vector<16xf32> to vector<16xf32>
      %swap3A_1694 = vector.shape_cast %broadcast_in_dim3A_3 : vector<16xf32> to vector<16xf32>
      tpu.vector_store %arg8[%swap3A_1691], %swap3A_1694 {strides = array<i32>} : memref<8192xf32, #tpu.memory_space<vmem>>, vector<16xf32>,
      %swap3A_1695 = arith.constant 6768 : index
      %swap3A_1696 = tpu.vector_load %arg8[%swap3A_1695] {strides = array<i32>} : memref<8192xf32, #tpu.memory_space<vmem>>, vector<16xf32>,
      %swap3A_1697 = vector.shape_cast %swap3A_1696 : vector<16xf32> to vector<16xf32>
      %swap3A_1698 = vector.shape_cast %broadcast_in_dim3A_3 : vector<16xf32> to vector<16xf32>
      tpu.vector_store %arg8[%swap3A_1695], %swap3A_1698 {strides = array<i32>} : memref<8192xf32, #tpu.memory_space<vmem>>, vector<16xf32>,
      %swap3A_1699 = arith.constant 6784 : index
      %swap3A_1700 = tpu.vector_load %arg8[%swap3A_1699] {strides = array<i32>} : memref<8192xf32, #tpu.memory_space<vmem>>, vector<16xf32>,
      %swap3A_1701 = vector.shape_cast %swap3A_1700 : vector<16xf32> to vector<16xf32>
      %swap3A_1702 = vector.shape_cast %broadcast_in_dim3A_3 : vector<16xf32> to vector<16xf32>
      tpu.vector_store %arg8[%swap3A_1699], %swap3A_1702 {strides = array<i32>} : memref<8192xf32, #tpu.memory_space<vmem>>, vector<16xf32>,
      %swap3A_1703 = arith.constant 6800 : index
      %swap3A_1704 = tpu.vector_load %arg8[%swap3A_1703] {strides = array<i32>} : memref<8192xf32, #tpu.memory_space<vmem>>, vector<16xf32>,
      %swap3A_1705 = vector.shape_cast %swap3A_1704 : vector<16xf32> to vector<16xf32>
      %swap3A_1706 = vector.shape_cast %broadcast_in_dim3A_3 : vector<16xf32> to vector<16xf32>
      tpu.vector_store %arg8[%swap3A_1703], %swap3A_1706 {strides = array<i32>} : memref<8192xf32, #tpu.memory_space<vmem>>, vector<16xf32>,
      %swap3A_1707 = arith.constant 6816 : index
      %swap3A_1708 = tpu.vector_load %arg8[%swap3A_1707] {strides = array<i32>} : memref<8192xf32, #tpu.memory_space<vmem>>, vector<16xf32>,
      %swap3A_1709 = vector.shape_cast %swap3A_1708 : vector<16xf32> to vector<16xf32>
      %swap3A_1710 = vector.shape_cast %broadcast_in_dim3A_3 : vector<16xf32> to vector<16xf32>
      tpu.vector_store %arg8[%swap3A_1707], %swap3A_1710 {strides = array<i32>} : memref<8192xf32, #tpu.memory_space<vmem>>, vector<16xf32>,
      %swap3A_1711 = arith.constant 6832 : index
      %swap3A_1712 = tpu.vector_load %arg8[%swap3A_1711] {strides = array<i32>} : memref<8192xf32, #tpu.memory_space<vmem>>, vector<16xf32>,
      %swap3A_1713 = vector.shape_cast %swap3A_1712 : vector<16xf32> to vector<16xf32>
      %swap3A_1714 = vector.shape_cast %broadcast_in_dim3A_3 : vector<16xf32> to vector<16xf32>
      tpu.vector_store %arg8[%swap3A_1711], %swap3A_1714 {strides = array<i32>} : memref<8192xf32, #tpu.memory_space<vmem>>, vector<16xf32>,
      %swap3A_1715 = arith.constant 6848 : index
      %swap3A_1716 = tpu.vector_load %arg8[%swap3A_1715] {strides = array<i32>} : memref<8192xf32, #tpu.memory_space<vmem>>, vector<16xf32>,
      %swap3A_1717 = vector.shape_cast %swap3A_1716 : vector<16xf32> to vector<16xf32>
      %swap3A_1718 = vector.shape_cast %broadcast_in_dim3A_3 : vector<16xf32> to vector<16xf32>
      tpu.vector_store %arg8[%swap3A_1715], %swap3A_1718 {strides = array<i32>} : memref<8192xf32, #tpu.memory_space<vmem>>, vector<16xf32>,
      %swap3A_1719 = arith.constant 6864 : index
      %swap3A_1720 = tpu.vector_load %arg8[%swap3A_1719] {strides = array<i32>} : memref<8192xf32, #tpu.memory_space<vmem>>, vector<16xf32>,
      %swap3A_1721 = vector.shape_cast %swap3A_1720 : vector<16xf32> to vector<16xf32>
      %swap3A_1722 = vector.shape_cast %broadcast_in_dim3A_3 : vector<16xf32> to vector<16xf32>
      tpu.vector_store %arg8[%swap3A_1719], %swap3A_1722 {strides = array<i32>} : memref<8192xf32, #tpu.memory_space<vmem>>, vector<16xf32>,
      %swap3A_1723 = arith.constant 6880 : index
      %swap3A_1724 = tpu.vector_load %arg8[%swap3A_1723] {strides = array<i32>} : memref<8192xf32, #tpu.memory_space<vmem>>, vector<16xf32>,
      %swap3A_1725 = vector.shape_cast %swap3A_1724 : vector<16xf32> to vector<16xf32>
      %swap3A_1726 = vector.shape_cast %broadcast_in_dim3A_3 : vector<16xf32> to vector<16xf32>
      tpu.vector_store %arg8[%swap3A_1723], %swap3A_1726 {strides = array<i32>} : memref<8192xf32, #tpu.memory_space<vmem>>, vector<16xf32>,
      %swap3A_1727 = arith.constant 6896 : index
      %swap3A_1728 = tpu.vector_load %arg8[%swap3A_1727] {strides = array<i32>} : memref<8192xf32, #tpu.memory_space<vmem>>, vector<16xf32>,
      %swap3A_1729 = vector.shape_cast %swap3A_1728 : vector<16xf32> to vector<16xf32>
      %swap3A_1730 = vector.shape_cast %broadcast_in_dim3A_3 : vector<16xf32> to vector<16xf32>
      tpu.vector_store %arg8[%swap3A_1727], %swap3A_1730 {strides = array<i32>} : memref<8192xf32, #tpu.memory_space<vmem>>, vector<16xf32>,
      %swap3A_1731 = arith.constant 6912 : index
      %swap3A_1732 = tpu.vector_load %arg8[%swap3A_1731] {strides = array<i32>} : memref<8192xf32, #tpu.memory_space<vmem>>, vector<16xf32>,
      %swap3A_1733 = vector.shape_cast %swap3A_1732 : vector<16xf32> to vector<16xf32>
      %swap3A_1734 = vector.shape_cast %broadcast_in_dim3A_3 : vector<16xf32> to vector<16xf32>
      tpu.vector_store %arg8[%swap3A_1731], %swap3A_1734 {strides = array<i32>} : memref<8192xf32, #tpu.memory_space<vmem>>, vector<16xf32>,
      %swap3A_1735 = arith.constant 6928 : index
      %swap3A_1736 = tpu.vector_load %arg8[%swap3A_1735] {strides = array<i32>} : memref<8192xf32, #tpu.memory_space<vmem>>, vector<16xf32>,
      %swap3A_1737 = vector.shape_cast %swap3A_1736 : vector<16xf32> to vector<16xf32>
      %swap3A_1738 = vector.shape_cast %broadcast_in_dim3A_3 : vector<16xf32> to vector<16xf32>
      tpu.vector_store %arg8[%swap3A_1735], %swap3A_1738 {strides = array<i32>} : memref<8192xf32, #tpu.memory_space<vmem>>, vector<16xf32>,
      %swap3A_1739 = arith.constant 6944 : index
      %swap3A_1740 = tpu.vector_load %arg8[%swap3A_1739] {strides = array<i32>} : memref<8192xf32, #tpu.memory_space<vmem>>, vector<16xf32>,
      %swap3A_1741 = vector.shape_cast %swap3A_1740 : vector<16xf32> to vector<16xf32>
      %swap3A_1742 = vector.shape_cast %broadcast_in_dim3A_3 : vector<16xf32> to vector<16xf32>
      tpu.vector_store %arg8[%swap3A_1739], %swap3A_1742 {strides = array<i32>} : memref<8192xf32, #tpu.memory_space<vmem>>, vector<16xf32>,
      %swap3A_1743 = arith.constant 6960 : index
      %swap3A_1744 = tpu.vector_load %arg8[%swap3A_1743] {strides = array<i32>} : memref<8192xf32, #tpu.memory_space<vmem>>, vector<16xf32>,
      %swap3A_1745 = vector.shape_cast %swap3A_1744 : vector<16xf32> to vector<16xf32>
      %swap3A_1746 = vector.shape_cast %broadcast_in_dim3A_3 : vector<16xf32> to vector<16xf32>
      tpu.vector_store %arg8[%swap3A_1743], %swap3A_1746 {strides = array<i32>} : memref<8192xf32, #tpu.memory_space<vmem>>, vector<16xf32>,
      %swap3A_1747 = arith.constant 6976 : index
      %swap3A_1748 = tpu.vector_load %arg8[%swap3A_1747] {strides = array<i32>} : memref<8192xf32, #tpu.memory_space<vmem>>, vector<16xf32>,
      %swap3A_1749 = vector.shape_cast %swap3A_1748 : vector<16xf32> to vector<16xf32>
      %swap3A_1750 = vector.shape_cast %broadcast_in_dim3A_3 : vector<16xf32> to vector<16xf32>
      tpu.vector_store %arg8[%swap3A_1747], %swap3A_1750 {strides = array<i32>} : memref<8192xf32, #tpu.memory_space<vmem>>, vector<16xf32>,
      %swap3A_1751 = arith.constant 6992 : index
      %swap3A_1752 = tpu.vector_load %arg8[%swap3A_1751] {strides = array<i32>} : memref<8192xf32, #tpu.memory_space<vmem>>, vector<16xf32>,
      %swap3A_1753 = vector.shape_cast %swap3A_1752 : vector<16xf32> to vector<16xf32>
      %swap3A_1754 = vector.shape_cast %broadcast_in_dim3A_3 : vector<16xf32> to vector<16xf32>
      tpu.vector_store %arg8[%swap3A_1751], %swap3A_1754 {strides = array<i32>} : memref<8192xf32, #tpu.memory_space<vmem>>, vector<16xf32>,
      %swap3A_1755 = arith.constant 7008 : index
      %swap3A_1756 = tpu.vector_load %arg8[%swap3A_1755] {strides = array<i32>} : memref<8192xf32, #tpu.memory_space<vmem>>, vector<16xf32>,
      %swap3A_1757 = vector.shape_cast %swap3A_1756 : vector<16xf32> to vector<16xf32>
      %swap3A_1758 = vector.shape_cast %broadcast_in_dim3A_3 : vector<16xf32> to vector<16xf32>
      tpu.vector_store %arg8[%swap3A_1755], %swap3A_1758 {strides = array<i32>} : memref<8192xf32, #tpu.memory_space<vmem>>, vector<16xf32>,
      %swap3A_1759 = arith.constant 7024 : index
      %swap3A_1760 = tpu.vector_load %arg8[%swap3A_1759] {strides = array<i32>} : memref<8192xf32, #tpu.memory_space<vmem>>, vector<16xf32>,
      %swap3A_1761 = vector.shape_cast %swap3A_1760 : vector<16xf32> to vector<16xf32>
      %swap3A_1762 = vector.shape_cast %broadcast_in_dim3A_3 : vector<16xf32> to vector<16xf32>
      tpu.vector_store %arg8[%swap3A_1759], %swap3A_1762 {strides = array<i32>} : memref<8192xf32, #tpu.memory_space<vmem>>, vector<16xf32>,
      %swap3A_1763 = arith.constant 7040 : index
      %swap3A_1764 = tpu.vector_load %arg8[%swap3A_1763] {strides = array<i32>} : memref<8192xf32, #tpu.memory_space<vmem>>, vector<16xf32>,
      %swap3A_1765 = vector.shape_cast %swap3A_1764 : vector<16xf32> to vector<16xf32>
      %swap3A_1766 = vector.shape_cast %broadcast_in_dim3A_3 : vector<16xf32> to vector<16xf32>
      tpu.vector_store %arg8[%swap3A_1763], %swap3A_1766 {strides = array<i32>} : memref<8192xf32, #tpu.memory_space<vmem>>, vector<16xf32>,
      %swap3A_1767 = arith.constant 7056 : index
      %swap3A_1768 = tpu.vector_load %arg8[%swap3A_1767] {strides = array<i32>} : memref<8192xf32, #tpu.memory_space<vmem>>, vector<16xf32>,
      %swap3A_1769 = vector.shape_cast %swap3A_1768 : vector<16xf32> to vector<16xf32>
      %swap3A_1770 = vector.shape_cast %broadcast_in_dim3A_3 : vector<16xf32> to vector<16xf32>
      tpu.vector_store %arg8[%swap3A_1767], %swap3A_1770 {strides = array<i32>} : memref<8192xf32, #tpu.memory_space<vmem>>, vector<16xf32>,
      %swap3A_1771 = arith.constant 7072 : index
      %swap3A_1772 = tpu.vector_load %arg8[%swap3A_1771] {strides = array<i32>} : memref<8192xf32, #tpu.memory_space<vmem>>, vector<16xf32>,
      %swap3A_1773 = vector.shape_cast %swap3A_1772 : vector<16xf32> to vector<16xf32>
      %swap3A_1774 = vector.shape_cast %broadcast_in_dim3A_3 : vector<16xf32> to vector<16xf32>
      tpu.vector_store %arg8[%swap3A_1771], %swap3A_1774 {strides = array<i32>} : memref<8192xf32, #tpu.memory_space<vmem>>, vector<16xf32>,
      %swap3A_1775 = arith.constant 7088 : index
      %swap3A_1776 = tpu.vector_load %arg8[%swap3A_1775] {strides = array<i32>} : memref<8192xf32, #tpu.memory_space<vmem>>, vector<16xf32>,
      %swap3A_1777 = vector.shape_cast %swap3A_1776 : vector<16xf32> to vector<16xf32>
      %swap3A_1778 = vector.shape_cast %broadcast_in_dim3A_3 : vector<16xf32> to vector<16xf32>
      tpu.vector_store %arg8[%swap3A_1775], %swap3A_1778 {strides = array<i32>} : memref<8192xf32, #tpu.memory_space<vmem>>, vector<16xf32>,
      %swap3A_1779 = arith.constant 7104 : index
      %swap3A_1780 = tpu.vector_load %arg8[%swap3A_1779] {strides = array<i32>} : memref<8192xf32, #tpu.memory_space<vmem>>, vector<16xf32>,
      %swap3A_1781 = vector.shape_cast %swap3A_1780 : vector<16xf32> to vector<16xf32>
      %swap3A_1782 = vector.shape_cast %broadcast_in_dim3A_3 : vector<16xf32> to vector<16xf32>
      tpu.vector_store %arg8[%swap3A_1779], %swap3A_1782 {strides = array<i32>} : memref<8192xf32, #tpu.memory_space<vmem>>, vector<16xf32>,
      %swap3A_1783 = arith.constant 7120 : index
      %swap3A_1784 = tpu.vector_load %arg8[%swap3A_1783] {strides = array<i32>} : memref<8192xf32, #tpu.memory_space<vmem>>, vector<16xf32>,
      %swap3A_1785 = vector.shape_cast %swap3A_1784 : vector<16xf32> to vector<16xf32>
      %swap3A_1786 = vector.shape_cast %broadcast_in_dim3A_3 : vector<16xf32> to vector<16xf32>
      tpu.vector_store %arg8[%swap3A_1783], %swap3A_1786 {strides = array<i32>} : memref<8192xf32, #tpu.memory_space<vmem>>, vector<16xf32>,
      %swap3A_1787 = arith.constant 7136 : index
      %swap3A_1788 = tpu.vector_load %arg8[%swap3A_1787] {strides = array<i32>} : memref<8192xf32, #tpu.memory_space<vmem>>, vector<16xf32>,
      %swap3A_1789 = vector.shape_cast %swap3A_1788 : vector<16xf32> to vector<16xf32>
      %swap3A_1790 = vector.shape_cast %broadcast_in_dim3A_3 : vector<16xf32> to vector<16xf32>
      tpu.vector_store %arg8[%swap3A_1787], %swap3A_1790 {strides = array<i32>} : memref<8192xf32, #tpu.memory_space<vmem>>, vector<16xf32>,
      %swap3A_1791 = arith.constant 7152 : index
      %swap3A_1792 = tpu.vector_load %arg8[%swap3A_1791] {strides = array<i32>} : memref<8192xf32, #tpu.memory_space<vmem>>, vector<16xf32>,
      %swap3A_1793 = vector.shape_cast %swap3A_1792 : vector<16xf32> to vector<16xf32>
      %swap3A_1794 = vector.shape_cast %broadcast_in_dim3A_3 : vector<16xf32> to vector<16xf32>
      tpu.vector_store %arg8[%swap3A_1791], %swap3A_1794 {strides = array<i32>} : memref<8192xf32, #tpu.memory_space<vmem>>, vector<16xf32>,
      %swap3A_1795 = arith.constant 7168 : index
      %swap3A_1796 = tpu.vector_load %arg8[%swap3A_1795] {strides = array<i32>} : memref<8192xf32, #tpu.memory_space<vmem>>, vector<16xf32>,
      %swap3A_1797 = vector.shape_cast %swap3A_1796 : vector<16xf32> to vector<16xf32>
      %swap3A_1798 = vector.shape_cast %broadcast_in_dim3A_3 : vector<16xf32> to vector<16xf32>
      tpu.vector_store %arg8[%swap3A_1795], %swap3A_1798 {strides = array<i32>} : memref<8192xf32, #tpu.memory_space<vmem>>, vector<16xf32>,
      %swap3A_1799 = arith.constant 7184 : index
      %swap3A_1800 = tpu.vector_load %arg8[%swap3A_1799] {strides = array<i32>} : memref<8192xf32, #tpu.memory_space<vmem>>, vector<16xf32>,
      %swap3A_1801 = vector.shape_cast %swap3A_1800 : vector<16xf32> to vector<16xf32>
      %swap3A_1802 = vector.shape_cast %broadcast_in_dim3A_3 : vector<16xf32> to vector<16xf32>
      tpu.vector_store %arg8[%swap3A_1799], %swap3A_1802 {strides = array<i32>} : memref<8192xf32, #tpu.memory_space<vmem>>, vector<16xf32>,
      %swap3A_1803 = arith.constant 7200 : index
      %swap3A_1804 = tpu.vector_load %arg8[%swap3A_1803] {strides = array<i32>} : memref<8192xf32, #tpu.memory_space<vmem>>, vector<16xf32>,
      %swap3A_1805 = vector.shape_cast %swap3A_1804 : vector<16xf32> to vector<16xf32>
      %swap3A_1806 = vector.shape_cast %broadcast_in_dim3A_3 : vector<16xf32> to vector<16xf32>
      tpu.vector_store %arg8[%swap3A_1803], %swap3A_1806 {strides = array<i32>} : memref<8192xf32, #tpu.memory_space<vmem>>, vector<16xf32>,
      %swap3A_1807 = arith.constant 7216 : index
      %swap3A_1808 = tpu.vector_load %arg8[%swap3A_1807] {strides = array<i32>} : memref<8192xf32, #tpu.memory_space<vmem>>, vector<16xf32>,
      %swap3A_1809 = vector.shape_cast %swap3A_1808 : vector<16xf32> to vector<16xf32>
      %swap3A_1810 = vector.shape_cast %broadcast_in_dim3A_3 : vector<16xf32> to vector<16xf32>
      tpu.vector_store %arg8[%swap3A_1807], %swap3A_1810 {strides = array<i32>} : memref<8192xf32, #tpu.memory_space<vmem>>, vector<16xf32>,
      %swap3A_1811 = arith.constant 7232 : index
      %swap3A_1812 = tpu.vector_load %arg8[%swap3A_1811] {strides = array<i32>} : memref<8192xf32, #tpu.memory_space<vmem>>, vector<16xf32>,
      %swap3A_1813 = vector.shape_cast %swap3A_1812 : vector<16xf32> to vector<16xf32>
      %swap3A_1814 = vector.shape_cast %broadcast_in_dim3A_3 : vector<16xf32> to vector<16xf32>
      tpu.vector_store %arg8[%swap3A_1811], %swap3A_1814 {strides = array<i32>} : memref<8192xf32, #tpu.memory_space<vmem>>, vector<16xf32>,
      %swap3A_1815 = arith.constant 7248 : index
      %swap3A_1816 = tpu.vector_load %arg8[%swap3A_1815] {strides = array<i32>} : memref<8192xf32, #tpu.memory_space<vmem>>, vector<16xf32>,
      %swap3A_1817 = vector.shape_cast %swap3A_1816 : vector<16xf32> to vector<16xf32>
      %swap3A_1818 = vector.shape_cast %broadcast_in_dim3A_3 : vector<16xf32> to vector<16xf32>
      tpu.vector_store %arg8[%swap3A_1815], %swap3A_1818 {strides = array<i32>} : memref<8192xf32, #tpu.memory_space<vmem>>, vector<16xf32>,
      %swap3A_1819 = arith.constant 7264 : index
      %swap3A_1820 = tpu.vector_load %arg8[%swap3A_1819] {strides = array<i32>} : memref<8192xf32, #tpu.memory_space<vmem>>, vector<16xf32>,
      %swap3A_1821 = vector.shape_cast %swap3A_1820 : vector<16xf32> to vector<16xf32>
      %swap3A_1822 = vector.shape_cast %broadcast_in_dim3A_3 : vector<16xf32> to vector<16xf32>
      tpu.vector_store %arg8[%swap3A_1819], %swap3A_1822 {strides = array<i32>} : memref<8192xf32, #tpu.memory_space<vmem>>, vector<16xf32>,
      %swap3A_1823 = arith.constant 7280 : index
      %swap3A_1824 = tpu.vector_load %arg8[%swap3A_1823] {strides = array<i32>} : memref<8192xf32, #tpu.memory_space<vmem>>, vector<16xf32>,
      %swap3A_1825 = vector.shape_cast %swap3A_1824 : vector<16xf32> to vector<16xf32>
      %swap3A_1826 = vector.shape_cast %broadcast_in_dim3A_3 : vector<16xf32> to vector<16xf32>
      tpu.vector_store %arg8[%swap3A_1823], %swap3A_1826 {strides = array<i32>} : memref<8192xf32, #tpu.memory_space<vmem>>, vector<16xf32>,
      %swap3A_1827 = arith.constant 7296 : index
      %swap3A_1828 = tpu.vector_load %arg8[%swap3A_1827] {strides = array<i32>} : memref<8192xf32, #tpu.memory_space<vmem>>, vector<16xf32>,
      %swap3A_1829 = vector.shape_cast %swap3A_1828 : vector<16xf32> to vector<16xf32>
      %swap3A_1830 = vector.shape_cast %broadcast_in_dim3A_3 : vector<16xf32> to vector<16xf32>
      tpu.vector_store %arg8[%swap3A_1827], %swap3A_1830 {strides = array<i32>} : memref<8192xf32, #tpu.memory_space<vmem>>, vector<16xf32>,
      %swap3A_1831 = arith.constant 7312 : index
      %swap3A_1832 = tpu.vector_load %arg8[%swap3A_1831] {strides = array<i32>} : memref<8192xf32, #tpu.memory_space<vmem>>, vector<16xf32>,
      %swap3A_1833 = vector.shape_cast %swap3A_1832 : vector<16xf32> to vector<16xf32>
      %swap3A_1834 = vector.shape_cast %broadcast_in_dim3A_3 : vector<16xf32> to vector<16xf32>
      tpu.vector_store %arg8[%swap3A_1831], %swap3A_1834 {strides = array<i32>} : memref<8192xf32, #tpu.memory_space<vmem>>, vector<16xf32>,
      %swap3A_1835 = arith.constant 7328 : index
      %swap3A_1836 = tpu.vector_load %arg8[%swap3A_1835] {strides = array<i32>} : memref<8192xf32, #tpu.memory_space<vmem>>, vector<16xf32>,
      %swap3A_1837 = vector.shape_cast %swap3A_1836 : vector<16xf32> to vector<16xf32>
      %swap3A_1838 = vector.shape_cast %broadcast_in_dim3A_3 : vector<16xf32> to vector<16xf32>
      tpu.vector_store %arg8[%swap3A_1835], %swap3A_1838 {strides = array<i32>} : memref<8192xf32, #tpu.memory_space<vmem>>, vector<16xf32>,
      %swap3A_1839 = arith.constant 7344 : index
      %swap3A_1840 = tpu.vector_load %arg8[%swap3A_1839] {strides = array<i32>} : memref<8192xf32, #tpu.memory_space<vmem>>, vector<16xf32>,
      %swap3A_1841 = vector.shape_cast %swap3A_1840 : vector<16xf32> to vector<16xf32>
      %swap3A_1842 = vector.shape_cast %broadcast_in_dim3A_3 : vector<16xf32> to vector<16xf32>
      tpu.vector_store %arg8[%swap3A_1839], %swap3A_1842 {strides = array<i32>} : memref<8192xf32, #tpu.memory_space<vmem>>, vector<16xf32>,
      %swap3A_1843 = arith.constant 7360 : index
      %swap3A_1844 = tpu.vector_load %arg8[%swap3A_1843] {strides = array<i32>} : memref<8192xf32, #tpu.memory_space<vmem>>, vector<16xf32>,
      %swap3A_1845 = vector.shape_cast %swap3A_1844 : vector<16xf32> to vector<16xf32>
      %swap3A_1846 = vector.shape_cast %broadcast_in_dim3A_3 : vector<16xf32> to vector<16xf32>
      tpu.vector_store %arg8[%swap3A_1843], %swap3A_1846 {strides = array<i32>} : memref<8192xf32, #tpu.memory_space<vmem>>, vector<16xf32>,
      %swap3A_1847 = arith.constant 7376 : index
      %swap3A_1848 = tpu.vector_load %arg8[%swap3A_1847] {strides = array<i32>} : memref<8192xf32, #tpu.memory_space<vmem>>, vector<16xf32>,
      %swap3A_1849 = vector.shape_cast %swap3A_1848 : vector<16xf32> to vector<16xf32>
      %swap3A_1850 = vector.shape_cast %broadcast_in_dim3A_3 : vector<16xf32> to vector<16xf32>
      tpu.vector_store %arg8[%swap3A_1847], %swap3A_1850 {strides = array<i32>} : memref<8192xf32, #tpu.memory_space<vmem>>, vector<16xf32>,
      %swap3A_1851 = arith.constant 7392 : index
      %swap3A_1852 = tpu.vector_load %arg8[%swap3A_1851] {strides = array<i32>} : memref<8192xf32, #tpu.memory_space<vmem>>, vector<16xf32>,
      %swap3A_1853 = vector.shape_cast %swap3A_1852 : vector<16xf32> to vector<16xf32>
      %swap3A_1854 = vector.shape_cast %broadcast_in_dim3A_3 : vector<16xf32> to vector<16xf32>
      tpu.vector_store %arg8[%swap3A_1851], %swap3A_1854 {strides = array<i32>} : memref<8192xf32, #tpu.memory_space<vmem>>, vector<16xf32>,
      %swap3A_1855 = arith.constant 7408 : index
      %swap3A_1856 = tpu.vector_load %arg8[%swap3A_1855] {strides = array<i32>} : memref<8192xf32, #tpu.memory_space<vmem>>, vector<16xf32>,
      %swap3A_1857 = vector.shape_cast %swap3A_1856 : vector<16xf32> to vector<16xf32>
      %swap3A_1858 = vector.shape_cast %broadcast_in_dim3A_3 : vector<16xf32> to vector<16xf32>
      tpu.vector_store %arg8[%swap3A_1855], %swap3A_1858 {strides = array<i32>} : memref<8192xf32, #tpu.memory_space<vmem>>, vector<16xf32>,
      %swap3A_1859 = arith.constant 7424 : index
      %swap3A_1860 = tpu.vector_load %arg8[%swap3A_1859] {strides = array<i32>} : memref<8192xf32, #tpu.memory_space<vmem>>, vector<16xf32>,
      %swap3A_1861 = vector.shape_cast %swap3A_1860 : vector<16xf32> to vector<16xf32>
      %swap3A_1862 = vector.shape_cast %broadcast_in_dim3A_3 : vector<16xf32> to vector<16xf32>
      tpu.vector_store %arg8[%swap3A_1859], %swap3A_1862 {strides = array<i32>} : memref<8192xf32, #tpu.memory_space<vmem>>, vector<16xf32>,
      %swap3A_1863 = arith.constant 7440 : index
      %swap3A_1864 = tpu.vector_load %arg8[%swap3A_1863] {strides = array<i32>} : memref<8192xf32, #tpu.memory_space<vmem>>, vector<16xf32>,
      %swap3A_1865 = vector.shape_cast %swap3A_1864 : vector<16xf32> to vector<16xf32>
      %swap3A_1866 = vector.shape_cast %broadcast_in_dim3A_3 : vector<16xf32> to vector<16xf32>
      tpu.vector_store %arg8[%swap3A_1863], %swap3A_1866 {strides = array<i32>} : memref<8192xf32, #tpu.memory_space<vmem>>, vector<16xf32>,
      %swap3A_1867 = arith.constant 7456 : index
      %swap3A_1868 = tpu.vector_load %arg8[%swap3A_1867] {strides = array<i32>} : memref<8192xf32, #tpu.memory_space<vmem>>, vector<16xf32>,
      %swap3A_1869 = vector.shape_cast %swap3A_1868 : vector<16xf32> to vector<16xf32>
      %swap3A_1870 = vector.shape_cast %broadcast_in_dim3A_3 : vector<16xf32> to vector<16xf32>
      tpu.vector_store %arg8[%swap3A_1867], %swap3A_1870 {strides = array<i32>} : memref<8192xf32, #tpu.memory_space<vmem>>, vector<16xf32>,
      %swap3A_1871 = arith.constant 7472 : index
      %swap3A_1872 = tpu.vector_load %arg8[%swap3A_1871] {strides = array<i32>} : memref<8192xf32, #tpu.memory_space<vmem>>, vector<16xf32>,
      %swap3A_1873 = vector.shape_cast %swap3A_1872 : vector<16xf32> to vector<16xf32>
      %swap3A_1874 = vector.shape_cast %broadcast_in_dim3A_3 : vector<16xf32> to vector<16xf32>
      tpu.vector_store %arg8[%swap3A_1871], %swap3A_1874 {strides = array<i32>} : memref<8192xf32, #tpu.memory_space<vmem>>, vector<16xf32>,
      %swap3A_1875 = arith.constant 7488 : index
      %swap3A_1876 = tpu.vector_load %arg8[%swap3A_1875] {strides = array<i32>} : memref<8192xf32, #tpu.memory_space<vmem>>, vector<16xf32>,
      %swap3A_1877 = vector.shape_cast %swap3A_1876 : vector<16xf32> to vector<16xf32>
      %swap3A_1878 = vector.shape_cast %broadcast_in_dim3A_3 : vector<16xf32> to vector<16xf32>
      tpu.vector_store %arg8[%swap3A_1875], %swap3A_1878 {strides = array<i32>} : memref<8192xf32, #tpu.memory_space<vmem>>, vector<16xf32>,
      %swap3A_1879 = arith.constant 7504 : index
      %swap3A_1880 = tpu.vector_load %arg8[%swap3A_1879] {strides = array<i32>} : memref<8192xf32, #tpu.memory_space<vmem>>, vector<16xf32>,
      %swap3A_1881 = vector.shape_cast %swap3A_1880 : vector<16xf32> to vector<16xf32>
      %swap3A_1882 = vector.shape_cast %broadcast_in_dim3A_3 : vector<16xf32> to vector<16xf32>
      tpu.vector_store %arg8[%swap3A_1879], %swap3A_1882 {strides = array<i32>} : memref<8192xf32, #tpu.memory_space<vmem>>, vector<16xf32>,
      %swap3A_1883 = arith.constant 7520 : index
      %swap3A_1884 = tpu.vector_load %arg8[%swap3A_1883] {strides = array<i32>} : memref<8192xf32, #tpu.memory_space<vmem>>, vector<16xf32>,
      %swap3A_1885 = vector.shape_cast %swap3A_1884 : vector<16xf32> to vector<16xf32>
      %swap3A_1886 = vector.shape_cast %broadcast_in_dim3A_3 : vector<16xf32> to vector<16xf32>
      tpu.vector_store %arg8[%swap3A_1883], %swap3A_1886 {strides = array<i32>} : memref<8192xf32, #tpu.memory_space<vmem>>, vector<16xf32>,
      %swap3A_1887 = arith.constant 7536 : index
      %swap3A_1888 = tpu.vector_load %arg8[%swap3A_1887] {strides = array<i32>} : memref<8192xf32, #tpu.memory_space<vmem>>, vector<16xf32>,
      %swap3A_1889 = vector.shape_cast %swap3A_1888 : vector<16xf32> to vector<16xf32>
      %swap3A_1890 = vector.shape_cast %broadcast_in_dim3A_3 : vector<16xf32> to vector<16xf32>
      tpu.vector_store %arg8[%swap3A_1887], %swap3A_1890 {strides = array<i32>} : memref<8192xf32, #tpu.memory_space<vmem>>, vector<16xf32>,
      %swap3A_1891 = arith.constant 7552 : index
      %swap3A_1892 = tpu.vector_load %arg8[%swap3A_1891] {strides = array<i32>} : memref<8192xf32, #tpu.memory_space<vmem>>, vector<16xf32>,
      %swap3A_1893 = vector.shape_cast %swap3A_1892 : vector<16xf32> to vector<16xf32>
      %swap3A_1894 = vector.shape_cast %broadcast_in_dim3A_3 : vector<16xf32> to vector<16xf32>
      tpu.vector_store %arg8[%swap3A_1891], %swap3A_1894 {strides = array<i32>} : memref<8192xf32, #tpu.memory_space<vmem>>, vector<16xf32>,
      %swap3A_1895 = arith.constant 7568 : index
      %swap3A_1896 = tpu.vector_load %arg8[%swap3A_1895] {strides = array<i32>} : memref<8192xf32, #tpu.memory_space<vmem>>, vector<16xf32>,
      %swap3A_1897 = vector.shape_cast %swap3A_1896 : vector<16xf32> to vector<16xf32>
      %swap3A_1898 = vector.shape_cast %broadcast_in_dim3A_3 : vector<16xf32> to vector<16xf32>
      tpu.vector_store %arg8[%swap3A_1895], %swap3A_1898 {strides = array<i32>} : memref<8192xf32, #tpu.memory_space<vmem>>, vector<16xf32>,
      %swap3A_1899 = arith.constant 7584 : index
      %swap3A_1900 = tpu.vector_load %arg8[%swap3A_1899] {strides = array<i32>} : memref<8192xf32, #tpu.memory_space<vmem>>, vector<16xf32>,
      %swap3A_1901 = vector.shape_cast %swap3A_1900 : vector<16xf32> to vector<16xf32>
      %swap3A_1902 = vector.shape_cast %broadcast_in_dim3A_3 : vector<16xf32> to vector<16xf32>
      tpu.vector_store %arg8[%swap3A_1899], %swap3A_1902 {strides = array<i32>} : memref<8192xf32, #tpu.memory_space<vmem>>, vector<16xf32>,
      %swap3A_1903 = arith.constant 7600 : index
      %swap3A_1904 = tpu.vector_load %arg8[%swap3A_1903] {strides = array<i32>} : memref<8192xf32, #tpu.memory_space<vmem>>, vector<16xf32>,
      %swap3A_1905 = vector.shape_cast %swap3A_1904 : vector<16xf32> to vector<16xf32>
      %swap3A_1906 = vector.shape_cast %broadcast_in_dim3A_3 : vector<16xf32> to vector<16xf32>
      tpu.vector_store %arg8[%swap3A_1903], %swap3A_1906 {strides = array<i32>} : memref<8192xf32, #tpu.memory_space<vmem>>, vector<16xf32>,
      %swap3A_1907 = arith.constant 7616 : index
      %swap3A_1908 = tpu.vector_load %arg8[%swap3A_1907] {strides = array<i32>} : memref<8192xf32, #tpu.memory_space<vmem>>, vector<16xf32>,
      %swap3A_1909 = vector.shape_cast %swap3A_1908 : vector<16xf32> to vector<16xf32>
      %swap3A_1910 = vector.shape_cast %broadcast_in_dim3A_3 : vector<16xf32> to vector<16xf32>
      tpu.vector_store %arg8[%swap3A_1907], %swap3A_1910 {strides = array<i32>} : memref<8192xf32, #tpu.memory_space<vmem>>, vector<16xf32>,
      %swap3A_1911 = arith.constant 7632 : index
      %swap3A_1912 = tpu.vector_load %arg8[%swap3A_1911] {strides = array<i32>} : memref<8192xf32, #tpu.memory_space<vmem>>, vector<16xf32>,
      %swap3A_1913 = vector.shape_cast %swap3A_1912 : vector<16xf32> to vector<16xf32>
      %swap3A_1914 = vector.shape_cast %broadcast_in_dim3A_3 : vector<16xf32> to vector<16xf32>
      tpu.vector_store %arg8[%swap3A_1911], %swap3A_1914 {strides = array<i32>} : memref<8192xf32, #tpu.memory_space<vmem>>, vector<16xf32>,
      %swap3A_1915 = arith.constant 7648 : index
      %swap3A_1916 = tpu.vector_load %arg8[%swap3A_1915] {strides = array<i32>} : memref<8192xf32, #tpu.memory_space<vmem>>, vector<16xf32>,
      %swap3A_1917 = vector.shape_cast %swap3A_1916 : vector<16xf32> to vector<16xf32>
      %swap3A_1918 = vector.shape_cast %broadcast_in_dim3A_3 : vector<16xf32> to vector<16xf32>
      tpu.vector_store %arg8[%swap3A_1915], %swap3A_1918 {strides = array<i32>} : memref<8192xf32, #tpu.memory_space<vmem>>, vector<16xf32>,
      %swap3A_1919 = arith.constant 7664 : index
      %swap3A_1920 = tpu.vector_load %arg8[%swap3A_1919] {strides = array<i32>} : memref<8192xf32, #tpu.memory_space<vmem>>, vector<16xf32>,
      %swap3A_1921 = vector.shape_cast %swap3A_1920 : vector<16xf32> to vector<16xf32>
      %swap3A_1922 = vector.shape_cast %broadcast_in_dim3A_3 : vector<16xf32> to vector<16xf32>
      tpu.vector_store %arg8[%swap3A_1919], %swap3A_1922 {strides = array<i32>} : memref<8192xf32, #tpu.memory_space<vmem>>, vector<16xf32>,
      %swap3A_1923 = arith.constant 7680 : index
      %swap3A_1924 = tpu.vector_load %arg8[%swap3A_1923] {strides = array<i32>} : memref<8192xf32, #tpu.memory_space<vmem>>, vector<16xf32>,
      %swap3A_1925 = vector.shape_cast %swap3A_1924 : vector<16xf32> to vector<16xf32>
      %swap3A_1926 = vector.shape_cast %broadcast_in_dim3A_3 : vector<16xf32> to vector<16xf32>
      tpu.vector_store %arg8[%swap3A_1923], %swap3A_1926 {strides = array<i32>} : memref<8192xf32, #tpu.memory_space<vmem>>, vector<16xf32>,
      %swap3A_1927 = arith.constant 7696 : index
      %swap3A_1928 = tpu.vector_load %arg8[%swap3A_1927] {strides = array<i32>} : memref<8192xf32, #tpu.memory_space<vmem>>, vector<16xf32>,
      %swap3A_1929 = vector.shape_cast %swap3A_1928 : vector<16xf32> to vector<16xf32>
      %swap3A_1930 = vector.shape_cast %broadcast_in_dim3A_3 : vector<16xf32> to vector<16xf32>
      tpu.vector_store %arg8[%swap3A_1927], %swap3A_1930 {strides = array<i32>} : memref<8192xf32, #tpu.memory_space<vmem>>, vector<16xf32>,
      %swap3A_1931 = arith.constant 7712 : index
      %swap3A_1932 = tpu.vector_load %arg8[%swap3A_1931] {strides = array<i32>} : memref<8192xf32, #tpu.memory_space<vmem>>, vector<16xf32>,
      %swap3A_1933 = vector.shape_cast %swap3A_1932 : vector<16xf32> to vector<16xf32>
      %swap3A_1934 = vector.shape_cast %broadcast_in_dim3A_3 : vector<16xf32> to vector<16xf32>
      tpu.vector_store %arg8[%swap3A_1931], %swap3A_1934 {strides = array<i32>} : memref<8192xf32, #tpu.memory_space<vmem>>, vector<16xf32>,
      %swap3A_1935 = arith.constant 7728 : index
      %swap3A_1936 = tpu.vector_load %arg8[%swap3A_1935] {strides = array<i32>} : memref<8192xf32, #tpu.memory_space<vmem>>, vector<16xf32>,
      %swap3A_1937 = vector.shape_cast %swap3A_1936 : vector<16xf32> to vector<16xf32>
      %swap3A_1938 = vector.shape_cast %broadcast_in_dim3A_3 : vector<16xf32> to vector<16xf32>
      tpu.vector_store %arg8[%swap3A_1935], %swap3A_1938 {strides = array<i32>} : memref<8192xf32, #tpu.memory_space<vmem>>, vector<16xf32>,
      %swap3A_1939 = arith.constant 7744 : index
      %swap3A_1940 = tpu.vector_load %arg8[%swap3A_1939] {strides = array<i32>} : memref<8192xf32, #tpu.memory_space<vmem>>, vector<16xf32>,
      %swap3A_1941 = vector.shape_cast %swap3A_1940 : vector<16xf32> to vector<16xf32>
      %swap3A_1942 = vector.shape_cast %broadcast_in_dim3A_3 : vector<16xf32> to vector<16xf32>
      tpu.vector_store %arg8[%swap3A_1939], %swap3A_1942 {strides = array<i32>} : memref<8192xf32, #tpu.memory_space<vmem>>, vector<16xf32>,
      %swap3A_1943 = arith.constant 7760 : index
      %swap3A_1944 = tpu.vector_load %arg8[%swap3A_1943] {strides = array<i32>} : memref<8192xf32, #tpu.memory_space<vmem>>, vector<16xf32>,
      %swap3A_1945 = vector.shape_cast %swap3A_1944 : vector<16xf32> to vector<16xf32>
      %swap3A_1946 = vector.shape_cast %broadcast_in_dim3A_3 : vector<16xf32> to vector<16xf32>
      tpu.vector_store %arg8[%swap3A_1943], %swap3A_1946 {strides = array<i32>} : memref<8192xf32, #tpu.memory_space<vmem>>, vector<16xf32>,
      %swap3A_1947 = arith.constant 7776 : index
      %swap3A_1948 = tpu.vector_load %arg8[%swap3A_1947] {strides = array<i32>} : memref<8192xf32, #tpu.memory_space<vmem>>, vector<16xf32>,
      %swap3A_1949 = vector.shape_cast %swap3A_1948 : vector<16xf32> to vector<16xf32>
      %swap3A_1950 = vector.shape_cast %broadcast_in_dim3A_3 : vector<16xf32> to vector<16xf32>
      tpu.vector_store %arg8[%swap3A_1947], %swap3A_1950 {strides = array<i32>} : memref<8192xf32, #tpu.memory_space<vmem>>, vector<16xf32>,
      %swap3A_1951 = arith.constant 7792 : index
      %swap3A_1952 = tpu.vector_load %arg8[%swap3A_1951] {strides = array<i32>} : memref<8192xf32, #tpu.memory_space<vmem>>, vector<16xf32>,
      %swap3A_1953 = vector.shape_cast %swap3A_1952 : vector<16xf32> to vector<16xf32>
      %swap3A_1954 = vector.shape_cast %broadcast_in_dim3A_3 : vector<16xf32> to vector<16xf32>
      tpu.vector_store %arg8[%swap3A_1951], %swap3A_1954 {strides = array<i32>} : memref<8192xf32, #tpu.memory_space<vmem>>, vector<16xf32>,
      %swap3A_1955 = arith.constant 7808 : index
      %swap3A_1956 = tpu.vector_load %arg8[%swap3A_1955] {strides = array<i32>} : memref<8192xf32, #tpu.memory_space<vmem>>, vector<16xf32>,
      %swap3A_1957 = vector.shape_cast %swap3A_1956 : vector<16xf32> to vector<16xf32>
      %swap3A_1958 = vector.shape_cast %broadcast_in_dim3A_3 : vector<16xf32> to vector<16xf32>
      tpu.vector_store %arg8[%swap3A_1955], %swap3A_1958 {strides = array<i32>} : memref<8192xf32, #tpu.memory_space<vmem>>, vector<16xf32>,
      %swap3A_1959 = arith.constant 7824 : index
      %swap3A_1960 = tpu.vector_load %arg8[%swap3A_1959] {strides = array<i32>} : memref<8192xf32, #tpu.memory_space<vmem>>, vector<16xf32>,
      %swap3A_1961 = vector.shape_cast %swap3A_1960 : vector<16xf32> to vector<16xf32>
      %swap3A_1962 = vector.shape_cast %broadcast_in_dim3A_3 : vector<16xf32> to vector<16xf32>
      tpu.vector_store %arg8[%swap3A_1959], %swap3A_1962 {strides = array<i32>} : memref<8192xf32, #tpu.memory_space<vmem>>, vector<16xf32>,
      %swap3A_1963 = arith.constant 7840 : index
      %swap3A_1964 = tpu.vector_load %arg8[%swap3A_1963] {strides = array<i32>} : memref<8192xf32, #tpu.memory_space<vmem>>, vector<16xf32>,
      %swap3A_1965 = vector.shape_cast %swap3A_1964 : vector<16xf32> to vector<16xf32>
      %swap3A_1966 = vector.shape_cast %broadcast_in_dim3A_3 : vector<16xf32> to vector<16xf32>
      tpu.vector_store %arg8[%swap3A_1963], %swap3A_1966 {strides = array<i32>} : memref<8192xf32, #tpu.memory_space<vmem>>, vector<16xf32>,
      %swap3A_1967 = arith.constant 7856 : index
      %swap3A_1968 = tpu.vector_load %arg8[%swap3A_1967] {strides = array<i32>} : memref<8192xf32, #tpu.memory_space<vmem>>, vector<16xf32>,
      %swap3A_1969 = vector.shape_cast %swap3A_1968 : vector<16xf32> to vector<16xf32>
      %swap3A_1970 = vector.shape_cast %broadcast_in_dim3A_3 : vector<16xf32> to vector<16xf32>
      tpu.vector_store %arg8[%swap3A_1967], %swap3A_1970 {strides = array<i32>} : memref<8192xf32, #tpu.memory_space<vmem>>, vector<16xf32>,
      %swap3A_1971 = arith.constant 7872 : index
      %swap3A_1972 = tpu.vector_load %arg8[%swap3A_1971] {strides = array<i32>} : memref<8192xf32, #tpu.memory_space<vmem>>, vector<16xf32>,
      %swap3A_1973 = vector.shape_cast %swap3A_1972 : vector<16xf32> to vector<16xf32>
      %swap3A_1974 = vector.shape_cast %broadcast_in_dim3A_3 : vector<16xf32> to vector<16xf32>
      tpu.vector_store %arg8[%swap3A_1971], %swap3A_1974 {strides = array<i32>} : memref<8192xf32, #tpu.memory_space<vmem>>, vector<16xf32>,
      %swap3A_1975 = arith.constant 7888 : index
      %swap3A_1976 = tpu.vector_load %arg8[%swap3A_1975] {strides = array<i32>} : memref<8192xf32, #tpu.memory_space<vmem>>, vector<16xf32>,
      %swap3A_1977 = vector.shape_cast %swap3A_1976 : vector<16xf32> to vector<16xf32>
      %swap3A_1978 = vector.shape_cast %broadcast_in_dim3A_3 : vector<16xf32> to vector<16xf32>
      tpu.vector_store %arg8[%swap3A_1975], %swap3A_1978 {strides = array<i32>} : memref<8192xf32, #tpu.memory_space<vmem>>, vector<16xf32>,
      %swap3A_1979 = arith.constant 7904 : index
      %swap3A_1980 = tpu.vector_load %arg8[%swap3A_1979] {strides = array<i32>} : memref<8192xf32, #tpu.memory_space<vmem>>, vector<16xf32>,
      %swap3A_1981 = vector.shape_cast %swap3A_1980 : vector<16xf32> to vector<16xf32>
      %swap3A_1982 = vector.shape_cast %broadcast_in_dim3A_3 : vector<16xf32> to vector<16xf32>
      tpu.vector_store %arg8[%swap3A_1979], %swap3A_1982 {strides = array<i32>} : memref<8192xf32, #tpu.memory_space<vmem>>, vector<16xf32>,
      %swap3A_1983 = arith.constant 7920 : index
      %swap3A_1984 = tpu.vector_load %arg8[%swap3A_1983] {strides = array<i32>} : memref<8192xf32, #tpu.memory_space<vmem>>, vector<16xf32>,
      %swap3A_1985 = vector.shape_cast %swap3A_1984 : vector<16xf32> to vector<16xf32>
      %swap3A_1986 = vector.shape_cast %broadcast_in_dim3A_3 : vector<16xf32> to vector<16xf32>
      tpu.vector_store %arg8[%swap3A_1983], %swap3A_1986 {strides = array<i32>} : memref<8192xf32, #tpu.memory_space<vmem>>, vector<16xf32>,
      %swap3A_1987 = arith.constant 7936 : index
      %swap3A_1988 = tpu.vector_load %arg8[%swap3A_1987] {strides = array<i32>} : memref<8192xf32, #tpu.memory_space<vmem>>, vector<16xf32>,
      %swap3A_1989 = vector.shape_cast %swap3A_1988 : vector<16xf32> to vector<16xf32>
      %swap3A_1990 = vector.shape_cast %broadcast_in_dim3A_3 : vector<16xf32> to vector<16xf32>
      tpu.vector_store %arg8[%swap3A_1987], %swap3A_1990 {strides = array<i32>} : memref<8192xf32, #tpu.memory_space<vmem>>, vector<16xf32>,
      %swap3A_1991 = arith.constant 7952 : index
      %swap3A_1992 = tpu.vector_load %arg8[%swap3A_1991] {strides = array<i32>} : memref<8192xf32, #tpu.memory_space<vmem>>, vector<16xf32>,
      %swap3A_1993 = vector.shape_cast %swap3A_1992 : vector<16xf32> to vector<16xf32>
      %swap3A_1994 = vector.shape_cast %broadcast_in_dim3A_3 : vector<16xf32> to vector<16xf32>
      tpu.vector_store %arg8[%swap3A_1991], %swap3A_1994 {strides = array<i32>} : memref<8192xf32, #tpu.memory_space<vmem>>, vector<16xf32>,
      %swap3A_1995 = arith.constant 7968 : index
      %swap3A_1996 = tpu.vector_load %arg8[%swap3A_1995] {strides = array<i32>} : memref<8192xf32, #tpu.memory_space<vmem>>, vector<16xf32>,
      %swap3A_1997 = vector.shape_cast %swap3A_1996 : vector<16xf32> to vector<16xf32>
      %swap3A_1998 = vector.shape_cast %broadcast_in_dim3A_3 : vector<16xf32> to vector<16xf32>
      tpu.vector_store %arg8[%swap3A_1995], %swap3A_1998 {strides = array<i32>} : memref<8192xf32, #tpu.memory_space<vmem>>, vector<16xf32>,
      %swap3A_1999 = arith.constant 7984 : index
      %swap3A_2000 = tpu.vector_load %arg8[%swap3A_1999] {strides = array<i32>} : memref<8192xf32, #tpu.memory_space<vmem>>, vector<16xf32>,
      %swap3A_2001 = vector.shape_cast %swap3A_2000 : vector<16xf32> to vector<16xf32>
      %swap3A_2002 = vector.shape_cast %broadcast_in_dim3A_3 : vector<16xf32> to vector<16xf32>
      tpu.vector_store %arg8[%swap3A_1999], %swap3A_2002 {strides = array<i32>} : memref<8192xf32, #tpu.memory_space<vmem>>, vector<16xf32>,
      %swap3A_2003 = arith.constant 8000 : index
      %swap3A_2004 = tpu.vector_load %arg8[%swap3A_2003] {strides = array<i32>} : memref<8192xf32, #tpu.memory_space<vmem>>, vector<16xf32>,
      %swap3A_2005 = vector.shape_cast %swap3A_2004 : vector<16xf32> to vector<16xf32>
      %swap3A_2006 = vector.shape_cast %broadcast_in_dim3A_3 : vector<16xf32> to vector<16xf32>
      tpu.vector_store %arg8[%swap3A_2003], %swap3A_2006 {strides = array<i32>} : memref<8192xf32, #tpu.memory_space<vmem>>, vector<16xf32>,
      %swap3A_2007 = arith.constant 8016 : index
      %swap3A_2008 = tpu.vector_load %arg8[%swap3A_2007] {strides = array<i32>} : memref<8192xf32, #tpu.memory_space<vmem>>, vector<16xf32>,
      %swap3A_2009 = vector.shape_cast %swap3A_2008 : vector<16xf32> to vector<16xf32>
      %swap3A_2010 = vector.shape_cast %broadcast_in_dim3A_3 : vector<16xf32> to vector<16xf32>
      tpu.vector_store %arg8[%swap3A_2007], %swap3A_2010 {strides = array<i32>} : memref<8192xf32, #tpu.memory_space<vmem>>, vector<16xf32>,
      %swap3A_2011 = arith.constant 8032 : index
      %swap3A_2012 = tpu.vector_load %arg8[%swap3A_2011] {strides = array<i32>} : memref<8192xf32, #tpu.memory_space<vmem>>, vector<16xf32>,
      %swap3A_2013 = vector.shape_cast %swap3A_2012 : vector<16xf32> to vector<16xf32>
      %swap3A_2014 = vector.shape_cast %broadcast_in_dim3A_3 : vector<16xf32> to vector<16xf32>
      tpu.vector_store %arg8[%swap3A_2011], %swap3A_2014 {strides = array<i32>} : memref<8192xf32, #tpu.memory_space<vmem>>, vector<16xf32>,
      %swap3A_2015 = arith.constant 8048 : index
      %swap3A_2016 = tpu.vector_load %arg8[%swap3A_2015] {strides = array<i32>} : memref<8192xf32, #tpu.memory_space<vmem>>, vector<16xf32>,
      %swap3A_2017 = vector.shape_cast %swap3A_2016 : vector<16xf32> to vector<16xf32>
      %swap3A_2018 = vector.shape_cast %broadcast_in_dim3A_3 : vector<16xf32> to vector<16xf32>
      tpu.vector_store %arg8[%swap3A_2015], %swap3A_2018 {strides = array<i32>} : memref<8192xf32, #tpu.memory_space<vmem>>, vector<16xf32>,
      %swap3A_2019 = arith.constant 8064 : index
      %swap3A_2020 = tpu.vector_load %arg8[%swap3A_2019] {strides = array<i32>} : memref<8192xf32, #tpu.memory_space<vmem>>, vector<16xf32>,
      %swap3A_2021 = vector.shape_cast %swap3A_2020 : vector<16xf32> to vector<16xf32>
      %swap3A_2022 = vector.shape_cast %broadcast_in_dim3A_3 : vector<16xf32> to vector<16xf32>
      tpu.vector_store %arg8[%swap3A_2019], %swap3A_2022 {strides = array<i32>} : memref<8192xf32, #tpu.memory_space<vmem>>, vector<16xf32>,
      %swap3A_2023 = arith.constant 8080 : index
      %swap3A_2024 = tpu.vector_load %arg8[%swap3A_2023] {strides = array<i32>} : memref<8192xf32, #tpu.memory_space<vmem>>, vector<16xf32>,
      %swap3A_2025 = vector.shape_cast %swap3A_2024 : vector<16xf32> to vector<16xf32>
      %swap3A_2026 = vector.shape_cast %broadcast_in_dim3A_3 : vector<16xf32> to vector<16xf32>
      tpu.vector_store %arg8[%swap3A_2023], %swap3A_2026 {strides = array<i32>} : memref<8192xf32, #tpu.memory_space<vmem>>, vector<16xf32>,
      %swap3A_2027 = arith.constant 8096 : index
      %swap3A_2028 = tpu.vector_load %arg8[%swap3A_2027] {strides = array<i32>} : memref<8192xf32, #tpu.memory_space<vmem>>, vector<16xf32>,
      %swap3A_2029 = vector.shape_cast %swap3A_2028 : vector<16xf32> to vector<16xf32>
      %swap3A_2030 = vector.shape_cast %broadcast_in_dim3A_3 : vector<16xf32> to vector<16xf32>
      tpu.vector_store %arg8[%swap3A_2027], %swap3A_2030 {strides = array<i32>} : memref<8192xf32, #tpu.memory_space<vmem>>, vector<16xf32>,
      %swap3A_2031 = arith.constant 8112 : index
      %swap3A_2032 = tpu.vector_load %arg8[%swap3A_2031] {strides = array<i32>} : memref<8192xf32, #tpu.memory_space<vmem>>, vector<16xf32>,
      %swap3A_2033 = vector.shape_cast %swap3A_2032 : vector<16xf32> to vector<16xf32>
      %swap3A_2034 = vector.shape_cast %broadcast_in_dim3A_3 : vector<16xf32> to vector<16xf32>
      tpu.vector_store %arg8[%swap3A_2031], %swap3A_2034 {strides = array<i32>} : memref<8192xf32, #tpu.memory_space<vmem>>, vector<16xf32>,
      %swap3A_2035 = arith.constant 8128 : index
      %swap3A_2036 = tpu.vector_load %arg8[%swap3A_2035] {strides = array<i32>} : memref<8192xf32, #tpu.memory_space<vmem>>, vector<16xf32>,
      %swap3A_2037 = vector.shape_cast %swap3A_2036 : vector<16xf32> to vector<16xf32>
      %swap3A_2038 = vector.shape_cast %broadcast_in_dim3A_3 : vector<16xf32> to vector<16xf32>
      tpu.vector_store %arg8[%swap3A_2035], %swap3A_2038 {strides = array<i32>} : memref<8192xf32, #tpu.memory_space<vmem>>, vector<16xf32>,
      %swap3A_2039 = arith.constant 8144 : index
      %swap3A_2040 = tpu.vector_load %arg8[%swap3A_2039] {strides = array<i32>} : memref<8192xf32, #tpu.memory_space<vmem>>, vector<16xf32>,
      %swap3A_2041 = vector.shape_cast %swap3A_2040 : vector<16xf32> to vector<16xf32>
      %swap3A_2042 = vector.shape_cast %broadcast_in_dim3A_3 : vector<16xf32> to vector<16xf32>
      tpu.vector_store %arg8[%swap3A_2039], %swap3A_2042 {strides = array<i32>} : memref<8192xf32, #tpu.memory_space<vmem>>, vector<16xf32>,
      %swap3A_2043 = arith.constant 8160 : index
      %swap3A_2044 = tpu.vector_load %arg8[%swap3A_2043] {strides = array<i32>} : memref<8192xf32, #tpu.memory_space<vmem>>, vector<16xf32>,
      %swap3A_2045 = vector.shape_cast %swap3A_2044 : vector<16xf32> to vector<16xf32>
      %swap3A_2046 = vector.shape_cast %broadcast_in_dim3A_3 : vector<16xf32> to vector<16xf32>
      tpu.vector_store %arg8[%swap3A_2043], %swap3A_2046 {strides = array<i32>} : memref<8192xf32, #tpu.memory_space<vmem>>, vector<16xf32>,
      %swap3A_2047 = arith.constant 8176 : index
      %swap3A_2048 = tpu.vector_load %arg8[%swap3A_2047] {strides = array<i32>} : memref<8192xf32, #tpu.memory_space<vmem>>, vector<16xf32>,
      %swap3A_2049 = vector.shape_cast %swap3A_2048 : vector<16xf32> to vector<16xf32>
      %swap3A_2050 = vector.shape_cast %broadcast_in_dim3A_3 : vector<16xf32> to vector<16xf32>
      tpu.vector_store %arg8[%swap3A_2047], %swap3A_2050 {strides = array<i32>} : memref<8192xf32, #tpu.memory_space<vmem>>, vector<16xf32>,
      %add3A = arith.constant 0 : i32
      %add3A_2051 = arith.addi %mul3A_2, %add3A : i32
      "tpu.region"() ({
        %run_scoped3A = tpu.sem_alloc : memref<!tpu.dma_semaphore, #tpu.memory_space<semaphore_mem>>
        %dma_start3A = tpu.memref_slice %arg9[%add3A_2051] : memref<1048576xf32, #tpu.memory_space<vmem_shared>> -> memref<8192xf32, #tpu.memory_space<vmem_shared>>
        %dma_start3A_2998 = tpu.memref_slice %arg9[%add3A_2051] : memref<1048576xf32, #tpu.memory_space<vmem_shared>> -> memref<8192xf32, #tpu.memory_space<vmem_shared>>
        tpu.enqueue_dma source(%arg8 : memref<8192xf32, #tpu.memory_space<vmem>>) target(%dma_start3A_2998 : memref<8192xf32, #tpu.memory_space<vmem_shared>>) target_semaphore(%run_scoped3A : memref<!tpu.dma_semaphore, #tpu.memory_space<semaphore_mem>>)
        %dma_wait3A = tpu.memref_slice %arg9[%add3A_2051] : memref<1048576xf32, #tpu.memory_space<vmem_shared>> -> memref<8192xf32, #tpu.memory_space<vmem_shared>>
        %dma_wait3A_2999 = tpu.memref_slice %arg9[%add3A_2051] : memref<1048576xf32, #tpu.memory_space<vmem_shared>> -> memref<8192xf32, #tpu.memory_space<vmem_shared>>
        tpu.wait_dma2 semaphore(%run_scoped3A : memref<!tpu.dma_semaphore, #tpu.memory_space<semaphore_mem>>) src(%arg8 : memref<8192xf32, #tpu.memory_space<vmem>>) dst(%dma_wait3A_2999 : memref<8192xf32, #tpu.memory_space<vmem_shared>>)
        tpu.yield
      }) : () -> ()
      %add3A_2052 = arith.constant 8192 : i32
      %add3A_2053 = arith.addi %mul3A_2, %add3A_2052 : i32
      "tpu.region"() ({
        %run_scoped3A = tpu.sem_alloc : memref<!tpu.dma_semaphore, #tpu.memory_space<semaphore_mem>>
        %dma_start3A = tpu.memref_slice %arg9[%add3A_2053] : memref<1048576xf32, #tpu.memory_space<vmem_shared>> -> memref<8192xf32, #tpu.memory_space<vmem_shared>>
        %dma_start3A_2998 = tpu.memref_slice %arg9[%add3A_2053] : memref<1048576xf32, #tpu.memory_space<vmem_shared>> -> memref<8192xf32, #tpu.memory_space<vmem_shared>>
        tpu.enqueue_dma source(%arg8 : memref<8192xf32, #tpu.memory_space<vmem>>) target(%dma_start3A_2998 : memref<8192xf32, #tpu.memory_space<vmem_shared>>) target_semaphore(%run_scoped3A : memref<!tpu.dma_semaphore, #tpu.memory_space<semaphore_mem>>)
        %dma_wait3A = tpu.memref_slice %arg9[%add3A_2053] : memref<1048576xf32, #tpu.memory_space<vmem_shared>> -> memref<8192xf32, #tpu.memory_space<vmem_shared>>
        %dma_wait3A_2999 = tpu.memref_slice %arg9[%add3A_2053] : memref<1048576xf32, #tpu.memory_space<vmem_shared>> -> memref<8192xf32, #tpu.memory_space<vmem_shared>>
        tpu.wait_dma2 semaphore(%run_scoped3A : memref<!tpu.dma_semaphore, #tpu.memory_space<semaphore_mem>>) src(%arg8 : memref<8192xf32, #tpu.memory_space<vmem>>) dst(%dma_wait3A_2999 : memref<8192xf32, #tpu.memory_space<vmem_shared>>)
        tpu.yield
      }) : () -> ()
      %add3A_2054 = arith.constant 16384 : i32
      %add3A_2055 = arith.addi %mul3A_2, %add3A_2054 : i32
      "tpu.region"() ({
        %run_scoped3A = tpu.sem_alloc : memref<!tpu.dma_semaphore, #tpu.memory_space<semaphore_mem>>
        %dma_start3A = tpu.memref_slice %arg9[%add3A_2055] : memref<1048576xf32, #tpu.memory_space<vmem_shared>> -> memref<8192xf32, #tpu.memory_space<vmem_shared>>
        %dma_start3A_2998 = tpu.memref_slice %arg9[%add3A_2055] : memref<1048576xf32, #tpu.memory_space<vmem_shared>> -> memref<8192xf32, #tpu.memory_space<vmem_shared>>
        tpu.enqueue_dma source(%arg8 : memref<8192xf32, #tpu.memory_space<vmem>>) target(%dma_start3A_2998 : memref<8192xf32, #tpu.memory_space<vmem_shared>>) target_semaphore(%run_scoped3A : memref<!tpu.dma_semaphore, #tpu.memory_space<semaphore_mem>>)
        %dma_wait3A = tpu.memref_slice %arg9[%add3A_2055] : memref<1048576xf32, #tpu.memory_space<vmem_shared>> -> memref<8192xf32, #tpu.memory_space<vmem_shared>>
        %dma_wait3A_2999 = tpu.memref_slice %arg9[%add3A_2055] : memref<1048576xf32, #tpu.memory_space<vmem_shared>> -> memref<8192xf32, #tpu.memory_space<vmem_shared>>
        tpu.wait_dma2 semaphore(%run_scoped3A : memref<!tpu.dma_semaphore, #tpu.memory_space<semaphore_mem>>) src(%arg8 : memref<8192xf32, #tpu.memory_space<vmem>>) dst(%dma_wait3A_2999 : memref<8192xf32, #tpu.memory_space<vmem_shared>>)
        tpu.yield
      }) : () -> ()
      %add3A_2056 = arith.constant 24576 : i32
      %add3A_2057 = arith.addi %mul3A_2, %add3A_2056 : i32
      "tpu.region"() ({
        %run_scoped3A = tpu.sem_alloc : memref<!tpu.dma_semaphore, #tpu.memory_space<semaphore_mem>>
        %dma_start3A = tpu.memref_slice %arg9[%add3A_2057] : memref<1048576xf32, #tpu.memory_space<vmem_shared>> -> memref<8192xf32, #tpu.memory_space<vmem_shared>>
        %dma_start3A_2998 = tpu.memref_slice %arg9[%add3A_2057] : memref<1048576xf32, #tpu.memory_space<vmem_shared>> -> memref<8192xf32, #tpu.memory_space<vmem_shared>>
        tpu.enqueue_dma source(%arg8 : memref<8192xf32, #tpu.memory_space<vmem>>) target(%dma_start3A_2998 : memref<8192xf32, #tpu.memory_space<vmem_shared>>) target_semaphore(%run_scoped3A : memref<!tpu.dma_semaphore, #tpu.memory_space<semaphore_mem>>)
        %dma_wait3A = tpu.memref_slice %arg9[%add3A_2057] : memref<1048576xf32, #tpu.memory_space<vmem_shared>> -> memref<8192xf32, #tpu.memory_space<vmem_shared>>
        %dma_wait3A_2999 = tpu.memref_slice %arg9[%add3A_2057] : memref<1048576xf32, #tpu.memory_space<vmem_shared>> -> memref<8192xf32, #tpu.memory_space<vmem_shared>>
        tpu.wait_dma2 semaphore(%run_scoped3A : memref<!tpu.dma_semaphore, #tpu.memory_space<semaphore_mem>>) src(%arg8 : memref<8192xf32, #tpu.memory_space<vmem>>) dst(%dma_wait3A_2999 : memref<8192xf32, #tpu.memory_space<vmem_shared>>)
        tpu.yield
      }) : () -> ()
      %add3A_2058 = arith.constant 32768 : i32
      %add3A_2059 = arith.addi %mul3A_2, %add3A_2058 : i32
      "tpu.region"() ({
        %run_scoped3A = tpu.sem_alloc : memref<!tpu.dma_semaphore, #tpu.memory_space<semaphore_mem>>
        %dma_start3A = tpu.memref_slice %arg9[%add3A_2059] : memref<1048576xf32, #tpu.memory_space<vmem_shared>> -> memref<8192xf32, #tpu.memory_space<vmem_shared>>
        %dma_start3A_2998 = tpu.memref_slice %arg9[%add3A_2059] : memref<1048576xf32, #tpu.memory_space<vmem_shared>> -> memref<8192xf32, #tpu.memory_space<vmem_shared>>
        tpu.enqueue_dma source(%arg8 : memref<8192xf32, #tpu.memory_space<vmem>>) target(%dma_start3A_2998 : memref<8192xf32, #tpu.memory_space<vmem_shared>>) target_semaphore(%run_scoped3A : memref<!tpu.dma_semaphore, #tpu.memory_space<semaphore_mem>>)
        %dma_wait3A = tpu.memref_slice %arg9[%add3A_2059] : memref<1048576xf32, #tpu.memory_space<vmem_shared>> -> memref<8192xf32, #tpu.memory_space<vmem_shared>>
        %dma_wait3A_2999 = tpu.memref_slice %arg9[%add3A_2059] : memref<1048576xf32, #tpu.memory_space<vmem_shared>> -> memref<8192xf32, #tpu.memory_space<vmem_shared>>
        tpu.wait_dma2 semaphore(%run_scoped3A : memref<!tpu.dma_semaphore, #tpu.memory_space<semaphore_mem>>) src(%arg8 : memref<8192xf32, #tpu.memory_space<vmem>>) dst(%dma_wait3A_2999 : memref<8192xf32, #tpu.memory_space<vmem_shared>>)
        tpu.yield
      }) : () -> ()
      %add3A_2060 = arith.constant 40960 : i32
      %add3A_2061 = arith.addi %mul3A_2, %add3A_2060 : i32
      "tpu.region"() ({
        %run_scoped3A = tpu.sem_alloc : memref<!tpu.dma_semaphore, #tpu.memory_space<semaphore_mem>>
        %dma_start3A = tpu.memref_slice %arg9[%add3A_2061] : memref<1048576xf32, #tpu.memory_space<vmem_shared>> -> memref<8192xf32, #tpu.memory_space<vmem_shared>>
        %dma_start3A_2998 = tpu.memref_slice %arg9[%add3A_2061] : memref<1048576xf32, #tpu.memory_space<vmem_shared>> -> memref<8192xf32, #tpu.memory_space<vmem_shared>>
        tpu.enqueue_dma source(%arg8 : memref<8192xf32, #tpu.memory_space<vmem>>) target(%dma_start3A_2998 : memref<8192xf32, #tpu.memory_space<vmem_shared>>) target_semaphore(%run_scoped3A : memref<!tpu.dma_semaphore, #tpu.memory_space<semaphore_mem>>)
        %dma_wait3A = tpu.memref_slice %arg9[%add3A_2061] : memref<1048576xf32, #tpu.memory_space<vmem_shared>> -> memref<8192xf32, #tpu.memory_space<vmem_shared>>
        %dma_wait3A_2999 = tpu.memref_slice %arg9[%add3A_2061] : memref<1048576xf32, #tpu.memory_space<vmem_shared>> -> memref<8192xf32, #tpu.memory_space<vmem_shared>>
        tpu.wait_dma2 semaphore(%run_scoped3A : memref<!tpu.dma_semaphore, #tpu.memory_space<semaphore_mem>>) src(%arg8 : memref<8192xf32, #tpu.memory_space<vmem>>) dst(%dma_wait3A_2999 : memref<8192xf32, #tpu.memory_space<vmem_shared>>)
        tpu.yield
      }) : () -> ()
      %add3A_2062 = arith.constant 49152 : i32
      %add3A_2063 = arith.addi %mul3A_2, %add3A_2062 : i32
      "tpu.region"() ({
        %run_scoped3A = tpu.sem_alloc : memref<!tpu.dma_semaphore, #tpu.memory_space<semaphore_mem>>
        %dma_start3A = tpu.memref_slice %arg9[%add3A_2063] : memref<1048576xf32, #tpu.memory_space<vmem_shared>> -> memref<8192xf32, #tpu.memory_space<vmem_shared>>
        %dma_start3A_2998 = tpu.memref_slice %arg9[%add3A_2063] : memref<1048576xf32, #tpu.memory_space<vmem_shared>> -> memref<8192xf32, #tpu.memory_space<vmem_shared>>
        tpu.enqueue_dma source(%arg8 : memref<8192xf32, #tpu.memory_space<vmem>>) target(%dma_start3A_2998 : memref<8192xf32, #tpu.memory_space<vmem_shared>>) target_semaphore(%run_scoped3A : memref<!tpu.dma_semaphore, #tpu.memory_space<semaphore_mem>>)
        %dma_wait3A = tpu.memref_slice %arg9[%add3A_2063] : memref<1048576xf32, #tpu.memory_space<vmem_shared>> -> memref<8192xf32, #tpu.memory_space<vmem_shared>>
        %dma_wait3A_2999 = tpu.memref_slice %arg9[%add3A_2063] : memref<1048576xf32, #tpu.memory_space<vmem_shared>> -> memref<8192xf32, #tpu.memory_space<vmem_shared>>
        tpu.wait_dma2 semaphore(%run_scoped3A : memref<!tpu.dma_semaphore, #tpu.memory_space<semaphore_mem>>) src(%arg8 : memref<8192xf32, #tpu.memory_space<vmem>>) dst(%dma_wait3A_2999 : memref<8192xf32, #tpu.memory_space<vmem_shared>>)
        tpu.yield
      }) : () -> ()
      %add3A_2064 = arith.constant 57344 : i32
      %add3A_2065 = arith.addi %mul3A_2, %add3A_2064 : i32
      "tpu.region"() ({
        %run_scoped3A = tpu.sem_alloc : memref<!tpu.dma_semaphore, #tpu.memory_space<semaphore_mem>>
        %dma_start3A = tpu.memref_slice %arg9[%add3A_2065] : memref<1048576xf32, #tpu.memory_space<vmem_shared>> -> memref<8192xf32, #tpu.memory_space<vmem_shared>>
        %dma_start3A_2998 = tpu.memref_slice %arg9[%add3A_2065] : memref<1048576xf32, #tpu.memory_space<vmem_shared>> -> memref<8192xf32, #tpu.memory_space<vmem_shared>>
        tpu.enqueue_dma source(%arg8 : memref<8192xf32, #tpu.memory_space<vmem>>) target(%dma_start3A_2998 : memref<8192xf32, #tpu.memory_space<vmem_shared>>) target_semaphore(%run_scoped3A : memref<!tpu.dma_semaphore, #tpu.memory_space<semaphore_mem>>)
        %dma_wait3A = tpu.memref_slice %arg9[%add3A_2065] : memref<1048576xf32, #tpu.memory_space<vmem_shared>> -> memref<8192xf32, #tpu.memory_space<vmem_shared>>
        %dma_wait3A_2999 = tpu.memref_slice %arg9[%add3A_2065] : memref<1048576xf32, #tpu.memory_space<vmem_shared>> -> memref<8192xf32, #tpu.memory_space<vmem_shared>>
        tpu.wait_dma2 semaphore(%run_scoped3A : memref<!tpu.dma_semaphore, #tpu.memory_space<semaphore_mem>>) src(%arg8 : memref<8192xf32, #tpu.memory_space<vmem>>) dst(%dma_wait3A_2999 : memref<8192xf32, #tpu.memory_space<vmem_shared>>)
        tpu.yield
      }) : () -> ()
      %mul3A_2066 = arith.constant 1024 : i32
      %mul3A_2067 = arith.muli %arg1, %mul3A_2066 : i32
      "tpu.region"() ({
        %run_scoped3A = tpu.sem_alloc : memref<!tpu.dma_semaphore, #tpu.memory_space<semaphore_mem>>
        %dma_start3A = tpu.memref_slice %arg2[%mul3A_2067] : memref<16384xi32, #tpu.memory_space<hbm>> -> memref<1024xi32, #tpu.memory_space<hbm>>
        %dma_start3A_2998 = tpu.memref_slice %arg2[%mul3A_2067] : memref<16384xi32, #tpu.memory_space<hbm>> -> memref<1024xi32, #tpu.memory_space<hbm>>
        tpu.enqueue_dma source(%dma_start3A_2998 : memref<1024xi32, #tpu.memory_space<hbm>>) target(%arg5 : memref<1024xi32, #tpu.memory_space<vmem>>) target_semaphore(%run_scoped3A : memref<!tpu.dma_semaphore, #tpu.memory_space<semaphore_mem>>)
        %dma_wait3A = tpu.memref_slice %arg2[%mul3A_2067] : memref<16384xi32, #tpu.memory_space<hbm>> -> memref<1024xi32, #tpu.memory_space<hbm>>
        %dma_wait3A_2999 = tpu.memref_slice %arg2[%mul3A_2067] : memref<16384xi32, #tpu.memory_space<hbm>> -> memref<1024xi32, #tpu.memory_space<hbm>>
        tpu.wait_dma2 semaphore(%run_scoped3A : memref<!tpu.dma_semaphore, #tpu.memory_space<semaphore_mem>>) src(%dma_wait3A_2999 : memref<1024xi32, #tpu.memory_space<hbm>>) dst(%arg5 : memref<1024xi32, #tpu.memory_space<vmem>>)
        tpu.yield
      }) : () -> ()
      "tpu.region"() ({
        %run_scoped3A = tpu.sem_alloc : memref<!tpu.dma_semaphore, #tpu.memory_space<semaphore_mem>>
        %dma_start3A = tpu.memref_slice %arg3[%mul3A_2067] : memref<16384xi32, #tpu.memory_space<hbm>> -> memref<1024xi32, #tpu.memory_space<hbm>>
        %dma_start3A_2998 = tpu.memref_slice %arg3[%mul3A_2067] : memref<16384xi32, #tpu.memory_space<hbm>> -> memref<1024xi32, #tpu.memory_space<hbm>>
        tpu.enqueue_dma source(%dma_start3A_2998 : memref<1024xi32, #tpu.memory_space<hbm>>) target(%arg6 : memref<1024xi32, #tpu.memory_space<vmem>>) target_semaphore(%run_scoped3A : memref<!tpu.dma_semaphore, #tpu.memory_space<semaphore_mem>>)
        %dma_wait3A = tpu.memref_slice %arg3[%mul3A_2067] : memref<16384xi32, #tpu.memory_space<hbm>> -> memref<1024xi32, #tpu.memory_space<hbm>>
        %dma_wait3A_2999 = tpu.memref_slice %arg3[%mul3A_2067] : memref<16384xi32, #tpu.memory_space<hbm>> -> memref<1024xi32, #tpu.memory_space<hbm>>
        tpu.wait_dma2 semaphore(%run_scoped3A : memref<!tpu.dma_semaphore, #tpu.memory_space<semaphore_mem>>) src(%dma_wait3A_2999 : memref<1024xi32, #tpu.memory_space<hbm>>) dst(%arg6 : memref<1024xi32, #tpu.memory_space<vmem>>)
        tpu.yield
      }) : () -> ()
      %broadcast_in_dim3A_2068 = arith.constant 1.000000e+00 : f32
      %broadcast_in_dim3A_2069 = vector.broadcast %broadcast_in_dim3A_2068 : f32 to vector<16xf32>
      %swap3A_2070 = arith.constant 0 : index
      %swap3A_2071 = tpu.vector_load %arg7[%swap3A_2070] {strides = array<i32>} : memref<128xf32, #tpu.memory_space<vmem>>, vector<16xf32>,
      %swap3A_2072 = vector.shape_cast %swap3A_2071 : vector<16xf32> to vector<16xf32>
      %swap3A_2073 = vector.shape_cast %broadcast_in_dim3A_2069 : vector<16xf32> to vector<16xf32>
      tpu.vector_store %arg7[%swap3A_2070], %swap3A_2073 {strides = array<i32>} : memref<128xf32, #tpu.memory_space<vmem>>, vector<16xf32>,
      %swap3A_2074 = arith.constant 16 : index
      %swap3A_2075 = tpu.vector_load %arg7[%swap3A_2074] {strides = array<i32>} : memref<128xf32, #tpu.memory_space<vmem>>, vector<16xf32>,
      %swap3A_2076 = vector.shape_cast %swap3A_2075 : vector<16xf32> to vector<16xf32>
      %swap3A_2077 = vector.shape_cast %broadcast_in_dim3A_2069 : vector<16xf32> to vector<16xf32>
      tpu.vector_store %arg7[%swap3A_2074], %swap3A_2077 {strides = array<i32>} : memref<128xf32, #tpu.memory_space<vmem>>, vector<16xf32>,
      %swap3A_2078 = arith.constant 32 : index
      %swap3A_2079 = tpu.vector_load %arg7[%swap3A_2078] {strides = array<i32>} : memref<128xf32, #tpu.memory_space<vmem>>, vector<16xf32>,
      %swap3A_2080 = vector.shape_cast %swap3A_2079 : vector<16xf32> to vector<16xf32>
      %swap3A_2081 = vector.shape_cast %broadcast_in_dim3A_2069 : vector<16xf32> to vector<16xf32>
      tpu.vector_store %arg7[%swap3A_2078], %swap3A_2081 {strides = array<i32>} : memref<128xf32, #tpu.memory_space<vmem>>, vector<16xf32>,
      %swap3A_2082 = arith.constant 48 : index
      %swap3A_2083 = tpu.vector_load %arg7[%swap3A_2082] {strides = array<i32>} : memref<128xf32, #tpu.memory_space<vmem>>, vector<16xf32>,
      %swap3A_2084 = vector.shape_cast %swap3A_2083 : vector<16xf32> to vector<16xf32>
      %swap3A_2085 = vector.shape_cast %broadcast_in_dim3A_2069 : vector<16xf32> to vector<16xf32>
      tpu.vector_store %arg7[%swap3A_2082], %swap3A_2085 {strides = array<i32>} : memref<128xf32, #tpu.memory_space<vmem>>, vector<16xf32>,
      %swap3A_2086 = arith.constant 64 : index
      %swap3A_2087 = tpu.vector_load %arg7[%swap3A_2086] {strides = array<i32>} : memref<128xf32, #tpu.memory_space<vmem>>, vector<16xf32>,
      %swap3A_2088 = vector.shape_cast %swap3A_2087 : vector<16xf32> to vector<16xf32>
      %swap3A_2089 = vector.shape_cast %broadcast_in_dim3A_2069 : vector<16xf32> to vector<16xf32>
      tpu.vector_store %arg7[%swap3A_2086], %swap3A_2089 {strides = array<i32>} : memref<128xf32, #tpu.memory_space<vmem>>, vector<16xf32>,
      %swap3A_2090 = arith.constant 80 : index
      %swap3A_2091 = tpu.vector_load %arg7[%swap3A_2090] {strides = array<i32>} : memref<128xf32, #tpu.memory_space<vmem>>, vector<16xf32>,
      %swap3A_2092 = vector.shape_cast %swap3A_2091 : vector<16xf32> to vector<16xf32>
      %swap3A_2093 = vector.shape_cast %broadcast_in_dim3A_2069 : vector<16xf32> to vector<16xf32>
      tpu.vector_store %arg7[%swap3A_2090], %swap3A_2093 {strides = array<i32>} : memref<128xf32, #tpu.memory_space<vmem>>, vector<16xf32>,
      %swap3A_2094 = arith.constant 96 : index
      %swap3A_2095 = tpu.vector_load %arg7[%swap3A_2094] {strides = array<i32>} : memref<128xf32, #tpu.memory_space<vmem>>, vector<16xf32>,
      %swap3A_2096 = vector.shape_cast %swap3A_2095 : vector<16xf32> to vector<16xf32>
      %swap3A_2097 = vector.shape_cast %broadcast_in_dim3A_2069 : vector<16xf32> to vector<16xf32>
      tpu.vector_store %arg7[%swap3A_2094], %swap3A_2097 {strides = array<i32>} : memref<128xf32, #tpu.memory_space<vmem>>, vector<16xf32>,
      %swap3A_2098 = arith.constant 112 : index
      %swap3A_2099 = tpu.vector_load %arg7[%swap3A_2098] {strides = array<i32>} : memref<128xf32, #tpu.memory_space<vmem>>, vector<16xf32>,
      %swap3A_2100 = vector.shape_cast %swap3A_2099 : vector<16xf32> to vector<16xf32>
      %swap3A_2101 = vector.shape_cast %broadcast_in_dim3A_2069 : vector<16xf32> to vector<16xf32>
      tpu.vector_store %arg7[%swap3A_2098], %swap3A_2101 {strides = array<i32>} : memref<128xf32, #tpu.memory_space<vmem>>, vector<16xf32>,
      %get3A = arith.constant 0 : index
      %get3A_2102 = tpu.vector_load %arg5[%get3A] {strides = array<i32>} : memref<1024xi32, #tpu.memory_space<vmem>>, vector<16xi32>,
      %get3A_2103 = vector.shape_cast %get3A_2102 : vector<16xi32> to vector<16xi32>
      %get3A_2104 = arith.constant 0 : index
      %get3A_2105 = tpu.vector_load %arg6[%get3A_2104] {strides = array<i32>} : memref<1024xi32, #tpu.memory_space<vmem>>, vector<16xi32>,
      %get3A_2106 = vector.shape_cast %get3A_2105 : vector<16xi32> to vector<16xi32>
      %mul3A_2107 = arith.constant 1024 : i32
      %mul3A_2108 = vector.broadcast %mul3A_2107 : i32 to vector<16xi32>
      %mul3A_2109 = arith.muli %get3A_2103, %mul3A_2108 : vector<16xi32>
      %add3A_2110 = arith.addi %mul3A_2109, %get3A_2106 : vector<16xi32>
      %swap3A_2111 = arith.constant 0 : index
      %swap3A_2112 = tpu.vector_load %arg10[%swap3A_2111] {strides = array<i32>} : memref<128xi32, #tpu.memory_space<vmem>>, vector<16xi32>,
      %swap3A_2113 = vector.shape_cast %swap3A_2112 : vector<16xi32> to vector<16xi32>
      %swap3A_2114 = vector.shape_cast %add3A_2110 : vector<16xi32> to vector<16xi32>
      tpu.vector_store %arg10[%swap3A_2111], %swap3A_2114 {strides = array<i32>} : memref<128xi32, #tpu.memory_space<vmem>>, vector<16xi32>,
      %get3A_2115 = arith.constant 16 : index
      %get3A_2116 = tpu.vector_load %arg5[%get3A_2115] {strides = array<i32>} : memref<1024xi32, #tpu.memory_space<vmem>>, vector<16xi32>,
      %get3A_2117 = vector.shape_cast %get3A_2116 : vector<16xi32> to vector<16xi32>
      %get3A_2118 = arith.constant 16 : index
      %get3A_2119 = tpu.vector_load %arg6[%get3A_2118] {strides = array<i32>} : memref<1024xi32, #tpu.memory_space<vmem>>, vector<16xi32>,
      %get3A_2120 = vector.shape_cast %get3A_2119 : vector<16xi32> to vector<16xi32>
      %mul3A_2121 = arith.constant 1024 : i32
      %mul3A_2122 = vector.broadcast %mul3A_2121 : i32 to vector<16xi32>
      %mul3A_2123 = arith.muli %get3A_2117, %mul3A_2122 : vector<16xi32>
      %add3A_2124 = arith.addi %mul3A_2123, %get3A_2120 : vector<16xi32>
      %swap3A_2125 = arith.constant 16 : index
      %swap3A_2126 = tpu.vector_load %arg10[%swap3A_2125] {strides = array<i32>} : memref<128xi32, #tpu.memory_space<vmem>>, vector<16xi32>,
      %swap3A_2127 = vector.shape_cast %swap3A_2126 : vector<16xi32> to vector<16xi32>
      %swap3A_2128 = vector.shape_cast %add3A_2124 : vector<16xi32> to vector<16xi32>
      tpu.vector_store %arg10[%swap3A_2125], %swap3A_2128 {strides = array<i32>} : memref<128xi32, #tpu.memory_space<vmem>>, vector<16xi32>,
      %get3A_2129 = arith.constant 32 : index
      %get3A_2130 = tpu.vector_load %arg5[%get3A_2129] {strides = array<i32>} : memref<1024xi32, #tpu.memory_space<vmem>>, vector<16xi32>,
      %get3A_2131 = vector.shape_cast %get3A_2130 : vector<16xi32> to vector<16xi32>
      %get3A_2132 = arith.constant 32 : index
      %get3A_2133 = tpu.vector_load %arg6[%get3A_2132] {strides = array<i32>} : memref<1024xi32, #tpu.memory_space<vmem>>, vector<16xi32>,
      %get3A_2134 = vector.shape_cast %get3A_2133 : vector<16xi32> to vector<16xi32>
      %mul3A_2135 = arith.constant 1024 : i32
      %mul3A_2136 = vector.broadcast %mul3A_2135 : i32 to vector<16xi32>
      %mul3A_2137 = arith.muli %get3A_2131, %mul3A_2136 : vector<16xi32>
      %add3A_2138 = arith.addi %mul3A_2137, %get3A_2134 : vector<16xi32>
      %swap3A_2139 = arith.constant 32 : index
      %swap3A_2140 = tpu.vector_load %arg10[%swap3A_2139] {strides = array<i32>} : memref<128xi32, #tpu.memory_space<vmem>>, vector<16xi32>,
      %swap3A_2141 = vector.shape_cast %swap3A_2140 : vector<16xi32> to vector<16xi32>
      %swap3A_2142 = vector.shape_cast %add3A_2138 : vector<16xi32> to vector<16xi32>
      tpu.vector_store %arg10[%swap3A_2139], %swap3A_2142 {strides = array<i32>} : memref<128xi32, #tpu.memory_space<vmem>>, vector<16xi32>,
      %get3A_2143 = arith.constant 48 : index
      %get3A_2144 = tpu.vector_load %arg5[%get3A_2143] {strides = array<i32>} : memref<1024xi32, #tpu.memory_space<vmem>>, vector<16xi32>,
      %get3A_2145 = vector.shape_cast %get3A_2144 : vector<16xi32> to vector<16xi32>
      %get3A_2146 = arith.constant 48 : index
      %get3A_2147 = tpu.vector_load %arg6[%get3A_2146] {strides = array<i32>} : memref<1024xi32, #tpu.memory_space<vmem>>, vector<16xi32>,
      %get3A_2148 = vector.shape_cast %get3A_2147 : vector<16xi32> to vector<16xi32>
      %mul3A_2149 = arith.constant 1024 : i32
      %mul3A_2150 = vector.broadcast %mul3A_2149 : i32 to vector<16xi32>
      %mul3A_2151 = arith.muli %get3A_2145, %mul3A_2150 : vector<16xi32>
      %add3A_2152 = arith.addi %mul3A_2151, %get3A_2148 : vector<16xi32>
      %swap3A_2153 = arith.constant 48 : index
      %swap3A_2154 = tpu.vector_load %arg10[%swap3A_2153] {strides = array<i32>} : memref<128xi32, #tpu.memory_space<vmem>>, vector<16xi32>,
      %swap3A_2155 = vector.shape_cast %swap3A_2154 : vector<16xi32> to vector<16xi32>
      %swap3A_2156 = vector.shape_cast %add3A_2152 : vector<16xi32> to vector<16xi32>
      tpu.vector_store %arg10[%swap3A_2153], %swap3A_2156 {strides = array<i32>} : memref<128xi32, #tpu.memory_space<vmem>>, vector<16xi32>,
      %get3A_2157 = arith.constant 64 : index
      %get3A_2158 = tpu.vector_load %arg5[%get3A_2157] {strides = array<i32>} : memref<1024xi32, #tpu.memory_space<vmem>>, vector<16xi32>,
      %get3A_2159 = vector.shape_cast %get3A_2158 : vector<16xi32> to vector<16xi32>
      %get3A_2160 = arith.constant 64 : index
      %get3A_2161 = tpu.vector_load %arg6[%get3A_2160] {strides = array<i32>} : memref<1024xi32, #tpu.memory_space<vmem>>, vector<16xi32>,
      %get3A_2162 = vector.shape_cast %get3A_2161 : vector<16xi32> to vector<16xi32>
      %mul3A_2163 = arith.constant 1024 : i32
      %mul3A_2164 = vector.broadcast %mul3A_2163 : i32 to vector<16xi32>
      %mul3A_2165 = arith.muli %get3A_2159, %mul3A_2164 : vector<16xi32>
      %add3A_2166 = arith.addi %mul3A_2165, %get3A_2162 : vector<16xi32>
      %swap3A_2167 = arith.constant 64 : index
      %swap3A_2168 = tpu.vector_load %arg10[%swap3A_2167] {strides = array<i32>} : memref<128xi32, #tpu.memory_space<vmem>>, vector<16xi32>,
      %swap3A_2169 = vector.shape_cast %swap3A_2168 : vector<16xi32> to vector<16xi32>
      %swap3A_2170 = vector.shape_cast %add3A_2166 : vector<16xi32> to vector<16xi32>
      tpu.vector_store %arg10[%swap3A_2167], %swap3A_2170 {strides = array<i32>} : memref<128xi32, #tpu.memory_space<vmem>>, vector<16xi32>,
      %get3A_2171 = arith.constant 80 : index
      %get3A_2172 = tpu.vector_load %arg5[%get3A_2171] {strides = array<i32>} : memref<1024xi32, #tpu.memory_space<vmem>>, vector<16xi32>,
      %get3A_2173 = vector.shape_cast %get3A_2172 : vector<16xi32> to vector<16xi32>
      %get3A_2174 = arith.constant 80 : index
      %get3A_2175 = tpu.vector_load %arg6[%get3A_2174] {strides = array<i32>} : memref<1024xi32, #tpu.memory_space<vmem>>, vector<16xi32>,
      %get3A_2176 = vector.shape_cast %get3A_2175 : vector<16xi32> to vector<16xi32>
      %mul3A_2177 = arith.constant 1024 : i32
      %mul3A_2178 = vector.broadcast %mul3A_2177 : i32 to vector<16xi32>
      %mul3A_2179 = arith.muli %get3A_2173, %mul3A_2178 : vector<16xi32>
      %add3A_2180 = arith.addi %mul3A_2179, %get3A_2176 : vector<16xi32>
      %swap3A_2181 = arith.constant 80 : index
      %swap3A_2182 = tpu.vector_load %arg10[%swap3A_2181] {strides = array<i32>} : memref<128xi32, #tpu.memory_space<vmem>>, vector<16xi32>,
      %swap3A_2183 = vector.shape_cast %swap3A_2182 : vector<16xi32> to vector<16xi32>
      %swap3A_2184 = vector.shape_cast %add3A_2180 : vector<16xi32> to vector<16xi32>
      tpu.vector_store %arg10[%swap3A_2181], %swap3A_2184 {strides = array<i32>} : memref<128xi32, #tpu.memory_space<vmem>>, vector<16xi32>,
      %get3A_2185 = arith.constant 96 : index
      %get3A_2186 = tpu.vector_load %arg5[%get3A_2185] {strides = array<i32>} : memref<1024xi32, #tpu.memory_space<vmem>>, vector<16xi32>,
      %get3A_2187 = vector.shape_cast %get3A_2186 : vector<16xi32> to vector<16xi32>
      %get3A_2188 = arith.constant 96 : index
      %get3A_2189 = tpu.vector_load %arg6[%get3A_2188] {strides = array<i32>} : memref<1024xi32, #tpu.memory_space<vmem>>, vector<16xi32>,
      %get3A_2190 = vector.shape_cast %get3A_2189 : vector<16xi32> to vector<16xi32>
      %mul3A_2191 = arith.constant 1024 : i32
      %mul3A_2192 = vector.broadcast %mul3A_2191 : i32 to vector<16xi32>
      %mul3A_2193 = arith.muli %get3A_2187, %mul3A_2192 : vector<16xi32>
      %add3A_2194 = arith.addi %mul3A_2193, %get3A_2190 : vector<16xi32>
      %swap3A_2195 = arith.constant 96 : index
      %swap3A_2196 = tpu.vector_load %arg10[%swap3A_2195] {strides = array<i32>} : memref<128xi32, #tpu.memory_space<vmem>>, vector<16xi32>,
      %swap3A_2197 = vector.shape_cast %swap3A_2196 : vector<16xi32> to vector<16xi32>
      %swap3A_2198 = vector.shape_cast %add3A_2194 : vector<16xi32> to vector<16xi32>
      tpu.vector_store %arg10[%swap3A_2195], %swap3A_2198 {strides = array<i32>} : memref<128xi32, #tpu.memory_space<vmem>>, vector<16xi32>,
      %get3A_2199 = arith.constant 112 : index
      %get3A_2200 = tpu.vector_load %arg5[%get3A_2199] {strides = array<i32>} : memref<1024xi32, #tpu.memory_space<vmem>>, vector<16xi32>,
      %get3A_2201 = vector.shape_cast %get3A_2200 : vector<16xi32> to vector<16xi32>
      %get3A_2202 = arith.constant 112 : index
      %get3A_2203 = tpu.vector_load %arg6[%get3A_2202] {strides = array<i32>} : memref<1024xi32, #tpu.memory_space<vmem>>, vector<16xi32>,
      %get3A_2204 = vector.shape_cast %get3A_2203 : vector<16xi32> to vector<16xi32>
      %mul3A_2205 = arith.constant 1024 : i32
      %mul3A_2206 = vector.broadcast %mul3A_2205 : i32 to vector<16xi32>
      %mul3A_2207 = arith.muli %get3A_2201, %mul3A_2206 : vector<16xi32>
      %add3A_2208 = arith.addi %mul3A_2207, %get3A_2204 : vector<16xi32>
      %swap3A_2209 = arith.constant 112 : index
      %swap3A_2210 = tpu.vector_load %arg10[%swap3A_2209] {strides = array<i32>} : memref<128xi32, #tpu.memory_space<vmem>>, vector<16xi32>,
      %swap3A_2211 = vector.shape_cast %swap3A_2210 : vector<16xi32> to vector<16xi32>
      %swap3A_2212 = vector.shape_cast %add3A_2208 : vector<16xi32> to vector<16xi32>
      tpu.vector_store %arg10[%swap3A_2209], %swap3A_2212 {strides = array<i32>} : memref<128xi32, #tpu.memory_space<vmem>>, vector<16xi32>,
      %get3A_2213 = arith.constant 128 : index
      %get3A_2214 = tpu.vector_load %arg5[%get3A_2213] {strides = array<i32>} : memref<1024xi32, #tpu.memory_space<vmem>>, vector<16xi32>,
      %get3A_2215 = vector.shape_cast %get3A_2214 : vector<16xi32> to vector<16xi32>
      %get3A_2216 = arith.constant 128 : index
      %get3A_2217 = tpu.vector_load %arg6[%get3A_2216] {strides = array<i32>} : memref<1024xi32, #tpu.memory_space<vmem>>, vector<16xi32>,
      %get3A_2218 = vector.shape_cast %get3A_2217 : vector<16xi32> to vector<16xi32>
      %mul3A_2219 = arith.constant 1024 : i32
      %mul3A_2220 = vector.broadcast %mul3A_2219 : i32 to vector<16xi32>
      %mul3A_2221 = arith.muli %get3A_2215, %mul3A_2220 : vector<16xi32>
      %add3A_2222 = arith.addi %mul3A_2221, %get3A_2218 : vector<16xi32>
      %swap3A_2223 = arith.constant 0 : index
      %swap3A_2224 = tpu.vector_load %arg11[%swap3A_2223] {strides = array<i32>} : memref<128xi32, #tpu.memory_space<vmem>>, vector<16xi32>,
      %swap3A_2225 = vector.shape_cast %swap3A_2224 : vector<16xi32> to vector<16xi32>
      %swap3A_2226 = vector.shape_cast %add3A_2222 : vector<16xi32> to vector<16xi32>
      tpu.vector_store %arg11[%swap3A_2223], %swap3A_2226 {strides = array<i32>} : memref<128xi32, #tpu.memory_space<vmem>>, vector<16xi32>,
      %get3A_2227 = arith.constant 144 : index
      %get3A_2228 = tpu.vector_load %arg5[%get3A_2227] {strides = array<i32>} : memref<1024xi32, #tpu.memory_space<vmem>>, vector<16xi32>,
      %get3A_2229 = vector.shape_cast %get3A_2228 : vector<16xi32> to vector<16xi32>
      %get3A_2230 = arith.constant 144 : index
      %get3A_2231 = tpu.vector_load %arg6[%get3A_2230] {strides = array<i32>} : memref<1024xi32, #tpu.memory_space<vmem>>, vector<16xi32>,
      %get3A_2232 = vector.shape_cast %get3A_2231 : vector<16xi32> to vector<16xi32>
      %mul3A_2233 = arith.constant 1024 : i32
      %mul3A_2234 = vector.broadcast %mul3A_2233 : i32 to vector<16xi32>
      %mul3A_2235 = arith.muli %get3A_2229, %mul3A_2234 : vector<16xi32>
      %add3A_2236 = arith.addi %mul3A_2235, %get3A_2232 : vector<16xi32>
      %swap3A_2237 = arith.constant 16 : index
      %swap3A_2238 = tpu.vector_load %arg11[%swap3A_2237] {strides = array<i32>} : memref<128xi32, #tpu.memory_space<vmem>>, vector<16xi32>,
      %swap3A_2239 = vector.shape_cast %swap3A_2238 : vector<16xi32> to vector<16xi32>
      %swap3A_2240 = vector.shape_cast %add3A_2236 : vector<16xi32> to vector<16xi32>
      tpu.vector_store %arg11[%swap3A_2237], %swap3A_2240 {strides = array<i32>} : memref<128xi32, #tpu.memory_space<vmem>>, vector<16xi32>,
      %get3A_2241 = arith.constant 160 : index
      %get3A_2242 = tpu.vector_load %arg5[%get3A_2241] {strides = array<i32>} : memref<1024xi32, #tpu.memory_space<vmem>>, vector<16xi32>,
      %get3A_2243 = vector.shape_cast %get3A_2242 : vector<16xi32> to vector<16xi32>
      %get3A_2244 = arith.constant 160 : index
      %get3A_2245 = tpu.vector_load %arg6[%get3A_2244] {strides = array<i32>} : memref<1024xi32, #tpu.memory_space<vmem>>, vector<16xi32>,
      %get3A_2246 = vector.shape_cast %get3A_2245 : vector<16xi32> to vector<16xi32>
      %mul3A_2247 = arith.constant 1024 : i32
      %mul3A_2248 = vector.broadcast %mul3A_2247 : i32 to vector<16xi32>
      %mul3A_2249 = arith.muli %get3A_2243, %mul3A_2248 : vector<16xi32>
      %add3A_2250 = arith.addi %mul3A_2249, %get3A_2246 : vector<16xi32>
      %swap3A_2251 = arith.constant 32 : index
      %swap3A_2252 = tpu.vector_load %arg11[%swap3A_2251] {strides = array<i32>} : memref<128xi32, #tpu.memory_space<vmem>>, vector<16xi32>,
      %swap3A_2253 = vector.shape_cast %swap3A_2252 : vector<16xi32> to vector<16xi32>
      %swap3A_2254 = vector.shape_cast %add3A_2250 : vector<16xi32> to vector<16xi32>
      tpu.vector_store %arg11[%swap3A_2251], %swap3A_2254 {strides = array<i32>} : memref<128xi32, #tpu.memory_space<vmem>>, vector<16xi32>,
      %get3A_2255 = arith.constant 176 : index
      %get3A_2256 = tpu.vector_load %arg5[%get3A_2255] {strides = array<i32>} : memref<1024xi32, #tpu.memory_space<vmem>>, vector<16xi32>,
      %get3A_2257 = vector.shape_cast %get3A_2256 : vector<16xi32> to vector<16xi32>
      %get3A_2258 = arith.constant 176 : index
      %get3A_2259 = tpu.vector_load %arg6[%get3A_2258] {strides = array<i32>} : memref<1024xi32, #tpu.memory_space<vmem>>, vector<16xi32>,
      %get3A_2260 = vector.shape_cast %get3A_2259 : vector<16xi32> to vector<16xi32>
      %mul3A_2261 = arith.constant 1024 : i32
      %mul3A_2262 = vector.broadcast %mul3A_2261 : i32 to vector<16xi32>
      %mul3A_2263 = arith.muli %get3A_2257, %mul3A_2262 : vector<16xi32>
      %add3A_2264 = arith.addi %mul3A_2263, %get3A_2260 : vector<16xi32>
      %swap3A_2265 = arith.constant 48 : index
      %swap3A_2266 = tpu.vector_load %arg11[%swap3A_2265] {strides = array<i32>} : memref<128xi32, #tpu.memory_space<vmem>>, vector<16xi32>,
      %swap3A_2267 = vector.shape_cast %swap3A_2266 : vector<16xi32> to vector<16xi32>
      %swap3A_2268 = vector.shape_cast %add3A_2264 : vector<16xi32> to vector<16xi32>
      tpu.vector_store %arg11[%swap3A_2265], %swap3A_2268 {strides = array<i32>} : memref<128xi32, #tpu.memory_space<vmem>>, vector<16xi32>,
      %get3A_2269 = arith.constant 192 : index
      %get3A_2270 = tpu.vector_load %arg5[%get3A_2269] {strides = array<i32>} : memref<1024xi32, #tpu.memory_space<vmem>>, vector<16xi32>,
      %get3A_2271 = vector.shape_cast %get3A_2270 : vector<16xi32> to vector<16xi32>
      %get3A_2272 = arith.constant 192 : index
      %get3A_2273 = tpu.vector_load %arg6[%get3A_2272] {strides = array<i32>} : memref<1024xi32, #tpu.memory_space<vmem>>, vector<16xi32>,
      %get3A_2274 = vector.shape_cast %get3A_2273 : vector<16xi32> to vector<16xi32>
      %mul3A_2275 = arith.constant 1024 : i32
      %mul3A_2276 = vector.broadcast %mul3A_2275 : i32 to vector<16xi32>
      %mul3A_2277 = arith.muli %get3A_2271, %mul3A_2276 : vector<16xi32>
      %add3A_2278 = arith.addi %mul3A_2277, %get3A_2274 : vector<16xi32>
      %swap3A_2279 = arith.constant 64 : index
      %swap3A_2280 = tpu.vector_load %arg11[%swap3A_2279] {strides = array<i32>} : memref<128xi32, #tpu.memory_space<vmem>>, vector<16xi32>,
      %swap3A_2281 = vector.shape_cast %swap3A_2280 : vector<16xi32> to vector<16xi32>
      %swap3A_2282 = vector.shape_cast %add3A_2278 : vector<16xi32> to vector<16xi32>
      tpu.vector_store %arg11[%swap3A_2279], %swap3A_2282 {strides = array<i32>} : memref<128xi32, #tpu.memory_space<vmem>>, vector<16xi32>,
      %get3A_2283 = arith.constant 208 : index
      %get3A_2284 = tpu.vector_load %arg5[%get3A_2283] {strides = array<i32>} : memref<1024xi32, #tpu.memory_space<vmem>>, vector<16xi32>,
      %get3A_2285 = vector.shape_cast %get3A_2284 : vector<16xi32> to vector<16xi32>
      %get3A_2286 = arith.constant 208 : index
      %get3A_2287 = tpu.vector_load %arg6[%get3A_2286] {strides = array<i32>} : memref<1024xi32, #tpu.memory_space<vmem>>, vector<16xi32>,
      %get3A_2288 = vector.shape_cast %get3A_2287 : vector<16xi32> to vector<16xi32>
      %mul3A_2289 = arith.constant 1024 : i32
      %mul3A_2290 = vector.broadcast %mul3A_2289 : i32 to vector<16xi32>
      %mul3A_2291 = arith.muli %get3A_2285, %mul3A_2290 : vector<16xi32>
      %add3A_2292 = arith.addi %mul3A_2291, %get3A_2288 : vector<16xi32>
      %swap3A_2293 = arith.constant 80 : index
      %swap3A_2294 = tpu.vector_load %arg11[%swap3A_2293] {strides = array<i32>} : memref<128xi32, #tpu.memory_space<vmem>>, vector<16xi32>,
      %swap3A_2295 = vector.shape_cast %swap3A_2294 : vector<16xi32> to vector<16xi32>
      %swap3A_2296 = vector.shape_cast %add3A_2292 : vector<16xi32> to vector<16xi32>
      tpu.vector_store %arg11[%swap3A_2293], %swap3A_2296 {strides = array<i32>} : memref<128xi32, #tpu.memory_space<vmem>>, vector<16xi32>,
      %get3A_2297 = arith.constant 224 : index
      %get3A_2298 = tpu.vector_load %arg5[%get3A_2297] {strides = array<i32>} : memref<1024xi32, #tpu.memory_space<vmem>>, vector<16xi32>,
      %get3A_2299 = vector.shape_cast %get3A_2298 : vector<16xi32> to vector<16xi32>
      %get3A_2300 = arith.constant 224 : index
      %get3A_2301 = tpu.vector_load %arg6[%get3A_2300] {strides = array<i32>} : memref<1024xi32, #tpu.memory_space<vmem>>, vector<16xi32>,
      %get3A_2302 = vector.shape_cast %get3A_2301 : vector<16xi32> to vector<16xi32>
      %mul3A_2303 = arith.constant 1024 : i32
      %mul3A_2304 = vector.broadcast %mul3A_2303 : i32 to vector<16xi32>
      %mul3A_2305 = arith.muli %get3A_2299, %mul3A_2304 : vector<16xi32>
      %add3A_2306 = arith.addi %mul3A_2305, %get3A_2302 : vector<16xi32>
      %swap3A_2307 = arith.constant 96 : index
      %swap3A_2308 = tpu.vector_load %arg11[%swap3A_2307] {strides = array<i32>} : memref<128xi32, #tpu.memory_space<vmem>>, vector<16xi32>,
      %swap3A_2309 = vector.shape_cast %swap3A_2308 : vector<16xi32> to vector<16xi32>
      %swap3A_2310 = vector.shape_cast %add3A_2306 : vector<16xi32> to vector<16xi32>
      tpu.vector_store %arg11[%swap3A_2307], %swap3A_2310 {strides = array<i32>} : memref<128xi32, #tpu.memory_space<vmem>>, vector<16xi32>,
      %get3A_2311 = arith.constant 240 : index
      %get3A_2312 = tpu.vector_load %arg5[%get3A_2311] {strides = array<i32>} : memref<1024xi32, #tpu.memory_space<vmem>>, vector<16xi32>,
      %get3A_2313 = vector.shape_cast %get3A_2312 : vector<16xi32> to vector<16xi32>
      %get3A_2314 = arith.constant 240 : index
      %get3A_2315 = tpu.vector_load %arg6[%get3A_2314] {strides = array<i32>} : memref<1024xi32, #tpu.memory_space<vmem>>, vector<16xi32>,
      %get3A_2316 = vector.shape_cast %get3A_2315 : vector<16xi32> to vector<16xi32>
      %mul3A_2317 = arith.constant 1024 : i32
      %mul3A_2318 = vector.broadcast %mul3A_2317 : i32 to vector<16xi32>
      %mul3A_2319 = arith.muli %get3A_2313, %mul3A_2318 : vector<16xi32>
      %add3A_2320 = arith.addi %mul3A_2319, %get3A_2316 : vector<16xi32>
      %swap3A_2321 = arith.constant 112 : index
      %swap3A_2322 = tpu.vector_load %arg11[%swap3A_2321] {strides = array<i32>} : memref<128xi32, #tpu.memory_space<vmem>>, vector<16xi32>,
      %swap3A_2323 = vector.shape_cast %swap3A_2322 : vector<16xi32> to vector<16xi32>
      %swap3A_2324 = vector.shape_cast %add3A_2320 : vector<16xi32> to vector<16xi32>
      tpu.vector_store %arg11[%swap3A_2321], %swap3A_2324 {strides = array<i32>} : memref<128xi32, #tpu.memory_space<vmem>>, vector<16xi32>,
      %get3A_2325 = arith.constant 256 : index
      %get3A_2326 = tpu.vector_load %arg5[%get3A_2325] {strides = array<i32>} : memref<1024xi32, #tpu.memory_space<vmem>>, vector<16xi32>,
      %get3A_2327 = vector.shape_cast %get3A_2326 : vector<16xi32> to vector<16xi32>
      %get3A_2328 = arith.constant 256 : index
      %get3A_2329 = tpu.vector_load %arg6[%get3A_2328] {strides = array<i32>} : memref<1024xi32, #tpu.memory_space<vmem>>, vector<16xi32>,
      %get3A_2330 = vector.shape_cast %get3A_2329 : vector<16xi32> to vector<16xi32>
      %mul3A_2331 = arith.constant 1024 : i32
      %mul3A_2332 = vector.broadcast %mul3A_2331 : i32 to vector<16xi32>
      %mul3A_2333 = arith.muli %get3A_2327, %mul3A_2332 : vector<16xi32>
      %add3A_2334 = arith.addi %mul3A_2333, %get3A_2330 : vector<16xi32>
      %swap3A_2335 = arith.constant 0 : index
      %swap3A_2336 = tpu.vector_load %arg12[%swap3A_2335] {strides = array<i32>} : memref<128xi32, #tpu.memory_space<vmem>>, vector<16xi32>,
      %swap3A_2337 = vector.shape_cast %swap3A_2336 : vector<16xi32> to vector<16xi32>
      %swap3A_2338 = vector.shape_cast %add3A_2334 : vector<16xi32> to vector<16xi32>
      tpu.vector_store %arg12[%swap3A_2335], %swap3A_2338 {strides = array<i32>} : memref<128xi32, #tpu.memory_space<vmem>>, vector<16xi32>,
      %get3A_2339 = arith.constant 272 : index
      %get3A_2340 = tpu.vector_load %arg5[%get3A_2339] {strides = array<i32>} : memref<1024xi32, #tpu.memory_space<vmem>>, vector<16xi32>,
      %get3A_2341 = vector.shape_cast %get3A_2340 : vector<16xi32> to vector<16xi32>
      %get3A_2342 = arith.constant 272 : index
      %get3A_2343 = tpu.vector_load %arg6[%get3A_2342] {strides = array<i32>} : memref<1024xi32, #tpu.memory_space<vmem>>, vector<16xi32>,
      %get3A_2344 = vector.shape_cast %get3A_2343 : vector<16xi32> to vector<16xi32>
      %mul3A_2345 = arith.constant 1024 : i32
      %mul3A_2346 = vector.broadcast %mul3A_2345 : i32 to vector<16xi32>
      %mul3A_2347 = arith.muli %get3A_2341, %mul3A_2346 : vector<16xi32>
      %add3A_2348 = arith.addi %mul3A_2347, %get3A_2344 : vector<16xi32>
      %swap3A_2349 = arith.constant 16 : index
      %swap3A_2350 = tpu.vector_load %arg12[%swap3A_2349] {strides = array<i32>} : memref<128xi32, #tpu.memory_space<vmem>>, vector<16xi32>,
      %swap3A_2351 = vector.shape_cast %swap3A_2350 : vector<16xi32> to vector<16xi32>
      %swap3A_2352 = vector.shape_cast %add3A_2348 : vector<16xi32> to vector<16xi32>
      tpu.vector_store %arg12[%swap3A_2349], %swap3A_2352 {strides = array<i32>} : memref<128xi32, #tpu.memory_space<vmem>>, vector<16xi32>,
      %get3A_2353 = arith.constant 288 : index
      %get3A_2354 = tpu.vector_load %arg5[%get3A_2353] {strides = array<i32>} : memref<1024xi32, #tpu.memory_space<vmem>>, vector<16xi32>,
      %get3A_2355 = vector.shape_cast %get3A_2354 : vector<16xi32> to vector<16xi32>
      %get3A_2356 = arith.constant 288 : index
      %get3A_2357 = tpu.vector_load %arg6[%get3A_2356] {strides = array<i32>} : memref<1024xi32, #tpu.memory_space<vmem>>, vector<16xi32>,
      %get3A_2358 = vector.shape_cast %get3A_2357 : vector<16xi32> to vector<16xi32>
      %mul3A_2359 = arith.constant 1024 : i32
      %mul3A_2360 = vector.broadcast %mul3A_2359 : i32 to vector<16xi32>
      %mul3A_2361 = arith.muli %get3A_2355, %mul3A_2360 : vector<16xi32>
      %add3A_2362 = arith.addi %mul3A_2361, %get3A_2358 : vector<16xi32>
      %swap3A_2363 = arith.constant 32 : index
      %swap3A_2364 = tpu.vector_load %arg12[%swap3A_2363] {strides = array<i32>} : memref<128xi32, #tpu.memory_space<vmem>>, vector<16xi32>,
      %swap3A_2365 = vector.shape_cast %swap3A_2364 : vector<16xi32> to vector<16xi32>
      %swap3A_2366 = vector.shape_cast %add3A_2362 : vector<16xi32> to vector<16xi32>
      tpu.vector_store %arg12[%swap3A_2363], %swap3A_2366 {strides = array<i32>} : memref<128xi32, #tpu.memory_space<vmem>>, vector<16xi32>,
      %get3A_2367 = arith.constant 304 : index
      %get3A_2368 = tpu.vector_load %arg5[%get3A_2367] {strides = array<i32>} : memref<1024xi32, #tpu.memory_space<vmem>>, vector<16xi32>,
      %get3A_2369 = vector.shape_cast %get3A_2368 : vector<16xi32> to vector<16xi32>
      %get3A_2370 = arith.constant 304 : index
      %get3A_2371 = tpu.vector_load %arg6[%get3A_2370] {strides = array<i32>} : memref<1024xi32, #tpu.memory_space<vmem>>, vector<16xi32>,
      %get3A_2372 = vector.shape_cast %get3A_2371 : vector<16xi32> to vector<16xi32>
      %mul3A_2373 = arith.constant 1024 : i32
      %mul3A_2374 = vector.broadcast %mul3A_2373 : i32 to vector<16xi32>
      %mul3A_2375 = arith.muli %get3A_2369, %mul3A_2374 : vector<16xi32>
      %add3A_2376 = arith.addi %mul3A_2375, %get3A_2372 : vector<16xi32>
      %swap3A_2377 = arith.constant 48 : index
      %swap3A_2378 = tpu.vector_load %arg12[%swap3A_2377] {strides = array<i32>} : memref<128xi32, #tpu.memory_space<vmem>>, vector<16xi32>,
      %swap3A_2379 = vector.shape_cast %swap3A_2378 : vector<16xi32> to vector<16xi32>
      %swap3A_2380 = vector.shape_cast %add3A_2376 : vector<16xi32> to vector<16xi32>
      tpu.vector_store %arg12[%swap3A_2377], %swap3A_2380 {strides = array<i32>} : memref<128xi32, #tpu.memory_space<vmem>>, vector<16xi32>,
      %get3A_2381 = arith.constant 320 : index
      %get3A_2382 = tpu.vector_load %arg5[%get3A_2381] {strides = array<i32>} : memref<1024xi32, #tpu.memory_space<vmem>>, vector<16xi32>,
      %get3A_2383 = vector.shape_cast %get3A_2382 : vector<16xi32> to vector<16xi32>
      %get3A_2384 = arith.constant 320 : index
      %get3A_2385 = tpu.vector_load %arg6[%get3A_2384] {strides = array<i32>} : memref<1024xi32, #tpu.memory_space<vmem>>, vector<16xi32>,
      %get3A_2386 = vector.shape_cast %get3A_2385 : vector<16xi32> to vector<16xi32>
      %mul3A_2387 = arith.constant 1024 : i32
      %mul3A_2388 = vector.broadcast %mul3A_2387 : i32 to vector<16xi32>
      %mul3A_2389 = arith.muli %get3A_2383, %mul3A_2388 : vector<16xi32>
      %add3A_2390 = arith.addi %mul3A_2389, %get3A_2386 : vector<16xi32>
      %swap3A_2391 = arith.constant 64 : index
      %swap3A_2392 = tpu.vector_load %arg12[%swap3A_2391] {strides = array<i32>} : memref<128xi32, #tpu.memory_space<vmem>>, vector<16xi32>,
      %swap3A_2393 = vector.shape_cast %swap3A_2392 : vector<16xi32> to vector<16xi32>
      %swap3A_2394 = vector.shape_cast %add3A_2390 : vector<16xi32> to vector<16xi32>
      tpu.vector_store %arg12[%swap3A_2391], %swap3A_2394 {strides = array<i32>} : memref<128xi32, #tpu.memory_space<vmem>>, vector<16xi32>,
      %get3A_2395 = arith.constant 336 : index
      %get3A_2396 = tpu.vector_load %arg5[%get3A_2395] {strides = array<i32>} : memref<1024xi32, #tpu.memory_space<vmem>>, vector<16xi32>,
      %get3A_2397 = vector.shape_cast %get3A_2396 : vector<16xi32> to vector<16xi32>
      %get3A_2398 = arith.constant 336 : index
      %get3A_2399 = tpu.vector_load %arg6[%get3A_2398] {strides = array<i32>} : memref<1024xi32, #tpu.memory_space<vmem>>, vector<16xi32>,
      %get3A_2400 = vector.shape_cast %get3A_2399 : vector<16xi32> to vector<16xi32>
      %mul3A_2401 = arith.constant 1024 : i32
      %mul3A_2402 = vector.broadcast %mul3A_2401 : i32 to vector<16xi32>
      %mul3A_2403 = arith.muli %get3A_2397, %mul3A_2402 : vector<16xi32>
      %add3A_2404 = arith.addi %mul3A_2403, %get3A_2400 : vector<16xi32>
      %swap3A_2405 = arith.constant 80 : index
      %swap3A_2406 = tpu.vector_load %arg12[%swap3A_2405] {strides = array<i32>} : memref<128xi32, #tpu.memory_space<vmem>>, vector<16xi32>,
      %swap3A_2407 = vector.shape_cast %swap3A_2406 : vector<16xi32> to vector<16xi32>
      %swap3A_2408 = vector.shape_cast %add3A_2404 : vector<16xi32> to vector<16xi32>
      tpu.vector_store %arg12[%swap3A_2405], %swap3A_2408 {strides = array<i32>} : memref<128xi32, #tpu.memory_space<vmem>>, vector<16xi32>,
      %get3A_2409 = arith.constant 352 : index
      %get3A_2410 = tpu.vector_load %arg5[%get3A_2409] {strides = array<i32>} : memref<1024xi32, #tpu.memory_space<vmem>>, vector<16xi32>,
      %get3A_2411 = vector.shape_cast %get3A_2410 : vector<16xi32> to vector<16xi32>
      %get3A_2412 = arith.constant 352 : index
      %get3A_2413 = tpu.vector_load %arg6[%get3A_2412] {strides = array<i32>} : memref<1024xi32, #tpu.memory_space<vmem>>, vector<16xi32>,
      %get3A_2414 = vector.shape_cast %get3A_2413 : vector<16xi32> to vector<16xi32>
      %mul3A_2415 = arith.constant 1024 : i32
      %mul3A_2416 = vector.broadcast %mul3A_2415 : i32 to vector<16xi32>
      %mul3A_2417 = arith.muli %get3A_2411, %mul3A_2416 : vector<16xi32>
      %add3A_2418 = arith.addi %mul3A_2417, %get3A_2414 : vector<16xi32>
      %swap3A_2419 = arith.constant 96 : index
      %swap3A_2420 = tpu.vector_load %arg12[%swap3A_2419] {strides = array<i32>} : memref<128xi32, #tpu.memory_space<vmem>>, vector<16xi32>,
      %swap3A_2421 = vector.shape_cast %swap3A_2420 : vector<16xi32> to vector<16xi32>
      %swap3A_2422 = vector.shape_cast %add3A_2418 : vector<16xi32> to vector<16xi32>
      tpu.vector_store %arg12[%swap3A_2419], %swap3A_2422 {strides = array<i32>} : memref<128xi32, #tpu.memory_space<vmem>>, vector<16xi32>,
      %get3A_2423 = arith.constant 368 : index
      %get3A_2424 = tpu.vector_load %arg5[%get3A_2423] {strides = array<i32>} : memref<1024xi32, #tpu.memory_space<vmem>>, vector<16xi32>,
      %get3A_2425 = vector.shape_cast %get3A_2424 : vector<16xi32> to vector<16xi32>
      %get3A_2426 = arith.constant 368 : index
      %get3A_2427 = tpu.vector_load %arg6[%get3A_2426] {strides = array<i32>} : memref<1024xi32, #tpu.memory_space<vmem>>, vector<16xi32>,
      %get3A_2428 = vector.shape_cast %get3A_2427 : vector<16xi32> to vector<16xi32>
      %mul3A_2429 = arith.constant 1024 : i32
      %mul3A_2430 = vector.broadcast %mul3A_2429 : i32 to vector<16xi32>
      %mul3A_2431 = arith.muli %get3A_2425, %mul3A_2430 : vector<16xi32>
      %add3A_2432 = arith.addi %mul3A_2431, %get3A_2428 : vector<16xi32>
      %swap3A_2433 = arith.constant 112 : index
      %swap3A_2434 = tpu.vector_load %arg12[%swap3A_2433] {strides = array<i32>} : memref<128xi32, #tpu.memory_space<vmem>>, vector<16xi32>,
      %swap3A_2435 = vector.shape_cast %swap3A_2434 : vector<16xi32> to vector<16xi32>
      %swap3A_2436 = vector.shape_cast %add3A_2432 : vector<16xi32> to vector<16xi32>
      tpu.vector_store %arg12[%swap3A_2433], %swap3A_2436 {strides = array<i32>} : memref<128xi32, #tpu.memory_space<vmem>>, vector<16xi32>,
      %get3A_2437 = arith.constant 384 : index
      %get3A_2438 = tpu.vector_load %arg5[%get3A_2437] {strides = array<i32>} : memref<1024xi32, #tpu.memory_space<vmem>>, vector<16xi32>,
      %get3A_2439 = vector.shape_cast %get3A_2438 : vector<16xi32> to vector<16xi32>
      %get3A_2440 = arith.constant 384 : index
      %get3A_2441 = tpu.vector_load %arg6[%get3A_2440] {strides = array<i32>} : memref<1024xi32, #tpu.memory_space<vmem>>, vector<16xi32>,
      %get3A_2442 = vector.shape_cast %get3A_2441 : vector<16xi32> to vector<16xi32>
      %mul3A_2443 = arith.constant 1024 : i32
      %mul3A_2444 = vector.broadcast %mul3A_2443 : i32 to vector<16xi32>
      %mul3A_2445 = arith.muli %get3A_2439, %mul3A_2444 : vector<16xi32>
      %add3A_2446 = arith.addi %mul3A_2445, %get3A_2442 : vector<16xi32>
      %swap3A_2447 = arith.constant 0 : index
      %swap3A_2448 = tpu.vector_load %arg13[%swap3A_2447] {strides = array<i32>} : memref<128xi32, #tpu.memory_space<vmem>>, vector<16xi32>,
      %swap3A_2449 = vector.shape_cast %swap3A_2448 : vector<16xi32> to vector<16xi32>
      %swap3A_2450 = vector.shape_cast %add3A_2446 : vector<16xi32> to vector<16xi32>
      tpu.vector_store %arg13[%swap3A_2447], %swap3A_2450 {strides = array<i32>} : memref<128xi32, #tpu.memory_space<vmem>>, vector<16xi32>,
      %get3A_2451 = arith.constant 400 : index
      %get3A_2452 = tpu.vector_load %arg5[%get3A_2451] {strides = array<i32>} : memref<1024xi32, #tpu.memory_space<vmem>>, vector<16xi32>,
      %get3A_2453 = vector.shape_cast %get3A_2452 : vector<16xi32> to vector<16xi32>
      %get3A_2454 = arith.constant 400 : index
      %get3A_2455 = tpu.vector_load %arg6[%get3A_2454] {strides = array<i32>} : memref<1024xi32, #tpu.memory_space<vmem>>, vector<16xi32>,
      %get3A_2456 = vector.shape_cast %get3A_2455 : vector<16xi32> to vector<16xi32>
      %mul3A_2457 = arith.constant 1024 : i32
      %mul3A_2458 = vector.broadcast %mul3A_2457 : i32 to vector<16xi32>
      %mul3A_2459 = arith.muli %get3A_2453, %mul3A_2458 : vector<16xi32>
      %add3A_2460 = arith.addi %mul3A_2459, %get3A_2456 : vector<16xi32>
      %swap3A_2461 = arith.constant 16 : index
      %swap3A_2462 = tpu.vector_load %arg13[%swap3A_2461] {strides = array<i32>} : memref<128xi32, #tpu.memory_space<vmem>>, vector<16xi32>,
      %swap3A_2463 = vector.shape_cast %swap3A_2462 : vector<16xi32> to vector<16xi32>
      %swap3A_2464 = vector.shape_cast %add3A_2460 : vector<16xi32> to vector<16xi32>
      tpu.vector_store %arg13[%swap3A_2461], %swap3A_2464 {strides = array<i32>} : memref<128xi32, #tpu.memory_space<vmem>>, vector<16xi32>,
      %get3A_2465 = arith.constant 416 : index
      %get3A_2466 = tpu.vector_load %arg5[%get3A_2465] {strides = array<i32>} : memref<1024xi32, #tpu.memory_space<vmem>>, vector<16xi32>,
      %get3A_2467 = vector.shape_cast %get3A_2466 : vector<16xi32> to vector<16xi32>
      %get3A_2468 = arith.constant 416 : index
      %get3A_2469 = tpu.vector_load %arg6[%get3A_2468] {strides = array<i32>} : memref<1024xi32, #tpu.memory_space<vmem>>, vector<16xi32>,
      %get3A_2470 = vector.shape_cast %get3A_2469 : vector<16xi32> to vector<16xi32>
      %mul3A_2471 = arith.constant 1024 : i32
      %mul3A_2472 = vector.broadcast %mul3A_2471 : i32 to vector<16xi32>
      %mul3A_2473 = arith.muli %get3A_2467, %mul3A_2472 : vector<16xi32>
      %add3A_2474 = arith.addi %mul3A_2473, %get3A_2470 : vector<16xi32>
      %swap3A_2475 = arith.constant 32 : index
      %swap3A_2476 = tpu.vector_load %arg13[%swap3A_2475] {strides = array<i32>} : memref<128xi32, #tpu.memory_space<vmem>>, vector<16xi32>,
      %swap3A_2477 = vector.shape_cast %swap3A_2476 : vector<16xi32> to vector<16xi32>
      %swap3A_2478 = vector.shape_cast %add3A_2474 : vector<16xi32> to vector<16xi32>
      tpu.vector_store %arg13[%swap3A_2475], %swap3A_2478 {strides = array<i32>} : memref<128xi32, #tpu.memory_space<vmem>>, vector<16xi32>,
      %get3A_2479 = arith.constant 432 : index
      %get3A_2480 = tpu.vector_load %arg5[%get3A_2479] {strides = array<i32>} : memref<1024xi32, #tpu.memory_space<vmem>>, vector<16xi32>,
      %get3A_2481 = vector.shape_cast %get3A_2480 : vector<16xi32> to vector<16xi32>
      %get3A_2482 = arith.constant 432 : index
      %get3A_2483 = tpu.vector_load %arg6[%get3A_2482] {strides = array<i32>} : memref<1024xi32, #tpu.memory_space<vmem>>, vector<16xi32>,
      %get3A_2484 = vector.shape_cast %get3A_2483 : vector<16xi32> to vector<16xi32>
      %mul3A_2485 = arith.constant 1024 : i32
      %mul3A_2486 = vector.broadcast %mul3A_2485 : i32 to vector<16xi32>
      %mul3A_2487 = arith.muli %get3A_2481, %mul3A_2486 : vector<16xi32>
      %add3A_2488 = arith.addi %mul3A_2487, %get3A_2484 : vector<16xi32>
      %swap3A_2489 = arith.constant 48 : index
      %swap3A_2490 = tpu.vector_load %arg13[%swap3A_2489] {strides = array<i32>} : memref<128xi32, #tpu.memory_space<vmem>>, vector<16xi32>,
      %swap3A_2491 = vector.shape_cast %swap3A_2490 : vector<16xi32> to vector<16xi32>
      %swap3A_2492 = vector.shape_cast %add3A_2488 : vector<16xi32> to vector<16xi32>
      tpu.vector_store %arg13[%swap3A_2489], %swap3A_2492 {strides = array<i32>} : memref<128xi32, #tpu.memory_space<vmem>>, vector<16xi32>,
      %get3A_2493 = arith.constant 448 : index
      %get3A_2494 = tpu.vector_load %arg5[%get3A_2493] {strides = array<i32>} : memref<1024xi32, #tpu.memory_space<vmem>>, vector<16xi32>,
      %get3A_2495 = vector.shape_cast %get3A_2494 : vector<16xi32> to vector<16xi32>
      %get3A_2496 = arith.constant 448 : index
      %get3A_2497 = tpu.vector_load %arg6[%get3A_2496] {strides = array<i32>} : memref<1024xi32, #tpu.memory_space<vmem>>, vector<16xi32>,
      %get3A_2498 = vector.shape_cast %get3A_2497 : vector<16xi32> to vector<16xi32>
      %mul3A_2499 = arith.constant 1024 : i32
      %mul3A_2500 = vector.broadcast %mul3A_2499 : i32 to vector<16xi32>
      %mul3A_2501 = arith.muli %get3A_2495, %mul3A_2500 : vector<16xi32>
      %add3A_2502 = arith.addi %mul3A_2501, %get3A_2498 : vector<16xi32>
      %swap3A_2503 = arith.constant 64 : index
      %swap3A_2504 = tpu.vector_load %arg13[%swap3A_2503] {strides = array<i32>} : memref<128xi32, #tpu.memory_space<vmem>>, vector<16xi32>,
      %swap3A_2505 = vector.shape_cast %swap3A_2504 : vector<16xi32> to vector<16xi32>
      %swap3A_2506 = vector.shape_cast %add3A_2502 : vector<16xi32> to vector<16xi32>
      tpu.vector_store %arg13[%swap3A_2503], %swap3A_2506 {strides = array<i32>} : memref<128xi32, #tpu.memory_space<vmem>>, vector<16xi32>,
      %get3A_2507 = arith.constant 464 : index
      %get3A_2508 = tpu.vector_load %arg5[%get3A_2507] {strides = array<i32>} : memref<1024xi32, #tpu.memory_space<vmem>>, vector<16xi32>,
      %get3A_2509 = vector.shape_cast %get3A_2508 : vector<16xi32> to vector<16xi32>
      %get3A_2510 = arith.constant 464 : index
      %get3A_2511 = tpu.vector_load %arg6[%get3A_2510] {strides = array<i32>} : memref<1024xi32, #tpu.memory_space<vmem>>, vector<16xi32>,
      %get3A_2512 = vector.shape_cast %get3A_2511 : vector<16xi32> to vector<16xi32>
      %mul3A_2513 = arith.constant 1024 : i32
      %mul3A_2514 = vector.broadcast %mul3A_2513 : i32 to vector<16xi32>
      %mul3A_2515 = arith.muli %get3A_2509, %mul3A_2514 : vector<16xi32>
      %add3A_2516 = arith.addi %mul3A_2515, %get3A_2512 : vector<16xi32>
      %swap3A_2517 = arith.constant 80 : index
      %swap3A_2518 = tpu.vector_load %arg13[%swap3A_2517] {strides = array<i32>} : memref<128xi32, #tpu.memory_space<vmem>>, vector<16xi32>,
      %swap3A_2519 = vector.shape_cast %swap3A_2518 : vector<16xi32> to vector<16xi32>
      %swap3A_2520 = vector.shape_cast %add3A_2516 : vector<16xi32> to vector<16xi32>
      tpu.vector_store %arg13[%swap3A_2517], %swap3A_2520 {strides = array<i32>} : memref<128xi32, #tpu.memory_space<vmem>>, vector<16xi32>,
      %get3A_2521 = arith.constant 480 : index
      %get3A_2522 = tpu.vector_load %arg5[%get3A_2521] {strides = array<i32>} : memref<1024xi32, #tpu.memory_space<vmem>>, vector<16xi32>,
      %get3A_2523 = vector.shape_cast %get3A_2522 : vector<16xi32> to vector<16xi32>
      %get3A_2524 = arith.constant 480 : index
      %get3A_2525 = tpu.vector_load %arg6[%get3A_2524] {strides = array<i32>} : memref<1024xi32, #tpu.memory_space<vmem>>, vector<16xi32>,
      %get3A_2526 = vector.shape_cast %get3A_2525 : vector<16xi32> to vector<16xi32>
      %mul3A_2527 = arith.constant 1024 : i32
      %mul3A_2528 = vector.broadcast %mul3A_2527 : i32 to vector<16xi32>
      %mul3A_2529 = arith.muli %get3A_2523, %mul3A_2528 : vector<16xi32>
      %add3A_2530 = arith.addi %mul3A_2529, %get3A_2526 : vector<16xi32>
      %swap3A_2531 = arith.constant 96 : index
      %swap3A_2532 = tpu.vector_load %arg13[%swap3A_2531] {strides = array<i32>} : memref<128xi32, #tpu.memory_space<vmem>>, vector<16xi32>,
      %swap3A_2533 = vector.shape_cast %swap3A_2532 : vector<16xi32> to vector<16xi32>
      %swap3A_2534 = vector.shape_cast %add3A_2530 : vector<16xi32> to vector<16xi32>
      tpu.vector_store %arg13[%swap3A_2531], %swap3A_2534 {strides = array<i32>} : memref<128xi32, #tpu.memory_space<vmem>>, vector<16xi32>,
      %get3A_2535 = arith.constant 496 : index
      %get3A_2536 = tpu.vector_load %arg5[%get3A_2535] {strides = array<i32>} : memref<1024xi32, #tpu.memory_space<vmem>>, vector<16xi32>,
      %get3A_2537 = vector.shape_cast %get3A_2536 : vector<16xi32> to vector<16xi32>
      %get3A_2538 = arith.constant 496 : index
      %get3A_2539 = tpu.vector_load %arg6[%get3A_2538] {strides = array<i32>} : memref<1024xi32, #tpu.memory_space<vmem>>, vector<16xi32>,
      %get3A_2540 = vector.shape_cast %get3A_2539 : vector<16xi32> to vector<16xi32>
      %mul3A_2541 = arith.constant 1024 : i32
      %mul3A_2542 = vector.broadcast %mul3A_2541 : i32 to vector<16xi32>
      %mul3A_2543 = arith.muli %get3A_2537, %mul3A_2542 : vector<16xi32>
      %add3A_2544 = arith.addi %mul3A_2543, %get3A_2540 : vector<16xi32>
      %swap3A_2545 = arith.constant 112 : index
      %swap3A_2546 = tpu.vector_load %arg13[%swap3A_2545] {strides = array<i32>} : memref<128xi32, #tpu.memory_space<vmem>>, vector<16xi32>,
      %swap3A_2547 = vector.shape_cast %swap3A_2546 : vector<16xi32> to vector<16xi32>
      %swap3A_2548 = vector.shape_cast %add3A_2544 : vector<16xi32> to vector<16xi32>
      tpu.vector_store %arg13[%swap3A_2545], %swap3A_2548 {strides = array<i32>} : memref<128xi32, #tpu.memory_space<vmem>>, vector<16xi32>,
      %get3A_2549 = arith.constant 512 : index
      %get3A_2550 = tpu.vector_load %arg5[%get3A_2549] {strides = array<i32>} : memref<1024xi32, #tpu.memory_space<vmem>>, vector<16xi32>,
      %get3A_2551 = vector.shape_cast %get3A_2550 : vector<16xi32> to vector<16xi32>
      %get3A_2552 = arith.constant 512 : index
      %get3A_2553 = tpu.vector_load %arg6[%get3A_2552] {strides = array<i32>} : memref<1024xi32, #tpu.memory_space<vmem>>, vector<16xi32>,
      %get3A_2554 = vector.shape_cast %get3A_2553 : vector<16xi32> to vector<16xi32>
      %mul3A_2555 = arith.constant 1024 : i32
      %mul3A_2556 = vector.broadcast %mul3A_2555 : i32 to vector<16xi32>
      %mul3A_2557 = arith.muli %get3A_2551, %mul3A_2556 : vector<16xi32>
      %add3A_2558 = arith.addi %mul3A_2557, %get3A_2554 : vector<16xi32>
      %swap3A_2559 = arith.constant 0 : index
      %swap3A_2560 = tpu.vector_load %arg14[%swap3A_2559] {strides = array<i32>} : memref<128xi32, #tpu.memory_space<vmem>>, vector<16xi32>,
      %swap3A_2561 = vector.shape_cast %swap3A_2560 : vector<16xi32> to vector<16xi32>
      %swap3A_2562 = vector.shape_cast %add3A_2558 : vector<16xi32> to vector<16xi32>
      tpu.vector_store %arg14[%swap3A_2559], %swap3A_2562 {strides = array<i32>} : memref<128xi32, #tpu.memory_space<vmem>>, vector<16xi32>,
      %get3A_2563 = arith.constant 528 : index
      %get3A_2564 = tpu.vector_load %arg5[%get3A_2563] {strides = array<i32>} : memref<1024xi32, #tpu.memory_space<vmem>>, vector<16xi32>,
      %get3A_2565 = vector.shape_cast %get3A_2564 : vector<16xi32> to vector<16xi32>
      %get3A_2566 = arith.constant 528 : index
      %get3A_2567 = tpu.vector_load %arg6[%get3A_2566] {strides = array<i32>} : memref<1024xi32, #tpu.memory_space<vmem>>, vector<16xi32>,
      %get3A_2568 = vector.shape_cast %get3A_2567 : vector<16xi32> to vector<16xi32>
      %mul3A_2569 = arith.constant 1024 : i32
      %mul3A_2570 = vector.broadcast %mul3A_2569 : i32 to vector<16xi32>
      %mul3A_2571 = arith.muli %get3A_2565, %mul3A_2570 : vector<16xi32>
      %add3A_2572 = arith.addi %mul3A_2571, %get3A_2568 : vector<16xi32>
      %swap3A_2573 = arith.constant 16 : index
      %swap3A_2574 = tpu.vector_load %arg14[%swap3A_2573] {strides = array<i32>} : memref<128xi32, #tpu.memory_space<vmem>>, vector<16xi32>,
      %swap3A_2575 = vector.shape_cast %swap3A_2574 : vector<16xi32> to vector<16xi32>
      %swap3A_2576 = vector.shape_cast %add3A_2572 : vector<16xi32> to vector<16xi32>
      tpu.vector_store %arg14[%swap3A_2573], %swap3A_2576 {strides = array<i32>} : memref<128xi32, #tpu.memory_space<vmem>>, vector<16xi32>,
      %get3A_2577 = arith.constant 544 : index
      %get3A_2578 = tpu.vector_load %arg5[%get3A_2577] {strides = array<i32>} : memref<1024xi32, #tpu.memory_space<vmem>>, vector<16xi32>,
      %get3A_2579 = vector.shape_cast %get3A_2578 : vector<16xi32> to vector<16xi32>
      %get3A_2580 = arith.constant 544 : index
      %get3A_2581 = tpu.vector_load %arg6[%get3A_2580] {strides = array<i32>} : memref<1024xi32, #tpu.memory_space<vmem>>, vector<16xi32>,
      %get3A_2582 = vector.shape_cast %get3A_2581 : vector<16xi32> to vector<16xi32>
      %mul3A_2583 = arith.constant 1024 : i32
      %mul3A_2584 = vector.broadcast %mul3A_2583 : i32 to vector<16xi32>
      %mul3A_2585 = arith.muli %get3A_2579, %mul3A_2584 : vector<16xi32>
      %add3A_2586 = arith.addi %mul3A_2585, %get3A_2582 : vector<16xi32>
      %swap3A_2587 = arith.constant 32 : index
      %swap3A_2588 = tpu.vector_load %arg14[%swap3A_2587] {strides = array<i32>} : memref<128xi32, #tpu.memory_space<vmem>>, vector<16xi32>,
      %swap3A_2589 = vector.shape_cast %swap3A_2588 : vector<16xi32> to vector<16xi32>
      %swap3A_2590 = vector.shape_cast %add3A_2586 : vector<16xi32> to vector<16xi32>
      tpu.vector_store %arg14[%swap3A_2587], %swap3A_2590 {strides = array<i32>} : memref<128xi32, #tpu.memory_space<vmem>>, vector<16xi32>,
      %get3A_2591 = arith.constant 560 : index
      %get3A_2592 = tpu.vector_load %arg5[%get3A_2591] {strides = array<i32>} : memref<1024xi32, #tpu.memory_space<vmem>>, vector<16xi32>,
      %get3A_2593 = vector.shape_cast %get3A_2592 : vector<16xi32> to vector<16xi32>
      %get3A_2594 = arith.constant 560 : index
      %get3A_2595 = tpu.vector_load %arg6[%get3A_2594] {strides = array<i32>} : memref<1024xi32, #tpu.memory_space<vmem>>, vector<16xi32>,
      %get3A_2596 = vector.shape_cast %get3A_2595 : vector<16xi32> to vector<16xi32>
      %mul3A_2597 = arith.constant 1024 : i32
      %mul3A_2598 = vector.broadcast %mul3A_2597 : i32 to vector<16xi32>
      %mul3A_2599 = arith.muli %get3A_2593, %mul3A_2598 : vector<16xi32>
      %add3A_2600 = arith.addi %mul3A_2599, %get3A_2596 : vector<16xi32>
      %swap3A_2601 = arith.constant 48 : index
      %swap3A_2602 = tpu.vector_load %arg14[%swap3A_2601] {strides = array<i32>} : memref<128xi32, #tpu.memory_space<vmem>>, vector<16xi32>,
      %swap3A_2603 = vector.shape_cast %swap3A_2602 : vector<16xi32> to vector<16xi32>
      %swap3A_2604 = vector.shape_cast %add3A_2600 : vector<16xi32> to vector<16xi32>
      tpu.vector_store %arg14[%swap3A_2601], %swap3A_2604 {strides = array<i32>} : memref<128xi32, #tpu.memory_space<vmem>>, vector<16xi32>,
      %get3A_2605 = arith.constant 576 : index
      %get3A_2606 = tpu.vector_load %arg5[%get3A_2605] {strides = array<i32>} : memref<1024xi32, #tpu.memory_space<vmem>>, vector<16xi32>,
      %get3A_2607 = vector.shape_cast %get3A_2606 : vector<16xi32> to vector<16xi32>
      %get3A_2608 = arith.constant 576 : index
      %get3A_2609 = tpu.vector_load %arg6[%get3A_2608] {strides = array<i32>} : memref<1024xi32, #tpu.memory_space<vmem>>, vector<16xi32>,
      %get3A_2610 = vector.shape_cast %get3A_2609 : vector<16xi32> to vector<16xi32>
      %mul3A_2611 = arith.constant 1024 : i32
      %mul3A_2612 = vector.broadcast %mul3A_2611 : i32 to vector<16xi32>
      %mul3A_2613 = arith.muli %get3A_2607, %mul3A_2612 : vector<16xi32>
      %add3A_2614 = arith.addi %mul3A_2613, %get3A_2610 : vector<16xi32>
      %swap3A_2615 = arith.constant 64 : index
      %swap3A_2616 = tpu.vector_load %arg14[%swap3A_2615] {strides = array<i32>} : memref<128xi32, #tpu.memory_space<vmem>>, vector<16xi32>,
      %swap3A_2617 = vector.shape_cast %swap3A_2616 : vector<16xi32> to vector<16xi32>
      %swap3A_2618 = vector.shape_cast %add3A_2614 : vector<16xi32> to vector<16xi32>
      tpu.vector_store %arg14[%swap3A_2615], %swap3A_2618 {strides = array<i32>} : memref<128xi32, #tpu.memory_space<vmem>>, vector<16xi32>,
      %get3A_2619 = arith.constant 592 : index
      %get3A_2620 = tpu.vector_load %arg5[%get3A_2619] {strides = array<i32>} : memref<1024xi32, #tpu.memory_space<vmem>>, vector<16xi32>,
      %get3A_2621 = vector.shape_cast %get3A_2620 : vector<16xi32> to vector<16xi32>
      %get3A_2622 = arith.constant 592 : index
      %get3A_2623 = tpu.vector_load %arg6[%get3A_2622] {strides = array<i32>} : memref<1024xi32, #tpu.memory_space<vmem>>, vector<16xi32>,
      %get3A_2624 = vector.shape_cast %get3A_2623 : vector<16xi32> to vector<16xi32>
      %mul3A_2625 = arith.constant 1024 : i32
      %mul3A_2626 = vector.broadcast %mul3A_2625 : i32 to vector<16xi32>
      %mul3A_2627 = arith.muli %get3A_2621, %mul3A_2626 : vector<16xi32>
      %add3A_2628 = arith.addi %mul3A_2627, %get3A_2624 : vector<16xi32>
      %swap3A_2629 = arith.constant 80 : index
      %swap3A_2630 = tpu.vector_load %arg14[%swap3A_2629] {strides = array<i32>} : memref<128xi32, #tpu.memory_space<vmem>>, vector<16xi32>,
      %swap3A_2631 = vector.shape_cast %swap3A_2630 : vector<16xi32> to vector<16xi32>
      %swap3A_2632 = vector.shape_cast %add3A_2628 : vector<16xi32> to vector<16xi32>
      tpu.vector_store %arg14[%swap3A_2629], %swap3A_2632 {strides = array<i32>} : memref<128xi32, #tpu.memory_space<vmem>>, vector<16xi32>,
      %get3A_2633 = arith.constant 608 : index
      %get3A_2634 = tpu.vector_load %arg5[%get3A_2633] {strides = array<i32>} : memref<1024xi32, #tpu.memory_space<vmem>>, vector<16xi32>,
      %get3A_2635 = vector.shape_cast %get3A_2634 : vector<16xi32> to vector<16xi32>
      %get3A_2636 = arith.constant 608 : index
      %get3A_2637 = tpu.vector_load %arg6[%get3A_2636] {strides = array<i32>} : memref<1024xi32, #tpu.memory_space<vmem>>, vector<16xi32>,
      %get3A_2638 = vector.shape_cast %get3A_2637 : vector<16xi32> to vector<16xi32>
      %mul3A_2639 = arith.constant 1024 : i32
      %mul3A_2640 = vector.broadcast %mul3A_2639 : i32 to vector<16xi32>
      %mul3A_2641 = arith.muli %get3A_2635, %mul3A_2640 : vector<16xi32>
      %add3A_2642 = arith.addi %mul3A_2641, %get3A_2638 : vector<16xi32>
      %swap3A_2643 = arith.constant 96 : index
      %swap3A_2644 = tpu.vector_load %arg14[%swap3A_2643] {strides = array<i32>} : memref<128xi32, #tpu.memory_space<vmem>>, vector<16xi32>,
      %swap3A_2645 = vector.shape_cast %swap3A_2644 : vector<16xi32> to vector<16xi32>
      %swap3A_2646 = vector.shape_cast %add3A_2642 : vector<16xi32> to vector<16xi32>
      tpu.vector_store %arg14[%swap3A_2643], %swap3A_2646 {strides = array<i32>} : memref<128xi32, #tpu.memory_space<vmem>>, vector<16xi32>,
      %get3A_2647 = arith.constant 624 : index
      %get3A_2648 = tpu.vector_load %arg5[%get3A_2647] {strides = array<i32>} : memref<1024xi32, #tpu.memory_space<vmem>>, vector<16xi32>,
      %get3A_2649 = vector.shape_cast %get3A_2648 : vector<16xi32> to vector<16xi32>
      %get3A_2650 = arith.constant 624 : index
      %get3A_2651 = tpu.vector_load %arg6[%get3A_2650] {strides = array<i32>} : memref<1024xi32, #tpu.memory_space<vmem>>, vector<16xi32>,
      %get3A_2652 = vector.shape_cast %get3A_2651 : vector<16xi32> to vector<16xi32>
      %mul3A_2653 = arith.constant 1024 : i32
      %mul3A_2654 = vector.broadcast %mul3A_2653 : i32 to vector<16xi32>
      %mul3A_2655 = arith.muli %get3A_2649, %mul3A_2654 : vector<16xi32>
      %add3A_2656 = arith.addi %mul3A_2655, %get3A_2652 : vector<16xi32>
      %swap3A_2657 = arith.constant 112 : index
      %swap3A_2658 = tpu.vector_load %arg14[%swap3A_2657] {strides = array<i32>} : memref<128xi32, #tpu.memory_space<vmem>>, vector<16xi32>,
      %swap3A_2659 = vector.shape_cast %swap3A_2658 : vector<16xi32> to vector<16xi32>
      %swap3A_2660 = vector.shape_cast %add3A_2656 : vector<16xi32> to vector<16xi32>
      tpu.vector_store %arg14[%swap3A_2657], %swap3A_2660 {strides = array<i32>} : memref<128xi32, #tpu.memory_space<vmem>>, vector<16xi32>,
      %get3A_2661 = arith.constant 640 : index
      %get3A_2662 = tpu.vector_load %arg5[%get3A_2661] {strides = array<i32>} : memref<1024xi32, #tpu.memory_space<vmem>>, vector<16xi32>,
      %get3A_2663 = vector.shape_cast %get3A_2662 : vector<16xi32> to vector<16xi32>
      %get3A_2664 = arith.constant 640 : index
      %get3A_2665 = tpu.vector_load %arg6[%get3A_2664] {strides = array<i32>} : memref<1024xi32, #tpu.memory_space<vmem>>, vector<16xi32>,
      %get3A_2666 = vector.shape_cast %get3A_2665 : vector<16xi32> to vector<16xi32>
      %mul3A_2667 = arith.constant 1024 : i32
      %mul3A_2668 = vector.broadcast %mul3A_2667 : i32 to vector<16xi32>
      %mul3A_2669 = arith.muli %get3A_2663, %mul3A_2668 : vector<16xi32>
      %add3A_2670 = arith.addi %mul3A_2669, %get3A_2666 : vector<16xi32>
      %swap3A_2671 = arith.constant 0 : index
      %swap3A_2672 = tpu.vector_load %arg15[%swap3A_2671] {strides = array<i32>} : memref<128xi32, #tpu.memory_space<vmem>>, vector<16xi32>,
      %swap3A_2673 = vector.shape_cast %swap3A_2672 : vector<16xi32> to vector<16xi32>
      %swap3A_2674 = vector.shape_cast %add3A_2670 : vector<16xi32> to vector<16xi32>
      tpu.vector_store %arg15[%swap3A_2671], %swap3A_2674 {strides = array<i32>} : memref<128xi32, #tpu.memory_space<vmem>>, vector<16xi32>,
      %get3A_2675 = arith.constant 656 : index
      %get3A_2676 = tpu.vector_load %arg5[%get3A_2675] {strides = array<i32>} : memref<1024xi32, #tpu.memory_space<vmem>>, vector<16xi32>,
      %get3A_2677 = vector.shape_cast %get3A_2676 : vector<16xi32> to vector<16xi32>
      %get3A_2678 = arith.constant 656 : index
      %get3A_2679 = tpu.vector_load %arg6[%get3A_2678] {strides = array<i32>} : memref<1024xi32, #tpu.memory_space<vmem>>, vector<16xi32>,
      %get3A_2680 = vector.shape_cast %get3A_2679 : vector<16xi32> to vector<16xi32>
      %mul3A_2681 = arith.constant 1024 : i32
      %mul3A_2682 = vector.broadcast %mul3A_2681 : i32 to vector<16xi32>
      %mul3A_2683 = arith.muli %get3A_2677, %mul3A_2682 : vector<16xi32>
      %add3A_2684 = arith.addi %mul3A_2683, %get3A_2680 : vector<16xi32>
      %swap3A_2685 = arith.constant 16 : index
      %swap3A_2686 = tpu.vector_load %arg15[%swap3A_2685] {strides = array<i32>} : memref<128xi32, #tpu.memory_space<vmem>>, vector<16xi32>,
      %swap3A_2687 = vector.shape_cast %swap3A_2686 : vector<16xi32> to vector<16xi32>
      %swap3A_2688 = vector.shape_cast %add3A_2684 : vector<16xi32> to vector<16xi32>
      tpu.vector_store %arg15[%swap3A_2685], %swap3A_2688 {strides = array<i32>} : memref<128xi32, #tpu.memory_space<vmem>>, vector<16xi32>,
      %get3A_2689 = arith.constant 672 : index
      %get3A_2690 = tpu.vector_load %arg5[%get3A_2689] {strides = array<i32>} : memref<1024xi32, #tpu.memory_space<vmem>>, vector<16xi32>,
      %get3A_2691 = vector.shape_cast %get3A_2690 : vector<16xi32> to vector<16xi32>
      %get3A_2692 = arith.constant 672 : index
      %get3A_2693 = tpu.vector_load %arg6[%get3A_2692] {strides = array<i32>} : memref<1024xi32, #tpu.memory_space<vmem>>, vector<16xi32>,
      %get3A_2694 = vector.shape_cast %get3A_2693 : vector<16xi32> to vector<16xi32>
      %mul3A_2695 = arith.constant 1024 : i32
      %mul3A_2696 = vector.broadcast %mul3A_2695 : i32 to vector<16xi32>
      %mul3A_2697 = arith.muli %get3A_2691, %mul3A_2696 : vector<16xi32>
      %add3A_2698 = arith.addi %mul3A_2697, %get3A_2694 : vector<16xi32>
      %swap3A_2699 = arith.constant 32 : index
      %swap3A_2700 = tpu.vector_load %arg15[%swap3A_2699] {strides = array<i32>} : memref<128xi32, #tpu.memory_space<vmem>>, vector<16xi32>,
      %swap3A_2701 = vector.shape_cast %swap3A_2700 : vector<16xi32> to vector<16xi32>
      %swap3A_2702 = vector.shape_cast %add3A_2698 : vector<16xi32> to vector<16xi32>
      tpu.vector_store %arg15[%swap3A_2699], %swap3A_2702 {strides = array<i32>} : memref<128xi32, #tpu.memory_space<vmem>>, vector<16xi32>,
      %get3A_2703 = arith.constant 688 : index
      %get3A_2704 = tpu.vector_load %arg5[%get3A_2703] {strides = array<i32>} : memref<1024xi32, #tpu.memory_space<vmem>>, vector<16xi32>,
      %get3A_2705 = vector.shape_cast %get3A_2704 : vector<16xi32> to vector<16xi32>
      %get3A_2706 = arith.constant 688 : index
      %get3A_2707 = tpu.vector_load %arg6[%get3A_2706] {strides = array<i32>} : memref<1024xi32, #tpu.memory_space<vmem>>, vector<16xi32>,
      %get3A_2708 = vector.shape_cast %get3A_2707 : vector<16xi32> to vector<16xi32>
      %mul3A_2709 = arith.constant 1024 : i32
      %mul3A_2710 = vector.broadcast %mul3A_2709 : i32 to vector<16xi32>
      %mul3A_2711 = arith.muli %get3A_2705, %mul3A_2710 : vector<16xi32>
      %add3A_2712 = arith.addi %mul3A_2711, %get3A_2708 : vector<16xi32>
      %swap3A_2713 = arith.constant 48 : index
      %swap3A_2714 = tpu.vector_load %arg15[%swap3A_2713] {strides = array<i32>} : memref<128xi32, #tpu.memory_space<vmem>>, vector<16xi32>,
      %swap3A_2715 = vector.shape_cast %swap3A_2714 : vector<16xi32> to vector<16xi32>
      %swap3A_2716 = vector.shape_cast %add3A_2712 : vector<16xi32> to vector<16xi32>
      tpu.vector_store %arg15[%swap3A_2713], %swap3A_2716 {strides = array<i32>} : memref<128xi32, #tpu.memory_space<vmem>>, vector<16xi32>,
      %get3A_2717 = arith.constant 704 : index
      %get3A_2718 = tpu.vector_load %arg5[%get3A_2717] {strides = array<i32>} : memref<1024xi32, #tpu.memory_space<vmem>>, vector<16xi32>,
      %get3A_2719 = vector.shape_cast %get3A_2718 : vector<16xi32> to vector<16xi32>
      %get3A_2720 = arith.constant 704 : index
      %get3A_2721 = tpu.vector_load %arg6[%get3A_2720] {strides = array<i32>} : memref<1024xi32, #tpu.memory_space<vmem>>, vector<16xi32>,
      %get3A_2722 = vector.shape_cast %get3A_2721 : vector<16xi32> to vector<16xi32>
      %mul3A_2723 = arith.constant 1024 : i32
      %mul3A_2724 = vector.broadcast %mul3A_2723 : i32 to vector<16xi32>
      %mul3A_2725 = arith.muli %get3A_2719, %mul3A_2724 : vector<16xi32>
      %add3A_2726 = arith.addi %mul3A_2725, %get3A_2722 : vector<16xi32>
      %swap3A_2727 = arith.constant 64 : index
      %swap3A_2728 = tpu.vector_load %arg15[%swap3A_2727] {strides = array<i32>} : memref<128xi32, #tpu.memory_space<vmem>>, vector<16xi32>,
      %swap3A_2729 = vector.shape_cast %swap3A_2728 : vector<16xi32> to vector<16xi32>
      %swap3A_2730 = vector.shape_cast %add3A_2726 : vector<16xi32> to vector<16xi32>
      tpu.vector_store %arg15[%swap3A_2727], %swap3A_2730 {strides = array<i32>} : memref<128xi32, #tpu.memory_space<vmem>>, vector<16xi32>,
      %get3A_2731 = arith.constant 720 : index
      %get3A_2732 = tpu.vector_load %arg5[%get3A_2731] {strides = array<i32>} : memref<1024xi32, #tpu.memory_space<vmem>>, vector<16xi32>,
      %get3A_2733 = vector.shape_cast %get3A_2732 : vector<16xi32> to vector<16xi32>
      %get3A_2734 = arith.constant 720 : index
      %get3A_2735 = tpu.vector_load %arg6[%get3A_2734] {strides = array<i32>} : memref<1024xi32, #tpu.memory_space<vmem>>, vector<16xi32>,
      %get3A_2736 = vector.shape_cast %get3A_2735 : vector<16xi32> to vector<16xi32>
      %mul3A_2737 = arith.constant 1024 : i32
      %mul3A_2738 = vector.broadcast %mul3A_2737 : i32 to vector<16xi32>
      %mul3A_2739 = arith.muli %get3A_2733, %mul3A_2738 : vector<16xi32>
      %add3A_2740 = arith.addi %mul3A_2739, %get3A_2736 : vector<16xi32>
      %swap3A_2741 = arith.constant 80 : index
      %swap3A_2742 = tpu.vector_load %arg15[%swap3A_2741] {strides = array<i32>} : memref<128xi32, #tpu.memory_space<vmem>>, vector<16xi32>,
      %swap3A_2743 = vector.shape_cast %swap3A_2742 : vector<16xi32> to vector<16xi32>
      %swap3A_2744 = vector.shape_cast %add3A_2740 : vector<16xi32> to vector<16xi32>
      tpu.vector_store %arg15[%swap3A_2741], %swap3A_2744 {strides = array<i32>} : memref<128xi32, #tpu.memory_space<vmem>>, vector<16xi32>,
      %get3A_2745 = arith.constant 736 : index
      %get3A_2746 = tpu.vector_load %arg5[%get3A_2745] {strides = array<i32>} : memref<1024xi32, #tpu.memory_space<vmem>>, vector<16xi32>,
      %get3A_2747 = vector.shape_cast %get3A_2746 : vector<16xi32> to vector<16xi32>
      %get3A_2748 = arith.constant 736 : index
      %get3A_2749 = tpu.vector_load %arg6[%get3A_2748] {strides = array<i32>} : memref<1024xi32, #tpu.memory_space<vmem>>, vector<16xi32>,
      %get3A_2750 = vector.shape_cast %get3A_2749 : vector<16xi32> to vector<16xi32>
      %mul3A_2751 = arith.constant 1024 : i32
      %mul3A_2752 = vector.broadcast %mul3A_2751 : i32 to vector<16xi32>
      %mul3A_2753 = arith.muli %get3A_2747, %mul3A_2752 : vector<16xi32>
      %add3A_2754 = arith.addi %mul3A_2753, %get3A_2750 : vector<16xi32>
      %swap3A_2755 = arith.constant 96 : index
      %swap3A_2756 = tpu.vector_load %arg15[%swap3A_2755] {strides = array<i32>} : memref<128xi32, #tpu.memory_space<vmem>>, vector<16xi32>,
      %swap3A_2757 = vector.shape_cast %swap3A_2756 : vector<16xi32> to vector<16xi32>
      %swap3A_2758 = vector.shape_cast %add3A_2754 : vector<16xi32> to vector<16xi32>
      tpu.vector_store %arg15[%swap3A_2755], %swap3A_2758 {strides = array<i32>} : memref<128xi32, #tpu.memory_space<vmem>>, vector<16xi32>,
      %get3A_2759 = arith.constant 752 : index
      %get3A_2760 = tpu.vector_load %arg5[%get3A_2759] {strides = array<i32>} : memref<1024xi32, #tpu.memory_space<vmem>>, vector<16xi32>,
      %get3A_2761 = vector.shape_cast %get3A_2760 : vector<16xi32> to vector<16xi32>
      %get3A_2762 = arith.constant 752 : index
      %get3A_2763 = tpu.vector_load %arg6[%get3A_2762] {strides = array<i32>} : memref<1024xi32, #tpu.memory_space<vmem>>, vector<16xi32>,
      %get3A_2764 = vector.shape_cast %get3A_2763 : vector<16xi32> to vector<16xi32>
      %mul3A_2765 = arith.constant 1024 : i32
      %mul3A_2766 = vector.broadcast %mul3A_2765 : i32 to vector<16xi32>
      %mul3A_2767 = arith.muli %get3A_2761, %mul3A_2766 : vector<16xi32>
      %add3A_2768 = arith.addi %mul3A_2767, %get3A_2764 : vector<16xi32>
      %swap3A_2769 = arith.constant 112 : index
      %swap3A_2770 = tpu.vector_load %arg15[%swap3A_2769] {strides = array<i32>} : memref<128xi32, #tpu.memory_space<vmem>>, vector<16xi32>,
      %swap3A_2771 = vector.shape_cast %swap3A_2770 : vector<16xi32> to vector<16xi32>
      %swap3A_2772 = vector.shape_cast %add3A_2768 : vector<16xi32> to vector<16xi32>
      tpu.vector_store %arg15[%swap3A_2769], %swap3A_2772 {strides = array<i32>} : memref<128xi32, #tpu.memory_space<vmem>>, vector<16xi32>,
      %get3A_2773 = arith.constant 768 : index
      %get3A_2774 = tpu.vector_load %arg5[%get3A_2773] {strides = array<i32>} : memref<1024xi32, #tpu.memory_space<vmem>>, vector<16xi32>,
      %get3A_2775 = vector.shape_cast %get3A_2774 : vector<16xi32> to vector<16xi32>
      %get3A_2776 = arith.constant 768 : index
      %get3A_2777 = tpu.vector_load %arg6[%get3A_2776] {strides = array<i32>} : memref<1024xi32, #tpu.memory_space<vmem>>, vector<16xi32>,
      %get3A_2778 = vector.shape_cast %get3A_2777 : vector<16xi32> to vector<16xi32>
      %mul3A_2779 = arith.constant 1024 : i32
      %mul3A_2780 = vector.broadcast %mul3A_2779 : i32 to vector<16xi32>
      %mul3A_2781 = arith.muli %get3A_2775, %mul3A_2780 : vector<16xi32>
      %add3A_2782 = arith.addi %mul3A_2781, %get3A_2778 : vector<16xi32>
      %swap3A_2783 = arith.constant 0 : index
      %swap3A_2784 = tpu.vector_load %arg16[%swap3A_2783] {strides = array<i32>} : memref<128xi32, #tpu.memory_space<vmem>>, vector<16xi32>,
      %swap3A_2785 = vector.shape_cast %swap3A_2784 : vector<16xi32> to vector<16xi32>
      %swap3A_2786 = vector.shape_cast %add3A_2782 : vector<16xi32> to vector<16xi32>
      tpu.vector_store %arg16[%swap3A_2783], %swap3A_2786 {strides = array<i32>} : memref<128xi32, #tpu.memory_space<vmem>>, vector<16xi32>,
      %get3A_2787 = arith.constant 784 : index
      %get3A_2788 = tpu.vector_load %arg5[%get3A_2787] {strides = array<i32>} : memref<1024xi32, #tpu.memory_space<vmem>>, vector<16xi32>,
      %get3A_2789 = vector.shape_cast %get3A_2788 : vector<16xi32> to vector<16xi32>
      %get3A_2790 = arith.constant 784 : index
      %get3A_2791 = tpu.vector_load %arg6[%get3A_2790] {strides = array<i32>} : memref<1024xi32, #tpu.memory_space<vmem>>, vector<16xi32>,
      %get3A_2792 = vector.shape_cast %get3A_2791 : vector<16xi32> to vector<16xi32>
      %mul3A_2793 = arith.constant 1024 : i32
      %mul3A_2794 = vector.broadcast %mul3A_2793 : i32 to vector<16xi32>
      %mul3A_2795 = arith.muli %get3A_2789, %mul3A_2794 : vector<16xi32>
      %add3A_2796 = arith.addi %mul3A_2795, %get3A_2792 : vector<16xi32>
      %swap3A_2797 = arith.constant 16 : index
      %swap3A_2798 = tpu.vector_load %arg16[%swap3A_2797] {strides = array<i32>} : memref<128xi32, #tpu.memory_space<vmem>>, vector<16xi32>,
      %swap3A_2799 = vector.shape_cast %swap3A_2798 : vector<16xi32> to vector<16xi32>
      %swap3A_2800 = vector.shape_cast %add3A_2796 : vector<16xi32> to vector<16xi32>
      tpu.vector_store %arg16[%swap3A_2797], %swap3A_2800 {strides = array<i32>} : memref<128xi32, #tpu.memory_space<vmem>>, vector<16xi32>,
      %get3A_2801 = arith.constant 800 : index
      %get3A_2802 = tpu.vector_load %arg5[%get3A_2801] {strides = array<i32>} : memref<1024xi32, #tpu.memory_space<vmem>>, vector<16xi32>,
      %get3A_2803 = vector.shape_cast %get3A_2802 : vector<16xi32> to vector<16xi32>
      %get3A_2804 = arith.constant 800 : index
      %get3A_2805 = tpu.vector_load %arg6[%get3A_2804] {strides = array<i32>} : memref<1024xi32, #tpu.memory_space<vmem>>, vector<16xi32>,
      %get3A_2806 = vector.shape_cast %get3A_2805 : vector<16xi32> to vector<16xi32>
      %mul3A_2807 = arith.constant 1024 : i32
      %mul3A_2808 = vector.broadcast %mul3A_2807 : i32 to vector<16xi32>
      %mul3A_2809 = arith.muli %get3A_2803, %mul3A_2808 : vector<16xi32>
      %add3A_2810 = arith.addi %mul3A_2809, %get3A_2806 : vector<16xi32>
      %swap3A_2811 = arith.constant 32 : index
      %swap3A_2812 = tpu.vector_load %arg16[%swap3A_2811] {strides = array<i32>} : memref<128xi32, #tpu.memory_space<vmem>>, vector<16xi32>,
      %swap3A_2813 = vector.shape_cast %swap3A_2812 : vector<16xi32> to vector<16xi32>
      %swap3A_2814 = vector.shape_cast %add3A_2810 : vector<16xi32> to vector<16xi32>
      tpu.vector_store %arg16[%swap3A_2811], %swap3A_2814 {strides = array<i32>} : memref<128xi32, #tpu.memory_space<vmem>>, vector<16xi32>,
      %get3A_2815 = arith.constant 816 : index
      %get3A_2816 = tpu.vector_load %arg5[%get3A_2815] {strides = array<i32>} : memref<1024xi32, #tpu.memory_space<vmem>>, vector<16xi32>,
      %get3A_2817 = vector.shape_cast %get3A_2816 : vector<16xi32> to vector<16xi32>
      %get3A_2818 = arith.constant 816 : index
      %get3A_2819 = tpu.vector_load %arg6[%get3A_2818] {strides = array<i32>} : memref<1024xi32, #tpu.memory_space<vmem>>, vector<16xi32>,
      %get3A_2820 = vector.shape_cast %get3A_2819 : vector<16xi32> to vector<16xi32>
      %mul3A_2821 = arith.constant 1024 : i32
      %mul3A_2822 = vector.broadcast %mul3A_2821 : i32 to vector<16xi32>
      %mul3A_2823 = arith.muli %get3A_2817, %mul3A_2822 : vector<16xi32>
      %add3A_2824 = arith.addi %mul3A_2823, %get3A_2820 : vector<16xi32>
      %swap3A_2825 = arith.constant 48 : index
      %swap3A_2826 = tpu.vector_load %arg16[%swap3A_2825] {strides = array<i32>} : memref<128xi32, #tpu.memory_space<vmem>>, vector<16xi32>,
      %swap3A_2827 = vector.shape_cast %swap3A_2826 : vector<16xi32> to vector<16xi32>
      %swap3A_2828 = vector.shape_cast %add3A_2824 : vector<16xi32> to vector<16xi32>
      tpu.vector_store %arg16[%swap3A_2825], %swap3A_2828 {strides = array<i32>} : memref<128xi32, #tpu.memory_space<vmem>>, vector<16xi32>,
      %get3A_2829 = arith.constant 832 : index
      %get3A_2830 = tpu.vector_load %arg5[%get3A_2829] {strides = array<i32>} : memref<1024xi32, #tpu.memory_space<vmem>>, vector<16xi32>,
      %get3A_2831 = vector.shape_cast %get3A_2830 : vector<16xi32> to vector<16xi32>
      %get3A_2832 = arith.constant 832 : index
      %get3A_2833 = tpu.vector_load %arg6[%get3A_2832] {strides = array<i32>} : memref<1024xi32, #tpu.memory_space<vmem>>, vector<16xi32>,
      %get3A_2834 = vector.shape_cast %get3A_2833 : vector<16xi32> to vector<16xi32>
      %mul3A_2835 = arith.constant 1024 : i32
      %mul3A_2836 = vector.broadcast %mul3A_2835 : i32 to vector<16xi32>
      %mul3A_2837 = arith.muli %get3A_2831, %mul3A_2836 : vector<16xi32>
      %add3A_2838 = arith.addi %mul3A_2837, %get3A_2834 : vector<16xi32>
      %swap3A_2839 = arith.constant 64 : index
      %swap3A_2840 = tpu.vector_load %arg16[%swap3A_2839] {strides = array<i32>} : memref<128xi32, #tpu.memory_space<vmem>>, vector<16xi32>,
      %swap3A_2841 = vector.shape_cast %swap3A_2840 : vector<16xi32> to vector<16xi32>
      %swap3A_2842 = vector.shape_cast %add3A_2838 : vector<16xi32> to vector<16xi32>
      tpu.vector_store %arg16[%swap3A_2839], %swap3A_2842 {strides = array<i32>} : memref<128xi32, #tpu.memory_space<vmem>>, vector<16xi32>,
      %get3A_2843 = arith.constant 848 : index
      %get3A_2844 = tpu.vector_load %arg5[%get3A_2843] {strides = array<i32>} : memref<1024xi32, #tpu.memory_space<vmem>>, vector<16xi32>,
      %get3A_2845 = vector.shape_cast %get3A_2844 : vector<16xi32> to vector<16xi32>
      %get3A_2846 = arith.constant 848 : index
      %get3A_2847 = tpu.vector_load %arg6[%get3A_2846] {strides = array<i32>} : memref<1024xi32, #tpu.memory_space<vmem>>, vector<16xi32>,
      %get3A_2848 = vector.shape_cast %get3A_2847 : vector<16xi32> to vector<16xi32>
      %mul3A_2849 = arith.constant 1024 : i32
      %mul3A_2850 = vector.broadcast %mul3A_2849 : i32 to vector<16xi32>
      %mul3A_2851 = arith.muli %get3A_2845, %mul3A_2850 : vector<16xi32>
      %add3A_2852 = arith.addi %mul3A_2851, %get3A_2848 : vector<16xi32>
      %swap3A_2853 = arith.constant 80 : index
      %swap3A_2854 = tpu.vector_load %arg16[%swap3A_2853] {strides = array<i32>} : memref<128xi32, #tpu.memory_space<vmem>>, vector<16xi32>,
      %swap3A_2855 = vector.shape_cast %swap3A_2854 : vector<16xi32> to vector<16xi32>
      %swap3A_2856 = vector.shape_cast %add3A_2852 : vector<16xi32> to vector<16xi32>
      tpu.vector_store %arg16[%swap3A_2853], %swap3A_2856 {strides = array<i32>} : memref<128xi32, #tpu.memory_space<vmem>>, vector<16xi32>,
      %get3A_2857 = arith.constant 864 : index
      %get3A_2858 = tpu.vector_load %arg5[%get3A_2857] {strides = array<i32>} : memref<1024xi32, #tpu.memory_space<vmem>>, vector<16xi32>,
      %get3A_2859 = vector.shape_cast %get3A_2858 : vector<16xi32> to vector<16xi32>
      %get3A_2860 = arith.constant 864 : index
      %get3A_2861 = tpu.vector_load %arg6[%get3A_2860] {strides = array<i32>} : memref<1024xi32, #tpu.memory_space<vmem>>, vector<16xi32>,
      %get3A_2862 = vector.shape_cast %get3A_2861 : vector<16xi32> to vector<16xi32>
      %mul3A_2863 = arith.constant 1024 : i32
      %mul3A_2864 = vector.broadcast %mul3A_2863 : i32 to vector<16xi32>
      %mul3A_2865 = arith.muli %get3A_2859, %mul3A_2864 : vector<16xi32>
      %add3A_2866 = arith.addi %mul3A_2865, %get3A_2862 : vector<16xi32>
      %swap3A_2867 = arith.constant 96 : index
      %swap3A_2868 = tpu.vector_load %arg16[%swap3A_2867] {strides = array<i32>} : memref<128xi32, #tpu.memory_space<vmem>>, vector<16xi32>,
      %swap3A_2869 = vector.shape_cast %swap3A_2868 : vector<16xi32> to vector<16xi32>
      %swap3A_2870 = vector.shape_cast %add3A_2866 : vector<16xi32> to vector<16xi32>
      tpu.vector_store %arg16[%swap3A_2867], %swap3A_2870 {strides = array<i32>} : memref<128xi32, #tpu.memory_space<vmem>>, vector<16xi32>,
      %get3A_2871 = arith.constant 880 : index
      %get3A_2872 = tpu.vector_load %arg5[%get3A_2871] {strides = array<i32>} : memref<1024xi32, #tpu.memory_space<vmem>>, vector<16xi32>,
      %get3A_2873 = vector.shape_cast %get3A_2872 : vector<16xi32> to vector<16xi32>
      %get3A_2874 = arith.constant 880 : index
      %get3A_2875 = tpu.vector_load %arg6[%get3A_2874] {strides = array<i32>} : memref<1024xi32, #tpu.memory_space<vmem>>, vector<16xi32>,
      %get3A_2876 = vector.shape_cast %get3A_2875 : vector<16xi32> to vector<16xi32>
      %mul3A_2877 = arith.constant 1024 : i32
      %mul3A_2878 = vector.broadcast %mul3A_2877 : i32 to vector<16xi32>
      %mul3A_2879 = arith.muli %get3A_2873, %mul3A_2878 : vector<16xi32>
      %add3A_2880 = arith.addi %mul3A_2879, %get3A_2876 : vector<16xi32>
      %swap3A_2881 = arith.constant 112 : index
      %swap3A_2882 = tpu.vector_load %arg16[%swap3A_2881] {strides = array<i32>} : memref<128xi32, #tpu.memory_space<vmem>>, vector<16xi32>,
      %swap3A_2883 = vector.shape_cast %swap3A_2882 : vector<16xi32> to vector<16xi32>
      %swap3A_2884 = vector.shape_cast %add3A_2880 : vector<16xi32> to vector<16xi32>
      tpu.vector_store %arg16[%swap3A_2881], %swap3A_2884 {strides = array<i32>} : memref<128xi32, #tpu.memory_space<vmem>>, vector<16xi32>,
      %get3A_2885 = arith.constant 896 : index
      %get3A_2886 = tpu.vector_load %arg5[%get3A_2885] {strides = array<i32>} : memref<1024xi32, #tpu.memory_space<vmem>>, vector<16xi32>,
      %get3A_2887 = vector.shape_cast %get3A_2886 : vector<16xi32> to vector<16xi32>
      %get3A_2888 = arith.constant 896 : index
      %get3A_2889 = tpu.vector_load %arg6[%get3A_2888] {strides = array<i32>} : memref<1024xi32, #tpu.memory_space<vmem>>, vector<16xi32>,
      %get3A_2890 = vector.shape_cast %get3A_2889 : vector<16xi32> to vector<16xi32>
      %mul3A_2891 = arith.constant 1024 : i32
      %mul3A_2892 = vector.broadcast %mul3A_2891 : i32 to vector<16xi32>
      %mul3A_2893 = arith.muli %get3A_2887, %mul3A_2892 : vector<16xi32>
      %add3A_2894 = arith.addi %mul3A_2893, %get3A_2890 : vector<16xi32>
      %swap3A_2895 = arith.constant 0 : index
      %swap3A_2896 = tpu.vector_load %arg17[%swap3A_2895] {strides = array<i32>} : memref<128xi32, #tpu.memory_space<vmem>>, vector<16xi32>,
      %swap3A_2897 = vector.shape_cast %swap3A_2896 : vector<16xi32> to vector<16xi32>
      %swap3A_2898 = vector.shape_cast %add3A_2894 : vector<16xi32> to vector<16xi32>
      tpu.vector_store %arg17[%swap3A_2895], %swap3A_2898 {strides = array<i32>} : memref<128xi32, #tpu.memory_space<vmem>>, vector<16xi32>,
      %get3A_2899 = arith.constant 912 : index
      %get3A_2900 = tpu.vector_load %arg5[%get3A_2899] {strides = array<i32>} : memref<1024xi32, #tpu.memory_space<vmem>>, vector<16xi32>,
      %get3A_2901 = vector.shape_cast %get3A_2900 : vector<16xi32> to vector<16xi32>
      %get3A_2902 = arith.constant 912 : index
      %get3A_2903 = tpu.vector_load %arg6[%get3A_2902] {strides = array<i32>} : memref<1024xi32, #tpu.memory_space<vmem>>, vector<16xi32>,
      %get3A_2904 = vector.shape_cast %get3A_2903 : vector<16xi32> to vector<16xi32>
      %mul3A_2905 = arith.constant 1024 : i32
      %mul3A_2906 = vector.broadcast %mul3A_2905 : i32 to vector<16xi32>
      %mul3A_2907 = arith.muli %get3A_2901, %mul3A_2906 : vector<16xi32>
      %add3A_2908 = arith.addi %mul3A_2907, %get3A_2904 : vector<16xi32>
      %swap3A_2909 = arith.constant 16 : index
      %swap3A_2910 = tpu.vector_load %arg17[%swap3A_2909] {strides = array<i32>} : memref<128xi32, #tpu.memory_space<vmem>>, vector<16xi32>,
      %swap3A_2911 = vector.shape_cast %swap3A_2910 : vector<16xi32> to vector<16xi32>
      %swap3A_2912 = vector.shape_cast %add3A_2908 : vector<16xi32> to vector<16xi32>
      tpu.vector_store %arg17[%swap3A_2909], %swap3A_2912 {strides = array<i32>} : memref<128xi32, #tpu.memory_space<vmem>>, vector<16xi32>,
      %get3A_2913 = arith.constant 928 : index
      %get3A_2914 = tpu.vector_load %arg5[%get3A_2913] {strides = array<i32>} : memref<1024xi32, #tpu.memory_space<vmem>>, vector<16xi32>,
      %get3A_2915 = vector.shape_cast %get3A_2914 : vector<16xi32> to vector<16xi32>
      %get3A_2916 = arith.constant 928 : index
      %get3A_2917 = tpu.vector_load %arg6[%get3A_2916] {strides = array<i32>} : memref<1024xi32, #tpu.memory_space<vmem>>, vector<16xi32>,
      %get3A_2918 = vector.shape_cast %get3A_2917 : vector<16xi32> to vector<16xi32>
      %mul3A_2919 = arith.constant 1024 : i32
      %mul3A_2920 = vector.broadcast %mul3A_2919 : i32 to vector<16xi32>
      %mul3A_2921 = arith.muli %get3A_2915, %mul3A_2920 : vector<16xi32>
      %add3A_2922 = arith.addi %mul3A_2921, %get3A_2918 : vector<16xi32>
      %swap3A_2923 = arith.constant 32 : index
      %swap3A_2924 = tpu.vector_load %arg17[%swap3A_2923] {strides = array<i32>} : memref<128xi32, #tpu.memory_space<vmem>>, vector<16xi32>,
      %swap3A_2925 = vector.shape_cast %swap3A_2924 : vector<16xi32> to vector<16xi32>
      %swap3A_2926 = vector.shape_cast %add3A_2922 : vector<16xi32> to vector<16xi32>
      tpu.vector_store %arg17[%swap3A_2923], %swap3A_2926 {strides = array<i32>} : memref<128xi32, #tpu.memory_space<vmem>>, vector<16xi32>,
      %get3A_2927 = arith.constant 944 : index
      %get3A_2928 = tpu.vector_load %arg5[%get3A_2927] {strides = array<i32>} : memref<1024xi32, #tpu.memory_space<vmem>>, vector<16xi32>,
      %get3A_2929 = vector.shape_cast %get3A_2928 : vector<16xi32> to vector<16xi32>
      %get3A_2930 = arith.constant 944 : index
      %get3A_2931 = tpu.vector_load %arg6[%get3A_2930] {strides = array<i32>} : memref<1024xi32, #tpu.memory_space<vmem>>, vector<16xi32>,
      %get3A_2932 = vector.shape_cast %get3A_2931 : vector<16xi32> to vector<16xi32>
      %mul3A_2933 = arith.constant 1024 : i32
      %mul3A_2934 = vector.broadcast %mul3A_2933 : i32 to vector<16xi32>
      %mul3A_2935 = arith.muli %get3A_2929, %mul3A_2934 : vector<16xi32>
      %add3A_2936 = arith.addi %mul3A_2935, %get3A_2932 : vector<16xi32>
      %swap3A_2937 = arith.constant 48 : index
      %swap3A_2938 = tpu.vector_load %arg17[%swap3A_2937] {strides = array<i32>} : memref<128xi32, #tpu.memory_space<vmem>>, vector<16xi32>,
      %swap3A_2939 = vector.shape_cast %swap3A_2938 : vector<16xi32> to vector<16xi32>
      %swap3A_2940 = vector.shape_cast %add3A_2936 : vector<16xi32> to vector<16xi32>
      tpu.vector_store %arg17[%swap3A_2937], %swap3A_2940 {strides = array<i32>} : memref<128xi32, #tpu.memory_space<vmem>>, vector<16xi32>,
      %get3A_2941 = arith.constant 960 : index
      %get3A_2942 = tpu.vector_load %arg5[%get3A_2941] {strides = array<i32>} : memref<1024xi32, #tpu.memory_space<vmem>>, vector<16xi32>,
      %get3A_2943 = vector.shape_cast %get3A_2942 : vector<16xi32> to vector<16xi32>
      %get3A_2944 = arith.constant 960 : index
      %get3A_2945 = tpu.vector_load %arg6[%get3A_2944] {strides = array<i32>} : memref<1024xi32, #tpu.memory_space<vmem>>, vector<16xi32>,
      %get3A_2946 = vector.shape_cast %get3A_2945 : vector<16xi32> to vector<16xi32>
      %mul3A_2947 = arith.constant 1024 : i32
      %mul3A_2948 = vector.broadcast %mul3A_2947 : i32 to vector<16xi32>
      %mul3A_2949 = arith.muli %get3A_2943, %mul3A_2948 : vector<16xi32>
      %add3A_2950 = arith.addi %mul3A_2949, %get3A_2946 : vector<16xi32>
      %swap3A_2951 = arith.constant 64 : index
      %swap3A_2952 = tpu.vector_load %arg17[%swap3A_2951] {strides = array<i32>} : memref<128xi32, #tpu.memory_space<vmem>>, vector<16xi32>,
      %swap3A_2953 = vector.shape_cast %swap3A_2952 : vector<16xi32> to vector<16xi32>
      %swap3A_2954 = vector.shape_cast %add3A_2950 : vector<16xi32> to vector<16xi32>
      tpu.vector_store %arg17[%swap3A_2951], %swap3A_2954 {strides = array<i32>} : memref<128xi32, #tpu.memory_space<vmem>>, vector<16xi32>,
      %get3A_2955 = arith.constant 976 : index
      %get3A_2956 = tpu.vector_load %arg5[%get3A_2955] {strides = array<i32>} : memref<1024xi32, #tpu.memory_space<vmem>>, vector<16xi32>,
      %get3A_2957 = vector.shape_cast %get3A_2956 : vector<16xi32> to vector<16xi32>
      %get3A_2958 = arith.constant 976 : index
      %get3A_2959 = tpu.vector_load %arg6[%get3A_2958] {strides = array<i32>} : memref<1024xi32, #tpu.memory_space<vmem>>, vector<16xi32>,
      %get3A_2960 = vector.shape_cast %get3A_2959 : vector<16xi32> to vector<16xi32>
      %mul3A_2961 = arith.constant 1024 : i32
      %mul3A_2962 = vector.broadcast %mul3A_2961 : i32 to vector<16xi32>
      %mul3A_2963 = arith.muli %get3A_2957, %mul3A_2962 : vector<16xi32>
      %add3A_2964 = arith.addi %mul3A_2963, %get3A_2960 : vector<16xi32>
      %swap3A_2965 = arith.constant 80 : index
      %swap3A_2966 = tpu.vector_load %arg17[%swap3A_2965] {strides = array<i32>} : memref<128xi32, #tpu.memory_space<vmem>>, vector<16xi32>,
      %swap3A_2967 = vector.shape_cast %swap3A_2966 : vector<16xi32> to vector<16xi32>
      %swap3A_2968 = vector.shape_cast %add3A_2964 : vector<16xi32> to vector<16xi32>
      tpu.vector_store %arg17[%swap3A_2965], %swap3A_2968 {strides = array<i32>} : memref<128xi32, #tpu.memory_space<vmem>>, vector<16xi32>,
      %get3A_2969 = arith.constant 992 : index
      %get3A_2970 = tpu.vector_load %arg5[%get3A_2969] {strides = array<i32>} : memref<1024xi32, #tpu.memory_space<vmem>>, vector<16xi32>,
      %get3A_2971 = vector.shape_cast %get3A_2970 : vector<16xi32> to vector<16xi32>
      %get3A_2972 = arith.constant 992 : index
      %get3A_2973 = tpu.vector_load %arg6[%get3A_2972] {strides = array<i32>} : memref<1024xi32, #tpu.memory_space<vmem>>, vector<16xi32>,
      %get3A_2974 = vector.shape_cast %get3A_2973 : vector<16xi32> to vector<16xi32>
      %mul3A_2975 = arith.constant 1024 : i32
      %mul3A_2976 = vector.broadcast %mul3A_2975 : i32 to vector<16xi32>
      %mul3A_2977 = arith.muli %get3A_2971, %mul3A_2976 : vector<16xi32>
      %add3A_2978 = arith.addi %mul3A_2977, %get3A_2974 : vector<16xi32>
      %swap3A_2979 = arith.constant 96 : index
      %swap3A_2980 = tpu.vector_load %arg17[%swap3A_2979] {strides = array<i32>} : memref<128xi32, #tpu.memory_space<vmem>>, vector<16xi32>,
      %swap3A_2981 = vector.shape_cast %swap3A_2980 : vector<16xi32> to vector<16xi32>
      %swap3A_2982 = vector.shape_cast %add3A_2978 : vector<16xi32> to vector<16xi32>
      tpu.vector_store %arg17[%swap3A_2979], %swap3A_2982 {strides = array<i32>} : memref<128xi32, #tpu.memory_space<vmem>>, vector<16xi32>,
      %get3A_2983 = arith.constant 1008 : index
      %get3A_2984 = tpu.vector_load %arg5[%get3A_2983] {strides = array<i32>} : memref<1024xi32, #tpu.memory_space<vmem>>, vector<16xi32>,
      %get3A_2985 = vector.shape_cast %get3A_2984 : vector<16xi32> to vector<16xi32>
      %get3A_2986 = arith.constant 1008 : index
      %get3A_2987 = tpu.vector_load %arg6[%get3A_2986] {strides = array<i32>} : memref<1024xi32, #tpu.memory_space<vmem>>, vector<16xi32>,
      %get3A_2988 = vector.shape_cast %get3A_2987 : vector<16xi32> to vector<16xi32>
      %mul3A_2989 = arith.constant 1024 : i32
      %mul3A_2990 = vector.broadcast %mul3A_2989 : i32 to vector<16xi32>
      %mul3A_2991 = arith.muli %get3A_2985, %mul3A_2990 : vector<16xi32>
      %add3A_2992 = arith.addi %mul3A_2991, %get3A_2988 : vector<16xi32>
      %swap3A_2993 = arith.constant 112 : index
      %swap3A_2994 = tpu.vector_load %arg17[%swap3A_2993] {strides = array<i32>} : memref<128xi32, #tpu.memory_space<vmem>>, vector<16xi32>,
      %swap3A_2995 = vector.shape_cast %swap3A_2994 : vector<16xi32> to vector<16xi32>
      %swap3A_2996 = vector.shape_cast %add3A_2992 : vector<16xi32> to vector<16xi32>
      tpu.vector_store %arg17[%swap3A_2993], %swap3A_2996 {strides = array<i32>} : memref<128xi32, #tpu.memory_space<vmem>>, vector<16xi32>,
      %barrier3A = arith.constant 0 : index
      tpu.barrier barrier_id(%barrier3A)
      "tpu.region"() ({
        %run_scoped3A = tpu.sem_alloc : memref<!tpu.dma_semaphore, #tpu.memory_space<semaphore_mem>>
        %dma_start3A = arith.constant 0 : i32
        %dma_start3A_2998 = tpu.memref_slice %arg9[%dma_start3A] : memref<1048576xf32, #tpu.memory_space<vmem_shared>> -> memref<1048576xf32, #tpu.memory_space<vmem_shared>>
        tpu.enqueue_indirect_dma source(%arg7 : memref<128xf32, #tpu.memory_space<vmem>>) target(%dma_start3A_2998 : memref<1048576xf32, #tpu.memory_space<vmem_shared>>) offsets(%arg10 : memref<128xi32, #tpu.memory_space<vmem>>) semaphore(%run_scoped3A : memref<!tpu.dma_semaphore, #tpu.memory_space<semaphore_mem>>) {add = true}
        %dma_wait3A = arith.constant 0 : i32
        %dma_wait3A_2999 = tpu.memref_slice %arg9[%dma_wait3A] : memref<1048576xf32, #tpu.memory_space<vmem_shared>> -> memref<1048576xf32, #tpu.memory_space<vmem_shared>>
        tpu.wait_indirect_dma semaphore(%run_scoped3A : memref<!tpu.dma_semaphore, #tpu.memory_space<semaphore_mem>>) src(%arg7 : memref<128xf32, #tpu.memory_space<vmem>>) dst(%dma_wait3A_2999 : memref<1048576xf32, #tpu.memory_space<vmem_shared>>)
        tpu.yield
      }) : () -> ()
      "tpu.region"() ({
        %run_scoped3A = tpu.sem_alloc : memref<!tpu.dma_semaphore, #tpu.memory_space<semaphore_mem>>
        %dma_start3A = arith.constant 0 : i32
        %dma_start3A_2998 = tpu.memref_slice %arg9[%dma_start3A] : memref<1048576xf32, #tpu.memory_space<vmem_shared>> -> memref<1048576xf32, #tpu.memory_space<vmem_shared>>
        tpu.enqueue_indirect_dma source(%arg7 : memref<128xf32, #tpu.memory_space<vmem>>) target(%dma_start3A_2998 : memref<1048576xf32, #tpu.memory_space<vmem_shared>>) offsets(%arg11 : memref<128xi32, #tpu.memory_space<vmem>>) semaphore(%run_scoped3A : memref<!tpu.dma_semaphore, #tpu.memory_space<semaphore_mem>>) {add = true}
        %dma_wait3A = arith.constant 0 : i32
        %dma_wait3A_2999 = tpu.memref_slice %arg9[%dma_wait3A] : memref<1048576xf32, #tpu.memory_space<vmem_shared>> -> memref<1048576xf32, #tpu.memory_space<vmem_shared>>
        tpu.wait_indirect_dma semaphore(%run_scoped3A : memref<!tpu.dma_semaphore, #tpu.memory_space<semaphore_mem>>) src(%arg7 : memref<128xf32, #tpu.memory_space<vmem>>) dst(%dma_wait3A_2999 : memref<1048576xf32, #tpu.memory_space<vmem_shared>>)
        tpu.yield
      }) : () -> ()
      "tpu.region"() ({
        %run_scoped3A = tpu.sem_alloc : memref<!tpu.dma_semaphore, #tpu.memory_space<semaphore_mem>>
        %dma_start3A = arith.constant 0 : i32
        %dma_start3A_2998 = tpu.memref_slice %arg9[%dma_start3A] : memref<1048576xf32, #tpu.memory_space<vmem_shared>> -> memref<1048576xf32, #tpu.memory_space<vmem_shared>>
        tpu.enqueue_indirect_dma source(%arg7 : memref<128xf32, #tpu.memory_space<vmem>>) target(%dma_start3A_2998 : memref<1048576xf32, #tpu.memory_space<vmem_shared>>) offsets(%arg12 : memref<128xi32, #tpu.memory_space<vmem>>) semaphore(%run_scoped3A : memref<!tpu.dma_semaphore, #tpu.memory_space<semaphore_mem>>) {add = true}
        %dma_wait3A = arith.constant 0 : i32
        %dma_wait3A_2999 = tpu.memref_slice %arg9[%dma_wait3A] : memref<1048576xf32, #tpu.memory_space<vmem_shared>> -> memref<1048576xf32, #tpu.memory_space<vmem_shared>>
        tpu.wait_indirect_dma semaphore(%run_scoped3A : memref<!tpu.dma_semaphore, #tpu.memory_space<semaphore_mem>>) src(%arg7 : memref<128xf32, #tpu.memory_space<vmem>>) dst(%dma_wait3A_2999 : memref<1048576xf32, #tpu.memory_space<vmem_shared>>)
        tpu.yield
      }) : () -> ()
      "tpu.region"() ({
        %run_scoped3A = tpu.sem_alloc : memref<!tpu.dma_semaphore, #tpu.memory_space<semaphore_mem>>
        %dma_start3A = arith.constant 0 : i32
        %dma_start3A_2998 = tpu.memref_slice %arg9[%dma_start3A] : memref<1048576xf32, #tpu.memory_space<vmem_shared>> -> memref<1048576xf32, #tpu.memory_space<vmem_shared>>
        tpu.enqueue_indirect_dma source(%arg7 : memref<128xf32, #tpu.memory_space<vmem>>) target(%dma_start3A_2998 : memref<1048576xf32, #tpu.memory_space<vmem_shared>>) offsets(%arg13 : memref<128xi32, #tpu.memory_space<vmem>>) semaphore(%run_scoped3A : memref<!tpu.dma_semaphore, #tpu.memory_space<semaphore_mem>>) {add = true}
        %dma_wait3A = arith.constant 0 : i32
        %dma_wait3A_2999 = tpu.memref_slice %arg9[%dma_wait3A] : memref<1048576xf32, #tpu.memory_space<vmem_shared>> -> memref<1048576xf32, #tpu.memory_space<vmem_shared>>
        tpu.wait_indirect_dma semaphore(%run_scoped3A : memref<!tpu.dma_semaphore, #tpu.memory_space<semaphore_mem>>) src(%arg7 : memref<128xf32, #tpu.memory_space<vmem>>) dst(%dma_wait3A_2999 : memref<1048576xf32, #tpu.memory_space<vmem_shared>>)
        tpu.yield
      }) : () -> ()
      "tpu.region"() ({
        %run_scoped3A = tpu.sem_alloc : memref<!tpu.dma_semaphore, #tpu.memory_space<semaphore_mem>>
        %dma_start3A = arith.constant 0 : i32
        %dma_start3A_2998 = tpu.memref_slice %arg9[%dma_start3A] : memref<1048576xf32, #tpu.memory_space<vmem_shared>> -> memref<1048576xf32, #tpu.memory_space<vmem_shared>>
        tpu.enqueue_indirect_dma source(%arg7 : memref<128xf32, #tpu.memory_space<vmem>>) target(%dma_start3A_2998 : memref<1048576xf32, #tpu.memory_space<vmem_shared>>) offsets(%arg14 : memref<128xi32, #tpu.memory_space<vmem>>) semaphore(%run_scoped3A : memref<!tpu.dma_semaphore, #tpu.memory_space<semaphore_mem>>) {add = true}
        %dma_wait3A = arith.constant 0 : i32
        %dma_wait3A_2999 = tpu.memref_slice %arg9[%dma_wait3A] : memref<1048576xf32, #tpu.memory_space<vmem_shared>> -> memref<1048576xf32, #tpu.memory_space<vmem_shared>>
        tpu.wait_indirect_dma semaphore(%run_scoped3A : memref<!tpu.dma_semaphore, #tpu.memory_space<semaphore_mem>>) src(%arg7 : memref<128xf32, #tpu.memory_space<vmem>>) dst(%dma_wait3A_2999 : memref<1048576xf32, #tpu.memory_space<vmem_shared>>)
        tpu.yield
      }) : () -> ()
      "tpu.region"() ({
        %run_scoped3A = tpu.sem_alloc : memref<!tpu.dma_semaphore, #tpu.memory_space<semaphore_mem>>
        %dma_start3A = arith.constant 0 : i32
        %dma_start3A_2998 = tpu.memref_slice %arg9[%dma_start3A] : memref<1048576xf32, #tpu.memory_space<vmem_shared>> -> memref<1048576xf32, #tpu.memory_space<vmem_shared>>
        tpu.enqueue_indirect_dma source(%arg7 : memref<128xf32, #tpu.memory_space<vmem>>) target(%dma_start3A_2998 : memref<1048576xf32, #tpu.memory_space<vmem_shared>>) offsets(%arg15 : memref<128xi32, #tpu.memory_space<vmem>>) semaphore(%run_scoped3A : memref<!tpu.dma_semaphore, #tpu.memory_space<semaphore_mem>>) {add = true}
        %dma_wait3A = arith.constant 0 : i32
        %dma_wait3A_2999 = tpu.memref_slice %arg9[%dma_wait3A] : memref<1048576xf32, #tpu.memory_space<vmem_shared>> -> memref<1048576xf32, #tpu.memory_space<vmem_shared>>
        tpu.wait_indirect_dma semaphore(%run_scoped3A : memref<!tpu.dma_semaphore, #tpu.memory_space<semaphore_mem>>) src(%arg7 : memref<128xf32, #tpu.memory_space<vmem>>) dst(%dma_wait3A_2999 : memref<1048576xf32, #tpu.memory_space<vmem_shared>>)
        tpu.yield
      }) : () -> ()
      "tpu.region"() ({
        %run_scoped3A = tpu.sem_alloc : memref<!tpu.dma_semaphore, #tpu.memory_space<semaphore_mem>>
        %dma_start3A = arith.constant 0 : i32
        %dma_start3A_2998 = tpu.memref_slice %arg9[%dma_start3A] : memref<1048576xf32, #tpu.memory_space<vmem_shared>> -> memref<1048576xf32, #tpu.memory_space<vmem_shared>>
        tpu.enqueue_indirect_dma source(%arg7 : memref<128xf32, #tpu.memory_space<vmem>>) target(%dma_start3A_2998 : memref<1048576xf32, #tpu.memory_space<vmem_shared>>) offsets(%arg16 : memref<128xi32, #tpu.memory_space<vmem>>) semaphore(%run_scoped3A : memref<!tpu.dma_semaphore, #tpu.memory_space<semaphore_mem>>) {add = true}
        %dma_wait3A = arith.constant 0 : i32
        %dma_wait3A_2999 = tpu.memref_slice %arg9[%dma_wait3A] : memref<1048576xf32, #tpu.memory_space<vmem_shared>> -> memref<1048576xf32, #tpu.memory_space<vmem_shared>>
        tpu.wait_indirect_dma semaphore(%run_scoped3A : memref<!tpu.dma_semaphore, #tpu.memory_space<semaphore_mem>>) src(%arg7 : memref<128xf32, #tpu.memory_space<vmem>>) dst(%dma_wait3A_2999 : memref<1048576xf32, #tpu.memory_space<vmem_shared>>)
        tpu.yield
      }) : () -> ()
      "tpu.region"() ({
        %run_scoped3A = tpu.sem_alloc : memref<!tpu.dma_semaphore, #tpu.memory_space<semaphore_mem>>
        %dma_start3A = arith.constant 0 : i32
        %dma_start3A_2998 = tpu.memref_slice %arg9[%dma_start3A] : memref<1048576xf32, #tpu.memory_space<vmem_shared>> -> memref<1048576xf32, #tpu.memory_space<vmem_shared>>
        tpu.enqueue_indirect_dma source(%arg7 : memref<128xf32, #tpu.memory_space<vmem>>) target(%dma_start3A_2998 : memref<1048576xf32, #tpu.memory_space<vmem_shared>>) offsets(%arg17 : memref<128xi32, #tpu.memory_space<vmem>>) semaphore(%run_scoped3A : memref<!tpu.dma_semaphore, #tpu.memory_space<semaphore_mem>>) {add = true}
        %dma_wait3A = arith.constant 0 : i32
        %dma_wait3A_2999 = tpu.memref_slice %arg9[%dma_wait3A] : memref<1048576xf32, #tpu.memory_space<vmem_shared>> -> memref<1048576xf32, #tpu.memory_space<vmem_shared>>
        tpu.wait_indirect_dma semaphore(%run_scoped3A : memref<!tpu.dma_semaphore, #tpu.memory_space<semaphore_mem>>) src(%arg7 : memref<128xf32, #tpu.memory_space<vmem>>) dst(%dma_wait3A_2999 : memref<1048576xf32, #tpu.memory_space<vmem_shared>>)
        tpu.yield
      }) : () -> ()
      %barrier3A_2997 = arith.constant 0 : index
      tpu.barrier barrier_id(%barrier3A_2997)
      "tpu.region"() ({
        %run_scoped3A = tpu.sem_alloc : memref<!tpu.dma_semaphore, #tpu.memory_space<semaphore_mem>>
        %dma_start3A = tpu.memref_slice %arg4[%mul3A_2] : memref<1048576xf32, #tpu.memory_space<hbm>> -> memref<65536xf32, #tpu.memory_space<hbm>>
        %dma_start3A_2998 = tpu.memref_slice %arg9[%mul3A_2] : memref<1048576xf32, #tpu.memory_space<vmem_shared>> -> memref<65536xf32, #tpu.memory_space<vmem_shared>>
        tpu.enqueue_dma source(%dma_start3A_2998 : memref<65536xf32, #tpu.memory_space<vmem_shared>>) target(%dma_start3A : memref<65536xf32, #tpu.memory_space<hbm>>) target_semaphore(%run_scoped3A : memref<!tpu.dma_semaphore, #tpu.memory_space<semaphore_mem>>)
        %dma_wait3A = tpu.memref_slice %arg4[%mul3A_2] : memref<1048576xf32, #tpu.memory_space<hbm>> -> memref<65536xf32, #tpu.memory_space<hbm>>
        %dma_wait3A_2999 = tpu.memref_slice %arg9[%mul3A_2] : memref<1048576xf32, #tpu.memory_space<vmem_shared>> -> memref<65536xf32, #tpu.memory_space<vmem_shared>>
        tpu.wait_dma2 semaphore(%run_scoped3A : memref<!tpu.dma_semaphore, #tpu.memory_space<semaphore_mem>>) src(%dma_wait3A_2999 : memref<65536xf32, #tpu.memory_space<vmem_shared>>) dst(%dma_wait3A : memref<65536xf32, #tpu.memory_space<hbm>>)
        tpu.yield
      }) : () -> ()
    } else {
    }
    return
  }
}

module attributes {stable_mosaic.version = 14 : i64} {
  func.func @body(%arg0: i32, %arg1: memref<16x1024xf32, #tpu.memory_space<vmem>>, %arg2: memref<1024x64xf32, #tpu.memory_space<vmem>>, %arg3: memref<64x64xf32, #tpu.memory_space<vmem>>, %arg4: memref<64x64xf32, #tpu.memory_space<vmem>>, %arg5: memref<64x1xf32, #tpu.memory_space<vmem>>, %arg6: memref<1024x1024xbf16, #tpu.memory_space<vmem>>, %arg7: memref<1024x1024xbf16, #tpu.memory_space<vmem>>, %arg8: memref<1024x16xf32, #tpu.memory_space<vmem>>) attributes {dimension_semantics = [#tpu.dimension_semantics<arbitrary>], iteration_bounds = array<i64: 4>, scalar_prefetch = 0 : i64, scratch_operands = 0 : i64, tpu.core_type = #tpu.core_type<tc>, window_params = [{transform_indices = @transform_0, window_bounds = array<i64: 16, 1024>}, {pipeline_mode = #tpu.pipeline_mode<synchronous>, transform_indices = @transform_1, window_bounds = array<i64: 1024, 64>}, {pipeline_mode = #tpu.pipeline_mode<synchronous>, transform_indices = @transform_2, window_bounds = array<i64: 64, 64>}, {pipeline_mode = #tpu.pipeline_mode<synchronous>, transform_indices = @transform_3, window_bounds = array<i64: 64, 64>}, {pipeline_mode = #tpu.pipeline_mode<synchronous>, transform_indices = @transform_4, window_bounds = array<i64: 64, 1>}, {transform_indices = @transform_5, window_bounds = array<i64: 1024, 1024>}, {pipeline_mode = #tpu.pipeline_mode<synchronous>, transform_indices = @transform_6, window_bounds = array<i64: 1024, 1024>}, {pipeline_mode = #tpu.pipeline_mode<synchronous>, transform_indices = @transform_7, window_bounds = array<i64: 1024, 16>}]} {
    %iota3A = tpu.iota {dimensions = array<i32: 0>} : vector<1024x1024xi32>
    %iota3A_0 = tpu.iota {dimensions = array<i32: 1>} : vector<1024x1024xi32>
    %slice3A = vector.extract_strided_slice %iota3A {offsets = [0, 0], sizes = [1024, 64], strides = [1, 1]} : vector<1024x1024xi32> to vector<1024x64xi32>
    %jit3A = arith.constant 16 : i32
    %div3A = vector.broadcast %jit3A : i32 to vector<1024x64xi32>
    %div3A_1 = arith.divsi %slice3A, %div3A : vector<1024x64xi32>
    %sign3A = arith.constant 0 : i32
    %sign3A_2 = vector.broadcast %sign3A : i32 to vector<1024x64xi32>
    %sign3A_3 = arith.cmpi sgt, %slice3A, %sign3A_2 : vector<1024x64xi32>
    %sign3A_4 = arith.extui %sign3A_3 : vector<1024x64xi1> to vector<1024x64xi32>
    %sign3A_5 = arith.constant 0 : i32
    %sign3A_6 = vector.broadcast %sign3A_5 : i32 to vector<1024x64xi32>
    %sign3A_7 = arith.cmpi slt, %slice3A, %sign3A_6 : vector<1024x64xi32>
    %sign3A_8 = arith.extui %sign3A_7 : vector<1024x64xi1> to vector<1024x64xi32>
    %sign3A_9 = arith.subi %sign3A_4, %sign3A_8 : vector<1024x64xi32>
    %sign3A_10 = arith.constant 0 : i32
    %sign3A_11 = arith.cmpi sgt, %jit3A, %sign3A_10 : i32
    %sign3A_12 = arith.extui %sign3A_11 : i1 to i32
    %sign3A_13 = arith.constant 0 : i32
    %sign3A_14 = arith.cmpi slt, %jit3A, %sign3A_13 : i32
    %sign3A_15 = arith.extui %sign3A_14 : i1 to i32
    %sign3A_16 = arith.subi %sign3A_12, %sign3A_15 : i32
    %ne3A = vector.broadcast %sign3A_16 : i32 to vector<1024x64xi32>
    %ne3A_17 = arith.cmpi ne, %sign3A_9, %ne3A : vector<1024x64xi32>
    %rem3A = vector.broadcast %jit3A : i32 to vector<1024x64xi32>
    %rem3A_18 = arith.remsi %slice3A, %rem3A : vector<1024x64xi32>
    %ne3A_19 = arith.constant 0 : i32
    %ne3A_20 = vector.broadcast %ne3A_19 : i32 to vector<1024x64xi32>
    %ne3A_21 = arith.cmpi ne, %rem3A_18, %ne3A_20 : vector<1024x64xi32>
    %and3A = arith.andi %ne3A_17, %ne3A_21 : vector<1024x64xi1>
    %sub3A = arith.constant 1 : i32
    %sub3A_22 = vector.broadcast %sub3A : i32 to vector<1024x64xi32>
    %sub3A_23 = arith.subi %div3A_1, %sub3A_22 : vector<1024x64xi32>
    %select_n3A = arith.select %and3A, %sub3A_23, %div3A_1 : vector<1024x64xi1>, vector<1024x64xi32>
    %slice3A_24 = vector.extract_strided_slice %iota3A_0 {offsets = [0, 0], sizes = [1024, 64], strides = [1, 1]} : vector<1024x1024xi32> to vector<1024x64xi32>
    %eq3A = arith.cmpi eq, %select_n3A, %slice3A_24 : vector<1024x64xi32>
    %convert_element_type3A = arith.extui %eq3A : vector<1024x64xi1> to vector<1024x64xi32>
    %convert_element_type3A_25 = arith.sitofp %convert_element_type3A : vector<1024x64xi32> to vector<1024x64xf32>
    %slice3A_26 = vector.extract_strided_slice %iota3A {offsets = [0, 0], sizes = [1024, 16], strides = [1, 1]} : vector<1024x1024xi32> to vector<1024x16xi32>
    %jit3A_27 = arith.constant 16 : i32
    %eq3A_28 = arith.constant 0 : i32
    %eq3A_29 = arith.cmpi eq, %jit3A_27, %eq3A_28 : i32
    %jit3A_30 = arith.constant 1 : i32
    %select_n3A_31 = arith.select %eq3A_29, %jit3A_30, %jit3A_27 : i32
    %rem3A_32 = vector.broadcast %select_n3A_31 : i32 to vector<1024x16xi32>
    %rem3A_33 = arith.remsi %slice3A_26, %rem3A_32 : vector<1024x16xi32>
    %ne3A_34 = arith.constant 0 : i32
    %ne3A_35 = vector.broadcast %ne3A_34 : i32 to vector<1024x16xi32>
    %ne3A_36 = arith.cmpi ne, %rem3A_33, %ne3A_35 : vector<1024x16xi32>
    %lt3A = arith.constant 0 : i32
    %lt3A_37 = vector.broadcast %lt3A : i32 to vector<1024x16xi32>
    %lt3A_38 = arith.cmpi slt, %rem3A_33, %lt3A_37 : vector<1024x16xi32>
    %lt3A_39 = arith.constant 0 : i32
    %lt3A_40 = arith.cmpi slt, %select_n3A_31, %lt3A_39 : i32
    %ne3A_41 = vector.broadcast %lt3A_40 : i1 to vector<1024x16xi1>
    %ne3A_42 = vector.broadcast %ne3A_41 : vector<1024x16xi1> to vector<1024x16xi1>
    %ne3A_43 = arith.xori %lt3A_38, %ne3A_42 : vector<1024x16xi1>
    %and3A_44 = arith.andi %ne3A_43, %ne3A_36 : vector<1024x16xi1>
    %add3A = vector.broadcast %select_n3A_31 : i32 to vector<1024x16xi32>
    %add3A_45 = arith.addi %rem3A_33, %add3A : vector<1024x16xi32>
    %select_n3A_46 = arith.select %and3A_44, %add3A_45, %rem3A_33 : vector<1024x16xi1>, vector<1024x16xi32>
    %slice3A_47 = vector.extract_strided_slice %iota3A_0 {offsets = [0, 0], sizes = [1024, 16], strides = [1, 1]} : vector<1024x1024xi32> to vector<1024x16xi32>
    %eq3A_48 = arith.cmpi eq, %select_n3A_46, %slice3A_47 : vector<1024x16xi32>
    %convert_element_type3A_49 = arith.extui %eq3A_48 : vector<1024x16xi1> to vector<1024x16xi32>
    %convert_element_type3A_50 = arith.sitofp %convert_element_type3A_49 : vector<1024x16xi32> to vector<1024x16xf32>
    %convert_element_type3A_51 = arith.truncf %convert_element_type3A_50 : vector<1024x16xf32> to vector<1024x16xbf16>
    %get3A = arith.constant 0 : index
    %get3A_52 = arith.constant 0 : index
    %get3A_53 = vector.load %arg3[%get3A, %get3A_52] : memref<64x64xf32, #tpu.memory_space<vmem>>, vector<64x64xf32>
    %get3A_54 = arith.constant 0 : index
    %get3A_55 = arith.constant 0 : index
    %get3A_56 = vector.load %arg2[%get3A_54, %get3A_55] : memref<1024x64xf32, #tpu.memory_space<vmem>>, vector<1024x64xf32>
    %dot_general3A = arith.constant dense<0.000000e+00> : vector<64x1024xf32>
    %dot_general3A_57 = tpu.matmul %get3A_53, %get3A_56, %dot_general3A {dimension_numbers = #tpu.dot_dimension_numbers<[0], [1], [1], [0], [0, 1, 1, 0], [], []>, transpose_lhs_hint = false} : vector<64x64xf32>, vector<1024x64xf32>, vector<64x1024xf32> -> vector<64x1024xf32>
    %dot_general3A_58 = arith.constant dense<0.000000e+00> : vector<1024x1024xf32>
    %dot_general3A_59 = tpu.matmul %convert_element_type3A_25, %dot_general3A_57, %dot_general3A_58 {dimension_numbers = #tpu.dot_dimension_numbers<[1], [0], [0], [1], [0, 0, 1, 1], [], []>, transpose_lhs_hint = false} : vector<1024x64xf32>, vector<64x1024xf32>, vector<1024x1024xf32> -> vector<1024x1024xf32>
    %get3A_60 = arith.constant 0 : index
    %get3A_61 = arith.constant 0 : index
    %get3A_62 = vector.load %arg1[%get3A_60, %get3A_61] : memref<16x1024xf32, #tpu.memory_space<vmem>>, vector<16x1024xf32>
    %convert_element_type3A_63 = arith.truncf %get3A_62 : vector<16x1024xf32> to vector<16x1024xbf16>
    %dot_general3A_64 = arith.constant dense<0.000000e+00> : vector<1024x1024xf32>
    %dot_general3A_65 = tpu.matmul %convert_element_type3A_51, %convert_element_type3A_63, %dot_general3A_64 {dimension_numbers = #tpu.dot_dimension_numbers<[1], [0], [0], [1], [0, 0, 1, 1], [], []>, transpose_lhs_hint = false} : vector<1024x16xbf16>, vector<16x1024xbf16>, vector<1024x1024xf32> -> vector<1024x1024xf32>
    %mul3A = arith.mulf %dot_general3A_59, %dot_general3A_65 : vector<1024x1024xf32>
    %convert_element_type3A_66 = arith.truncf %mul3A : vector<1024x1024xf32> to vector<1024x1024xbf16>
    %swap3A = arith.constant 0 : index
    %swap3A_67 = arith.constant 0 : index
    %swap3A_68 = vector.load %arg6[%swap3A, %swap3A_67] : memref<1024x1024xbf16, #tpu.memory_space<vmem>>, vector<1024x1024xbf16>
    tpu.vector_store %arg6[%swap3A, %swap3A_67], %convert_element_type3A_66 {strides = array<i32>} : memref<1024x1024xbf16, #tpu.memory_space<vmem>>, vector<1024x1024xbf16>,
    %eq3A_69 = arith.constant 0 : i32
    %eq3A_70 = arith.cmpi eq, %arg0, %eq3A_69 : i32
    %convert_element_type3A_71 = arith.extui %eq3A_70 : i1 to i32
    %cond3A = arith.constant 0 : i32
    %cond3A_72 = arith.cmpi ne, %convert_element_type3A_71, %cond3A : i32
    scf.if %cond3A_72 {
      %get3A_73 = arith.constant 0 : index
      %get3A_74 = arith.constant 0 : index
      %get3A_75 = vector.load %arg4[%get3A_73, %get3A_74] : memref<64x64xf32, #tpu.memory_space<vmem>>, vector<64x64xf32>
      %dot_general3A_76 = arith.constant dense<0.000000e+00> : vector<1024x64xf32>
      %dot_general3A_77 = tpu.matmul %convert_element_type3A_25, %get3A_75, %dot_general3A_76 {dimension_numbers = #tpu.dot_dimension_numbers<[1], [0], [0], [1], [0, 0, 1, 1], [], []>, transpose_lhs_hint = false} : vector<1024x64xf32>, vector<64x64xf32>, vector<1024x64xf32> -> vector<1024x64xf32>
      %dot_general3A_78 = arith.constant dense<0.000000e+00> : vector<1024x1024xf32>
      %dot_general3A_79 = tpu.matmul %dot_general3A_77, %convert_element_type3A_25, %dot_general3A_78 {dimension_numbers = #tpu.dot_dimension_numbers<[1], [1], [0], [0], [0, 0, 1, 0], [], []>, transpose_lhs_hint = false} : vector<1024x64xf32>, vector<1024x64xf32>, vector<1024x1024xf32> -> vector<1024x1024xf32>
      %jit3A_80 = arith.constant 16 : i32
      %eq3A_81 = arith.constant 0 : i32
      %eq3A_82 = arith.cmpi eq, %jit3A_80, %eq3A_81 : i32
      %jit3A_83 = arith.constant 1 : i32
      %select_n3A_84 = arith.select %eq3A_82, %jit3A_83, %jit3A_80 : i32
      %rem3A_85 = vector.broadcast %select_n3A_84 : i32 to vector<1024x1024xi32>
      %rem3A_86 = arith.remsi %iota3A, %rem3A_85 : vector<1024x1024xi32>
      %ne3A_87 = arith.constant 0 : i32
      %ne3A_88 = vector.broadcast %ne3A_87 : i32 to vector<1024x1024xi32>
      %ne3A_89 = arith.cmpi ne, %rem3A_86, %ne3A_88 : vector<1024x1024xi32>
      %lt3A_90 = arith.constant 0 : i32
      %lt3A_91 = vector.broadcast %lt3A_90 : i32 to vector<1024x1024xi32>
      %lt3A_92 = arith.cmpi slt, %rem3A_86, %lt3A_91 : vector<1024x1024xi32>
      %lt3A_93 = arith.constant 0 : i32
      %lt3A_94 = arith.cmpi slt, %select_n3A_84, %lt3A_93 : i32
      %ne3A_95 = vector.broadcast %lt3A_94 : i1 to vector<1024x1024xi1>
      %ne3A_96 = vector.broadcast %ne3A_95 : vector<1024x1024xi1> to vector<1024x1024xi1>
      %ne3A_97 = arith.xori %lt3A_92, %ne3A_96 : vector<1024x1024xi1>
      %and3A_98 = arith.andi %ne3A_97, %ne3A_89 : vector<1024x1024xi1>
      %add3A_99 = vector.broadcast %select_n3A_84 : i32 to vector<1024x1024xi32>
      %add3A_100 = arith.addi %rem3A_86, %add3A_99 : vector<1024x1024xi32>
      %select_n3A_101 = arith.select %and3A_98, %add3A_100, %rem3A_86 : vector<1024x1024xi1>, vector<1024x1024xi32>
      %jit3A_102 = arith.constant 16 : i32
      %eq3A_103 = arith.constant 0 : i32
      %eq3A_104 = arith.cmpi eq, %jit3A_102, %eq3A_103 : i32
      %jit3A_105 = arith.constant 1 : i32
      %select_n3A_106 = arith.select %eq3A_104, %jit3A_105, %jit3A_102 : i32
      %rem3A_107 = vector.broadcast %select_n3A_106 : i32 to vector<1024x1024xi32>
      %rem3A_108 = arith.remsi %iota3A_0, %rem3A_107 : vector<1024x1024xi32>
      %ne3A_109 = arith.constant 0 : i32
      %ne3A_110 = vector.broadcast %ne3A_109 : i32 to vector<1024x1024xi32>
      %ne3A_111 = arith.cmpi ne, %rem3A_108, %ne3A_110 : vector<1024x1024xi32>
      %lt3A_112 = arith.constant 0 : i32
      %lt3A_113 = vector.broadcast %lt3A_112 : i32 to vector<1024x1024xi32>
      %lt3A_114 = arith.cmpi slt, %rem3A_108, %lt3A_113 : vector<1024x1024xi32>
      %lt3A_115 = arith.constant 0 : i32
      %lt3A_116 = arith.cmpi slt, %select_n3A_106, %lt3A_115 : i32
      %ne3A_117 = vector.broadcast %lt3A_116 : i1 to vector<1024x1024xi1>
      %ne3A_118 = vector.broadcast %ne3A_117 : vector<1024x1024xi1> to vector<1024x1024xi1>
      %ne3A_119 = arith.xori %lt3A_114, %ne3A_118 : vector<1024x1024xi1>
      %and3A_120 = arith.andi %ne3A_119, %ne3A_111 : vector<1024x1024xi1>
      %add3A_121 = vector.broadcast %select_n3A_106 : i32 to vector<1024x1024xi32>
      %add3A_122 = arith.addi %rem3A_108, %add3A_121 : vector<1024x1024xi32>
      %select_n3A_123 = arith.select %and3A_120, %add3A_122, %rem3A_108 : vector<1024x1024xi1>, vector<1024x1024xi32>
      %eq3A_124 = arith.cmpi eq, %select_n3A_101, %select_n3A_123 : vector<1024x1024xi32>
      %jit3A_125 = arith.constant 0.000000e+00 : f32
      %broadcast_in_dim3A = vector.broadcast %jit3A_125 : f32 to vector<1024x1024xf32>
      %select_n3A_126 = arith.select %eq3A_124, %dot_general3A_79, %broadcast_in_dim3A : vector<1024x1024xi1>, vector<1024x1024xf32>
      %convert_element_type3A_127 = arith.truncf %select_n3A_126 : vector<1024x1024xf32> to vector<1024x1024xbf16>
      %swap3A_128 = arith.constant 0 : index
      %swap3A_129 = arith.constant 0 : index
      %swap3A_130 = vector.load %arg7[%swap3A_128, %swap3A_129] : memref<1024x1024xbf16, #tpu.memory_space<vmem>>, vector<1024x1024xbf16>
      tpu.vector_store %arg7[%swap3A_128, %swap3A_129], %convert_element_type3A_127 {strides = array<i32>} : memref<1024x1024xbf16, #tpu.memory_space<vmem>>, vector<1024x1024xbf16>,
      %get3A_131 = arith.constant 0 : index
      %get3A_132 = arith.constant 0 : index
      %get3A_133 = vector.load %arg5[%get3A_131, %get3A_132] : memref<64x1xf32, #tpu.memory_space<vmem>>, vector<64x1xf32>
      %dot_general3A_134 = arith.constant dense<0.000000e+00> : vector<1024x1xf32>
      %dot_general3A_135 = tpu.matmul %convert_element_type3A_25, %get3A_133, %dot_general3A_134 {dimension_numbers = #tpu.dot_dimension_numbers<[1], [0], [0], [1], [0, 0, 1, 1], [], []>, transpose_lhs_hint = false} : vector<1024x64xf32>, vector<64x1xf32>, vector<1024x1xf32> -> vector<1024x1xf32>
      %slice3A_136 = vector.extract_strided_slice %iota3A {offsets = [0, 0], sizes = [1024, 16], strides = [1, 1]} : vector<1024x1024xi32> to vector<1024x16xi32>
      %jit3A_137 = arith.constant 16 : i32
      %eq3A_138 = arith.constant 0 : i32
      %eq3A_139 = arith.cmpi eq, %jit3A_137, %eq3A_138 : i32
      %jit3A_140 = arith.constant 1 : i32
      %select_n3A_141 = arith.select %eq3A_139, %jit3A_140, %jit3A_137 : i32
      %rem3A_142 = vector.broadcast %select_n3A_141 : i32 to vector<1024x16xi32>
      %rem3A_143 = arith.remsi %slice3A_136, %rem3A_142 : vector<1024x16xi32>
      %ne3A_144 = arith.constant 0 : i32
      %ne3A_145 = vector.broadcast %ne3A_144 : i32 to vector<1024x16xi32>
      %ne3A_146 = arith.cmpi ne, %rem3A_143, %ne3A_145 : vector<1024x16xi32>
      %lt3A_147 = arith.constant 0 : i32
      %lt3A_148 = vector.broadcast %lt3A_147 : i32 to vector<1024x16xi32>
      %lt3A_149 = arith.cmpi slt, %rem3A_143, %lt3A_148 : vector<1024x16xi32>
      %lt3A_150 = arith.constant 0 : i32
      %lt3A_151 = arith.cmpi slt, %select_n3A_141, %lt3A_150 : i32
      %ne3A_152 = vector.broadcast %lt3A_151 : i1 to vector<1024x16xi1>
      %ne3A_153 = vector.broadcast %ne3A_152 : vector<1024x16xi1> to vector<1024x16xi1>
      %ne3A_154 = arith.xori %lt3A_149, %ne3A_153 : vector<1024x16xi1>
      %and3A_155 = arith.andi %ne3A_154, %ne3A_146 : vector<1024x16xi1>
      %add3A_156 = vector.broadcast %select_n3A_141 : i32 to vector<1024x16xi32>
      %add3A_157 = arith.addi %rem3A_143, %add3A_156 : vector<1024x16xi32>
      %select_n3A_158 = arith.select %and3A_155, %add3A_157, %rem3A_143 : vector<1024x16xi1>, vector<1024x16xi32>
      %slice3A_159 = vector.extract_strided_slice %iota3A_0 {offsets = [0, 0], sizes = [1024, 16], strides = [1, 1]} : vector<1024x1024xi32> to vector<1024x16xi32>
      %eq3A_160 = arith.cmpi eq, %select_n3A_158, %slice3A_159 : vector<1024x16xi32>
      %jit3A_161 = arith.constant 0.000000e+00 : f32
      %broadcast_in_dim3A_162 = vector.shape_cast %dot_general3A_135 : vector<1024x1xf32> to vector<1024x1xf32>
      %broadcast_in_dim3A_163 = vector.broadcast %broadcast_in_dim3A_162 : vector<1024x1xf32> to vector<1024x16xf32>
      %broadcast_in_dim3A_164 = vector.broadcast %jit3A_161 : f32 to vector<1024x16xf32>
      %select_n3A_165 = arith.select %eq3A_160, %broadcast_in_dim3A_163, %broadcast_in_dim3A_164 : vector<1024x16xi1>, vector<1024x16xf32>
      %swap3A_166 = arith.constant 0 : index
      %swap3A_167 = arith.constant 0 : index
      %swap3A_168 = vector.load %arg8[%swap3A_166, %swap3A_167] : memref<1024x16xf32, #tpu.memory_space<vmem>>, vector<1024x16xf32>
      tpu.vector_store %arg8[%swap3A_166, %swap3A_167], %select_n3A_165 {strides = array<i32>} : memref<1024x16xf32, #tpu.memory_space<vmem>>, vector<1024x16xf32>,
    } else {
    }
    return
  }
  func.func @transform_0(%arg0: i32) -> (i32, i32) {
    %c0_i32 = arith.constant 0 : i32
    %c0_i32_0 = arith.constant 0 : i32
    return %arg0, %c0_i32 : i32, i32
  }
  func.func @transform_1(%arg0: i32) -> (i32, i32) {
    %c0_i32 = arith.constant 0 : i32
    %c0_i32_0 = arith.constant 0 : i32
    %c0_i32_1 = arith.constant 0 : i32
    return %c0_i32, %c0_i32_0 : i32, i32
  }
  func.func @transform_2(%arg0: i32) -> (i32, i32) {
    %c0_i32 = arith.constant 0 : i32
    %c0_i32_0 = arith.constant 0 : i32
    %c0_i32_1 = arith.constant 0 : i32
    return %c0_i32, %c0_i32_0 : i32, i32
  }
  func.func @transform_3(%arg0: i32) -> (i32, i32) {
    %c0_i32 = arith.constant 0 : i32
    %c0_i32_0 = arith.constant 0 : i32
    %c0_i32_1 = arith.constant 0 : i32
    return %c0_i32, %c0_i32_0 : i32, i32
  }
  func.func @transform_4(%arg0: i32) -> (i32, i32) {
    %c0_i32 = arith.constant 0 : i32
    %c0_i32_0 = arith.constant 0 : i32
    %c0_i32_1 = arith.constant 0 : i32
    return %c0_i32, %c0_i32_0 : i32, i32
  }
  func.func @transform_5(%arg0: i32) -> (i32, i32) {
    %c0_i32 = arith.constant 0 : i32
    %c0_i32_0 = arith.constant 0 : i32
    return %arg0, %c0_i32 : i32, i32
  }
  func.func @transform_6(%arg0: i32) -> (i32, i32) {
    %c0_i32 = arith.constant 0 : i32
    %c0_i32_0 = arith.constant 0 : i32
    %c0_i32_1 = arith.constant 0 : i32
    return %c0_i32, %c0_i32_0 : i32, i32
  }
  func.func @transform_7(%arg0: i32) -> (i32, i32) {
    %c0_i32 = arith.constant 0 : i32
    %c0_i32_0 = arith.constant 0 : i32
    %c0_i32_1 = arith.constant 0 : i32
    return %c0_i32, %c0_i32_0 : i32, i32
  }
}

module attributes {stable_mosaic.version = 14 : i64} {
  func.func @body(%arg0: i32, %arg1: memref<1024x1024xbf16, #tpu.memory_space<vmem>>, %arg2: memref<1024x1024xbf16, #tpu.memory_space<vmem>>, %arg3: memref<1024x16xf32, #tpu.memory_space<vmem>>, %arg4: memref<1024x1xf32, #tpu.memory_space<vmem>>, %arg5: memref<1024x1xf32, #tpu.memory_space<vmem>>, %arg6: memref<1x1xf32, #tpu.memory_space<vmem>>, %arg7: memref<1024x1024xf32, #tpu.memory_space<vmem>>, %arg8: memref<16x1024xf32, #tpu.memory_space<vmem>>, %arg9: memref<1024x1024xbf16, #tpu.memory_space<vmem>>) attributes {dimension_semantics = [#tpu.dimension_semantics<arbitrary>], iteration_bounds = array<i64: 4>, scalar_prefetch = 0 : i64, scratch_operands = 1 : i64, tpu.core_type = #tpu.core_type<tc>, window_params = [{transform_indices = @transform_0, window_bounds = array<i64: 1024, 1024>}, {pipeline_mode = #tpu.pipeline_mode<synchronous>, transform_indices = @transform_1, window_bounds = array<i64: 1024, 1024>}, {pipeline_mode = #tpu.pipeline_mode<synchronous>, transform_indices = @transform_2, window_bounds = array<i64: 1024, 16>}, {pipeline_mode = #tpu.pipeline_mode<synchronous>, transform_indices = @transform_3, window_bounds = array<i64: 1024, 1>}, {pipeline_mode = #tpu.pipeline_mode<synchronous>, transform_indices = @transform_4, window_bounds = array<i64: 1024, 1>}, {pipeline_mode = #tpu.pipeline_mode<synchronous>, transform_indices = @transform_5, window_bounds = array<i64: 1, 1>}, {pipeline_mode = #tpu.pipeline_mode<synchronous>, transform_indices = @transform_6, window_bounds = array<i64: 1024, 1024>}, {transform_indices = @transform_7, window_bounds = array<i64: 16, 1024>}]} {
    %eq3A = arith.constant 0 : i32
    %eq3A_0 = arith.cmpi eq, %arg0, %eq3A : i32
    %convert_element_type3A = arith.extui %eq3A_0 : i1 to i32
    %cond3A = arith.constant 0 : i32
    %cond3A_1 = arith.cmpi ne, %convert_element_type3A, %cond3A : i32
    scf.if %cond3A_1 {
      %get3A_71 = arith.constant 0 : index
      %get3A_72 = arith.constant 0 : index
      %get3A_73 = vector.load %arg7[%get3A_71, %get3A_72] : memref<1024x1024xf32, #tpu.memory_space<vmem>>, vector<1024x1024xf32>
      %reduce_sum3A_74 = arith.constant dense<0.000000e+00> : vector<1024xf32>
      %reduce_sum3A_75 = vector.multi_reduction <add>, %get3A_73, %reduce_sum3A_74 [0] : vector<1024x1024xf32> to vector<1024xf32>
      %broadcast_in_dim3A_76 = vector.shape_cast %reduce_sum3A_75 : vector<1024xf32> to vector<1x1024xf32>
      %gt3A = arith.constant 0.000000e+00 : f32
      %gt3A_77 = vector.broadcast %gt3A : f32 to vector<1x1024xf32>
      %gt3A_78 = arith.cmpf ogt, %broadcast_in_dim3A_76, %gt3A_77 : vector<1x1024xf32>
      %max3A_79 = arith.constant 9.99999996E-13 : f32
      %max3A_80 = vector.broadcast %max3A_79 : f32 to vector<1x1024xf32>
      %max3A_81 = arith.maximumf %broadcast_in_dim3A_76, %max3A_80 : vector<1x1024xf32>
      %rsqrt3A = math.rsqrt %max3A_81 : vector<1x1024xf32>
      %jit3A_82 = arith.constant 0.000000e+00 : f32
      %broadcast_in_dim3A_83 = vector.broadcast %jit3A_82 : f32 to vector<1x1024xf32>
      %select_n3A_84 = arith.select %gt3A_78, %rsqrt3A, %broadcast_in_dim3A_83 : vector<1x1024xi1>, vector<1x1024xf32>
      %iota3A_85 = tpu.iota {dimensions = array<i32: 0>} : vector<1024x1024xi32>
      %iota3A_86 = tpu.iota {dimensions = array<i32: 1>} : vector<1024x1024xi32>
      %eq3A_87 = arith.cmpi eq, %iota3A_85, %iota3A_86 : vector<1024x1024xi32>
      %convert_element_type3A_88 = arith.extui %eq3A_87 : vector<1024x1024xi1> to vector<1024x1024xi32>
      %convert_element_type3A_89 = arith.sitofp %convert_element_type3A_88 : vector<1024x1024xi32> to vector<1024x1024xf32>
      %dot_general3A_90 = arith.constant dense<0.000000e+00> : vector<1024x1xf32>
      %dot_general3A_91 = tpu.matmul %convert_element_type3A_89, %select_n3A_84, %dot_general3A_90 {dimension_numbers = #tpu.dot_dimension_numbers<[1], [1], [0], [0], [0, 0, 1, 0], [], []>, transpose_lhs_hint = false} : vector<1024x1024xf32>, vector<1x1024xf32>, vector<1024x1xf32> -> vector<1024x1xf32>
      %mul3A = vector.broadcast %dot_general3A_91 : vector<1024x1xf32> to vector<1024x1024xf32>
      %mul3A_92 = arith.mulf %mul3A, %get3A_73 : vector<1024x1024xf32>
      %mul3A_93 = vector.broadcast %select_n3A_84 : vector<1x1024xf32> to vector<1024x1024xf32>
      %mul3A_94 = arith.mulf %mul3A_92, %mul3A_93 : vector<1024x1024xf32>
      %convert_element_type3A_95 = arith.truncf %mul3A_94 : vector<1024x1024xf32> to vector<1024x1024xbf16>
      %swap3A_96 = arith.constant 0 : index
      %swap3A_97 = arith.constant 0 : index
      %swap3A_98 = vector.load %arg9[%swap3A_96, %swap3A_97] : memref<1024x1024xbf16, #tpu.memory_space<vmem>>, vector<1024x1024xbf16>
      tpu.vector_store %arg9[%swap3A_96, %swap3A_97], %convert_element_type3A_95 {strides = array<i32>} : memref<1024x1024xbf16, #tpu.memory_space<vmem>>, vector<1024x1024xbf16>,
    } else {
    }
    %get3A = arith.constant 0 : index
    %get3A_2 = arith.constant 0 : index
    %get3A_3 = vector.load %arg9[%get3A, %get3A_2] : memref<1024x1024xbf16, #tpu.memory_space<vmem>>, vector<1024x1024xbf16>
    %get3A_4 = arith.constant 0 : index
    %get3A_5 = arith.constant 0 : index
    %get3A_6 = vector.load %arg1[%get3A_4, %get3A_5] : memref<1024x1024xbf16, #tpu.memory_space<vmem>>, vector<1024x1024xbf16>
    %dot_general3A = arith.constant dense<0.000000e+00> : vector<1024x1024xf32>
    %dot_general3A_7 = tpu.matmul %get3A_6, %get3A_3, %dot_general3A {dimension_numbers = #tpu.dot_dimension_numbers<[1], [0], [0], [1], [0, 0, 1, 1], [], []>, transpose_lhs_hint = false} : vector<1024x1024xbf16>, vector<1024x1024xbf16>, vector<1024x1024xf32> -> vector<1024x1024xf32>
    %get3A_8 = arith.constant 0 : index
    %get3A_9 = arith.constant 0 : index
    %get3A_10 = vector.load %arg4[%get3A_8, %get3A_9] : memref<1024x1xf32, #tpu.memory_space<vmem>>, vector<1024x1xf32>
    %add3A = vector.broadcast %get3A_10 : vector<1024x1xf32> to vector<1024x1024xf32>
    %add3A_11 = arith.addf %dot_general3A_7, %add3A : vector<1024x1024xf32>
    %max3A = arith.constant 0.000000e+00 : f32
    %max3A_12 = vector.broadcast %max3A : f32 to vector<1024x1024xf32>
    %max3A_13 = arith.maximumf %add3A_11, %max3A_12 : vector<1024x1024xf32>
    %convert_element_type3A_14 = arith.truncf %max3A_13 : vector<1024x1024xf32> to vector<1024x1024xbf16>
    %get3A_15 = arith.constant 0 : index
    %get3A_16 = arith.constant 0 : index
    %get3A_17 = vector.load %arg2[%get3A_15, %get3A_16] : memref<1024x1024xbf16, #tpu.memory_space<vmem>>, vector<1024x1024xbf16>
    %dot_general3A_18 = arith.constant dense<0.000000e+00> : vector<1024x1024xf32>
    %dot_general3A_19 = tpu.matmul %get3A_17, %convert_element_type3A_14, %dot_general3A_18 {dimension_numbers = #tpu.dot_dimension_numbers<[0], [0], [1], [1], [0, 1, 1, 1], [], []>, transpose_lhs_hint = false} : vector<1024x1024xbf16>, vector<1024x1024xbf16>, vector<1024x1024xf32> -> vector<1024x1024xf32>
    %convert_element_type3A_20 = arith.truncf %dot_general3A_19 : vector<1024x1024xf32> to vector<1024x1024xbf16>
    %dot_general3A_21 = arith.constant dense<0.000000e+00> : vector<1024x1024xf32>
    %dot_general3A_22 = tpu.matmul %convert_element_type3A_20, %get3A_3, %dot_general3A_21 {dimension_numbers = #tpu.dot_dimension_numbers<[1], [0], [0], [1], [0, 0, 1, 1], [], []>, transpose_lhs_hint = false} : vector<1024x1024xbf16>, vector<1024x1024xbf16>, vector<1024x1024xf32> -> vector<1024x1024xf32>
    %get3A_23 = arith.constant 0 : index
    %get3A_24 = arith.constant 0 : index
    %get3A_25 = vector.load %arg5[%get3A_23, %get3A_24] : memref<1024x1xf32, #tpu.memory_space<vmem>>, vector<1024x1xf32>
    %add3A_26 = vector.broadcast %get3A_25 : vector<1024x1xf32> to vector<1024x1024xf32>
    %add3A_27 = arith.addf %dot_general3A_22, %add3A_26 : vector<1024x1024xf32>
    %max3A_28 = arith.constant 0.000000e+00 : f32
    %max3A_29 = vector.broadcast %max3A_28 : f32 to vector<1024x1024xf32>
    %max3A_30 = arith.maximumf %add3A_27, %max3A_29 : vector<1024x1024xf32>
    %convert_element_type3A_31 = arith.truncf %max3A_30 : vector<1024x1024xf32> to vector<1024x1024xbf16>
    %get3A_32 = arith.constant 0 : index
    %get3A_33 = arith.constant 0 : index
    %get3A_34 = vector.load %arg3[%get3A_32, %get3A_33] : memref<1024x16xf32, #tpu.memory_space<vmem>>, vector<1024x16xf32>
    %dot_general3A_35 = arith.constant dense<0.000000e+00> : vector<16x1024xf32>
    %dot_general3A_36 = tpu.matmul %get3A_34, %convert_element_type3A_31, %dot_general3A_35 {dimension_numbers = #tpu.dot_dimension_numbers<[0], [0], [1], [1], [0, 1, 1, 1], [], []>, transpose_lhs_hint = false} : vector<1024x16xf32>, vector<1024x1024xbf16>, vector<16x1024xf32> -> vector<16x1024xf32>
    %convert_element_type3A_37 = arith.truncf %dot_general3A_36 : vector<16x1024xf32> to vector<16x1024xbf16>
    %dot_general3A_38 = arith.constant dense<0.000000e+00> : vector<16x1024xf32>
    %dot_general3A_39 = tpu.matmul %convert_element_type3A_37, %get3A_3, %dot_general3A_38 {dimension_numbers = #tpu.dot_dimension_numbers<[1], [0], [0], [1], [0, 0, 1, 1], [], []>, transpose_lhs_hint = false} : vector<16x1024xbf16>, vector<1024x1024xbf16>, vector<16x1024xf32> -> vector<16x1024xf32>
    %get3A_40 = arith.constant 0 : index
    %get3A_41 = arith.constant 0 : index
    %get3A_42 = vector.load %arg6[%get3A_40, %get3A_41] : memref<1x1xf32, #tpu.memory_space<vmem>>, vector<1x1xf32>
    %add3A_43 = vector.broadcast %get3A_42 : vector<1x1xf32> to vector<16x1024xf32>
    %add3A_44 = arith.addf %dot_general3A_39, %add3A_43 : vector<16x1024xf32>
    %iota3A = tpu.iota {dimensions = array<i32: 1>} : vector<16x1024xi32>
    %lt3A = arith.constant 16 : i32
    %lt3A_45 = vector.broadcast %lt3A : i32 to vector<16x1024xi32>
    %lt3A_46 = arith.cmpi slt, %iota3A, %lt3A_45 : vector<16x1024xi32>
    %jit3A = arith.constant 0xFF800000 : f32
    %broadcast_in_dim3A = vector.broadcast %jit3A : f32 to vector<16x1024xf32>
    %select_n3A = arith.select %lt3A_46, %add3A_44, %broadcast_in_dim3A : vector<16x1024xi1>, vector<16x1024xf32>
    %reduce_max3A = arith.constant dense<0xFF800000> : vector<16xf32>
    %reduce_max3A_47 = vector.multi_reduction <maximumf>, %select_n3A, %reduce_max3A [1] : vector<16x1024xf32> to vector<16xf32>
    %broadcast_in_dim3A_48 = vector.shape_cast %reduce_max3A_47 : vector<16xf32> to vector<16x1xf32>
    %sub3A = vector.broadcast %broadcast_in_dim3A_48 : vector<16x1xf32> to vector<16x1024xf32>
    %sub3A_49 = arith.subf %add3A_44, %sub3A : vector<16x1024xf32>
    %jit3A_50 = arith.constant 0.000000e+00 : f32
    %broadcast_in_dim3A_51 = vector.broadcast %jit3A_50 : f32 to vector<16x1024xf32>
    %select_n3A_52 = arith.select %lt3A_46, %sub3A_49, %broadcast_in_dim3A_51 : vector<16x1024xi1>, vector<16x1024xf32>
    %exp3A = math.exp %select_n3A_52 : vector<16x1024xf32>
    %jit3A_53 = arith.constant 0.000000e+00 : f32
    %broadcast_in_dim3A_54 = vector.broadcast %jit3A_53 : f32 to vector<16x1024xf32>
    %select_n3A_55 = arith.select %lt3A_46, %exp3A, %broadcast_in_dim3A_54 : vector<16x1024xi1>, vector<16x1024xf32>
    %reduce_sum3A = arith.constant dense<0.000000e+00> : vector<16xf32>
    %reduce_sum3A_56 = vector.multi_reduction <add>, %select_n3A_55, %reduce_sum3A [1] : vector<16x1024xf32> to vector<16xf32>
    %broadcast_in_dim3A_57 = vector.shape_cast %reduce_sum3A_56 : vector<16xf32> to vector<16x1xf32>
    %neg3A = arith.constant 0.000000e+00 : f32
    %neg3A_58 = vector.broadcast %neg3A : f32 to vector<16x1024xf32>
    %neg3A_59 = arith.subf %neg3A_58, %add3A_44 : vector<16x1024xf32>
    %exp3A_60 = math.exp %neg3A_59 : vector<16x1024xf32>
    %add3A_61 = arith.constant 1.000000e+00 : f32
    %add3A_62 = vector.broadcast %add3A_61 : f32 to vector<16x1024xf32>
    %add3A_63 = arith.addf %add3A_62, %exp3A_60 : vector<16x1024xf32>
    %div3A = arith.constant 1.000000e+00 : f32
    %div3A_64 = vector.broadcast %div3A : f32 to vector<16x1024xf32>
    %div3A_65 = arith.divf %div3A_64, %add3A_63 : vector<16x1024xf32>
    %div3A_66 = vector.broadcast %broadcast_in_dim3A_57 : vector<16x1xf32> to vector<16x1024xf32>
    %div3A_67 = arith.divf %exp3A, %div3A_66 : vector<16x1024xf32>
    %select_n3A_68 = arith.select %lt3A_46, %div3A_67, %div3A_65 : vector<16x1024xi1>, vector<16x1024xf32>
    %swap3A = arith.constant 0 : index
    %swap3A_69 = arith.constant 0 : index
    %swap3A_70 = vector.load %arg8[%swap3A, %swap3A_69] : memref<16x1024xf32, #tpu.memory_space<vmem>>, vector<16x1024xf32>
    tpu.vector_store %arg8[%swap3A, %swap3A_69], %select_n3A_68 {strides = array<i32>} : memref<16x1024xf32, #tpu.memory_space<vmem>>, vector<16x1024xf32>,
    return
  }
  func.func @transform_0(%arg0: i32) -> (i32, i32) {
    %c0_i32 = arith.constant 0 : i32
    %c0_i32_0 = arith.constant 0 : i32
    return %arg0, %c0_i32 : i32, i32
  }
  func.func @transform_1(%arg0: i32) -> (i32, i32) {
    %c0_i32 = arith.constant 0 : i32
    %c0_i32_0 = arith.constant 0 : i32
    %c0_i32_1 = arith.constant 0 : i32
    return %c0_i32, %c0_i32_0 : i32, i32
  }
  func.func @transform_2(%arg0: i32) -> (i32, i32) {
    %c0_i32 = arith.constant 0 : i32
    %c0_i32_0 = arith.constant 0 : i32
    %c0_i32_1 = arith.constant 0 : i32
    return %c0_i32, %c0_i32_0 : i32, i32
  }
  func.func @transform_3(%arg0: i32) -> (i32, i32) {
    %c0_i32 = arith.constant 0 : i32
    %c0_i32_0 = arith.constant 0 : i32
    %c0_i32_1 = arith.constant 0 : i32
    return %c0_i32, %c0_i32_0 : i32, i32
  }
  func.func @transform_4(%arg0: i32) -> (i32, i32) {
    %c0_i32 = arith.constant 0 : i32
    %c0_i32_0 = arith.constant 0 : i32
    %c0_i32_1 = arith.constant 0 : i32
    return %c0_i32, %c0_i32_0 : i32, i32
  }
  func.func @transform_5(%arg0: i32) -> (i32, i32) {
    %c0_i32 = arith.constant 0 : i32
    %c0_i32_0 = arith.constant 0 : i32
    %c0_i32_1 = arith.constant 0 : i32
    return %c0_i32, %c0_i32_0 : i32, i32
  }
  func.func @transform_6(%arg0: i32) -> (i32, i32) {
    %c0_i32 = arith.constant 0 : i32
    %c0_i32_0 = arith.constant 0 : i32
    %c0_i32_1 = arith.constant 0 : i32
    return %c0_i32, %c0_i32_0 : i32, i32
  }
  func.func @transform_7(%arg0: i32) -> (i32, i32) {
    %c0_i32 = arith.constant 0 : i32
    %c0_i32_0 = arith.constant 0 : i32
    return %arg0, %c0_i32 : i32, i32
  }
}

</mosaic_0001>

<sc_bundles>
// kernel: kernel.5.cloned.1.call-start
scs
__scs_entry_jumppad:
0x0: {  	(pc) =	sbr.rel $0x88, $3  }
0x1: {  	(tag) =	ssettag $0x0;
	lr =	simm.s32 $0x1  }
0x2: {  	[smem:$0x3F98] =	sst lr;
	_ =	strace $0xD0000000  }
0x3: {  	_ = 	snop  }
0x4: {  	_ = 	snop  }
0x5: {  	_ = 	snop  }
0x6: {  	_ = 	snop  }
0x7: {  	_ = 	snop  }
__scs_overlays_trampoline_lowered:
0x8: {  	[smem:$0x3FA7] =	sst s0  }
0x9: {  	[smem:$0x3FA8] =	sst s1  }
0xa: {  	[smem:$0x3FA9] =	sst s2  }
0xb: {  	[smem:$0x3FAA] =	sst s3  }
0xc: {  	[smem:$0x3FAB] =	sst s4  }
0xd: {  	[smem:$0x3FAC] =	sst s5  }
0xe: {  	[smem:$0x3FAD] =	sst s6  }
0xf: {  	[smem:$0x3FAE] =	sst s7  }
0x10: {  	[smem:$0x3FAF] =	sst s8  }
0x11: {  	[smem:$0x3FB0] =	sst s9;
	s0 =	simm.s32 @!p0 $0x0  }
0x12: {  	s1 =	sld [smem:$0x3F96];
	s0 =	simm.s32 @p0 $0x1  }
0x13: {  	[smem:$0x3FB1] =	sst s0;
	s0 =	simm.s32 @!p1 $0x0  }
0x14: {  	s2 =	sld [smem:$0x3F95];
	s0 =	simm.s32 @p1 $0x1  }
0x15: {  	[smem:$0x3FB2] =	sst s0;
	s0 =	simm.s32 @!p2 $0x0  }
0x16: {  	s3 =	sld [smem:$0x3FDB];
	s0 =	simm.s32 @p2 $0x1  }
0x17: {  	s4 =	simm.s32 $0x1BF5;
	[smem:$0x3FB4] =	sst s0  }
0x18: {  	s0 =	sld [smem:$0x3F97];
	_ =	swait.ge [sflag:s4], $0x0  }
0x19: {  	s7 =	sld [smem:$0x3F98]  }
0x1a: {  	s8 =	sadd.s32 $0xFFFFE003, lr  }
0x1b: {  	s9 =	sadd.s32 $0xFFFFFEF7, lr;
	s5 =	simm.s32 $0xFFFFFFFF;
	p2 =	slt.u32 s8, $0xFFFFF086  }
0x1c: {  	p1 =	slt.u32 s9, $0xF7A;
	s5 =	simm.s32 @!p2 $0x0  }
0x1d: {  	s5 =	simm.s32 @p1 $0x1;
	p0 =	seq.s32 s7, s2  }
0x1e: {  	s7 =	smul.u32 @!p0 $0xF7A, s2;
	p2 =	seq.s32 @!p0 s5, $0x0  }
0x1f: {  	s9 =	smul.u32 $0xF7A, s1;
	s8 =	simm.s32 @!p0 $0x1BF5;
	p2 =	por !p2, p0  }
0x20: {  	[sflag:s8] =	ssyncset.s32 @!p0 $0xFFFFF086;
	s6 =	sadd.s32 @!p0 s3, s7;
	s7 =	simm.s32 @!p0 $0x108  }
0x21: {  	s3 =	sadd.s32 s3, s9;
	s6 =	sadd.s32 @!p0 $0x88, s6;
	s7 =	simm.s32 @p2 $0x1082  }
0x22: {  	[simem:s7], [sflag:s8] =	dma.local @!p0 [hbm:s6], $0xF7A  }
0x23: {  	s9 =	sor.u32 $0xD0000000, s2;
	s6 =	simm.s32 $0x108;
	_ =	swait.ge @!p0 [sflag:s8], $0x0  }
0x24: {  	s3 =	sadd.s32 $0x88, s3;
	s6 =	simm.s32 @!p1 $0x1082;
	[sflag:s4] =	ssyncset.s32 $0xFFFFF086  }
0x25: {  	[simem:s6], [sflag:s4] =	dma.local [hbm:s3], $0xF7A  }
0x26: {  	[smem:$0x3F98] =	sst s1;
	(tag) =	ssettag s2;
	_ =	strace s9  }
0x27: {  	s1 =	sld [smem:$0x3FA8]  }
0x28: {  	s2 =	sld [smem:$0x3FA9]  }
0x29: {  	s4 =	sld [smem:$0x3FAB]  }
0x2a: {  	p0 =	seq.s32 s5, $0x0;
	s5 =	sld [smem:$0x3FAC]  }
0x2b: {  	s6 =	sld [smem:$0x3FAD]  }
0x2c: {  	s7 =	sld [smem:$0x3FAE]  }
0x2d: {  	s3 =	simm.s32 $0x108;
	s8 =	sld [smem:$0x3FAF]  }
0x2e: {  	s3 =	simm.s32 @!p0 $0x1082;
	s9 =	sld [smem:$0x3FB0]  }
0x2f: {  	lr =	sadd.s32 s0, s3;
	s0 =	sld [smem:$0x3FA7]  }
0x30: {  	s3 =	sld [smem:$0x3FAA]  }
0x31: {  	[smem:$0x3FB3] =	sst s10  }
0x32: {  	s10 =	sld [smem:$0x3FB1];
	_ =	sdelay $0x3  }
0x33: {  	p0 =	seq.s32 s10, $0x1;
	s10 =	sld [smem:$0x3FB3];
	_ =	sdelay $0x3  }
0x34: {  	[smem:$0x3FB3] =	sst s10  }
0x35: {  	s10 =	sld [smem:$0x3FB2];
	_ =	sdelay $0x3  }
0x36: {  	p1 =	seq.s32 s10, $0x1;
	s10 =	sld [smem:$0x3FB3];
	_ =	sdelay $0x3  }
0x37: {  	[smem:$0x3FB3] =	sst s10  }
0x38: {  	s10 =	sld [smem:$0x3FB4]  }
0x39: {  	_ = 	snop;
	(pc) =	sbr.ind lr, $3  }
0x3a: {  	_ = 	snop  }
0x3b: {  	_ = 	snop  }
0x3c: {  	p2 =	seq.s32 s10, $0x1;
	s10 =	sld [smem:$0x3FB3]  }
0x3d: {  	_ =	shalt  }
0x3e: {  	_ =	shalt  }
0x3f: {  	_ =	shalt  }
0x40: {  	_ =	shalt  }
0x41: {  	_ =	shalt  }
0x42: {  	_ =	shalt  }
0x43: {  	_ =	shalt  }
0x44: {  	_ =	shalt  }
0x45: {  	_ =	shalt  }
0x46: {  	_ =	shalt  }
0x47: {  	_ =	shalt  }
0x48: {  	_ =	shalt  }
0x49: {  	_ =	shalt  }
0x4a: {  	_ =	shalt  }
0x4b: {  	_ =	shalt  }
0x4c: {  	_ =	shalt  }
0x4d: {  	_ =	shalt  }
0x4e: {  	_ =	shalt  }
0x4f: {  	_ =	shalt  }
0x50: {  	_ =	shalt  }
0x51: {  	_ =	shalt  }
0x52: {  	_ =	shalt  }
0x53: {  	_ =	shalt  }
0x54: {  	_ =	shalt  }
0x55: {  	_ =	shalt  }
0x56: {  	_ =	shalt  }
0x57: {  	_ =	shalt  }
0x58: {  	_ =	shalt  }
0x59: {  	_ =	shalt  }
0x5a: {  	_ =	shalt  }
0x5b: {  	_ =	shalt  }
0x5c: {  	_ =	shalt  }
0x5d: {  	_ =	shalt  }
0x5e: {  	_ =	shalt  }
0x5f: {  	_ =	shalt  }
0x60: {  	_ =	shalt  }
0x61: {  	_ =	shalt  }
0x62: {  	_ =	shalt  }
0x63: {  	_ =	shalt  }
0x64: {  	_ =	shalt  }
0x65: {  	_ =	shalt  }
0x66: {  	_ =	shalt  }
0x67: {  	_ =	shalt  }
0x68: {  	_ =	shalt  }
0x69: {  	_ =	shalt  }
0x6a: {  	_ =	shalt  }
0x6b: {  	_ =	shalt  }
0x6c: {  	_ =	shalt  }
0x6d: {  	_ =	shalt  }
0x6e: {  	_ =	shalt  }
0x6f: {  	_ =	shalt  }
0x70: {  	_ =	shalt  }
0x71: {  	_ =	shalt  }
0x72: {  	_ =	shalt  }
0x73: {  	_ =	shalt  }
0x74: {  	_ =	shalt  }
0x75: {  	_ =	shalt  }
0x76: {  	_ =	shalt  }
0x77: {  	_ =	shalt  }
0x78: {  	_ =	shalt  }
0x79: {  	_ =	shalt  }
0x7a: {  	_ =	shalt  }
0x7b: {  	_ =	shalt  }
0x7c: {  	_ =	shalt  }
0x7d: {  	_ =	shalt  }
0x7e: {  	_ =	shalt  }
0x7f: {  	_ =	shalt  }
0x80: {  	_ =	shalt  }
0x81: {  	_ =	shalt  }
0x82: {  	_ =	shalt  }
0x83: {  	_ =	shalt  }
0x84: {  	_ =	shalt  }
0x85: {  	_ =	shalt  }
0x86: {  	_ =	shalt  }
0x87: {  	_ =	shalt  }
.Lfunc_end0:
.L_simem_size_0:
called_computation_lowered:
.L_overlay_start_0:
0x88: {  	s2 =	sld [smem:$0x3FD9]  }
0x89: {  	s3 =	sld [smem:$0x3FFE];
	_ =	sdelay $0x1  }
0x8a: {  	s1 =	srdreg.scid  }
0x8b: {  	s0 =	sand.u32 $0x1, s1  }
0x8c: {  	s17 =	sshll.u32 s0, $0xA;
	s2 =	sadd.s32 s3, s2  }
0x8d: {  	s2 =	sadd.s32 s2, s17  }
0x8e: {  	[smem:$0x3FBF] =	sst s2  }
0x8f: {  	_ = 	snop  }
0x90: {  	s2 =	sld [smem:$0x3FD0];
	(tm) =	ssettm $0x1  }
0x91: {  	s18 =	sld [smem:$0x3FFB];
	_ =	sdelay $0x3  }
0x92: {  	_ =	strace s18  }
0x93: {  	s3 =	sld [smem:$0x3FFC];
	_ =	sdelay $0x3  }
0x94: {  	_ =	strace s3  }
0x95: {  	s3 =	sld [smem:$0x3FFD];
	_ =	sdelay $0x3  }
0x96: {  	_ =	strace s3  }
0x97: {  	_ =	strace $0x8FFFFFFF  }
0x98: {  	s19 =	sld [smem:$0x3FDB];
	_ =	sdelay $0x1  }
0x99: {  	s4 =	simm.s32 $_scs_section_size  }
0x9a: {  	s5 =	simm.s32 $_size__tile_overlayer_lowered;
	s6 =	simm.s32 $_tile_overlayer_lowered  }
0x9b: {  	s22 =	simm.s32 $0x1BFF;
	s21 =	sshll.u32 s6, $0x1;
	s3 =	sadd.s32 s4, s19  }
0x9c: {  	s7 =	simm.s32 $0x0;
	s20 =	sshll.u32 s5, $0x1;
	s5 =	sadd.s32 s21, s3  }
0x9d: {  	[timem:s7], [sflag:s22] =	dma.local [hbm:s5], s20  }
0x9e: {  	_ =	swait.ge [sflag:s22], s20  }
0x9f: {  	s4 =	ssub.s32 $0x0, s20;
	[sflag:s22] =	ssyncset.done $0x0  }
0xa0: {  	[sflag:s22] =	ssyncadd.s32 s4;
	_ =	sdelay $0x1  }
0xa1: {  	s23 =	simm.s32 $0x1B8B  }
0xa2: {  	_ =	swait.ge [sflag:s23], $0x1  }
0xa3: {  	[sflag:s23] =	ssyncset.done $0x0  }
0xa4: {  	s25 =	simm.s32 $0x1B8E;
	s24 =	sld [smem:$0x3FFE];
	[sflag:s23] =	ssyncadd.s32 $0xFFFFFFFF  }
0xa5: {  	s26 =	simm.s32 $execute0_lowered;
	[smem:$0x3FD2] =	sst s25  }
0xa6: {  	s5 =	sshll.u32 s26, $0x1;
	_ =	strace $0x80000046;
	[dreg:$0x1] =	wrdreg $0xFFFFFFFF  }
0xa7: {  	s28 =	simm.s32 $_size_execute0_lowered;
	s3 =	sadd.s32 s3, s5;
	[dreg:$0x0] =	wrdreg $0x0  }
0xa8: {  	s5 =	sshll.u32 s28, $0x1;
	[dreg:$0x2] =	wrdreg s3  }
0xa9: {  	[dreg:$0x3] =	wrdreg s5  }
0xaa: {  	[dreg:$0x4] =	wrdreg $0xC0  }
0xab: {  	_ =	task [dreg:s7], $0x5FFFF  }
0xac: {  	[dreg:$0x1] =	wrdreg $0xFFFFFFFF  }
0xad: {  	[dreg:$0x0] =	wrdreg $0x60  }
0xae: {  	[dreg:$0x2] =	wrdreg s24  }
0xaf: {  	[dreg:$0x3] =	wrdreg s2  }
0xb0: {  	[dreg:$0x4] =	wrdreg $0x28800  }
0xb1: {  	[dreg:$0x5] =	wrdreg $0x9  }
0xb2: {  	_ =	task.clear_ibuf [dreg:s7], $0x6FFFF;
	_ =	strace $0x90000046  }
0xb3: {  	s29 =	simm.s32 $0x9;
	_ =	strace $0x80000048  }
0xb4: {  	_ =	swait.ge [sflag:s29], $0x1  }
0xb5: {  	[sflag:s29] =	ssyncadd.s32 $0xFFFFFFFF  }
0xb6: {  	_ =	strace $0x90000048  }
0xb7: {  	_ =	sfence  }
0xb8: {  	s30 =	sld [smem:$0x0];
	_ =	sdelay $0x2  }
0xb9: {  	s31 =	sshll.u32 s1, $0xD;
	s1 =	sshrl.u32 s1, $0x2  }
0xba: {  	s3 =	sand.u32 $0x4000, s31;
	s1 =	sadd.s32 s1, s30  }
0xbb: {  	s0 =	sor.u32 s3, s0;
	s1 =	sshll.u32 s1, $0x11  }
0xbc: {  	s0 =	sor.u32 s1, s0  }
0xbd: {  	s0 =	sadd.s32 $0x8F2B, s0  }
0xbe: {  	[sflag:s0] =	ssyncadd.remote.s32 $0x1  }
0xbf: {  	_ =	sfence.sel $0xFFFF  }
0xc0: {  	[dreg:$0x0] =	wrdreg $0xFFFFFFFF;
	(pc) =	sbr.abs _section_cstart, $3  }
0xc1: {  	[dreg:$0x1] =	wrdreg $0xFFFFFFFF  }
0xc2: {  	_ =	task.clear_ibuf [dreg:s7], $0x2FFFF;
	_ =	strace $0x9FFFFFFF  }
0xc3: {  	(tm) =	ssettm $0x7FFFFFFF  }
tec
execute0_lowered:
.L_overlay_start_1:
0x0: {  	(tag) =	ssettag $0x1  }
0x1: {  	s1 =	srdreg.scid  }
0x2: {  	s1 =	sand.u32 $0x1, s1  }
0x3: {  	p0 =	seq.s32 s1, $0x1  }
.Ltmp0:
0x4: {  	s2 =	rddreg [dreg:$0x0];
	(pc) =	sbr.rel @p0 .LBB2_2-.Ltmp0, $4  }
0x5: {  	s4 =	rddreg [dreg:$0x1]  }
0x6: {  	s3 =	rddreg [dreg:$0x2];
	s5 =	simm.s32 $0x0  }
0x7: {  	[smem:$0x7FF] =	sst s5  }
0x8: {  	s0 =	rddreg [dreg:$0x3];
	_ =	strace $0x80000047;
	s1 =	stileid.u32  }
0x9: {  	v0 =	vimm.f32 $0.0e+00  }
0xa: {  	[tilespmem:$0x880] =	vst v0  }
0xb: {  	[tilespmem:$0x890] =	vst v0  }
0xc: {  	[tilespmem:$0x8A0] =	vst v0  }
0xd: {  	[tilespmem:$0x8B0] =	vst v0  }
0xe: {  	[tilespmem:$0x8C0] =	vst v0  }
0xf: {  	[tilespmem:$0x8D0] =	vst v0  }
0x10: {  	[tilespmem:$0x8E0] =	vst v0  }
0x11: {  	[tilespmem:$0x8F0] =	vst v0  }
0x12: {  	[tilespmem:$0x900] =	vst v0  }
0x13: {  	[tilespmem:$0x910] =	vst v0  }
0x14: {  	[tilespmem:$0x920] =	vst v0  }
0x15: {  	[tilespmem:$0x930] =	vst v0  }
0x16: {  	[tilespmem:$0x940] =	vst v0  }
0x17: {  	[tilespmem:$0x950] =	vst v0  }
0x18: {  	[tilespmem:$0x960] =	vst v0  }
0x19: {  	[tilespmem:$0x970] =	vst v0  }
0x1a: {  	[tilespmem:$0x980] =	vst v0  }
0x1b: {  	[tilespmem:$0x990] =	vst v0  }
0x1c: {  	[tilespmem:$0x9A0] =	vst v0  }
0x1d: {  	[tilespmem:$0x9B0] =	vst v0  }
0x1e: {  	[tilespmem:$0x9C0] =	vst v0  }
0x1f: {  	[tilespmem:$0x9D0] =	vst v0  }
0x20: {  	[tilespmem:$0x9E0] =	vst v0  }
0x21: {  	[tilespmem:$0x9F0] =	vst v0  }
0x22: {  	[tilespmem:$0xA00] =	vst v0  }
0x23: {  	[tilespmem:$0xA10] =	vst v0  }
0x24: {  	[tilespmem:$0xA20] =	vst v0  }
0x25: {  	[tilespmem:$0xA30] =	vst v0  }
0x26: {  	[tilespmem:$0xA40] =	vst v0  }
0x27: {  	[tilespmem:$0xA50] =	vst v0  }
0x28: {  	[tilespmem:$0xA60] =	vst v0  }
0x29: {  	[tilespmem:$0xA70] =	vst v0  }
0x2a: {  	[tilespmem:$0xA80] =	vst v0  }
0x2b: {  	[tilespmem:$0xA90] =	vst v0  }
0x2c: {  	[tilespmem:$0xAA0] =	vst v0  }
0x2d: {  	[tilespmem:$0xAB0] =	vst v0  }
0x2e: {  	[tilespmem:$0xAC0] =	vst v0  }
0x2f: {  	[tilespmem:$0xAD0] =	vst v0  }
0x30: {  	[tilespmem:$0xAE0] =	vst v0  }
0x31: {  	[tilespmem:$0xAF0] =	vst v0  }
0x32: {  	[tilespmem:$0xB00] =	vst v0  }
0x33: {  	[tilespmem:$0xB10] =	vst v0  }
0x34: {  	[tilespmem:$0xB20] =	vst v0  }
0x35: {  	[tilespmem:$0xB30] =	vst v0  }
0x36: {  	[tilespmem:$0xB40] =	vst v0  }
0x37: {  	[tilespmem:$0xB50] =	vst v0  }
0x38: {  	[tilespmem:$0xB60] =	vst v0  }
0x39: {  	[tilespmem:$0xB70] =	vst v0  }
0x3a: {  	[tilespmem:$0xB80] =	vst v0  }
0x3b: {  	[tilespmem:$0xB90] =	vst v0  }
0x3c: {  	[tilespmem:$0xBA0] =	vst v0  }
0x3d: {  	[tilespmem:$0xBB0] =	vst v0  }
0x3e: {  	[tilespmem:$0xBC0] =	vst v0  }
0x3f: {  	[tilespmem:$0xBD0] =	vst v0  }
0x40: {  	[tilespmem:$0xBE0] =	vst v0  }
0x41: {  	[tilespmem:$0xBF0] =	vst v0  }
0x42: {  	[tilespmem:$0xC00] =	vst v0  }
0x43: {  	[tilespmem:$0xC10] =	vst v0  }
0x44: {  	[tilespmem:$0xC20] =	vst v0  }
0x45: {  	[tilespmem:$0xC30] =	vst v0  }
0x46: {  	[tilespmem:$0xC40] =	vst v0  }
0x47: {  	[tilespmem:$0xC50] =	vst v0  }
0x48: {  	[tilespmem:$0xC60] =	vst v0  }
0x49: {  	[tilespmem:$0xC70] =	vst v0  }
0x4a: {  	[tilespmem:$0xC80] =	vst v0  }
0x4b: {  	[tilespmem:$0xC90] =	vst v0  }
0x4c: {  	[tilespmem:$0xCA0] =	vst v0  }
0x4d: {  	[tilespmem:$0xCB0] =	vst v0  }
0x4e: {  	[tilespmem:$0xCC0] =	vst v0  }
0x4f: {  	[tilespmem:$0xCD0] =	vst v0  }
0x50: {  	[tilespmem:$0xCE0] =	vst v0  }
0x51: {  	[tilespmem:$0xCF0] =	vst v0  }
0x52: {  	[tilespmem:$0xD00] =	vst v0  }
0x53: {  	[tilespmem:$0xD10] =	vst v0  }
0x54: {  	[tilespmem:$0xD20] =	vst v0  }
0x55: {  	[tilespmem:$0xD30] =	vst v0  }
0x56: {  	[tilespmem:$0xD40] =	vst v0  }
0x57: {  	[tilespmem:$0xD50] =	vst v0  }
0x58: {  	[tilespmem:$0xD60] =	vst v0  }
0x59: {  	[tilespmem:$0xD70] =	vst v0  }
0x5a: {  	[tilespmem:$0xD80] =	vst v0  }
0x5b: {  	[tilespmem:$0xD90] =	vst v0  }
0x5c: {  	[tilespmem:$0xDA0] =	vst v0  }
0x5d: {  	[tilespmem:$0xDB0] =	vst v0  }
0x5e: {  	[tilespmem:$0xDC0] =	vst v0  }
0x5f: {  	[tilespmem:$0xDD0] =	vst v0  }
0x60: {  	[tilespmem:$0xDE0] =	vst v0  }
0x61: {  	[tilespmem:$0xDF0] =	vst v0  }
0x62: {  	[tilespmem:$0xE00] =	vst v0  }
0x63: {  	[tilespmem:$0xE10] =	vst v0  }
0x64: {  	[tilespmem:$0xE20] =	vst v0  }
0x65: {  	[tilespmem:$0xE30] =	vst v0  }
0x66: {  	[tilespmem:$0xE40] =	vst v0  }
0x67: {  	[tilespmem:$0xE50] =	vst v0  }
0x68: {  	[tilespmem:$0xE60] =	vst v0  }
0x69: {  	[tilespmem:$0xE70] =	vst v0  }
0x6a: {  	[tilespmem:$0xE80] =	vst v0  }
0x6b: {  	[tilespmem:$0xE90] =	vst v0  }
0x6c: {  	[tilespmem:$0xEA0] =	vst v0  }
0x6d: {  	[tilespmem:$0xEB0] =	vst v0  }
0x6e: {  	[tilespmem:$0xEC0] =	vst v0  }
0x6f: {  	[tilespmem:$0xED0] =	vst v0  }
0x70: {  	[tilespmem:$0xEE0] =	vst v0  }
0x71: {  	[tilespmem:$0xEF0] =	vst v0  }
0x72: {  	[tilespmem:$0xF00] =	vst v0  }
0x73: {  	[tilespmem:$0xF10] =	vst v0  }
0x74: {  	[tilespmem:$0xF20] =	vst v0  }
0x75: {  	[tilespmem:$0xF30] =	vst v0  }
0x76: {  	[tilespmem:$0xF40] =	vst v0  }
0x77: {  	[tilespmem:$0xF50] =	vst v0  }
0x78: {  	[tilespmem:$0xF60] =	vst v0  }
0x79: {  	[tilespmem:$0xF70] =	vst v0  }
0x7a: {  	[tilespmem:$0xF80] =	vst v0  }
0x7b: {  	[tilespmem:$0xF90] =	vst v0  }
0x7c: {  	[tilespmem:$0xFA0] =	vst v0  }
0x7d: {  	[tilespmem:$0xFB0] =	vst v0  }
0x7e: {  	[tilespmem:$0xFC0] =	vst v0  }
0x7f: {  	[tilespmem:$0xFD0] =	vst v0  }
0x80: {  	[tilespmem:$0xFE0] =	vst v0  }
0x81: {  	[tilespmem:$0xFF0] =	vst v0  }
0x82: {  	[tilespmem:$0x1000] =	vst v0  }
0x83: {  	[tilespmem:$0x1010] =	vst v0  }
0x84: {  	[tilespmem:$0x1020] =	vst v0  }
0x85: {  	[tilespmem:$0x1030] =	vst v0  }
0x86: {  	[tilespmem:$0x1040] =	vst v0  }
0x87: {  	[tilespmem:$0x1050] =	vst v0  }
0x88: {  	[tilespmem:$0x1060] =	vst v0  }
0x89: {  	[tilespmem:$0x1070] =	vst v0  }
0x8a: {  	[tilespmem:$0x1080] =	vst v0  }
0x8b: {  	[tilespmem:$0x1090] =	vst v0  }
0x8c: {  	[tilespmem:$0x10A0] =	vst v0  }
0x8d: {  	[tilespmem:$0x10B0] =	vst v0  }
0x8e: {  	[tilespmem:$0x10C0] =	vst v0  }
0x8f: {  	[tilespmem:$0x10D0] =	vst v0  }
0x90: {  	[tilespmem:$0x10E0] =	vst v0  }
0x91: {  	[tilespmem:$0x10F0] =	vst v0  }
0x92: {  	[tilespmem:$0x1100] =	vst v0  }
0x93: {  	[tilespmem:$0x1110] =	vst v0  }
0x94: {  	[tilespmem:$0x1120] =	vst v0  }
0x95: {  	[tilespmem:$0x1130] =	vst v0  }
0x96: {  	[tilespmem:$0x1140] =	vst v0  }
0x97: {  	[tilespmem:$0x1150] =	vst v0  }
0x98: {  	[tilespmem:$0x1160] =	vst v0  }
0x99: {  	[tilespmem:$0x1170] =	vst v0  }
0x9a: {  	[tilespmem:$0x1180] =	vst v0  }
0x9b: {  	[tilespmem:$0x1190] =	vst v0  }
0x9c: {  	[tilespmem:$0x11A0] =	vst v0  }
0x9d: {  	[tilespmem:$0x11B0] =	vst v0  }
0x9e: {  	[tilespmem:$0x11C0] =	vst v0  }
0x9f: {  	[tilespmem:$0x11D0] =	vst v0  }
0xa0: {  	[tilespmem:$0x11E0] =	vst v0  }
0xa1: {  	[tilespmem:$0x11F0] =	vst v0  }
0xa2: {  	[tilespmem:$0x1200] =	vst v0  }
0xa3: {  	[tilespmem:$0x1210] =	vst v0  }
0xa4: {  	[tilespmem:$0x1220] =	vst v0  }
0xa5: {  	[tilespmem:$0x1230] =	vst v0  }
0xa6: {  	[tilespmem:$0x1240] =	vst v0  }
0xa7: {  	[tilespmem:$0x1250] =	vst v0  }
0xa8: {  	[tilespmem:$0x1260] =	vst v0  }
0xa9: {  	[tilespmem:$0x1270] =	vst v0  }
0xaa: {  	[tilespmem:$0x1280] =	vst v0  }
0xab: {  	[tilespmem:$0x1290] =	vst v0  }
0xac: {  	[tilespmem:$0x12A0] =	vst v0  }
0xad: {  	[tilespmem:$0x12B0] =	vst v0  }
0xae: {  	[tilespmem:$0x12C0] =	vst v0  }
0xaf: {  	[tilespmem:$0x12D0] =	vst v0  }
0xb0: {  	[tilespmem:$0x12E0] =	vst v0  }
0xb1: {  	[tilespmem:$0x12F0] =	vst v0  }
0xb2: {  	[tilespmem:$0x1300] =	vst v0  }
0xb3: {  	[tilespmem:$0x1310] =	vst v0  }
0xb4: {  	[tilespmem:$0x1320] =	vst v0  }
0xb5: {  	[tilespmem:$0x1330] =	vst v0  }
0xb6: {  	[tilespmem:$0x1340] =	vst v0  }
0xb7: {  	[tilespmem:$0x1350] =	vst v0  }
0xb8: {  	[tilespmem:$0x1360] =	vst v0  }
0xb9: {  	[tilespmem:$0x1370] =	vst v0  }
0xba: {  	[tilespmem:$0x1380] =	vst v0  }
0xbb: {  	[tilespmem:$0x1390] =	vst v0  }
0xbc: {  	[tilespmem:$0x13A0] =	vst v0  }
0xbd: {  	[tilespmem:$0x13B0] =	vst v0  }
0xbe: {  	[tilespmem:$0x13C0] =	vst v0  }
0xbf: {  	[tilespmem:$0x13D0] =	vst v0  }
0xc0: {  	[tilespmem:$0x13E0] =	vst v0  }
0xc1: {  	[tilespmem:$0x13F0] =	vst v0  }
0xc2: {  	[tilespmem:$0x1400] =	vst v0  }
0xc3: {  	[tilespmem:$0x1410] =	vst v0  }
0xc4: {  	[tilespmem:$0x1420] =	vst v0  }
0xc5: {  	[tilespmem:$0x1430] =	vst v0  }
0xc6: {  	[tilespmem:$0x1440] =	vst v0  }
0xc7: {  	[tilespmem:$0x1450] =	vst v0  }
0xc8: {  	[tilespmem:$0x1460] =	vst v0  }
0xc9: {  	[tilespmem:$0x1470] =	vst v0  }
0xca: {  	[tilespmem:$0x1480] =	vst v0  }
0xcb: {  	[tilespmem:$0x1490] =	vst v0  }
0xcc: {  	[tilespmem:$0x14A0] =	vst v0  }
0xcd: {  	[tilespmem:$0x14B0] =	vst v0  }
0xce: {  	[tilespmem:$0x14C0] =	vst v0  }
0xcf: {  	[tilespmem:$0x14D0] =	vst v0  }
0xd0: {  	[tilespmem:$0x14E0] =	vst v0  }
0xd1: {  	[tilespmem:$0x14F0] =	vst v0  }
0xd2: {  	[tilespmem:$0x1500] =	vst v0  }
0xd3: {  	[tilespmem:$0x1510] =	vst v0  }
0xd4: {  	[tilespmem:$0x1520] =	vst v0  }
0xd5: {  	[tilespmem:$0x1530] =	vst v0  }
0xd6: {  	[tilespmem:$0x1540] =	vst v0  }
0xd7: {  	[tilespmem:$0x1550] =	vst v0  }
0xd8: {  	[tilespmem:$0x1560] =	vst v0  }
0xd9: {  	[tilespmem:$0x1570] =	vst v0  }
0xda: {  	[tilespmem:$0x1580] =	vst v0  }
0xdb: {  	[tilespmem:$0x1590] =	vst v0  }
0xdc: {  	[tilespmem:$0x15A0] =	vst v0  }
0xdd: {  	[tilespmem:$0x15B0] =	vst v0  }
0xde: {  	[tilespmem:$0x15C0] =	vst v0  }
0xdf: {  	[tilespmem:$0x15D0] =	vst v0  }
0xe0: {  	[tilespmem:$0x15E0] =	vst v0  }
0xe1: {  	[tilespmem:$0x15F0] =	vst v0  }
0xe2: {  	[tilespmem:$0x1600] =	vst v0  }
0xe3: {  	[tilespmem:$0x1610] =	vst v0  }
0xe4: {  	[tilespmem:$0x1620] =	vst v0  }
0xe5: {  	[tilespmem:$0x1630] =	vst v0  }
0xe6: {  	[tilespmem:$0x1640] =	vst v0  }
0xe7: {  	[tilespmem:$0x1650] =	vst v0  }
0xe8: {  	[tilespmem:$0x1660] =	vst v0  }
0xe9: {  	[tilespmem:$0x1670] =	vst v0  }
0xea: {  	[tilespmem:$0x1680] =	vst v0  }
0xeb: {  	[tilespmem:$0x1690] =	vst v0  }
0xec: {  	[tilespmem:$0x16A0] =	vst v0  }
0xed: {  	[tilespmem:$0x16B0] =	vst v0  }
0xee: {  	[tilespmem:$0x16C0] =	vst v0  }
0xef: {  	[tilespmem:$0x16D0] =	vst v0  }
0xf0: {  	[tilespmem:$0x16E0] =	vst v0  }
0xf1: {  	[tilespmem:$0x16F0] =	vst v0  }
0xf2: {  	[tilespmem:$0x1700] =	vst v0  }
0xf3: {  	[tilespmem:$0x1710] =	vst v0  }
0xf4: {  	[tilespmem:$0x1720] =	vst v0  }
0xf5: {  	[tilespmem:$0x1730] =	vst v0  }
0xf6: {  	[tilespmem:$0x1740] =	vst v0  }
0xf7: {  	[tilespmem:$0x1750] =	vst v0  }
0xf8: {  	[tilespmem:$0x1760] =	vst v0  }
0xf9: {  	[tilespmem:$0x1770] =	vst v0  }
0xfa: {  	[tilespmem:$0x1780] =	vst v0  }
0xfb: {  	[tilespmem:$0x1790] =	vst v0  }
0xfc: {  	[tilespmem:$0x17A0] =	vst v0  }
0xfd: {  	[tilespmem:$0x17B0] =	vst v0  }
0xfe: {  	[tilespmem:$0x17C0] =	vst v0  }
0xff: {  	[tilespmem:$0x17D0] =	vst v0  }
0x100: {  	[tilespmem:$0x17E0] =	vst v0  }
0x101: {  	[tilespmem:$0x17F0] =	vst v0  }
0x102: {  	[tilespmem:$0x1800] =	vst v0  }
0x103: {  	[tilespmem:$0x1810] =	vst v0  }
0x104: {  	[tilespmem:$0x1820] =	vst v0  }
0x105: {  	[tilespmem:$0x1830] =	vst v0  }
0x106: {  	[tilespmem:$0x1840] =	vst v0  }
0x107: {  	[tilespmem:$0x1850] =	vst v0  }
0x108: {  	[tilespmem:$0x1860] =	vst v0  }
0x109: {  	[tilespmem:$0x19E0] =	vst v0  }
0x10a: {  	[tilespmem:$0x19D0] =	vst v0  }
0x10b: {  	[tilespmem:$0x19C0] =	vst v0  }
0x10c: {  	[tilespmem:$0x19B0] =	vst v0  }
0x10d: {  	[tilespmem:$0x19A0] =	vst v0  }
0x10e: {  	[tilespmem:$0x1990] =	vst v0  }
0x10f: {  	[tilespmem:$0x1980] =	vst v0  }
0x110: {  	[tilespmem:$0x1970] =	vst v0  }
0x111: {  	[tilespmem:$0x1960] =	vst v0  }
0x112: {  	[tilespmem:$0x1950] =	vst v0  }
0x113: {  	[tilespmem:$0x1940] =	vst v0  }
0x114: {  	[tilespmem:$0x1930] =	vst v0  }
0x115: {  	[tilespmem:$0x1870] =	vst v0  }
0x116: {  	[tilespmem:$0x1880] =	vst v0  }
0x117: {  	[tilespmem:$0x1890] =	vst v0  }
0x118: {  	[tilespmem:$0x18A0] =	vst v0  }
0x119: {  	[tilespmem:$0x18B0] =	vst v0  }
0x11a: {  	[tilespmem:$0x18C0] =	vst v0  }
0x11b: {  	[tilespmem:$0x18D0] =	vst v0  }
0x11c: {  	[tilespmem:$0x18E0] =	vst v0  }
0x11d: {  	[tilespmem:$0x18F0] =	vst v0  }
0x11e: {  	[tilespmem:$0x1900] =	vst v0  }
0x11f: {  	[tilespmem:$0x1910] =	vst v0  }
0x120: {  	[tilespmem:$0x1920] =	vst v0  }
0x121: {  	[tilespmem:$0x19F0] =	vst v0  }
0x122: {  	[tilespmem:$0x1A00] =	vst v0  }
0x123: {  	[tilespmem:$0x1A10] =	vst v0  }
0x124: {  	[tilespmem:$0x1A20] =	vst v0  }
0x125: {  	[tilespmem:$0x1A30] =	vst v0  }
0x126: {  	[tilespmem:$0x1A40] =	vst v0  }
0x127: {  	[tilespmem:$0x1A50] =	vst v0  }
0x128: {  	[tilespmem:$0x1A60] =	vst v0  }
0x129: {  	[tilespmem:$0x1A70] =	vst v0  }
0x12a: {  	[tilespmem:$0x1A80] =	vst v0  }
0x12b: {  	[tilespmem:$0x1A90] =	vst v0  }
0x12c: {  	[tilespmem:$0x1AA0] =	vst v0  }
0x12d: {  	[tilespmem:$0x1AB0] =	vst v0  }
0x12e: {  	[tilespmem:$0x1AC0] =	vst v0  }
0x12f: {  	[tilespmem:$0x1AD0] =	vst v0  }
0x130: {  	[tilespmem:$0x1AE0] =	vst v0  }
0x131: {  	[tilespmem:$0x1AF0] =	vst v0  }
0x132: {  	[tilespmem:$0x1B00] =	vst v0  }
0x133: {  	[tilespmem:$0x1B10] =	vst v0  }
0x134: {  	[tilespmem:$0x1B20] =	vst v0  }
0x135: {  	[tilespmem:$0x1B30] =	vst v0  }
0x136: {  	[tilespmem:$0x1B40] =	vst v0  }
0x137: {  	[tilespmem:$0x1B50] =	vst v0  }
0x138: {  	[tilespmem:$0x1B60] =	vst v0  }
0x139: {  	[tilespmem:$0x1B70] =	vst v0  }
0x13a: {  	[tilespmem:$0x1B80] =	vst v0  }
0x13b: {  	[tilespmem:$0x1B90] =	vst v0  }
0x13c: {  	[tilespmem:$0x1BA0] =	vst v0  }
0x13d: {  	[tilespmem:$0x1BB0] =	vst v0  }
0x13e: {  	[tilespmem:$0x1BC0] =	vst v0  }
0x13f: {  	[tilespmem:$0x1BD0] =	vst v0  }
0x140: {  	[tilespmem:$0x1BE0] =	vst v0  }
0x141: {  	[tilespmem:$0x1BF0] =	vst v0  }
0x142: {  	[tilespmem:$0x1C00] =	vst v0  }
0x143: {  	[tilespmem:$0x1C10] =	vst v0  }
0x144: {  	[tilespmem:$0x1C20] =	vst v0  }
0x145: {  	[tilespmem:$0x1C30] =	vst v0  }
0x146: {  	[tilespmem:$0x1C40] =	vst v0  }
0x147: {  	[tilespmem:$0x1C50] =	vst v0  }
0x148: {  	[tilespmem:$0x1C60] =	vst v0  }
0x149: {  	[tilespmem:$0x1C70] =	vst v0  }
0x14a: {  	[tilespmem:$0x1C80] =	vst v0  }
0x14b: {  	[tilespmem:$0x1C90] =	vst v0  }
0x14c: {  	[tilespmem:$0x1CA0] =	vst v0  }
0x14d: {  	[tilespmem:$0x1CB0] =	vst v0  }
0x14e: {  	[tilespmem:$0x1CC0] =	vst v0  }
0x14f: {  	[tilespmem:$0x1CD0] =	vst v0  }
0x150: {  	[tilespmem:$0x1CE0] =	vst v0  }
0x151: {  	[tilespmem:$0x1CF0] =	vst v0  }
0x152: {  	[tilespmem:$0x1D00] =	vst v0  }
0x153: {  	[tilespmem:$0x1D10] =	vst v0  }
0x154: {  	[tilespmem:$0x1D20] =	vst v0  }
0x155: {  	[tilespmem:$0x1D30] =	vst v0  }
0x156: {  	[tilespmem:$0x1D40] =	vst v0  }
0x157: {  	[tilespmem:$0x1D50] =	vst v0  }
0x158: {  	[tilespmem:$0x1D60] =	vst v0  }
0x159: {  	[tilespmem:$0x1D70] =	vst v0  }
0x15a: {  	[tilespmem:$0x1D80] =	vst v0  }
0x15b: {  	[tilespmem:$0x1D90] =	vst v0  }
0x15c: {  	[tilespmem:$0x1DA0] =	vst v0  }
0x15d: {  	[tilespmem:$0x1DB0] =	vst v0  }
0x15e: {  	[tilespmem:$0x1DC0] =	vst v0  }
0x15f: {  	[tilespmem:$0x1DD0] =	vst v0  }
0x160: {  	[tilespmem:$0x1DE0] =	vst v0  }
0x161: {  	[tilespmem:$0x1DF0] =	vst v0  }
0x162: {  	[tilespmem:$0x1E00] =	vst v0  }
0x163: {  	[tilespmem:$0x1E10] =	vst v0  }
0x164: {  	[tilespmem:$0x1E20] =	vst v0  }
0x165: {  	[tilespmem:$0x1E30] =	vst v0  }
0x166: {  	[tilespmem:$0x1E40] =	vst v0  }
0x167: {  	[tilespmem:$0x1E50] =	vst v0  }
0x168: {  	[tilespmem:$0x1E60] =	vst v0  }
0x169: {  	[tilespmem:$0x1E70] =	vst v0  }
0x16a: {  	[tilespmem:$0x1E80] =	vst v0  }
0x16b: {  	[tilespmem:$0x1E90] =	vst v0  }
0x16c: {  	[tilespmem:$0x1EA0] =	vst v0  }
0x16d: {  	[tilespmem:$0x1EB0] =	vst v0  }
0x16e: {  	[tilespmem:$0x1EC0] =	vst v0  }
0x16f: {  	[tilespmem:$0x1ED0] =	vst v0  }
0x170: {  	[tilespmem:$0x1EE0] =	vst v0  }
0x171: {  	[tilespmem:$0x1EF0] =	vst v0  }
0x172: {  	[tilespmem:$0x1F00] =	vst v0  }
0x173: {  	[tilespmem:$0x1F10] =	vst v0  }
0x174: {  	[tilespmem:$0x1F20] =	vst v0  }
0x175: {  	[tilespmem:$0x1F30] =	vst v0  }
0x176: {  	[tilespmem:$0x1F40] =	vst v0  }
0x177: {  	[tilespmem:$0x1F50] =	vst v0  }
0x178: {  	[tilespmem:$0x1F60] =	vst v0  }
0x179: {  	[tilespmem:$0x1F70] =	vst v0  }
0x17a: {  	[tilespmem:$0x1F80] =	vst v0  }
0x17b: {  	[tilespmem:$0x1F90] =	vst v0  }
0x17c: {  	[tilespmem:$0x1FA0] =	vst v0  }
0x17d: {  	[tilespmem:$0x1FB0] =	vst v0  }
0x17e: {  	[tilespmem:$0x1FC0] =	vst v0  }
0x17f: {  	[tilespmem:$0x1FD0] =	vst v0  }
0x180: {  	[tilespmem:$0x1FE0] =	vst v0  }
0x181: {  	[tilespmem:$0x1FF0] =	vst v0  }
0x182: {  	[tilespmem:$0x2000] =	vst v0  }
0x183: {  	[tilespmem:$0x2010] =	vst v0  }
0x184: {  	[tilespmem:$0x2020] =	vst v0  }
0x185: {  	[tilespmem:$0x2030] =	vst v0  }
0x186: {  	[tilespmem:$0x2040] =	vst v0  }
0x187: {  	[tilespmem:$0x2050] =	vst v0  }
0x188: {  	[tilespmem:$0x2060] =	vst v0  }
0x189: {  	[tilespmem:$0x2070] =	vst v0  }
0x18a: {  	[tilespmem:$0x2080] =	vst v0  }
0x18b: {  	[tilespmem:$0x2090] =	vst v0  }
0x18c: {  	[tilespmem:$0x20A0] =	vst v0  }
0x18d: {  	[tilespmem:$0x20B0] =	vst v0  }
0x18e: {  	[tilespmem:$0x20C0] =	vst v0  }
0x18f: {  	[tilespmem:$0x20D0] =	vst v0  }
0x190: {  	[tilespmem:$0x20E0] =	vst v0  }
0x191: {  	[tilespmem:$0x20F0] =	vst v0  }
0x192: {  	[tilespmem:$0x2100] =	vst v0  }
0x193: {  	[tilespmem:$0x2110] =	vst v0  }
0x194: {  	[tilespmem:$0x2120] =	vst v0  }
0x195: {  	[tilespmem:$0x2130] =	vst v0  }
0x196: {  	[tilespmem:$0x2140] =	vst v0  }
0x197: {  	[tilespmem:$0x2150] =	vst v0  }
0x198: {  	[tilespmem:$0x2160] =	vst v0  }
0x199: {  	[tilespmem:$0x2170] =	vst v0  }
0x19a: {  	[tilespmem:$0x2180] =	vst v0  }
0x19b: {  	[tilespmem:$0x2190] =	vst v0  }
0x19c: {  	[tilespmem:$0x21A0] =	vst v0  }
0x19d: {  	[tilespmem:$0x21B0] =	vst v0  }
0x19e: {  	[tilespmem:$0x21C0] =	vst v0  }
0x19f: {  	[tilespmem:$0x21D0] =	vst v0  }
0x1a0: {  	[tilespmem:$0x21E0] =	vst v0  }
0x1a1: {  	[tilespmem:$0x21F0] =	vst v0  }
0x1a2: {  	[tilespmem:$0x2200] =	vst v0  }
0x1a3: {  	[tilespmem:$0x2210] =	vst v0  }
0x1a4: {  	[tilespmem:$0x2220] =	vst v0  }
0x1a5: {  	[tilespmem:$0x2230] =	vst v0  }
0x1a6: {  	[tilespmem:$0x2240] =	vst v0  }
0x1a7: {  	[tilespmem:$0x2250] =	vst v0  }
0x1a8: {  	[tilespmem:$0x2260] =	vst v0  }
0x1a9: {  	[tilespmem:$0x2270] =	vst v0  }
0x1aa: {  	[tilespmem:$0x2280] =	vst v0  }
0x1ab: {  	[tilespmem:$0x2290] =	vst v0  }
0x1ac: {  	[tilespmem:$0x22A0] =	vst v0  }
0x1ad: {  	[tilespmem:$0x22B0] =	vst v0  }
0x1ae: {  	[tilespmem:$0x22C0] =	vst v0  }
0x1af: {  	[tilespmem:$0x22D0] =	vst v0  }
0x1b0: {  	[tilespmem:$0x22E0] =	vst v0  }
0x1b1: {  	[tilespmem:$0x22F0] =	vst v0  }
0x1b2: {  	[tilespmem:$0x2300] =	vst v0  }
0x1b3: {  	[tilespmem:$0x2310] =	vst v0  }
0x1b4: {  	[tilespmem:$0x2320] =	vst v0  }
0x1b5: {  	[tilespmem:$0x2330] =	vst v0  }
0x1b6: {  	[tilespmem:$0x2340] =	vst v0  }
0x1b7: {  	[tilespmem:$0x2350] =	vst v0  }
0x1b8: {  	[tilespmem:$0x2360] =	vst v0  }
0x1b9: {  	[tilespmem:$0x2370] =	vst v0  }
0x1ba: {  	[tilespmem:$0x2380] =	vst v0  }
0x1bb: {  	[tilespmem:$0x2390] =	vst v0  }
0x1bc: {  	[tilespmem:$0x23A0] =	vst v0  }
0x1bd: {  	[tilespmem:$0x23B0] =	vst v0  }
0x1be: {  	[tilespmem:$0x23C0] =	vst v0  }
0x1bf: {  	[tilespmem:$0x23D0] =	vst v0  }
0x1c0: {  	[tilespmem:$0x23E0] =	vst v0  }
0x1c1: {  	[tilespmem:$0x23F0] =	vst v0  }
0x1c2: {  	[tilespmem:$0x2400] =	vst v0  }
0x1c3: {  	[tilespmem:$0x2410] =	vst v0  }
0x1c4: {  	[tilespmem:$0x2420] =	vst v0  }
0x1c5: {  	[tilespmem:$0x2430] =	vst v0  }
0x1c6: {  	[tilespmem:$0x2440] =	vst v0  }
0x1c7: {  	[tilespmem:$0x2450] =	vst v0  }
0x1c8: {  	[tilespmem:$0x2460] =	vst v0  }
0x1c9: {  	[tilespmem:$0x2470] =	vst v0  }
0x1ca: {  	[tilespmem:$0x2480] =	vst v0  }
0x1cb: {  	[tilespmem:$0x2490] =	vst v0  }
0x1cc: {  	[tilespmem:$0x24A0] =	vst v0  }
0x1cd: {  	[tilespmem:$0x24B0] =	vst v0  }
0x1ce: {  	[tilespmem:$0x24C0] =	vst v0  }
0x1cf: {  	[tilespmem:$0x24D0] =	vst v0  }
0x1d0: {  	[tilespmem:$0x24E0] =	vst v0  }
0x1d1: {  	[tilespmem:$0x24F0] =	vst v0  }
0x1d2: {  	[tilespmem:$0x2500] =	vst v0  }
0x1d3: {  	[tilespmem:$0x2510] =	vst v0  }
0x1d4: {  	[tilespmem:$0x2520] =	vst v0  }
0x1d5: {  	[tilespmem:$0x2530] =	vst v0  }
0x1d6: {  	[tilespmem:$0x2540] =	vst v0  }
0x1d7: {  	[tilespmem:$0x2550] =	vst v0  }
0x1d8: {  	[tilespmem:$0x2560] =	vst v0  }
0x1d9: {  	[tilespmem:$0x2570] =	vst v0  }
0x1da: {  	[tilespmem:$0x2580] =	vst v0  }
0x1db: {  	[tilespmem:$0x2590] =	vst v0  }
0x1dc: {  	[tilespmem:$0x25A0] =	vst v0  }
0x1dd: {  	[tilespmem:$0x25B0] =	vst v0  }
0x1de: {  	[tilespmem:$0x25C0] =	vst v0  }
0x1df: {  	[tilespmem:$0x25D0] =	vst v0  }
0x1e0: {  	[tilespmem:$0x25E0] =	vst v0  }
0x1e1: {  	[tilespmem:$0x25F0] =	vst v0  }
0x1e2: {  	[tilespmem:$0x2600] =	vst v0  }
0x1e3: {  	[tilespmem:$0x2610] =	vst v0  }
0x1e4: {  	[tilespmem:$0x2620] =	vst v0  }
0x1e5: {  	[tilespmem:$0x2630] =	vst v0  }
0x1e6: {  	[tilespmem:$0x2640] =	vst v0  }
0x1e7: {  	[tilespmem:$0x2650] =	vst v0  }
0x1e8: {  	[tilespmem:$0x2660] =	vst v0  }
0x1e9: {  	[tilespmem:$0x2670] =	vst v0  }
0x1ea: {  	[tilespmem:$0x2680] =	vst v0  }
0x1eb: {  	[tilespmem:$0x2690] =	vst v0  }
0x1ec: {  	[tilespmem:$0x26A0] =	vst v0  }
0x1ed: {  	[tilespmem:$0x26B0] =	vst v0  }
0x1ee: {  	[tilespmem:$0x26C0] =	vst v0  }
0x1ef: {  	[tilespmem:$0x26D0] =	vst v0  }
0x1f0: {  	[tilespmem:$0x26E0] =	vst v0  }
0x1f1: {  	[tilespmem:$0x26F0] =	vst v0  }
0x1f2: {  	[tilespmem:$0x2700] =	vst v0  }
0x1f3: {  	[tilespmem:$0x2710] =	vst v0  }
0x1f4: {  	[tilespmem:$0x2720] =	vst v0  }
0x1f5: {  	[tilespmem:$0x2730] =	vst v0  }
0x1f6: {  	[tilespmem:$0x2740] =	vst v0  }
0x1f7: {  	[tilespmem:$0x2750] =	vst v0  }
0x1f8: {  	[tilespmem:$0x2760] =	vst v0  }
0x1f9: {  	[tilespmem:$0x2770] =	vst v0  }
0x1fa: {  	[tilespmem:$0x2780] =	vst v0  }
0x1fb: {  	[tilespmem:$0x2790] =	vst v0  }
0x1fc: {  	[tilespmem:$0x27A0] =	vst v0  }
0x1fd: {  	[tilespmem:$0x27B0] =	vst v0  }
0x1fe: {  	[tilespmem:$0x27C0] =	vst v0  }
0x1ff: {  	[tilespmem:$0x27D0] =	vst v0  }
0x200: {  	[tilespmem:$0x27E0] =	vst v0  }
0x201: {  	[tilespmem:$0x27F0] =	vst v0  }
0x202: {  	[tilespmem:$0x2800] =	vst v0  }
0x203: {  	[tilespmem:$0x2810] =	vst v0  }
0x204: {  	[tilespmem:$0x2820] =	vst v0  }
0x205: {  	[tilespmem:$0x2830] =	vst v0  }
0x206: {  	[tilespmem:$0x2840] =	vst v0  }
0x207: {  	[tilespmem:$0x2850] =	vst v0  }
0x208: {  	s6 =	sshll.u32 s1, $0x10;
	[tilespmem:$0x2860] =	vst v0  }
0x209: {  	s8 =	simm.s32 $0x880;
	s7 =	simm.s32 $0x1;
	s6 =	sadd.s32 s6, s3;
	[tilespmem:$0x2870] =	vst v0  }
0x20a: {  	[spmem:s6] =	stream.linear.scatter [tilespmem:s8], [sflag:$0x1], $0x2000, $0x38;
	[tilespmem:$0x12C80] =	vst v63  }
0x20b: {  	_ =	swait.ge [sflag:s7], $0x2000  }
0x20c: {  	[sflag:s7] =	ssyncset.done $0x0  }
0x20d: {  	s9 =	sadd.s32 $0x2000, s6;
	[sflag:s7] =	ssyncadd.s32 $0xFFFFE000  }
0x20e: {  	[spmem:s9] =	stream.linear.scatter [tilespmem:s8], [sflag:$0x1], $0x2000, $0x38;
	[tilespmem:$0x12C80] =	vst v63  }
0x20f: {  	_ =	swait.ge [sflag:s7], $0x2000  }
0x210: {  	[sflag:s7] =	ssyncset.done $0x0  }
0x211: {  	s30 =	sadd.s32 $0x4000, s6;
	[sflag:s7] =	ssyncadd.s32 $0xFFFFE000  }
0x212: {  	[spmem:s30] =	stream.linear.scatter [tilespmem:s8], [sflag:$0x1], $0x2000, $0x38;
	[tilespmem:$0x12C80] =	vst v63  }
0x213: {  	_ =	swait.ge [sflag:s7], $0x2000  }
0x214: {  	[sflag:s7] =	ssyncset.done $0x0  }
0x215: {  	s31 =	sadd.s32 $0x6000, s6;
	[sflag:s7] =	ssyncadd.s32 $0xFFFFE000  }
0x216: {  	[spmem:s31] =	stream.linear.scatter [tilespmem:s8], [sflag:$0x1], $0x2000, $0x38;
	[tilespmem:$0x12C80] =	vst v63  }
0x217: {  	_ =	swait.ge [sflag:s7], $0x2000  }
0x218: {  	[sflag:s7] =	ssyncset.done $0x0  }
0x219: {  	s10 =	sadd.s32 $0x8000, s6;
	[sflag:s7] =	ssyncadd.s32 $0xFFFFE000  }
0x21a: {  	[spmem:s10] =	stream.linear.scatter [tilespmem:s8], [sflag:$0x1], $0x2000, $0x38;
	[tilespmem:$0x12C80] =	vst v63  }
0x21b: {  	_ =	swait.ge [sflag:s7], $0x2000  }
0x21c: {  	[sflag:s7] =	ssyncset.done $0x0  }
0x21d: {  	s11 =	sadd.s32 $0xA000, s6;
	[sflag:s7] =	ssyncadd.s32 $0xFFFFE000  }
0x21e: {  	[spmem:s11] =	stream.linear.scatter [tilespmem:s8], [sflag:$0x1], $0x2000, $0x38;
	[tilespmem:$0x12C80] =	vst v63  }
0x21f: {  	_ =	swait.ge [sflag:s7], $0x2000  }
0x220: {  	[sflag:s7] =	ssyncset.done $0x0  }
0x221: {  	s12 =	sadd.s32 $0xC000, s6;
	[sflag:s7] =	ssyncadd.s32 $0xFFFFE000  }
0x222: {  	[spmem:s12] =	stream.linear.scatter [tilespmem:s8], [sflag:$0x1], $0x2000, $0x38;
	[tilespmem:$0x12C80] =	vst v63  }
0x223: {  	_ =	swait.ge [sflag:s7], $0x2000  }
0x224: {  	[sflag:s7] =	ssyncset.done $0x0  }
0x225: {  	s13 =	sadd.s32 $0xE000, s6;
	[sflag:s7] =	ssyncadd.s32 $0xFFFFE000  }
0x226: {  	[spmem:s13] =	stream.linear.scatter [tilespmem:s8], [sflag:$0x1], $0x2000, $0x38;
	[tilespmem:$0x12C80] =	vst v63  }
0x227: {  	_ =	swait.ge [sflag:s7], $0x2000  }
0x228: {  	s14 =	sadd.s32 $0x1600, s2;
	s15 =	sshll.u32 s1, $0x7;
	[sflag:s7] =	ssyncset.done $0x0  }
0x229: {  	s8 =	sadd.s32 s14, s15;
	[sflag:s7] =	ssyncadd.s32 $0xFFFFE000  }
0x22a: {  	[tilespmem:s5], [sflag:$0x1] =	stream.linear.gather [hbm4b:s8+s5], $0x400, $0x38;
	[tilespmem:$0x12C80] =	vst v63  }
0x22b: {  	_ =	swait.ge [sflag:s7], $0x400  }
0x22c: {  	[sflag:s7] =	ssyncset.done $0x0  }
0x22d: {  	s16 =	simm.s32 $0x400;
	s4 =	sadd.s32 s4, s15;
	[sflag:s7] =	ssyncadd.s32 $0xFFFFFC00  }
0x22e: {  	[tilespmem:s16], [sflag:$0x1] =	stream.linear.gather [hbm4b:s4+s5], $0x400, $0x38;
	[tilespmem:$0x12C80] =	vst v63  }
0x22f: {  	_ =	swait.ge [sflag:s7], $0x400  }
0x230: {  	[sflag:s7] =	ssyncset.done $0x0  }
0x231: {  	[sflag:s7] =	ssyncadd.s32 $0xFFFFFC00  }
0x232: {  	v9 =	vld [tilespmem:$0x0]  }
0x233: {  	v12 =	vld [tilespmem:$0x400]  }
0x234: {  	v15 =	vld [tilespmem:$0x10]  }
0x235: {  	v18 =	vld [tilespmem:$0x410]  }
0x236: {  	v19 =	vld [tilespmem:$0x20]  }
0x237: {  	v20 =	vld [tilespmem:$0x420]  }
0x238: {  	v21 =	vld [tilespmem:$0x30]  }
0x239: {  	v22 =	vld [tilespmem:$0x430]  }
0x23a: {  	v23 =	vld [tilespmem:$0x40]  }
0x23b: {  	v24 =	vld [tilespmem:$0x440]  }
0x23c: {  	v25 =	vld [tilespmem:$0x50]  }
0x23d: {  	v26 =	vld [tilespmem:$0x450]  }
0x23e: {  	v27 =	vld [tilespmem:$0x60]  }
0x23f: {  	v28 =	vld [tilespmem:$0x460]  }
0x240: {  	v29 =	vld [tilespmem:$0x70]  }
0x241: {  	v30 =	vld [tilespmem:$0x470]  }
0x242: {  	v31 =	vld [tilespmem:$0x80]  }
0x243: {  	v32 =	vld [tilespmem:$0x480]  }
0x244: {  	v33 =	vld [tilespmem:$0x90]  }
0x245: {  	v34 =	vld [tilespmem:$0x490]  }
0x246: {  	v35 =	vld [tilespmem:$0xA0]  }
0x247: {  	v36 =	vld [tilespmem:$0x4A0]  }
0x248: {  	v37 =	vld [tilespmem:$0xB0]  }
0x249: {  	v38 =	vld [tilespmem:$0x4B0]  }
0x24a: {  	v39 =	vld [tilespmem:$0xC0]  }
0x24b: {  	v40 =	vld [tilespmem:$0x4C0]  }
0x24c: {  	v41 =	vld [tilespmem:$0xD0]  }
0x24d: {  	v42 =	vld [tilespmem:$0x4D0]  }
0x24e: {  	v43 =	vld [tilespmem:$0xE0]  }
0x24f: {  	v44 =	vld [tilespmem:$0x4E0]  }
0x250: {  	v45 =	vld [tilespmem:$0xF0]  }
0x251: {  	v46 =	vld [tilespmem:$0x4F0]  }
0x252: {  	v47 =	vld [tilespmem:$0x100]  }
0x253: {  	v48 =	vld [tilespmem:$0x500]  }
0x254: {  	v49 =	vld [tilespmem:$0x110]  }
0x255: {  	v50 =	vld [tilespmem:$0x510]  }
0x256: {  	v51 =	vld [tilespmem:$0x120]  }
0x257: {  	v52 =	vld [tilespmem:$0x520]  }
0x258: {  	v53 =	vld [tilespmem:$0x130]  }
0x259: {  	v54 =	vld [tilespmem:$0x530]  }
0x25a: {  	v55 =	vld [tilespmem:$0x140]  }
0x25b: {  	v56 =	vld [tilespmem:$0x540]  }
0x25c: {  	v57 =	vld [tilespmem:$0x150]  }
0x25d: {  	v58 =	vld [tilespmem:$0x550]  }
0x25e: {  	v59 =	vld [tilespmem:$0x160]  }
0x25f: {  	v60 =	vld [tilespmem:$0x560]  }
0x260: {  	v61 =	vld [tilespmem:$0x170]  }
0x261: {  	v62 =	vld [tilespmem:$0x570]  }
0x262: {  	v63 =	vld [tilespmem:$0x180]  }
0x263: {  	v2 =	vld [tilespmem:$0x580]  }
0x264: {  	v3 =	vld [tilespmem:$0x190]  }
0x265: {  	v4 =	vld [tilespmem:$0x590]  }
0x266: {  	v5 =	vld [tilespmem:$0x1A0]  }
0x267: {  	v16 =	vld [tilespmem:$0x5A0]  }
0x268: {  	v17 =	vld [tilespmem:$0x1B0]  }
0x269: {  	v13 =	vld [tilespmem:$0x5B0]  }
0x26a: {  	v14 =	vld [tilespmem:$0x1C0]  }
0x26b: {  	v10 =	vld [tilespmem:$0x5C0]  }
0x26c: {  	v6 =	vld [tilespmem:$0x1E0]  }
0x26d: {  	v7 =	vld [tilespmem:$0x5F0]  }
0x26e: {  	v8 =	vld [tilespmem:$0x5D0]  }
0x26f: {  	v0 =	vimm.f32 $1.000000000e+00;
	v1 =	vld [tilespmem:$0x5E0]  }
0x270: {  	v11 =	vld [tilespmem:$0x1D0];
	[tilespmem:$0x800] =	vst v0  }
0x271: {  	[tilespmem:$0x1FFB0] =	vst v6;
	v6 =	vld [tilespmem:$0x1F0]  }
0x272: {  	[tilespmem:$0x1FFD0] =	vst v7;
	v7 =	vld [tilespmem:$0x200]  }
0x273: {  	[tilespmem:$0x1FFA0] =	vst v8;
	v8 =	vld [tilespmem:$0x600]  }
0x274: {  	[tilespmem:$0x1FFC0] =	vst v1;
	v1 =	vld [tilespmem:$0x610];
	v21 =	vshll.u32 v21, $0xA  }
0x275: {  	[tilespmem:$0x810] =	vst v0;
	v23 =	vshll.u32 v23, $0xA;
	v22 =	vadd.s32 v22, v21;
	v21 =	vld [tilespmem:$0x250]  }
0x276: {  	[tilespmem:$0x820] =	vst v0;
	v25 =	vshll.u32 v25, $0xA;
	v24 =	vadd.s32 v24, v23;
	v23 =	vld [tilespmem:$0x260]  }
0x277: {  	[tilespmem:$0x830] =	vst v0;
	v27 =	vshll.u32 v27, $0xA;
	v26 =	vadd.s32 v26, v25;
	v25 =	vld [tilespmem:$0x270]  }
0x278: {  	[tilespmem:$0x840] =	vst v0;
	v29 =	vshll.u32 v29, $0xA;
	v28 =	vadd.s32 v28, v27;
	v27 =	vld [tilespmem:$0x280]  }
0x279: {  	[tilespmem:$0x850] =	vst v0;
	v31 =	vshll.u32 v31, $0xA;
	v30 =	vadd.s32 v30, v29;
	v29 =	vld [tilespmem:$0x290]  }
0x27a: {  	[tilespmem:$0x860] =	vst v0;
	v33 =	vshll.u32 v33, $0xA;
	v32 =	vadd.s32 v32, v31;
	v31 =	vld [tilespmem:$0x2A0]  }
0x27b: {  	[tilespmem:$0x870] =	vst v0;
	v35 =	vshll.u32 v35, $0xA;
	v34 =	vadd.s32 v34, v33;
	v33 =	vld [tilespmem:$0x2B0]  }
0x27c: {  	v37 =	vshll.u32 v37, $0xA;
	v36 =	vadd.s32 v36, v35;
	v35 =	vld [tilespmem:$0x2C0];
	[tilespmem:$0x128B0] =	vst v22  }
0x27d: {  	v39 =	vshll.u32 v39, $0xA;
	v38 =	vadd.s32 v38, v37;
	v37 =	vld [tilespmem:$0x2D0];
	[tilespmem:$0x128C0] =	vst v24  }
0x27e: {  	v47 =	vshll.u32 v47, $0xA;
	v40 =	vadd.s32 v40, v39;
	v39 =	vld [tilespmem:$0x2E0];
	[tilespmem:$0x128D0] =	vst v26  }
0x27f: {  	v49 =	vshll.u32 v49, $0xA;
	v48 =	vadd.s32 v48, v47;
	v47 =	vshll.u32 v3, $0xA;
	v3 =	vld [tilespmem:$0x2F0];
	[tilespmem:$0x128E0] =	vst v28  }
0x280: {  	v55 =	vshll.u32 v55, $0xA;
	v50 =	vadd.s32 v50, v49;
	v49 =	vshll.u32 v5, $0xA;
	v5 =	vld [tilespmem:$0x300];
	[tilespmem:$0x128F0] =	vst v30  }
0x281: {  	v56 =	vadd.s32 v56, v55;
	v55 =	vshll.u32 v11, $0xA;
	v11 =	vld [tilespmem:$0x310];
	[tilespmem:$0x12900] =	vst v32  }
0x282: {  	v22 =	vld [tilespmem:$0x650];
	[tilespmem:$0x12910] =	vst v34  }
0x283: {  	v24 =	vld [tilespmem:$0x660];
	[tilespmem:$0x12920] =	vst v36  }
0x284: {  	v41 =	vshll.u32 v41, $0xA;
	v26 =	vld [tilespmem:$0x670];
	[tilespmem:$0x12930] =	vst v38  }
0x285: {  	v43 =	vshll.u32 v43, $0xA;
	v42 =	vadd.s32 v42, v41;
	v28 =	vld [tilespmem:$0x680];
	[tilespmem:$0x12940] =	vst v40  }
0x286: {  	v45 =	vshll.u32 v45, $0xA;
	v44 =	vadd.s32 v44, v43;
	[tilespmem:$0x12950] =	vst v42;
	v30 =	vld [tilespmem:$0x690]  }
0x287: {  	v46 =	vadd.s32 v46, v45;
	[tilespmem:$0x12960] =	vst v44;
	v32 =	vld [tilespmem:$0x6A0]  }
0x288: {  	[tilespmem:$0x12970] =	vst v46;
	v34 =	vld [tilespmem:$0x6B0]  }
0x289: {  	v51 =	vshll.u32 v51, $0xA;
	[tilespmem:$0x12980] =	vst v48;
	v36 =	vld [tilespmem:$0x6C0]  }
0x28a: {  	v53 =	vshll.u32 v53, $0xA;
	v52 =	vadd.s32 v52, v51;
	v45 =	vshll.u32 v63, $0xA;
	[tilespmem:$0x12990] =	vst v50;
	v38 =	vld [tilespmem:$0x6D0]  }
0x28b: {  	v54 =	vadd.s32 v54, v53;
	[tilespmem:$0x129A0] =	vst v52;
	v46 =	vadd.s32 v2, v45;
	v2 =	vld [tilespmem:$0x6E0]  }
0x28c: {  	v57 =	vshll.u32 v57, $0xA;
	v53 =	vshll.u32 v14, $0xA;
	[tilespmem:$0x129B0] =	vst v54;
	v48 =	vadd.s32 v4, v47;
	v4 =	vld [tilespmem:$0x6F0]  }
0x28d: {  	v41 =	vshll.u32 v59, $0xA;
	[tilespmem:$0x129C0] =	vst v56;
	v40 =	vadd.s32 v58, v57;
	v54 =	vadd.s32 v10, v53;
	v10 =	vld [tilespmem:$0x700]  }
0x28e: {  	v43 =	vshll.u32 v61, $0xA;
	v42 =	vadd.s32 v60, v41;
	v56 =	vld [tilespmem:$0x1FFA0];
	[tilespmem:$0x129D0] =	vst v40  }
0x28f: {  	v44 =	vadd.s32 v62, v43;
	v57 =	vld [tilespmem:$0x1FFB0];
	[tilespmem:$0x129E0] =	vst v42  }
0x290: {  	v58 =	vld [tilespmem:$0x1FFC0];
	[tilespmem:$0x129F0] =	vst v44  }
0x291: {  	v60 =	vld [tilespmem:$0x1FFD0];
	[tilespmem:$0x12A00] =	vst v46  }
0x292: {  	v51 =	vshll.u32 v17, $0xA;
	v50 =	vadd.s32 v16, v49;
	v45 =	vld [tilespmem:$0x370];
	[tilespmem:$0x12A10] =	vst v48  }
0x293: {  	v52 =	vadd.s32 v13, v51;
	v51 =	vld [tilespmem:$0x380];
	[tilespmem:$0x12A20] =	vst v50  }
0x294: {  	[tilespmem:$0x12A30] =	vst v52;
	v42 =	vld [tilespmem:$0x760]  }
0x295: {  	[tilespmem:$0x12A40] =	vst v54;
	v48 =	vld [tilespmem:$0x770]  }
0x296: {  	v54 =	vld [tilespmem:$0x780];
	[tilespmem:$0x1FFF0] =	vst v1;
	v1 =	vshll.u32 v9, $0xA  }
0x297: {  	[tilespmem:$0x1FFE0] =	vst v8;
	v8 =	vld [tilespmem:$0x210];
	v0 =	vadd.s32 v12, v1;
	v1 =	vshll.u32 v15, $0xA  }
0x298: {  	v19 =	vshll.u32 v19, $0xA;
	v9 =	vld [tilespmem:$0x220];
	[tilespmem:$0x12880] =	vst v0;
	v18 =	vadd.s32 v18, v1  }
0x299: {  	v59 =	vshll.u32 v6, $0xA;
	v6 =	vld [tilespmem:$0x710];
	v21 =	vshll.u32 v21, $0xA;
	v0 =	vadd.s32 v20, v19;
	[tilespmem:$0x12890] =	vst v18  }
0x29a: {  	v61 =	vshll.u32 v7, $0xA;
	v7 =	vld [tilespmem:$0x320];
	v23 =	vshll.u32 v23, $0xA;
	v22 =	vadd.s32 v22, v21;
	[tilespmem:$0x128A0] =	vst v0  }
0x29b: {  	v12 =	vld [tilespmem:$0x620];
	v25 =	vshll.u32 v25, $0xA;
	v24 =	vadd.s32 v24, v23;
	[tilespmem:$0x12AD0] =	vst v22  }
0x29c: {  	v15 =	vld [tilespmem:$0x230];
	v27 =	vshll.u32 v27, $0xA;
	v26 =	vadd.s32 v26, v25;
	[tilespmem:$0x12AE0] =	vst v24  }
0x29d: {  	v62 =	vld [tilespmem:$0x1FFE0];
	v41 =	vshll.u32 v29, $0xA;
	v40 =	vadd.s32 v28, v27;
	[tilespmem:$0x12AF0] =	vst v26  }
0x29e: {  	v13 =	vld [tilespmem:$0x1FFF0];
	v44 =	vshll.u32 v31, $0xA;
	v43 =	vadd.s32 v30, v41;
	[tilespmem:$0x12B00] =	vst v40  }
0x29f: {  	v47 =	vshll.u32 v33, $0xA;
	v33 =	vld [tilespmem:$0x3C0];
	v46 =	vadd.s32 v32, v44;
	[tilespmem:$0x12B10] =	vst v43  }
0x2a0: {  	v50 =	vshll.u32 v35, $0xA;
	v19 =	vld [tilespmem:$0x240];
	v49 =	vadd.s32 v34, v47;
	[tilespmem:$0x12B20] =	vst v46  }
0x2a1: {  	v20 =	vld [tilespmem:$0x640];
	v52 =	vadd.s32 v36, v50;
	[tilespmem:$0x12B30] =	vst v49  }
0x2a2: {  	v53 =	vshll.u32 v37, $0xA;
	v1 =	vshll.u32 v57, $0xA;
	v57 =	vld [tilespmem:$0x390];
	v0 =	vadd.s32 v56, v55;
	[tilespmem:$0x12B40] =	vst v52  }
0x2a3: {  	v27 =	vld [tilespmem:$0x3B0];
	v41 =	vshll.u32 v45, $0xA;
	v55 =	vadd.s32 v38, v53;
	[tilespmem:$0x12A50] =	vst v0  }
0x2a4: {  	v30 =	vld [tilespmem:$0x7B0];
	v44 =	vshll.u32 v51, $0xA;
	v43 =	vadd.s32 v48, v41;
	[tilespmem:$0x12B50] =	vst v55  }
0x2a5: {  	v36 =	vld [tilespmem:$0x7C0];
	v46 =	vadd.s32 v54, v44;
	[tilespmem:$0x12BF0] =	vst v43  }
0x2a6: {  	v45 =	vld [tilespmem:$0x3E0];
	v56 =	vshll.u32 v39, $0xA;
	v0 =	vadd.s32 v58, v1;
	[tilespmem:$0x12C00] =	vst v46  }
0x2a7: {  	v51 =	vld [tilespmem:$0x3F0];
	v58 =	vadd.s32 v2, v56;
	[tilespmem:$0x12A60] =	vst v0  }
0x2a8: {  	v11 =	vshll.u32 v11, $0xA;
	v18 =	vld [tilespmem:$0x630];
	v0 =	vadd.s32 v60, v59;
	[tilespmem:$0x12B60] =	vst v58  }
0x2a9: {  	v48 =	vld [tilespmem:$0x7E0];
	v25 =	vadd.s32 v6, v11;
	[tilespmem:$0x12A70] =	vst v0  }
0x2aa: {  	v54 =	vld [tilespmem:$0x7F0];
	v14 =	vshll.u32 v9, $0xA;
	v0 =	vadd.s32 v62, v61;
	[tilespmem:$0x12B90] =	vst v25  }
0x2ab: {  	v63 =	vshll.u32 v8, $0xA;
	v8 =	vld [tilespmem:$0x720];
	v59 =	vshll.u32 v3, $0xA;
	v16 =	vadd.s32 v12, v14;
	[tilespmem:$0x12A80] =	vst v0  }
0x2ac: {  	v9 =	vld [tilespmem:$0x330];
	v61 =	vadd.s32 v4, v59;
	[tilespmem:$0x12AA0] =	vst v16  }
0x2ad: {  	v60 =	vld [tilespmem:$0x790];
	v62 =	vshll.u32 v5, $0xA;
	v0 =	vadd.s32 v13, v63;
	[tilespmem:$0x12B70] =	vst v61  }
0x2ae: {  	v12 =	vld [tilespmem:$0x730];
	v56 =	vshll.u32 v33, $0xA;
	v10 =	vadd.s32 v10, v62;
	[tilespmem:$0x12A90] =	vst v0  }
0x2af: {  	v17 =	vshll.u32 v15, $0xA;
	v15 =	vld [tilespmem:$0x350];
	v47 =	vshll.u32 v57, $0xA;
	v57 =	vadd.s32 v36, v56;
	[tilespmem:$0x12B80] =	vst v10  }
0x2b0: {  	v19 =	vshll.u32 v19, $0xA;
	v13 =	vld [tilespmem:$0x340];
	v18 =	vadd.s32 v18, v17;
	[tilespmem:$0x12C40] =	vst v57  }
0x2b1: {  	v53 =	vshll.u32 v27, $0xA;
	v20 =	vadd.s32 v20, v19;
	v17 =	vld [tilespmem:$0x360];
	[tilespmem:$0x12AB0] =	vst v18  }
0x2b2: {  	v26 =	vshll.u32 v7, $0xA;
	v16 =	vld [tilespmem:$0x750];
	v55 =	vadd.s32 v30, v53;
	[tilespmem:$0x12AC0] =	vst v20  }
0x2b3: {  	v63 =	vld [tilespmem:$0x3A0];
	[tilespmem:$0x12C30] =	vst v55;
	v28 =	vadd.s32 v8, v26  }
0x2b4: {  	v14 =	vld [tilespmem:$0x740];
	v29 =	vshll.u32 v9, $0xA;
	v49 =	vadd.s32 v60, v47;
	[tilespmem:$0x12BA0] =	vst v28  }
0x2b5: {  	v24 =	vld [tilespmem:$0x7A0];
	v60 =	vshll.u32 v45, $0xA;
	v31 =	vadd.s32 v12, v29;
	[tilespmem:$0x12C10] =	vst v49  }
0x2b6: {  	v39 =	vld [tilespmem:$0x3D0];
	v35 =	vshll.u32 v15, $0xA;
	v61 =	vadd.s32 v48, v60;
	[tilespmem:$0x12BB0] =	vst v31;
	v38 =	vshll.u32 v17, $0xA  }
0x2b7: {  	v62 =	vshll.u32 v51, $0xA;
	v37 =	vadd.s32 v16, v35;
	[tilespmem:$0x12C60] =	vst v61;
	v40 =	vadd.s32 v42, v38;
	v42 =	vld [tilespmem:$0x7D0]  }
0x2b8: {  	v32 =	vshll.u32 v13, $0xA;
	v50 =	vshll.u32 v63, $0xA;
	v63 =	vadd.s32 v54, v62;
	[tilespmem:$0x12BD0] =	vst v37  }
0x2b9: {  	v34 =	vadd.s32 v14, v32;
	[tilespmem:$0x12C70] =	vst v63  }
0x2ba: {  	v52 =	vadd.s32 v24, v50;
	[tilespmem:$0x12BC0] =	vst v34  }
0x2bb: {  	v58 =	vshll.u32 v39, $0xA;
	[tilespmem:$0x12C20] =	vst v52  }
0x2bc: {  	[tilespmem:$0x12BE0] =	vst v40;
	v59 =	vadd.s32 v42, v58  }
0x2bd: {  	s17 =	simm.s32 $0x80;
	[tilespmem:$0x12C50] =	vst v59  }
0x2be: {  	s18 =	simm.s32 $0x12880;
	s19 =	simm.s32 $0x800;
	[bflag:$0x0] =	sbarrier.arrive $0xFFFF  }
0x2bf: {  	[spmem:s3] =	stream.indirect.scatter.add.f32 [tilespmem:s19], [sflag:$0x1], $0x1, s18, s17, $0xb8;
	[tilespmem:$0x12C80] =	vst v63  }
0x2c0: {  	_ =	swait.ge [sflag:s7], $0x80  }
0x2c1: {  	[sflag:s7] =	ssyncset.done $0x0  }
0x2c2: {  	s20 =	simm.s32 $0x12900;
	[sflag:s7] =	ssyncadd.s32 $0xFFFFFF80  }
0x2c3: {  	[spmem:s3] =	stream.indirect.scatter.add.f32 [tilespmem:s19], [sflag:$0x1], $0x1, s20, s17, $0xb8;
	[tilespmem:$0x12C80] =	vst v63  }
0x2c4: {  	_ =	swait.ge [sflag:s7], $0x80  }
0x2c5: {  	[sflag:s7] =	ssyncset.done $0x0  }
0x2c6: {  	s21 =	simm.s32 $0x12980;
	[sflag:s7] =	ssyncadd.s32 $0xFFFFFF80  }
0x2c7: {  	[spmem:s3] =	stream.indirect.scatter.add.f32 [tilespmem:s19], [sflag:$0x1], $0x1, s21, s17, $0xb8;
	[tilespmem:$0x12C80] =	vst v63  }
0x2c8: {  	_ =	swait.ge [sflag:s7], $0x80  }
0x2c9: {  	[sflag:s7] =	ssyncset.done $0x0  }
0x2ca: {  	s22 =	simm.s32 $0x12A00;
	[sflag:s7] =	ssyncadd.s32 $0xFFFFFF80  }
0x2cb: {  	[spmem:s3] =	stream.indirect.scatter.add.f32 [tilespmem:s19], [sflag:$0x1], $0x1, s22, s17, $0xb8;
	[tilespmem:$0x12C80] =	vst v63  }
0x2cc: {  	_ =	swait.ge [sflag:s7], $0x80  }
0x2cd: {  	[sflag:s7] =	ssyncset.done $0x0  }
0x2ce: {  	s23 =	simm.s32 $0x12A80;
	[sflag:s7] =	ssyncadd.s32 $0xFFFFFF80  }
0x2cf: {  	[spmem:s3] =	stream.indirect.scatter.add.f32 [tilespmem:s19], [sflag:$0x1], $0x1, s23, s17, $0xb8;
	[tilespmem:$0x12C80] =	vst v63  }
0x2d0: {  	_ =	swait.ge [sflag:s7], $0x80  }
0x2d1: {  	[sflag:s7] =	ssyncset.done $0x0  }
0x2d2: {  	s24 =	simm.s32 $0x12B00;
	[sflag:s7] =	ssyncadd.s32 $0xFFFFFF80  }
0x2d3: {  	[spmem:s3] =	stream.indirect.scatter.add.f32 [tilespmem:s19], [sflag:$0x1], $0x1, s24, s17, $0xb8;
	[tilespmem:$0x12C80] =	vst v63  }
0x2d4: {  	_ =	swait.ge [sflag:s7], $0x80  }
0x2d5: {  	[sflag:s7] =	ssyncset.done $0x0  }
0x2d6: {  	s25 =	simm.s32 $0x12B80;
	[sflag:s7] =	ssyncadd.s32 $0xFFFFFF80  }
0x2d7: {  	[spmem:s3] =	stream.indirect.scatter.add.f32 [tilespmem:s19], [sflag:$0x1], $0x1, s25, s17, $0xb8;
	[tilespmem:$0x12C80] =	vst v63  }
0x2d8: {  	_ =	swait.ge [sflag:s7], $0x80  }
0x2d9: {  	[sflag:s7] =	ssyncset.done $0x0  }
0x2da: {  	s26 =	simm.s32 $0x12C00;
	[sflag:s7] =	ssyncadd.s32 $0xFFFFFF80  }
0x2db: {  	[spmem:s3] =	stream.indirect.scatter.add.f32 [tilespmem:s19], [sflag:$0x1], $0x1, s26, s17, $0xb8;
	[tilespmem:$0x12C80] =	vst v63  }
0x2dc: {  	_ =	swait.ge [sflag:s7], $0x80  }
0x2dd: {  	s28 =	sadd.s32 $0x1E00, s2;
	s29 =	sshll.u32 s1, $0xD;
	[sflag:s7] =	ssyncset.done $0x0  }
0x2de: {  	s2 =	sadd.s32 s28, s29;
	s30 =	sshll.u32 s1, $0x6;
	[sflag:s7] =	ssyncadd.s32 $0xFFFFFF80  }
0x2df: {  	s31 =	sshrl.u32 s6, $0x3;
	s3 =	sor.u32 $0x1C01, s30;
	[bflag:$0x0] =	sbarrier.arrive $0xFFFF  }
0x2e0: {  	[hbm:s2], [sflag:s3] =	dma.local [spmem:s31], $0x2000  }
0x2e1: {  	_ =	swait.ge [sflag:s7], $0x2000  }
0x2e2: {  	[sflag:s7] =	ssyncset.done $0x0  }
0x2e3: {  	[sflag:s7] =	ssyncadd.s32 $0xFFFFE000  }
.LBB2_2:
0x2e4: {  	_ =	sfence.sel $0x180000  }
0x2e5: {  	[bflag:$0x0] =	sbarrier.arrive $0xFFFF  }
0x2e6: {  	p0 =	sne.s32 s1, $0x0;
	_ =	strace $0x90000047  }
0x2e7: {  	s0 =	sadd.s32 @!p0 $0x100000, s0;
	[bflag:$0x2] =	sbarrier.arrive $0xFFFF  }
0x2e8: {  	[sflag:s0] =	ssyncadd.tile.s32 @!p0 $0x1;
	_ =	shalt  }
.Lfunc_end2:
_tile_overlayer_lowered:
.L_overlay_start_2:
0x2e9: {  	(tag) =	ssettag $0x2  }
0x2ea: {  	s0 =	rddreg [dreg:$0x0];
	s2 =	stileid.u32  }
0x2eb: {  	s1 =	rddreg [dreg:$0x1];
	p0 =	sne.s32 s2, $0x0  }
0x2ec: {  	s3 =	rddreg [dreg:$0x2];
	[bflag:$0x3] =	sbarrier.arrive $0xFFFF;
	s2 =	simm.s32 @!p0 $0x1C01  }
0x2ed: {  	[timem:s3], [sflag:s2] =	dma.local @!p0 [hbm:s0], s1  }
0x2ee: {  	s0 =	simm.s32 @!p0 $0x1  }
0x2ef: {  	_ =	swait.ge @!p0 [sflag:s0], s1  }
0x2f0: {  	s1 =	ssub.s32 @!p0 $0x0, s1;
	[sflag:s0] =	ssyncset.done @!p0 $0x0  }
0x2f1: {  	[sflag:s0] =	ssyncadd.s32 @!p0 s1  }
0x2f2: {  	[bflag:$0x3] =	sbarrier.arrive $0xFFFF  }
0x2f3: {  	_ =	shalt  }

</sc_bundles>
